<compile_context>
chip_gen: v7x
topology: tpu7x:2x2x1
jax: 0.10.2.dev20260603
libtpu: 0.0.44.dev20260713+nightly
codegen_flags: <defaults>
</compile_context>

<pallas_src>
import jax
import jax.numpy as jnp
from jax import lax
from jax.experimental import pallas as pl
from jax.experimental.pallas import tpu as pltpu
from jax.experimental.pallas import tpu_sc as plsc

N = 16
HW = 128 * 128
TOT = N * HW
P = 8192
NC, NS, L = 2, 16, 16
NW = NC * NS
PPW = P // NW
CH = 2
CB = PPW // CH
PPC = NS * PPW
EPS = 1e-6
ZROWS = TOT // NS


def _sc_body(boxes_hbm, gt_hbm, bidx_hbm, midx_hbm, resp_hbm, gsum_hbm,
             pi_hbm, pf_hbm,
             bidx_v, midx_v, pidx_v, sidx_v, pc_v, iou_v, gt_vm, gacc_v,
             zbuf, sidx_all, iou_all,
             sem_meta, sem_g0, sem_g1, sem_pub, sem_rb):
    cid = lax.axis_index("c")
    sid = lax.axis_index("s")
    wid = sid * NC + cid
    gsems = (sem_g0, sem_g1)

    cp_gt = pltpu.async_copy(gt_hbm, gt_vm, sem_meta)
    cp_b = pltpu.async_copy(bidx_hbm.at[pl.ds(wid * CH, CH)], bidx_v, sem_meta)
    cp_m = pltpu.async_copy(midx_hbm.at[pl.ds(wid * CH, CH)], midx_v, sem_meta)

    def _z(i, c):
        for k in range(8):
            zbuf[pl.ds(i * 128 + k * L, L)] = jnp.zeros((L,), jnp.float32)
        return c
    lax.fori_loop(0, ZROWS // 128, _z, 0)

    cp_gt.wait()
    cp_b.wait()
    cp_m.wait()

    for j in range(CH):
        for k in range(CB // L):
            b = bidx_v[j, pl.ds(k * L, L)]
            m = midx_v[j, pl.ds(k * L, L)]
            sidx_v[pl.ds(j * CB + k * L, L)] = b * HW + m
            base = b * 65536 + lax.shift_right_logical(m, 7) * 512 \
                + lax.bitwise_and(m, 127)
            for c in range(4):
                pidx_v[j * 4 + c, pl.ds(k * L, L)] = base + c * 128

    gathers = [
        [pltpu.async_copy(boxes_hbm.at[pidx_v.at[j * 4 + c]],
                          pc_v.at[j * 4 + c], gsems[j])
         for c in range(4)]
        for j in range(CH)
    ]
    cp_si = pltpu.async_copy(
        sidx_v, pi_hbm.at[pl.ds(cid * PPC + sid * PPW, PPW)], sem_pub)

    gacc = jnp.zeros((L,), jnp.float32)
    pubs = [cp_si]
    for j in range(CH):
        for cp in gathers[j]:
            cp.wait()
        for k in range(CB // L):
            sl = pl.ds(k * L, L)
            bvec = bidx_v[j, sl] * 4
            px1 = pc_v[j * 4 + 0, sl]
            py1 = pc_v[j * 4 + 1, sl]
            px2 = pc_v[j * 4 + 2, sl]
            py2 = pc_v[j * 4 + 3, sl]
            gx1 = plsc.load_gather(gt_vm, [bvec])
            gy1 = plsc.load_gather(gt_vm, [bvec + 1])
            gx2 = plsc.load_gather(gt_vm, [bvec + 2])
            gy2 = plsc.load_gather(gt_vm, [bvec + 3])
            ltx = jnp.maximum(gx1, px1)
            lty = jnp.maximum(gy1, py1)
            rbx = jnp.minimum(gx2, px2)
            rby = jnp.minimum(gy2, py2)
            wx = jnp.maximum(rbx - ltx, 0.0)
            wy = jnp.maximum(rby - lty, 0.0)
            overlap = wx * wy
            a1 = (gx2 - gx1) * (gy2 - gy1)
            a2 = (px2 - px1) * (py2 - py1)
            union = jnp.maximum(a1 + a2 - overlap, EPS)
            iou = overlap / union
            ex = jnp.maximum(jnp.maximum(gx2, px2) - jnp.minimum(gx1, px1), 0.0)
            ey = jnp.maximum(jnp.maximum(gy2, py2) - jnp.minimum(gy1, py1), 0.0)
            enclose = jnp.maximum(ex * ey, EPS)
            giou = iou - (enclose - union) / enclose
            gacc = gacc + (1.0 - giou)
            iou_v[pl.ds(j * CB + k * L, L)] = iou
        pubs.append(pltpu.async_copy(
            iou_v.at[pl.ds(j * CB, CB)],
            pf_hbm.at[pl.ds(cid * PPC + sid * PPW + j * CB, CB)], sem_pub))

    gacc_v[...] = gacc
    cp_g = pltpu.async_copy(gacc_v, gsum_hbm.at[pl.ds(wid * L, L)], sem_meta)
    for cp in pubs:
        cp.wait()
    plsc.subcore_barrier()

    cp_rs = pltpu.async_copy(pi_hbm.at[pl.ds(cid * PPC, PPC)], sidx_all, sem_rb)
    cp_ri = pltpu.async_copy(pf_hbm.at[pl.ds(cid * PPC, PPC)], iou_all, sem_rb)
    cp_rs.wait()
    cp_ri.wait()

    lo = sid * ZROWS
    for f in range(NS):
        def _route(k, c, f=f):
            sl = pl.ds(f * PPW + k * L, L)
            sv = sidx_all[sl]
            iv = iou_all[sl]
            local = sv - lo
            mask = jnp.logical_and(sv >= lo, sv < lo + ZROWS)
            plsc.store_scatter(zbuf, [lax.bitwise_and(local, ZROWS - 1)],
                               iv, mask=mask)
            return c
        lax.fori_loop(0, PPW // L, _route, 0)

    pltpu.sync_copy(zbuf, resp_hbm.at[pl.ds(cid * TOT + sid * ZROWS, ZROWS)])
    cp_g.wait()


_SC_MESH = plsc.VectorSubcoreMesh(
    core_axis_name="c", subcore_axis_name="s", num_cores=NC, num_subcores=NS)

_sc_call = pl.kernel(
    _sc_body,
    out_type=(
        jax.ShapeDtypeStruct((NC * TOT,), jnp.float32),
        jax.ShapeDtypeStruct((NW * L,), jnp.float32),
        jax.ShapeDtypeStruct((NC * PPC,), jnp.int32),
        jax.ShapeDtypeStruct((NC * PPC,), jnp.float32),
    ),
    mesh=_SC_MESH,
    compiler_params=pltpu.CompilerParams(needs_layout_passes=False),
    scratch_types=[
        pltpu.VMEM((CH, CB), jnp.int32),
        pltpu.VMEM((CH, CB), jnp.int32),
        pltpu.VMEM((CH * 4, CB), jnp.int32),
        pltpu.VMEM((PPW,), jnp.int32),
        pltpu.VMEM((CH * 4, CB), jnp.float32),
        pltpu.VMEM((PPW,), jnp.float32),
        pltpu.VMEM((N * 4,), jnp.float32),
        pltpu.VMEM((L,), jnp.float32),
        pltpu.VMEM((ZROWS,), jnp.float32),
        pltpu.VMEM((PPC,), jnp.int32),
        pltpu.VMEM((PPC,), jnp.float32),
        pltpu.SemaphoreType.DMA,
        pltpu.SemaphoreType.DMA,
        pltpu.SemaphoreType.DMA,
        pltpu.SemaphoreType.DMA,
        pltpu.SemaphoreType.DMA,
    ],
)


def _tc1_body(score_ref, out_ref):
    s = score_ref[...]
    out_ref[0] = jnp.sum(jnp.maximum(s, 0.0) + jnp.log1p(jnp.exp(-jnp.abs(s))))


def _tc2_body(score_ref, resp_ref, gp_ref, np_ref, sp_ref, out_ref):
    s = score_ref[...]
    r = jnp.maximum(resp_ref[0], resp_ref[1])
    tot = sp_ref[0] - jnp.sum(s * r) + jnp.sum(gp_ref[...])
    out_ref[0] = tot / jnp.maximum(np_ref[0], 1.0)


def kernel(score_map, boxes, gt_boxes, num_positive_samples,
           positive_sample_batch_dim_indices, positive_sample_map_dim_indices):
    boxes_flat = (boxes.astype(jnp.float32)
                  .reshape(N, 128, 128, 4)
                  .transpose(0, 1, 3, 2)
                  .reshape(TOT * 4))
    gt_flat = gt_boxes.reshape(N * 4).astype(jnp.float32)
    bidx = positive_sample_batch_dim_indices.astype(jnp.int32).reshape(NW * CH, CB)
    midx = positive_sample_map_dim_indices.astype(jnp.int32).reshape(NW * CH, CB)
    score2 = score_map.reshape(TOT // 128, 128).astype(jnp.float32)
    npos = num_positive_samples.astype(jnp.float32)

    softplus_sum = pl.pallas_call(
        _tc1_body,
        out_shape=jax.ShapeDtypeStruct((1,), jnp.float32),
        in_specs=[pl.BlockSpec(memory_space=pltpu.VMEM)],
        out_specs=pl.BlockSpec(memory_space=pltpu.SMEM),
    )(score2)

    resp, gsum, _, _ = _sc_call(boxes_flat, gt_flat, bidx, midx)

    resp3 = resp.reshape(NC, TOT // 128, 128)
    gp2 = gsum.reshape(4, 128)

    out = pl.pallas_call(
        _tc2_body,
        out_shape=jax.ShapeDtypeStruct((1,), jnp.float32),
        in_specs=[
            pl.BlockSpec(memory_space=pltpu.VMEM),
            pl.BlockSpec(memory_space=pltpu.VMEM),
            pl.BlockSpec(memory_space=pltpu.VMEM),
            pl.BlockSpec(memory_space=pltpu.SMEM),
            pl.BlockSpec(memory_space=pltpu.SMEM),
        ],
        out_specs=pl.BlockSpec(memory_space=pltpu.SMEM),
    )(score2, resp3, gp2, npos, softplus_sum)
    return out[0]

# --- scband reference (transcript-rebuilt; emitter-appended) ---
"""Pipeline reference for scband-simple-criteria-81200651698758 (READ-ONLY COPY).

The authoritative reference and input builder live on the scoring server;
editing this copy changes nothing except your own understanding.
"""

import jax, jax.numpy as jnp
import numpy as np

EPS = 1e-06

def _make_boxes(key, n):
    k1, k2 = jax.random.split(key)
    xy = jax.random.uniform(k1, (n, 2), dtype=jnp.float32) * 64.0
    wh = jax.random.uniform(k2, (n, 2), dtype=jnp.float32) * 64.0 + 1.0
    return jnp.concatenate([xy, xy + wh], axis=-1)

def _iou_aligned(b1, b2, eps):
    lt = jnp.maximum(b1[..., :2], b2[..., :2])
    rb = jnp.minimum(b1[..., 2:], b2[..., 2:])
    wh = jnp.clip(rb - lt, 0.0)
    overlap = wh[..., 0] * wh[..., 1]
    a1 = (b1[..., 2] - b1[..., 0]) * (b1[..., 3] - b1[..., 1])
    a2 = (b2[..., 2] - b2[..., 0]) * (b2[..., 3] - b2[..., 1])
    union = jnp.maximum(a1 + a2 - overlap, eps)
    return overlap / union, union

def _giou_loss(pred, gt, eps):
    iou, union = _iou_aligned(pred, gt, eps)
    elt = jnp.minimum(pred[..., :2], gt[..., :2])
    erb = jnp.maximum(pred[..., 2:], gt[..., 2:])
    ewh = jnp.clip(erb - elt, 0.0)
    enclose = jnp.maximum(ewh[..., 0] * ewh[..., 1], eps)
    giou = iou - (enclose - union) / enclose
    return 1.0 - giou

def _bce_with_logits(logits, targets):
    return jnp.maximum(logits, 0.0) - logits * targets + jnp.log1p(jnp.exp(-jnp.abs(logits)))

def setup_inputs(seed: int = 0):
    key = jax.random.key(seed)
    ks = jax.random.split(key, 5)
    N, H, W, P = 16, 128, 128, 8192
    score_map = jax.random.normal(ks[0], (N, H, W), dtype=jnp.float32)
    boxes = _make_boxes(ks[1], N * H * W).reshape(N, H * W, 4)
    gt_boxes = _make_boxes(ks[2], N)
    bidx = jax.random.randint(ks[3], (P,), 0, N)
    midx = jax.random.randint(ks[4], (P,), 0, H * W)
    num_pos = jnp.full((1,), float(P), dtype=jnp.float32)
    return {"score_map": score_map, "boxes": boxes, "gt_boxes": gt_boxes, "num_positive_samples": num_pos, "positive_sample_batch_dim_indices": bidx, "positive_sample_map_dim_indices": midx}

def reference(score_map, boxes, gt_boxes, num_positive_samples, positive_sample_batch_dim_indices, positive_sample_map_dim_indices):
    N, H, W = score_map.shape
    nps = jnp.maximum(jnp.mean(num_positive_samples), 1.0)
    score = score_map.reshape(N, H * W).astype(jnp.float32)
    pred_all = boxes.reshape(N, H * W, 4).astype(jnp.float32)
    pred = pred_all[positive_sample_batch_dim_indices, positive_sample_map_dim_indices]
    gt = gt_boxes[positive_sample_batch_dim_indices]
    iou, _ = _iou_aligned(gt, pred, EPS)
    resp = jnp.zeros((N, H * W), dtype=jnp.float32)
    resp = resp.at[positive_sample_batch_dim_indices, positive_sample_map_dim_indices].set(iou)
    resp = jax.lax.stop_gradient(resp)
    cls_loss = jnp.sum(_bce_with_logits(score, resp)) / nps
    reg_loss = jnp.sum(_giou_loss(pred, gt, EPS)) / nps
    return cls_loss + reg_loss

if __name__ == "__main__":
    import jax
    _d = setup_inputs()
    print(jax.jit(kernel)(*tuple(_d.values())))

</pallas_src>

<mosaic_0001>
#map = affine_map<(d0, d1) -> (0)>
#map1 = affine_map<(d0, d1) -> (0, 0)>
module attributes {stable_mosaic.version = 14 : i64} {
  func.func @_sc_body(%arg0: i32, %arg1: i32, %arg2: memref<1048576xf32, #tpu.memory_space<hbm>>, %arg3: memref<64xf32, #tpu.memory_space<hbm>>, %arg4: memref<64x128xi32, #tpu.memory_space<hbm>>, %arg5: memref<64x128xi32, #tpu.memory_space<hbm>>, %arg6: memref<524288xf32, #tpu.memory_space<hbm>>, %arg7: memref<512xf32, #tpu.memory_space<hbm>>, %arg8: memref<8192xi32, #tpu.memory_space<hbm>>, %arg9: memref<8192xf32, #tpu.memory_space<hbm>>, %arg10: memref<2x128xi32, #tpu.memory_space<vmem>>, %arg11: memref<2x128xi32, #tpu.memory_space<vmem>>, %arg12: memref<8x128xi32, #tpu.memory_space<vmem>>, %arg13: memref<256xi32, #tpu.memory_space<vmem>>, %arg14: memref<8x128xf32, #tpu.memory_space<vmem>>, %arg15: memref<256xf32, #tpu.memory_space<vmem>>, %arg16: memref<64xf32, #tpu.memory_space<vmem>>, %arg17: memref<16xf32, #tpu.memory_space<vmem>>, %arg18: memref<16384xf32, #tpu.memory_space<vmem>>, %arg19: memref<4096xi32, #tpu.memory_space<vmem>>, %arg20: memref<4096xf32, #tpu.memory_space<vmem>>, %arg21: memref<!tpu.dma_semaphore, #tpu.memory_space<semaphore_mem>>, %arg22: memref<!tpu.dma_semaphore, #tpu.memory_space<semaphore_mem>>, %arg23: memref<!tpu.dma_semaphore, #tpu.memory_space<semaphore_mem>>, %arg24: memref<!tpu.dma_semaphore, #tpu.memory_space<semaphore_mem>>, %arg25: memref<!tpu.dma_semaphore, #tpu.memory_space<semaphore_mem>>) attributes {dimension_semantics = [#tpu.dimension_semantics<core_parallel>, #tpu.dimension_semantics<subcore_parallel>], iteration_bounds = array<i64: 2, 16>, scalar_prefetch = 0 : i64, scratch_operands = 16 : i64, tpu.core_type = #tpu.core_type<sc_vector_subcore>, window_params = [{transform_indices = #map}, {transform_indices = #map}, {transform_indices = #map1}, {transform_indices = #map1}, {transform_indices = #map}, {transform_indices = #map}, {transform_indices = #map}, {transform_indices = #map}]} {
    %mul3A = arith.constant 2 : i32
    %mul3A_0 = arith.muli %arg1, %mul3A : i32
    %add3A = arith.addi %mul3A_0, %arg0 : i32
    tpu.enqueue_dma source(%arg3 : memref<64xf32, #tpu.memory_space<hbm>>) target(%arg16 : memref<64xf32, #tpu.memory_space<vmem>>) target_semaphore(%arg21 : memref<!tpu.dma_semaphore, #tpu.memory_space<semaphore_mem>>)
    %mul3A_1 = arith.constant 2 : i32
    %mul3A_2 = arith.muli %add3A, %mul3A_1 : i32
    %dma_start3A = arith.constant 0 : i32
    %dma_start3A_3 = tpu.memref_slice %arg4[%mul3A_2, %dma_start3A] : memref<64x128xi32, #tpu.memory_space<hbm>> -> memref<2x128xi32, #tpu.memory_space<hbm>>
    %dma_start3A_4 = arith.constant 0 : i32
    %dma_start3A_5 = tpu.memref_slice %arg4[%mul3A_2, %dma_start3A_4] : memref<64x128xi32, #tpu.memory_space<hbm>> -> memref<2x128xi32, #tpu.memory_space<hbm>>
    tpu.enqueue_dma source(%dma_start3A_5 : memref<2x128xi32, #tpu.memory_space<hbm>>) target(%arg10 : memref<2x128xi32, #tpu.memory_space<vmem>>) target_semaphore(%arg21 : memref<!tpu.dma_semaphore, #tpu.memory_space<semaphore_mem>>)
    %mul3A_6 = arith.constant 2 : i32
    %mul3A_7 = arith.muli %add3A, %mul3A_6 : i32
    %dma_start3A_8 = arith.constant 0 : i32
    %dma_start3A_9 = tpu.memref_slice %arg5[%mul3A_7, %dma_start3A_8] : memref<64x128xi32, #tpu.memory_space<hbm>> -> memref<2x128xi32, #tpu.memory_space<hbm>>
    %dma_start3A_10 = arith.constant 0 : i32
    %dma_start3A_11 = tpu.memref_slice %arg5[%mul3A_7, %dma_start3A_10] : memref<64x128xi32, #tpu.memory_space<hbm>> -> memref<2x128xi32, #tpu.memory_space<hbm>>
    tpu.enqueue_dma source(%dma_start3A_11 : memref<2x128xi32, #tpu.memory_space<hbm>>) target(%arg11 : memref<2x128xi32, #tpu.memory_space<vmem>>) target_semaphore(%arg21 : memref<!tpu.dma_semaphore, #tpu.memory_space<semaphore_mem>>)
    %scan3A = arith.constant 0 : i32
    %scan3A_12 = arith.constant 0 : i32
    %scan3A_13 = arith.constant 128 : i32
    %scan3A_14 = arith.addi %scan3A_12, %scan3A_13 : i32
    %scan3A_15 = arith.constant 1 : i32
    scf.for %scan3A_2618 = %scan3A_12 to %scan3A_14 step %scan3A_15  : i32 {
      %broadcast_in_dim3A_2619 = arith.constant 0.000000e+00 : f32
      %broadcast_in_dim3A_2620 = vector.broadcast %broadcast_in_dim3A_2619 : f32 to vector<16xf32>
      %mul3A_2621 = arith.constant 128 : i32
      %mul3A_2622 = arith.muli %scan3A_2618, %mul3A_2621 : i32
      %add3A_2623 = arith.constant 0 : i32
      %add3A_2624 = arith.addi %mul3A_2622, %add3A_2623 : i32
      %swap3A_2625 = arith.index_cast %add3A_2624 : i32 to index
      %swap3A_2626 = tpu.vector_load %arg18[%swap3A_2625] {strides = array<i32>} : memref<16384xf32, #tpu.memory_space<vmem>>, vector<16xf32>,
      tpu.vector_store %arg18[%swap3A_2625], %broadcast_in_dim3A_2620 {strides = array<i32>} : memref<16384xf32, #tpu.memory_space<vmem>>, vector<16xf32>,
      %broadcast_in_dim3A_2627 = arith.constant 0.000000e+00 : f32
      %broadcast_in_dim3A_2628 = vector.broadcast %broadcast_in_dim3A_2627 : f32 to vector<16xf32>
      %mul3A_2629 = arith.constant 128 : i32
      %mul3A_2630 = arith.muli %scan3A_2618, %mul3A_2629 : i32
      %add3A_2631 = arith.constant 16 : i32
      %add3A_2632 = arith.addi %mul3A_2630, %add3A_2631 : i32
      %swap3A_2633 = arith.index_cast %add3A_2632 : i32 to index
      %swap3A_2634 = tpu.vector_load %arg18[%swap3A_2633] {strides = array<i32>} : memref<16384xf32, #tpu.memory_space<vmem>>, vector<16xf32>,
      tpu.vector_store %arg18[%swap3A_2633], %broadcast_in_dim3A_2628 {strides = array<i32>} : memref<16384xf32, #tpu.memory_space<vmem>>, vector<16xf32>,
      %broadcast_in_dim3A_2635 = arith.constant 0.000000e+00 : f32
      %broadcast_in_dim3A_2636 = vector.broadcast %broadcast_in_dim3A_2635 : f32 to vector<16xf32>
      %mul3A_2637 = arith.constant 128 : i32
      %mul3A_2638 = arith.muli %scan3A_2618, %mul3A_2637 : i32
      %add3A_2639 = arith.constant 32 : i32
      %add3A_2640 = arith.addi %mul3A_2638, %add3A_2639 : i32
      %swap3A_2641 = arith.index_cast %add3A_2640 : i32 to index
      %swap3A_2642 = tpu.vector_load %arg18[%swap3A_2641] {strides = array<i32>} : memref<16384xf32, #tpu.memory_space<vmem>>, vector<16xf32>,
      tpu.vector_store %arg18[%swap3A_2641], %broadcast_in_dim3A_2636 {strides = array<i32>} : memref<16384xf32, #tpu.memory_space<vmem>>, vector<16xf32>,
      %broadcast_in_dim3A_2643 = arith.constant 0.000000e+00 : f32
      %broadcast_in_dim3A_2644 = vector.broadcast %broadcast_in_dim3A_2643 : f32 to vector<16xf32>
      %mul3A_2645 = arith.constant 128 : i32
      %mul3A_2646 = arith.muli %scan3A_2618, %mul3A_2645 : i32
      %add3A_2647 = arith.constant 48 : i32
      %add3A_2648 = arith.addi %mul3A_2646, %add3A_2647 : i32
      %swap3A_2649 = arith.index_cast %add3A_2648 : i32 to index
      %swap3A_2650 = tpu.vector_load %arg18[%swap3A_2649] {strides = array<i32>} : memref<16384xf32, #tpu.memory_space<vmem>>, vector<16xf32>,
      tpu.vector_store %arg18[%swap3A_2649], %broadcast_in_dim3A_2644 {strides = array<i32>} : memref<16384xf32, #tpu.memory_space<vmem>>, vector<16xf32>,
      %broadcast_in_dim3A_2651 = arith.constant 0.000000e+00 : f32
      %broadcast_in_dim3A_2652 = vector.broadcast %broadcast_in_dim3A_2651 : f32 to vector<16xf32>
      %mul3A_2653 = arith.constant 128 : i32
      %mul3A_2654 = arith.muli %scan3A_2618, %mul3A_2653 : i32
      %add3A_2655 = arith.constant 64 : i32
      %add3A_2656 = arith.addi %mul3A_2654, %add3A_2655 : i32
      %swap3A_2657 = arith.index_cast %add3A_2656 : i32 to index
      %swap3A_2658 = tpu.vector_load %arg18[%swap3A_2657] {strides = array<i32>} : memref<16384xf32, #tpu.memory_space<vmem>>, vector<16xf32>,
      tpu.vector_store %arg18[%swap3A_2657], %broadcast_in_dim3A_2652 {strides = array<i32>} : memref<16384xf32, #tpu.memory_space<vmem>>, vector<16xf32>,
      %broadcast_in_dim3A_2659 = arith.constant 0.000000e+00 : f32
      %broadcast_in_dim3A_2660 = vector.broadcast %broadcast_in_dim3A_2659 : f32 to vector<16xf32>
      %mul3A_2661 = arith.constant 128 : i32
      %mul3A_2662 = arith.muli %scan3A_2618, %mul3A_2661 : i32
      %add3A_2663 = arith.constant 80 : i32
      %add3A_2664 = arith.addi %mul3A_2662, %add3A_2663 : i32
      %swap3A_2665 = arith.index_cast %add3A_2664 : i32 to index
      %swap3A_2666 = tpu.vector_load %arg18[%swap3A_2665] {strides = array<i32>} : memref<16384xf32, #tpu.memory_space<vmem>>, vector<16xf32>,
      tpu.vector_store %arg18[%swap3A_2665], %broadcast_in_dim3A_2660 {strides = array<i32>} : memref<16384xf32, #tpu.memory_space<vmem>>, vector<16xf32>,
      %broadcast_in_dim3A_2667 = arith.constant 0.000000e+00 : f32
      %broadcast_in_dim3A_2668 = vector.broadcast %broadcast_in_dim3A_2667 : f32 to vector<16xf32>
      %mul3A_2669 = arith.constant 128 : i32
      %mul3A_2670 = arith.muli %scan3A_2618, %mul3A_2669 : i32
      %add3A_2671 = arith.constant 96 : i32
      %add3A_2672 = arith.addi %mul3A_2670, %add3A_2671 : i32
      %swap3A_2673 = arith.index_cast %add3A_2672 : i32 to index
      %swap3A_2674 = tpu.vector_load %arg18[%swap3A_2673] {strides = array<i32>} : memref<16384xf32, #tpu.memory_space<vmem>>, vector<16xf32>,
      tpu.vector_store %arg18[%swap3A_2673], %broadcast_in_dim3A_2668 {strides = array<i32>} : memref<16384xf32, #tpu.memory_space<vmem>>, vector<16xf32>,
      %broadcast_in_dim3A_2675 = arith.constant 0.000000e+00 : f32
      %broadcast_in_dim3A_2676 = vector.broadcast %broadcast_in_dim3A_2675 : f32 to vector<16xf32>
      %mul3A_2677 = arith.constant 128 : i32
      %mul3A_2678 = arith.muli %scan3A_2618, %mul3A_2677 : i32
      %add3A_2679 = arith.constant 112 : i32
      %add3A_2680 = arith.addi %mul3A_2678, %add3A_2679 : i32
      %swap3A_2681 = arith.index_cast %add3A_2680 : i32 to index
      %swap3A_2682 = tpu.vector_load %arg18[%swap3A_2681] {strides = array<i32>} : memref<16384xf32, #tpu.memory_space<vmem>>, vector<16xf32>,
      tpu.vector_store %arg18[%swap3A_2681], %broadcast_in_dim3A_2676 {strides = array<i32>} : memref<16384xf32, #tpu.memory_space<vmem>>, vector<16xf32>,
    }
    %scan3A_16 = arith.constant 128 : i32
    tpu.wait_dma2 semaphore(%arg21 : memref<!tpu.dma_semaphore, #tpu.memory_space<semaphore_mem>>) src(%arg3 : memref<64xf32, #tpu.memory_space<hbm>>) dst(%arg16 : memref<64xf32, #tpu.memory_space<vmem>>)
    %dma_wait3A = arith.constant 0 : i32
    %dma_wait3A_17 = tpu.memref_slice %arg4[%mul3A_2, %dma_wait3A] : memref<64x128xi32, #tpu.memory_space<hbm>> -> memref<2x128xi32, #tpu.memory_space<hbm>>
    %dma_wait3A_18 = arith.constant 0 : i32
    %dma_wait3A_19 = tpu.memref_slice %arg4[%mul3A_2, %dma_wait3A_18] : memref<64x128xi32, #tpu.memory_space<hbm>> -> memref<2x128xi32, #tpu.memory_space<hbm>>
    tpu.wait_dma2 semaphore(%arg21 : memref<!tpu.dma_semaphore, #tpu.memory_space<semaphore_mem>>) src(%dma_wait3A_19 : memref<2x128xi32, #tpu.memory_space<hbm>>) dst(%arg10 : memref<2x128xi32, #tpu.memory_space<vmem>>)
    %dma_wait3A_20 = arith.constant 0 : i32
    %dma_wait3A_21 = tpu.memref_slice %arg5[%mul3A_7, %dma_wait3A_20] : memref<64x128xi32, #tpu.memory_space<hbm>> -> memref<2x128xi32, #tpu.memory_space<hbm>>
    %dma_wait3A_22 = arith.constant 0 : i32
    %dma_wait3A_23 = tpu.memref_slice %arg5[%mul3A_7, %dma_wait3A_22] : memref<64x128xi32, #tpu.memory_space<hbm>> -> memref<2x128xi32, #tpu.memory_space<hbm>>
    tpu.wait_dma2 semaphore(%arg21 : memref<!tpu.dma_semaphore, #tpu.memory_space<semaphore_mem>>) src(%dma_wait3A_23 : memref<2x128xi32, #tpu.memory_space<hbm>>) dst(%arg11 : memref<2x128xi32, #tpu.memory_space<vmem>>)
    %get3A = arith.constant 0 : i32
    %get3A_24 = arith.index_cast %get3A : i32 to index
    %get3A_25 = arith.constant 0 : index
    %get3A_26 = tpu.vector_load %arg10[%get3A_24, %get3A_25] {strides = array<i32>} : memref<2x128xi32, #tpu.memory_space<vmem>>, vector<16xi32>,
    %get3A_27 = arith.constant 0 : i32
    %get3A_28 = arith.index_cast %get3A_27 : i32 to index
    %get3A_29 = arith.constant 0 : index
    %get3A_30 = tpu.vector_load %arg11[%get3A_28, %get3A_29] {strides = array<i32>} : memref<2x128xi32, #tpu.memory_space<vmem>>, vector<16xi32>,
    %mul3A_31 = arith.constant 16384 : i32
    %mul3A_32 = vector.broadcast %mul3A_31 : i32 to vector<16xi32>
    %mul3A_33 = arith.muli %get3A_26, %mul3A_32 : vector<16xi32>
    %add3A_34 = arith.addi %mul3A_33, %get3A_30 : vector<16xi32>
    %swap3A = arith.constant 0 : index
    %swap3A_35 = tpu.vector_load %arg13[%swap3A] {strides = array<i32>} : memref<256xi32, #tpu.memory_space<vmem>>, vector<16xi32>,
    tpu.vector_store %arg13[%swap3A], %add3A_34 {strides = array<i32>} : memref<256xi32, #tpu.memory_space<vmem>>, vector<16xi32>,
    %mul3A_36 = arith.constant 65536 : i32
    %mul3A_37 = vector.broadcast %mul3A_36 : i32 to vector<16xi32>
    %mul3A_38 = arith.muli %get3A_26, %mul3A_37 : vector<16xi32>
    %shift_right_logical3A = arith.constant 7 : i32
    %shift_right_logical3A_39 = vector.broadcast %shift_right_logical3A : i32 to vector<16xi32>
    %shift_right_logical3A_40 = arith.shrui %get3A_30, %shift_right_logical3A_39 : vector<16xi32>
    %mul3A_41 = arith.constant 512 : i32
    %mul3A_42 = vector.broadcast %mul3A_41 : i32 to vector<16xi32>
    %mul3A_43 = arith.muli %shift_right_logical3A_40, %mul3A_42 : vector<16xi32>
    %add3A_44 = arith.addi %mul3A_38, %mul3A_43 : vector<16xi32>
    %and3A = arith.constant 127 : i32
    %and3A_45 = vector.broadcast %and3A : i32 to vector<16xi32>
    %and3A_46 = arith.andi %get3A_30, %and3A_45 : vector<16xi32>
    %add3A_47 = arith.addi %add3A_44, %and3A_46 : vector<16xi32>
    %add3A_48 = arith.constant 0 : i32
    %add3A_49 = vector.broadcast %add3A_48 : i32 to vector<16xi32>
    %add3A_50 = arith.addi %add3A_47, %add3A_49 : vector<16xi32>
    %swap3A_51 = arith.constant 0 : i32
    %swap3A_52 = arith.index_cast %swap3A_51 : i32 to index
    %swap3A_53 = arith.constant 0 : index
    %swap3A_54 = tpu.vector_load %arg12[%swap3A_52, %swap3A_53] {strides = array<i32>} : memref<8x128xi32, #tpu.memory_space<vmem>>, vector<16xi32>,
    tpu.vector_store %arg12[%swap3A_52, %swap3A_53], %add3A_50 {strides = array<i32>} : memref<8x128xi32, #tpu.memory_space<vmem>>, vector<16xi32>,
    %add3A_55 = arith.constant 128 : i32
    %add3A_56 = vector.broadcast %add3A_55 : i32 to vector<16xi32>
    %add3A_57 = arith.addi %add3A_47, %add3A_56 : vector<16xi32>
    %swap3A_58 = arith.constant 1 : i32
    %swap3A_59 = arith.index_cast %swap3A_58 : i32 to index
    %swap3A_60 = arith.constant 0 : index
    %swap3A_61 = tpu.vector_load %arg12[%swap3A_59, %swap3A_60] {strides = array<i32>} : memref<8x128xi32, #tpu.memory_space<vmem>>, vector<16xi32>,
    tpu.vector_store %arg12[%swap3A_59, %swap3A_60], %add3A_57 {strides = array<i32>} : memref<8x128xi32, #tpu.memory_space<vmem>>, vector<16xi32>,
    %add3A_62 = arith.constant 256 : i32
    %add3A_63 = vector.broadcast %add3A_62 : i32 to vector<16xi32>
    %add3A_64 = arith.addi %add3A_47, %add3A_63 : vector<16xi32>
    %swap3A_65 = arith.constant 2 : i32
    %swap3A_66 = arith.index_cast %swap3A_65 : i32 to index
    %swap3A_67 = arith.constant 0 : index
    %swap3A_68 = tpu.vector_load %arg12[%swap3A_66, %swap3A_67] {strides = array<i32>} : memref<8x128xi32, #tpu.memory_space<vmem>>, vector<16xi32>,
    tpu.vector_store %arg12[%swap3A_66, %swap3A_67], %add3A_64 {strides = array<i32>} : memref<8x128xi32, #tpu.memory_space<vmem>>, vector<16xi32>,
    %add3A_69 = arith.constant 384 : i32
    %add3A_70 = vector.broadcast %add3A_69 : i32 to vector<16xi32>
    %add3A_71 = arith.addi %add3A_47, %add3A_70 : vector<16xi32>
    %swap3A_72 = arith.constant 3 : i32
    %swap3A_73 = arith.index_cast %swap3A_72 : i32 to index
    %swap3A_74 = arith.constant 0 : index
    %swap3A_75 = tpu.vector_load %arg12[%swap3A_73, %swap3A_74] {strides = array<i32>} : memref<8x128xi32, #tpu.memory_space<vmem>>, vector<16xi32>,
    tpu.vector_store %arg12[%swap3A_73, %swap3A_74], %add3A_71 {strides = array<i32>} : memref<8x128xi32, #tpu.memory_space<vmem>>, vector<16xi32>,
    %get3A_76 = arith.constant 0 : i32
    %get3A_77 = arith.index_cast %get3A_76 : i32 to index
    %get3A_78 = arith.constant 16 : index
    %get3A_79 = tpu.vector_load %arg10[%get3A_77, %get3A_78] {strides = array<i32>} : memref<2x128xi32, #tpu.memory_space<vmem>>, vector<16xi32>,
    %get3A_80 = arith.constant 0 : i32
    %get3A_81 = arith.index_cast %get3A_80 : i32 to index
    %get3A_82 = arith.constant 16 : index
    %get3A_83 = tpu.vector_load %arg11[%get3A_81, %get3A_82] {strides = array<i32>} : memref<2x128xi32, #tpu.memory_space<vmem>>, vector<16xi32>,
    %mul3A_84 = arith.constant 16384 : i32
    %mul3A_85 = vector.broadcast %mul3A_84 : i32 to vector<16xi32>
    %mul3A_86 = arith.muli %get3A_79, %mul3A_85 : vector<16xi32>
    %add3A_87 = arith.addi %mul3A_86, %get3A_83 : vector<16xi32>
    %swap3A_88 = arith.constant 16 : index
    %swap3A_89 = tpu.vector_load %arg13[%swap3A_88] {strides = array<i32>} : memref<256xi32, #tpu.memory_space<vmem>>, vector<16xi32>,
    tpu.vector_store %arg13[%swap3A_88], %add3A_87 {strides = array<i32>} : memref<256xi32, #tpu.memory_space<vmem>>, vector<16xi32>,
    %mul3A_90 = arith.constant 65536 : i32
    %mul3A_91 = vector.broadcast %mul3A_90 : i32 to vector<16xi32>
    %mul3A_92 = arith.muli %get3A_79, %mul3A_91 : vector<16xi32>
    %shift_right_logical3A_93 = arith.constant 7 : i32
    %shift_right_logical3A_94 = vector.broadcast %shift_right_logical3A_93 : i32 to vector<16xi32>
    %shift_right_logical3A_95 = arith.shrui %get3A_83, %shift_right_logical3A_94 : vector<16xi32>
    %mul3A_96 = arith.constant 512 : i32
    %mul3A_97 = vector.broadcast %mul3A_96 : i32 to vector<16xi32>
    %mul3A_98 = arith.muli %shift_right_logical3A_95, %mul3A_97 : vector<16xi32>
    %add3A_99 = arith.addi %mul3A_92, %mul3A_98 : vector<16xi32>
    %and3A_100 = arith.constant 127 : i32
    %and3A_101 = vector.broadcast %and3A_100 : i32 to vector<16xi32>
    %and3A_102 = arith.andi %get3A_83, %and3A_101 : vector<16xi32>
    %add3A_103 = arith.addi %add3A_99, %and3A_102 : vector<16xi32>
    %add3A_104 = arith.constant 0 : i32
    %add3A_105 = vector.broadcast %add3A_104 : i32 to vector<16xi32>
    %add3A_106 = arith.addi %add3A_103, %add3A_105 : vector<16xi32>
    %swap3A_107 = arith.constant 0 : i32
    %swap3A_108 = arith.index_cast %swap3A_107 : i32 to index
    %swap3A_109 = arith.constant 16 : index
    %swap3A_110 = tpu.vector_load %arg12[%swap3A_108, %swap3A_109] {strides = array<i32>} : memref<8x128xi32, #tpu.memory_space<vmem>>, vector<16xi32>,
    tpu.vector_store %arg12[%swap3A_108, %swap3A_109], %add3A_106 {strides = array<i32>} : memref<8x128xi32, #tpu.memory_space<vmem>>, vector<16xi32>,
    %add3A_111 = arith.constant 128 : i32
    %add3A_112 = vector.broadcast %add3A_111 : i32 to vector<16xi32>
    %add3A_113 = arith.addi %add3A_103, %add3A_112 : vector<16xi32>
    %swap3A_114 = arith.constant 1 : i32
    %swap3A_115 = arith.index_cast %swap3A_114 : i32 to index
    %swap3A_116 = arith.constant 16 : index
    %swap3A_117 = tpu.vector_load %arg12[%swap3A_115, %swap3A_116] {strides = array<i32>} : memref<8x128xi32, #tpu.memory_space<vmem>>, vector<16xi32>,
    tpu.vector_store %arg12[%swap3A_115, %swap3A_116], %add3A_113 {strides = array<i32>} : memref<8x128xi32, #tpu.memory_space<vmem>>, vector<16xi32>,
    %add3A_118 = arith.constant 256 : i32
    %add3A_119 = vector.broadcast %add3A_118 : i32 to vector<16xi32>
    %add3A_120 = arith.addi %add3A_103, %add3A_119 : vector<16xi32>
    %swap3A_121 = arith.constant 2 : i32
    %swap3A_122 = arith.index_cast %swap3A_121 : i32 to index
    %swap3A_123 = arith.constant 16 : index
    %swap3A_124 = tpu.vector_load %arg12[%swap3A_122, %swap3A_123] {strides = array<i32>} : memref<8x128xi32, #tpu.memory_space<vmem>>, vector<16xi32>,
    tpu.vector_store %arg12[%swap3A_122, %swap3A_123], %add3A_120 {strides = array<i32>} : memref<8x128xi32, #tpu.memory_space<vmem>>, vector<16xi32>,
    %add3A_125 = arith.constant 384 : i32
    %add3A_126 = vector.broadcast %add3A_125 : i32 to vector<16xi32>
    %add3A_127 = arith.addi %add3A_103, %add3A_126 : vector<16xi32>
    %swap3A_128 = arith.constant 3 : i32
    %swap3A_129 = arith.index_cast %swap3A_128 : i32 to index
    %swap3A_130 = arith.constant 16 : index
    %swap3A_131 = tpu.vector_load %arg12[%swap3A_129, %swap3A_130] {strides = array<i32>} : memref<8x128xi32, #tpu.memory_space<vmem>>, vector<16xi32>,
    tpu.vector_store %arg12[%swap3A_129, %swap3A_130], %add3A_127 {strides = array<i32>} : memref<8x128xi32, #tpu.memory_space<vmem>>, vector<16xi32>,
    %get3A_132 = arith.constant 0 : i32
    %get3A_133 = arith.index_cast %get3A_132 : i32 to index
    %get3A_134 = arith.constant 32 : index
    %get3A_135 = tpu.vector_load %arg10[%get3A_133, %get3A_134] {strides = array<i32>} : memref<2x128xi32, #tpu.memory_space<vmem>>, vector<16xi32>,
    %get3A_136 = arith.constant 0 : i32
    %get3A_137 = arith.index_cast %get3A_136 : i32 to index
    %get3A_138 = arith.constant 32 : index
    %get3A_139 = tpu.vector_load %arg11[%get3A_137, %get3A_138] {strides = array<i32>} : memref<2x128xi32, #tpu.memory_space<vmem>>, vector<16xi32>,
    %mul3A_140 = arith.constant 16384 : i32
    %mul3A_141 = vector.broadcast %mul3A_140 : i32 to vector<16xi32>
    %mul3A_142 = arith.muli %get3A_135, %mul3A_141 : vector<16xi32>
    %add3A_143 = arith.addi %mul3A_142, %get3A_139 : vector<16xi32>
    %swap3A_144 = arith.constant 32 : index
    %swap3A_145 = tpu.vector_load %arg13[%swap3A_144] {strides = array<i32>} : memref<256xi32, #tpu.memory_space<vmem>>, vector<16xi32>,
    tpu.vector_store %arg13[%swap3A_144], %add3A_143 {strides = array<i32>} : memref<256xi32, #tpu.memory_space<vmem>>, vector<16xi32>,
    %mul3A_146 = arith.constant 65536 : i32
    %mul3A_147 = vector.broadcast %mul3A_146 : i32 to vector<16xi32>
    %mul3A_148 = arith.muli %get3A_135, %mul3A_147 : vector<16xi32>
    %shift_right_logical3A_149 = arith.constant 7 : i32
    %shift_right_logical3A_150 = vector.broadcast %shift_right_logical3A_149 : i32 to vector<16xi32>
    %shift_right_logical3A_151 = arith.shrui %get3A_139, %shift_right_logical3A_150 : vector<16xi32>
    %mul3A_152 = arith.constant 512 : i32
    %mul3A_153 = vector.broadcast %mul3A_152 : i32 to vector<16xi32>
    %mul3A_154 = arith.muli %shift_right_logical3A_151, %mul3A_153 : vector<16xi32>
    %add3A_155 = arith.addi %mul3A_148, %mul3A_154 : vector<16xi32>
    %and3A_156 = arith.constant 127 : i32
    %and3A_157 = vector.broadcast %and3A_156 : i32 to vector<16xi32>
    %and3A_158 = arith.andi %get3A_139, %and3A_157 : vector<16xi32>
    %add3A_159 = arith.addi %add3A_155, %and3A_158 : vector<16xi32>
    %add3A_160 = arith.constant 0 : i32
    %add3A_161 = vector.broadcast %add3A_160 : i32 to vector<16xi32>
    %add3A_162 = arith.addi %add3A_159, %add3A_161 : vector<16xi32>
    %swap3A_163 = arith.constant 0 : i32
    %swap3A_164 = arith.index_cast %swap3A_163 : i32 to index
    %swap3A_165 = arith.constant 32 : index
    %swap3A_166 = tpu.vector_load %arg12[%swap3A_164, %swap3A_165] {strides = array<i32>} : memref<8x128xi32, #tpu.memory_space<vmem>>, vector<16xi32>,
    tpu.vector_store %arg12[%swap3A_164, %swap3A_165], %add3A_162 {strides = array<i32>} : memref<8x128xi32, #tpu.memory_space<vmem>>, vector<16xi32>,
    %add3A_167 = arith.constant 128 : i32
    %add3A_168 = vector.broadcast %add3A_167 : i32 to vector<16xi32>
    %add3A_169 = arith.addi %add3A_159, %add3A_168 : vector<16xi32>
    %swap3A_170 = arith.constant 1 : i32
    %swap3A_171 = arith.index_cast %swap3A_170 : i32 to index
    %swap3A_172 = arith.constant 32 : index
    %swap3A_173 = tpu.vector_load %arg12[%swap3A_171, %swap3A_172] {strides = array<i32>} : memref<8x128xi32, #tpu.memory_space<vmem>>, vector<16xi32>,
    tpu.vector_store %arg12[%swap3A_171, %swap3A_172], %add3A_169 {strides = array<i32>} : memref<8x128xi32, #tpu.memory_space<vmem>>, vector<16xi32>,
    %add3A_174 = arith.constant 256 : i32
    %add3A_175 = vector.broadcast %add3A_174 : i32 to vector<16xi32>
    %add3A_176 = arith.addi %add3A_159, %add3A_175 : vector<16xi32>
    %swap3A_177 = arith.constant 2 : i32
    %swap3A_178 = arith.index_cast %swap3A_177 : i32 to index
    %swap3A_179 = arith.constant 32 : index
    %swap3A_180 = tpu.vector_load %arg12[%swap3A_178, %swap3A_179] {strides = array<i32>} : memref<8x128xi32, #tpu.memory_space<vmem>>, vector<16xi32>,
    tpu.vector_store %arg12[%swap3A_178, %swap3A_179], %add3A_176 {strides = array<i32>} : memref<8x128xi32, #tpu.memory_space<vmem>>, vector<16xi32>,
    %add3A_181 = arith.constant 384 : i32
    %add3A_182 = vector.broadcast %add3A_181 : i32 to vector<16xi32>
    %add3A_183 = arith.addi %add3A_159, %add3A_182 : vector<16xi32>
    %swap3A_184 = arith.constant 3 : i32
    %swap3A_185 = arith.index_cast %swap3A_184 : i32 to index
    %swap3A_186 = arith.constant 32 : index
    %swap3A_187 = tpu.vector_load %arg12[%swap3A_185, %swap3A_186] {strides = array<i32>} : memref<8x128xi32, #tpu.memory_space<vmem>>, vector<16xi32>,
    tpu.vector_store %arg12[%swap3A_185, %swap3A_186], %add3A_183 {strides = array<i32>} : memref<8x128xi32, #tpu.memory_space<vmem>>, vector<16xi32>,
    %get3A_188 = arith.constant 0 : i32
    %get3A_189 = arith.index_cast %get3A_188 : i32 to index
    %get3A_190 = arith.constant 48 : index
    %get3A_191 = tpu.vector_load %arg10[%get3A_189, %get3A_190] {strides = array<i32>} : memref<2x128xi32, #tpu.memory_space<vmem>>, vector<16xi32>,
    %get3A_192 = arith.constant 0 : i32
    %get3A_193 = arith.index_cast %get3A_192 : i32 to index
    %get3A_194 = arith.constant 48 : index
    %get3A_195 = tpu.vector_load %arg11[%get3A_193, %get3A_194] {strides = array<i32>} : memref<2x128xi32, #tpu.memory_space<vmem>>, vector<16xi32>,
    %mul3A_196 = arith.constant 16384 : i32
    %mul3A_197 = vector.broadcast %mul3A_196 : i32 to vector<16xi32>
    %mul3A_198 = arith.muli %get3A_191, %mul3A_197 : vector<16xi32>
    %add3A_199 = arith.addi %mul3A_198, %get3A_195 : vector<16xi32>
    %swap3A_200 = arith.constant 48 : index
    %swap3A_201 = tpu.vector_load %arg13[%swap3A_200] {strides = array<i32>} : memref<256xi32, #tpu.memory_space<vmem>>, vector<16xi32>,
    tpu.vector_store %arg13[%swap3A_200], %add3A_199 {strides = array<i32>} : memref<256xi32, #tpu.memory_space<vmem>>, vector<16xi32>,
    %mul3A_202 = arith.constant 65536 : i32
    %mul3A_203 = vector.broadcast %mul3A_202 : i32 to vector<16xi32>
    %mul3A_204 = arith.muli %get3A_191, %mul3A_203 : vector<16xi32>
    %shift_right_logical3A_205 = arith.constant 7 : i32
    %shift_right_logical3A_206 = vector.broadcast %shift_right_logical3A_205 : i32 to vector<16xi32>
    %shift_right_logical3A_207 = arith.shrui %get3A_195, %shift_right_logical3A_206 : vector<16xi32>
    %mul3A_208 = arith.constant 512 : i32
    %mul3A_209 = vector.broadcast %mul3A_208 : i32 to vector<16xi32>
    %mul3A_210 = arith.muli %shift_right_logical3A_207, %mul3A_209 : vector<16xi32>
    %add3A_211 = arith.addi %mul3A_204, %mul3A_210 : vector<16xi32>
    %and3A_212 = arith.constant 127 : i32
    %and3A_213 = vector.broadcast %and3A_212 : i32 to vector<16xi32>
    %and3A_214 = arith.andi %get3A_195, %and3A_213 : vector<16xi32>
    %add3A_215 = arith.addi %add3A_211, %and3A_214 : vector<16xi32>
    %add3A_216 = arith.constant 0 : i32
    %add3A_217 = vector.broadcast %add3A_216 : i32 to vector<16xi32>
    %add3A_218 = arith.addi %add3A_215, %add3A_217 : vector<16xi32>
    %swap3A_219 = arith.constant 0 : i32
    %swap3A_220 = arith.index_cast %swap3A_219 : i32 to index
    %swap3A_221 = arith.constant 48 : index
    %swap3A_222 = tpu.vector_load %arg12[%swap3A_220, %swap3A_221] {strides = array<i32>} : memref<8x128xi32, #tpu.memory_space<vmem>>, vector<16xi32>,
    tpu.vector_store %arg12[%swap3A_220, %swap3A_221], %add3A_218 {strides = array<i32>} : memref<8x128xi32, #tpu.memory_space<vmem>>, vector<16xi32>,
    %add3A_223 = arith.constant 128 : i32
    %add3A_224 = vector.broadcast %add3A_223 : i32 to vector<16xi32>
    %add3A_225 = arith.addi %add3A_215, %add3A_224 : vector<16xi32>
    %swap3A_226 = arith.constant 1 : i32
    %swap3A_227 = arith.index_cast %swap3A_226 : i32 to index
    %swap3A_228 = arith.constant 48 : index
    %swap3A_229 = tpu.vector_load %arg12[%swap3A_227, %swap3A_228] {strides = array<i32>} : memref<8x128xi32, #tpu.memory_space<vmem>>, vector<16xi32>,
    tpu.vector_store %arg12[%swap3A_227, %swap3A_228], %add3A_225 {strides = array<i32>} : memref<8x128xi32, #tpu.memory_space<vmem>>, vector<16xi32>,
    %add3A_230 = arith.constant 256 : i32
    %add3A_231 = vector.broadcast %add3A_230 : i32 to vector<16xi32>
    %add3A_232 = arith.addi %add3A_215, %add3A_231 : vector<16xi32>
    %swap3A_233 = arith.constant 2 : i32
    %swap3A_234 = arith.index_cast %swap3A_233 : i32 to index
    %swap3A_235 = arith.constant 48 : index
    %swap3A_236 = tpu.vector_load %arg12[%swap3A_234, %swap3A_235] {strides = array<i32>} : memref<8x128xi32, #tpu.memory_space<vmem>>, vector<16xi32>,
    tpu.vector_store %arg12[%swap3A_234, %swap3A_235], %add3A_232 {strides = array<i32>} : memref<8x128xi32, #tpu.memory_space<vmem>>, vector<16xi32>,
    %add3A_237 = arith.constant 384 : i32
    %add3A_238 = vector.broadcast %add3A_237 : i32 to vector<16xi32>
    %add3A_239 = arith.addi %add3A_215, %add3A_238 : vector<16xi32>
    %swap3A_240 = arith.constant 3 : i32
    %swap3A_241 = arith.index_cast %swap3A_240 : i32 to index
    %swap3A_242 = arith.constant 48 : index
    %swap3A_243 = tpu.vector_load %arg12[%swap3A_241, %swap3A_242] {strides = array<i32>} : memref<8x128xi32, #tpu.memory_space<vmem>>, vector<16xi32>,
    tpu.vector_store %arg12[%swap3A_241, %swap3A_242], %add3A_239 {strides = array<i32>} : memref<8x128xi32, #tpu.memory_space<vmem>>, vector<16xi32>,
    %get3A_244 = arith.constant 0 : i32
    %get3A_245 = arith.index_cast %get3A_244 : i32 to index
    %get3A_246 = arith.constant 64 : index
    %get3A_247 = tpu.vector_load %arg10[%get3A_245, %get3A_246] {strides = array<i32>} : memref<2x128xi32, #tpu.memory_space<vmem>>, vector<16xi32>,
    %get3A_248 = arith.constant 0 : i32
    %get3A_249 = arith.index_cast %get3A_248 : i32 to index
    %get3A_250 = arith.constant 64 : index
    %get3A_251 = tpu.vector_load %arg11[%get3A_249, %get3A_250] {strides = array<i32>} : memref<2x128xi32, #tpu.memory_space<vmem>>, vector<16xi32>,
    %mul3A_252 = arith.constant 16384 : i32
    %mul3A_253 = vector.broadcast %mul3A_252 : i32 to vector<16xi32>
    %mul3A_254 = arith.muli %get3A_247, %mul3A_253 : vector<16xi32>
    %add3A_255 = arith.addi %mul3A_254, %get3A_251 : vector<16xi32>
    %swap3A_256 = arith.constant 64 : index
    %swap3A_257 = tpu.vector_load %arg13[%swap3A_256] {strides = array<i32>} : memref<256xi32, #tpu.memory_space<vmem>>, vector<16xi32>,
    tpu.vector_store %arg13[%swap3A_256], %add3A_255 {strides = array<i32>} : memref<256xi32, #tpu.memory_space<vmem>>, vector<16xi32>,
    %mul3A_258 = arith.constant 65536 : i32
    %mul3A_259 = vector.broadcast %mul3A_258 : i32 to vector<16xi32>
    %mul3A_260 = arith.muli %get3A_247, %mul3A_259 : vector<16xi32>
    %shift_right_logical3A_261 = arith.constant 7 : i32
    %shift_right_logical3A_262 = vector.broadcast %shift_right_logical3A_261 : i32 to vector<16xi32>
    %shift_right_logical3A_263 = arith.shrui %get3A_251, %shift_right_logical3A_262 : vector<16xi32>
    %mul3A_264 = arith.constant 512 : i32
    %mul3A_265 = vector.broadcast %mul3A_264 : i32 to vector<16xi32>
    %mul3A_266 = arith.muli %shift_right_logical3A_263, %mul3A_265 : vector<16xi32>
    %add3A_267 = arith.addi %mul3A_260, %mul3A_266 : vector<16xi32>
    %and3A_268 = arith.constant 127 : i32
    %and3A_269 = vector.broadcast %and3A_268 : i32 to vector<16xi32>
    %and3A_270 = arith.andi %get3A_251, %and3A_269 : vector<16xi32>
    %add3A_271 = arith.addi %add3A_267, %and3A_270 : vector<16xi32>
    %add3A_272 = arith.constant 0 : i32
    %add3A_273 = vector.broadcast %add3A_272 : i32 to vector<16xi32>
    %add3A_274 = arith.addi %add3A_271, %add3A_273 : vector<16xi32>
    %swap3A_275 = arith.constant 0 : i32
    %swap3A_276 = arith.index_cast %swap3A_275 : i32 to index
    %swap3A_277 = arith.constant 64 : index
    %swap3A_278 = tpu.vector_load %arg12[%swap3A_276, %swap3A_277] {strides = array<i32>} : memref<8x128xi32, #tpu.memory_space<vmem>>, vector<16xi32>,
    tpu.vector_store %arg12[%swap3A_276, %swap3A_277], %add3A_274 {strides = array<i32>} : memref<8x128xi32, #tpu.memory_space<vmem>>, vector<16xi32>,
    %add3A_279 = arith.constant 128 : i32
    %add3A_280 = vector.broadcast %add3A_279 : i32 to vector<16xi32>
    %add3A_281 = arith.addi %add3A_271, %add3A_280 : vector<16xi32>
    %swap3A_282 = arith.constant 1 : i32
    %swap3A_283 = arith.index_cast %swap3A_282 : i32 to index
    %swap3A_284 = arith.constant 64 : index
    %swap3A_285 = tpu.vector_load %arg12[%swap3A_283, %swap3A_284] {strides = array<i32>} : memref<8x128xi32, #tpu.memory_space<vmem>>, vector<16xi32>,
    tpu.vector_store %arg12[%swap3A_283, %swap3A_284], %add3A_281 {strides = array<i32>} : memref<8x128xi32, #tpu.memory_space<vmem>>, vector<16xi32>,
    %add3A_286 = arith.constant 256 : i32
    %add3A_287 = vector.broadcast %add3A_286 : i32 to vector<16xi32>
    %add3A_288 = arith.addi %add3A_271, %add3A_287 : vector<16xi32>
    %swap3A_289 = arith.constant 2 : i32
    %swap3A_290 = arith.index_cast %swap3A_289 : i32 to index
    %swap3A_291 = arith.constant 64 : index
    %swap3A_292 = tpu.vector_load %arg12[%swap3A_290, %swap3A_291] {strides = array<i32>} : memref<8x128xi32, #tpu.memory_space<vmem>>, vector<16xi32>,
    tpu.vector_store %arg12[%swap3A_290, %swap3A_291], %add3A_288 {strides = array<i32>} : memref<8x128xi32, #tpu.memory_space<vmem>>, vector<16xi32>,
    %add3A_293 = arith.constant 384 : i32
    %add3A_294 = vector.broadcast %add3A_293 : i32 to vector<16xi32>
    %add3A_295 = arith.addi %add3A_271, %add3A_294 : vector<16xi32>
    %swap3A_296 = arith.constant 3 : i32
    %swap3A_297 = arith.index_cast %swap3A_296 : i32 to index
    %swap3A_298 = arith.constant 64 : index
    %swap3A_299 = tpu.vector_load %arg12[%swap3A_297, %swap3A_298] {strides = array<i32>} : memref<8x128xi32, #tpu.memory_space<vmem>>, vector<16xi32>,
    tpu.vector_store %arg12[%swap3A_297, %swap3A_298], %add3A_295 {strides = array<i32>} : memref<8x128xi32, #tpu.memory_space<vmem>>, vector<16xi32>,
    %get3A_300 = arith.constant 0 : i32
    %get3A_301 = arith.index_cast %get3A_300 : i32 to index
    %get3A_302 = arith.constant 80 : index
    %get3A_303 = tpu.vector_load %arg10[%get3A_301, %get3A_302] {strides = array<i32>} : memref<2x128xi32, #tpu.memory_space<vmem>>, vector<16xi32>,
    %get3A_304 = arith.constant 0 : i32
    %get3A_305 = arith.index_cast %get3A_304 : i32 to index
    %get3A_306 = arith.constant 80 : index
    %get3A_307 = tpu.vector_load %arg11[%get3A_305, %get3A_306] {strides = array<i32>} : memref<2x128xi32, #tpu.memory_space<vmem>>, vector<16xi32>,
    %mul3A_308 = arith.constant 16384 : i32
    %mul3A_309 = vector.broadcast %mul3A_308 : i32 to vector<16xi32>
    %mul3A_310 = arith.muli %get3A_303, %mul3A_309 : vector<16xi32>
    %add3A_311 = arith.addi %mul3A_310, %get3A_307 : vector<16xi32>
    %swap3A_312 = arith.constant 80 : index
    %swap3A_313 = tpu.vector_load %arg13[%swap3A_312] {strides = array<i32>} : memref<256xi32, #tpu.memory_space<vmem>>, vector<16xi32>,
    tpu.vector_store %arg13[%swap3A_312], %add3A_311 {strides = array<i32>} : memref<256xi32, #tpu.memory_space<vmem>>, vector<16xi32>,
    %mul3A_314 = arith.constant 65536 : i32
    %mul3A_315 = vector.broadcast %mul3A_314 : i32 to vector<16xi32>
    %mul3A_316 = arith.muli %get3A_303, %mul3A_315 : vector<16xi32>
    %shift_right_logical3A_317 = arith.constant 7 : i32
    %shift_right_logical3A_318 = vector.broadcast %shift_right_logical3A_317 : i32 to vector<16xi32>
    %shift_right_logical3A_319 = arith.shrui %get3A_307, %shift_right_logical3A_318 : vector<16xi32>
    %mul3A_320 = arith.constant 512 : i32
    %mul3A_321 = vector.broadcast %mul3A_320 : i32 to vector<16xi32>
    %mul3A_322 = arith.muli %shift_right_logical3A_319, %mul3A_321 : vector<16xi32>
    %add3A_323 = arith.addi %mul3A_316, %mul3A_322 : vector<16xi32>
    %and3A_324 = arith.constant 127 : i32
    %and3A_325 = vector.broadcast %and3A_324 : i32 to vector<16xi32>
    %and3A_326 = arith.andi %get3A_307, %and3A_325 : vector<16xi32>
    %add3A_327 = arith.addi %add3A_323, %and3A_326 : vector<16xi32>
    %add3A_328 = arith.constant 0 : i32
    %add3A_329 = vector.broadcast %add3A_328 : i32 to vector<16xi32>
    %add3A_330 = arith.addi %add3A_327, %add3A_329 : vector<16xi32>
    %swap3A_331 = arith.constant 0 : i32
    %swap3A_332 = arith.index_cast %swap3A_331 : i32 to index
    %swap3A_333 = arith.constant 80 : index
    %swap3A_334 = tpu.vector_load %arg12[%swap3A_332, %swap3A_333] {strides = array<i32>} : memref<8x128xi32, #tpu.memory_space<vmem>>, vector<16xi32>,
    tpu.vector_store %arg12[%swap3A_332, %swap3A_333], %add3A_330 {strides = array<i32>} : memref<8x128xi32, #tpu.memory_space<vmem>>, vector<16xi32>,
    %add3A_335 = arith.constant 128 : i32
    %add3A_336 = vector.broadcast %add3A_335 : i32 to vector<16xi32>
    %add3A_337 = arith.addi %add3A_327, %add3A_336 : vector<16xi32>
    %swap3A_338 = arith.constant 1 : i32
    %swap3A_339 = arith.index_cast %swap3A_338 : i32 to index
    %swap3A_340 = arith.constant 80 : index
    %swap3A_341 = tpu.vector_load %arg12[%swap3A_339, %swap3A_340] {strides = array<i32>} : memref<8x128xi32, #tpu.memory_space<vmem>>, vector<16xi32>,
    tpu.vector_store %arg12[%swap3A_339, %swap3A_340], %add3A_337 {strides = array<i32>} : memref<8x128xi32, #tpu.memory_space<vmem>>, vector<16xi32>,
    %add3A_342 = arith.constant 256 : i32
    %add3A_343 = vector.broadcast %add3A_342 : i32 to vector<16xi32>
    %add3A_344 = arith.addi %add3A_327, %add3A_343 : vector<16xi32>
    %swap3A_345 = arith.constant 2 : i32
    %swap3A_346 = arith.index_cast %swap3A_345 : i32 to index
    %swap3A_347 = arith.constant 80 : index
    %swap3A_348 = tpu.vector_load %arg12[%swap3A_346, %swap3A_347] {strides = array<i32>} : memref<8x128xi32, #tpu.memory_space<vmem>>, vector<16xi32>,
    tpu.vector_store %arg12[%swap3A_346, %swap3A_347], %add3A_344 {strides = array<i32>} : memref<8x128xi32, #tpu.memory_space<vmem>>, vector<16xi32>,
    %add3A_349 = arith.constant 384 : i32
    %add3A_350 = vector.broadcast %add3A_349 : i32 to vector<16xi32>
    %add3A_351 = arith.addi %add3A_327, %add3A_350 : vector<16xi32>
    %swap3A_352 = arith.constant 3 : i32
    %swap3A_353 = arith.index_cast %swap3A_352 : i32 to index
    %swap3A_354 = arith.constant 80 : index
    %swap3A_355 = tpu.vector_load %arg12[%swap3A_353, %swap3A_354] {strides = array<i32>} : memref<8x128xi32, #tpu.memory_space<vmem>>, vector<16xi32>,
    tpu.vector_store %arg12[%swap3A_353, %swap3A_354], %add3A_351 {strides = array<i32>} : memref<8x128xi32, #tpu.memory_space<vmem>>, vector<16xi32>,
    %get3A_356 = arith.constant 0 : i32
    %get3A_357 = arith.index_cast %get3A_356 : i32 to index
    %get3A_358 = arith.constant 96 : index
    %get3A_359 = tpu.vector_load %arg10[%get3A_357, %get3A_358] {strides = array<i32>} : memref<2x128xi32, #tpu.memory_space<vmem>>, vector<16xi32>,
    %get3A_360 = arith.constant 0 : i32
    %get3A_361 = arith.index_cast %get3A_360 : i32 to index
    %get3A_362 = arith.constant 96 : index
    %get3A_363 = tpu.vector_load %arg11[%get3A_361, %get3A_362] {strides = array<i32>} : memref<2x128xi32, #tpu.memory_space<vmem>>, vector<16xi32>,
    %mul3A_364 = arith.constant 16384 : i32
    %mul3A_365 = vector.broadcast %mul3A_364 : i32 to vector<16xi32>
    %mul3A_366 = arith.muli %get3A_359, %mul3A_365 : vector<16xi32>
    %add3A_367 = arith.addi %mul3A_366, %get3A_363 : vector<16xi32>
    %swap3A_368 = arith.constant 96 : index
    %swap3A_369 = tpu.vector_load %arg13[%swap3A_368] {strides = array<i32>} : memref<256xi32, #tpu.memory_space<vmem>>, vector<16xi32>,
    tpu.vector_store %arg13[%swap3A_368], %add3A_367 {strides = array<i32>} : memref<256xi32, #tpu.memory_space<vmem>>, vector<16xi32>,
    %mul3A_370 = arith.constant 65536 : i32
    %mul3A_371 = vector.broadcast %mul3A_370 : i32 to vector<16xi32>
    %mul3A_372 = arith.muli %get3A_359, %mul3A_371 : vector<16xi32>
    %shift_right_logical3A_373 = arith.constant 7 : i32
    %shift_right_logical3A_374 = vector.broadcast %shift_right_logical3A_373 : i32 to vector<16xi32>
    %shift_right_logical3A_375 = arith.shrui %get3A_363, %shift_right_logical3A_374 : vector<16xi32>
    %mul3A_376 = arith.constant 512 : i32
    %mul3A_377 = vector.broadcast %mul3A_376 : i32 to vector<16xi32>
    %mul3A_378 = arith.muli %shift_right_logical3A_375, %mul3A_377 : vector<16xi32>
    %add3A_379 = arith.addi %mul3A_372, %mul3A_378 : vector<16xi32>
    %and3A_380 = arith.constant 127 : i32
    %and3A_381 = vector.broadcast %and3A_380 : i32 to vector<16xi32>
    %and3A_382 = arith.andi %get3A_363, %and3A_381 : vector<16xi32>
    %add3A_383 = arith.addi %add3A_379, %and3A_382 : vector<16xi32>
    %add3A_384 = arith.constant 0 : i32
    %add3A_385 = vector.broadcast %add3A_384 : i32 to vector<16xi32>
    %add3A_386 = arith.addi %add3A_383, %add3A_385 : vector<16xi32>
    %swap3A_387 = arith.constant 0 : i32
    %swap3A_388 = arith.index_cast %swap3A_387 : i32 to index
    %swap3A_389 = arith.constant 96 : index
    %swap3A_390 = tpu.vector_load %arg12[%swap3A_388, %swap3A_389] {strides = array<i32>} : memref<8x128xi32, #tpu.memory_space<vmem>>, vector<16xi32>,
    tpu.vector_store %arg12[%swap3A_388, %swap3A_389], %add3A_386 {strides = array<i32>} : memref<8x128xi32, #tpu.memory_space<vmem>>, vector<16xi32>,
    %add3A_391 = arith.constant 128 : i32
    %add3A_392 = vector.broadcast %add3A_391 : i32 to vector<16xi32>
    %add3A_393 = arith.addi %add3A_383, %add3A_392 : vector<16xi32>
    %swap3A_394 = arith.constant 1 : i32
    %swap3A_395 = arith.index_cast %swap3A_394 : i32 to index
    %swap3A_396 = arith.constant 96 : index
    %swap3A_397 = tpu.vector_load %arg12[%swap3A_395, %swap3A_396] {strides = array<i32>} : memref<8x128xi32, #tpu.memory_space<vmem>>, vector<16xi32>,
    tpu.vector_store %arg12[%swap3A_395, %swap3A_396], %add3A_393 {strides = array<i32>} : memref<8x128xi32, #tpu.memory_space<vmem>>, vector<16xi32>,
    %add3A_398 = arith.constant 256 : i32
    %add3A_399 = vector.broadcast %add3A_398 : i32 to vector<16xi32>
    %add3A_400 = arith.addi %add3A_383, %add3A_399 : vector<16xi32>
    %swap3A_401 = arith.constant 2 : i32
    %swap3A_402 = arith.index_cast %swap3A_401 : i32 to index
    %swap3A_403 = arith.constant 96 : index
    %swap3A_404 = tpu.vector_load %arg12[%swap3A_402, %swap3A_403] {strides = array<i32>} : memref<8x128xi32, #tpu.memory_space<vmem>>, vector<16xi32>,
    tpu.vector_store %arg12[%swap3A_402, %swap3A_403], %add3A_400 {strides = array<i32>} : memref<8x128xi32, #tpu.memory_space<vmem>>, vector<16xi32>,
    %add3A_405 = arith.constant 384 : i32
    %add3A_406 = vector.broadcast %add3A_405 : i32 to vector<16xi32>
    %add3A_407 = arith.addi %add3A_383, %add3A_406 : vector<16xi32>
    %swap3A_408 = arith.constant 3 : i32
    %swap3A_409 = arith.index_cast %swap3A_408 : i32 to index
    %swap3A_410 = arith.constant 96 : index
    %swap3A_411 = tpu.vector_load %arg12[%swap3A_409, %swap3A_410] {strides = array<i32>} : memref<8x128xi32, #tpu.memory_space<vmem>>, vector<16xi32>,
    tpu.vector_store %arg12[%swap3A_409, %swap3A_410], %add3A_407 {strides = array<i32>} : memref<8x128xi32, #tpu.memory_space<vmem>>, vector<16xi32>,
    %get3A_412 = arith.constant 0 : i32
    %get3A_413 = arith.index_cast %get3A_412 : i32 to index
    %get3A_414 = arith.constant 112 : index
    %get3A_415 = tpu.vector_load %arg10[%get3A_413, %get3A_414] {strides = array<i32>} : memref<2x128xi32, #tpu.memory_space<vmem>>, vector<16xi32>,
    %get3A_416 = arith.constant 0 : i32
    %get3A_417 = arith.index_cast %get3A_416 : i32 to index
    %get3A_418 = arith.constant 112 : index
    %get3A_419 = tpu.vector_load %arg11[%get3A_417, %get3A_418] {strides = array<i32>} : memref<2x128xi32, #tpu.memory_space<vmem>>, vector<16xi32>,
    %mul3A_420 = arith.constant 16384 : i32
    %mul3A_421 = vector.broadcast %mul3A_420 : i32 to vector<16xi32>
    %mul3A_422 = arith.muli %get3A_415, %mul3A_421 : vector<16xi32>
    %add3A_423 = arith.addi %mul3A_422, %get3A_419 : vector<16xi32>
    %swap3A_424 = arith.constant 112 : index
    %swap3A_425 = tpu.vector_load %arg13[%swap3A_424] {strides = array<i32>} : memref<256xi32, #tpu.memory_space<vmem>>, vector<16xi32>,
    tpu.vector_store %arg13[%swap3A_424], %add3A_423 {strides = array<i32>} : memref<256xi32, #tpu.memory_space<vmem>>, vector<16xi32>,
    %mul3A_426 = arith.constant 65536 : i32
    %mul3A_427 = vector.broadcast %mul3A_426 : i32 to vector<16xi32>
    %mul3A_428 = arith.muli %get3A_415, %mul3A_427 : vector<16xi32>
    %shift_right_logical3A_429 = arith.constant 7 : i32
    %shift_right_logical3A_430 = vector.broadcast %shift_right_logical3A_429 : i32 to vector<16xi32>
    %shift_right_logical3A_431 = arith.shrui %get3A_419, %shift_right_logical3A_430 : vector<16xi32>
    %mul3A_432 = arith.constant 512 : i32
    %mul3A_433 = vector.broadcast %mul3A_432 : i32 to vector<16xi32>
    %mul3A_434 = arith.muli %shift_right_logical3A_431, %mul3A_433 : vector<16xi32>
    %add3A_435 = arith.addi %mul3A_428, %mul3A_434 : vector<16xi32>
    %and3A_436 = arith.constant 127 : i32
    %and3A_437 = vector.broadcast %and3A_436 : i32 to vector<16xi32>
    %and3A_438 = arith.andi %get3A_419, %and3A_437 : vector<16xi32>
    %add3A_439 = arith.addi %add3A_435, %and3A_438 : vector<16xi32>
    %add3A_440 = arith.constant 0 : i32
    %add3A_441 = vector.broadcast %add3A_440 : i32 to vector<16xi32>
    %add3A_442 = arith.addi %add3A_439, %add3A_441 : vector<16xi32>
    %swap3A_443 = arith.constant 0 : i32
    %swap3A_444 = arith.index_cast %swap3A_443 : i32 to index
    %swap3A_445 = arith.constant 112 : index
    %swap3A_446 = tpu.vector_load %arg12[%swap3A_444, %swap3A_445] {strides = array<i32>} : memref<8x128xi32, #tpu.memory_space<vmem>>, vector<16xi32>,
    tpu.vector_store %arg12[%swap3A_444, %swap3A_445], %add3A_442 {strides = array<i32>} : memref<8x128xi32, #tpu.memory_space<vmem>>, vector<16xi32>,
    %add3A_447 = arith.constant 128 : i32
    %add3A_448 = vector.broadcast %add3A_447 : i32 to vector<16xi32>
    %add3A_449 = arith.addi %add3A_439, %add3A_448 : vector<16xi32>
    %swap3A_450 = arith.constant 1 : i32
    %swap3A_451 = arith.index_cast %swap3A_450 : i32 to index
    %swap3A_452 = arith.constant 112 : index
    %swap3A_453 = tpu.vector_load %arg12[%swap3A_451, %swap3A_452] {strides = array<i32>} : memref<8x128xi32, #tpu.memory_space<vmem>>, vector<16xi32>,
    tpu.vector_store %arg12[%swap3A_451, %swap3A_452], %add3A_449 {strides = array<i32>} : memref<8x128xi32, #tpu.memory_space<vmem>>, vector<16xi32>,
    %add3A_454 = arith.constant 256 : i32
    %add3A_455 = vector.broadcast %add3A_454 : i32 to vector<16xi32>
    %add3A_456 = arith.addi %add3A_439, %add3A_455 : vector<16xi32>
    %swap3A_457 = arith.constant 2 : i32
    %swap3A_458 = arith.index_cast %swap3A_457 : i32 to index
    %swap3A_459 = arith.constant 112 : index
    %swap3A_460 = tpu.vector_load %arg12[%swap3A_458, %swap3A_459] {strides = array<i32>} : memref<8x128xi32, #tpu.memory_space<vmem>>, vector<16xi32>,
    tpu.vector_store %arg12[%swap3A_458, %swap3A_459], %add3A_456 {strides = array<i32>} : memref<8x128xi32, #tpu.memory_space<vmem>>, vector<16xi32>,
    %add3A_461 = arith.constant 384 : i32
    %add3A_462 = vector.broadcast %add3A_461 : i32 to vector<16xi32>
    %add3A_463 = arith.addi %add3A_439, %add3A_462 : vector<16xi32>
    %swap3A_464 = arith.constant 3 : i32
    %swap3A_465 = arith.index_cast %swap3A_464 : i32 to index
    %swap3A_466 = arith.constant 112 : index
    %swap3A_467 = tpu.vector_load %arg12[%swap3A_465, %swap3A_466] {strides = array<i32>} : memref<8x128xi32, #tpu.memory_space<vmem>>, vector<16xi32>,
    tpu.vector_store %arg12[%swap3A_465, %swap3A_466], %add3A_463 {strides = array<i32>} : memref<8x128xi32, #tpu.memory_space<vmem>>, vector<16xi32>,
    %get3A_468 = arith.constant 1 : i32
    %get3A_469 = arith.index_cast %get3A_468 : i32 to index
    %get3A_470 = arith.constant 0 : index
    %get3A_471 = tpu.vector_load %arg10[%get3A_469, %get3A_470] {strides = array<i32>} : memref<2x128xi32, #tpu.memory_space<vmem>>, vector<16xi32>,
    %get3A_472 = arith.constant 1 : i32
    %get3A_473 = arith.index_cast %get3A_472 : i32 to index
    %get3A_474 = arith.constant 0 : index
    %get3A_475 = tpu.vector_load %arg11[%get3A_473, %get3A_474] {strides = array<i32>} : memref<2x128xi32, #tpu.memory_space<vmem>>, vector<16xi32>,
    %mul3A_476 = arith.constant 16384 : i32
    %mul3A_477 = vector.broadcast %mul3A_476 : i32 to vector<16xi32>
    %mul3A_478 = arith.muli %get3A_471, %mul3A_477 : vector<16xi32>
    %add3A_479 = arith.addi %mul3A_478, %get3A_475 : vector<16xi32>
    %swap3A_480 = arith.constant 128 : index
    %swap3A_481 = tpu.vector_load %arg13[%swap3A_480] {strides = array<i32>} : memref<256xi32, #tpu.memory_space<vmem>>, vector<16xi32>,
    tpu.vector_store %arg13[%swap3A_480], %add3A_479 {strides = array<i32>} : memref<256xi32, #tpu.memory_space<vmem>>, vector<16xi32>,
    %mul3A_482 = arith.constant 65536 : i32
    %mul3A_483 = vector.broadcast %mul3A_482 : i32 to vector<16xi32>
    %mul3A_484 = arith.muli %get3A_471, %mul3A_483 : vector<16xi32>
    %shift_right_logical3A_485 = arith.constant 7 : i32
    %shift_right_logical3A_486 = vector.broadcast %shift_right_logical3A_485 : i32 to vector<16xi32>
    %shift_right_logical3A_487 = arith.shrui %get3A_475, %shift_right_logical3A_486 : vector<16xi32>
    %mul3A_488 = arith.constant 512 : i32
    %mul3A_489 = vector.broadcast %mul3A_488 : i32 to vector<16xi32>
    %mul3A_490 = arith.muli %shift_right_logical3A_487, %mul3A_489 : vector<16xi32>
    %add3A_491 = arith.addi %mul3A_484, %mul3A_490 : vector<16xi32>
    %and3A_492 = arith.constant 127 : i32
    %and3A_493 = vector.broadcast %and3A_492 : i32 to vector<16xi32>
    %and3A_494 = arith.andi %get3A_475, %and3A_493 : vector<16xi32>
    %add3A_495 = arith.addi %add3A_491, %and3A_494 : vector<16xi32>
    %add3A_496 = arith.constant 0 : i32
    %add3A_497 = vector.broadcast %add3A_496 : i32 to vector<16xi32>
    %add3A_498 = arith.addi %add3A_495, %add3A_497 : vector<16xi32>
    %swap3A_499 = arith.constant 4 : i32
    %swap3A_500 = arith.index_cast %swap3A_499 : i32 to index
    %swap3A_501 = arith.constant 0 : index
    %swap3A_502 = tpu.vector_load %arg12[%swap3A_500, %swap3A_501] {strides = array<i32>} : memref<8x128xi32, #tpu.memory_space<vmem>>, vector<16xi32>,
    tpu.vector_store %arg12[%swap3A_500, %swap3A_501], %add3A_498 {strides = array<i32>} : memref<8x128xi32, #tpu.memory_space<vmem>>, vector<16xi32>,
    %add3A_503 = arith.constant 128 : i32
    %add3A_504 = vector.broadcast %add3A_503 : i32 to vector<16xi32>
    %add3A_505 = arith.addi %add3A_495, %add3A_504 : vector<16xi32>
    %swap3A_506 = arith.constant 5 : i32
    %swap3A_507 = arith.index_cast %swap3A_506 : i32 to index
    %swap3A_508 = arith.constant 0 : index
    %swap3A_509 = tpu.vector_load %arg12[%swap3A_507, %swap3A_508] {strides = array<i32>} : memref<8x128xi32, #tpu.memory_space<vmem>>, vector<16xi32>,
    tpu.vector_store %arg12[%swap3A_507, %swap3A_508], %add3A_505 {strides = array<i32>} : memref<8x128xi32, #tpu.memory_space<vmem>>, vector<16xi32>,
    %add3A_510 = arith.constant 256 : i32
    %add3A_511 = vector.broadcast %add3A_510 : i32 to vector<16xi32>
    %add3A_512 = arith.addi %add3A_495, %add3A_511 : vector<16xi32>
    %swap3A_513 = arith.constant 6 : i32
    %swap3A_514 = arith.index_cast %swap3A_513 : i32 to index
    %swap3A_515 = arith.constant 0 : index
    %swap3A_516 = tpu.vector_load %arg12[%swap3A_514, %swap3A_515] {strides = array<i32>} : memref<8x128xi32, #tpu.memory_space<vmem>>, vector<16xi32>,
    tpu.vector_store %arg12[%swap3A_514, %swap3A_515], %add3A_512 {strides = array<i32>} : memref<8x128xi32, #tpu.memory_space<vmem>>, vector<16xi32>,
    %add3A_517 = arith.constant 384 : i32
    %add3A_518 = vector.broadcast %add3A_517 : i32 to vector<16xi32>
    %add3A_519 = arith.addi %add3A_495, %add3A_518 : vector<16xi32>
    %swap3A_520 = arith.constant 7 : i32
    %swap3A_521 = arith.index_cast %swap3A_520 : i32 to index
    %swap3A_522 = arith.constant 0 : index
    %swap3A_523 = tpu.vector_load %arg12[%swap3A_521, %swap3A_522] {strides = array<i32>} : memref<8x128xi32, #tpu.memory_space<vmem>>, vector<16xi32>,
    tpu.vector_store %arg12[%swap3A_521, %swap3A_522], %add3A_519 {strides = array<i32>} : memref<8x128xi32, #tpu.memory_space<vmem>>, vector<16xi32>,
    %get3A_524 = arith.constant 1 : i32
    %get3A_525 = arith.index_cast %get3A_524 : i32 to index
    %get3A_526 = arith.constant 16 : index
    %get3A_527 = tpu.vector_load %arg10[%get3A_525, %get3A_526] {strides = array<i32>} : memref<2x128xi32, #tpu.memory_space<vmem>>, vector<16xi32>,
    %get3A_528 = arith.constant 1 : i32
    %get3A_529 = arith.index_cast %get3A_528 : i32 to index
    %get3A_530 = arith.constant 16 : index
    %get3A_531 = tpu.vector_load %arg11[%get3A_529, %get3A_530] {strides = array<i32>} : memref<2x128xi32, #tpu.memory_space<vmem>>, vector<16xi32>,
    %mul3A_532 = arith.constant 16384 : i32
    %mul3A_533 = vector.broadcast %mul3A_532 : i32 to vector<16xi32>
    %mul3A_534 = arith.muli %get3A_527, %mul3A_533 : vector<16xi32>
    %add3A_535 = arith.addi %mul3A_534, %get3A_531 : vector<16xi32>
    %swap3A_536 = arith.constant 144 : index
    %swap3A_537 = tpu.vector_load %arg13[%swap3A_536] {strides = array<i32>} : memref<256xi32, #tpu.memory_space<vmem>>, vector<16xi32>,
    tpu.vector_store %arg13[%swap3A_536], %add3A_535 {strides = array<i32>} : memref<256xi32, #tpu.memory_space<vmem>>, vector<16xi32>,
    %mul3A_538 = arith.constant 65536 : i32
    %mul3A_539 = vector.broadcast %mul3A_538 : i32 to vector<16xi32>
    %mul3A_540 = arith.muli %get3A_527, %mul3A_539 : vector<16xi32>
    %shift_right_logical3A_541 = arith.constant 7 : i32
    %shift_right_logical3A_542 = vector.broadcast %shift_right_logical3A_541 : i32 to vector<16xi32>
    %shift_right_logical3A_543 = arith.shrui %get3A_531, %shift_right_logical3A_542 : vector<16xi32>
    %mul3A_544 = arith.constant 512 : i32
    %mul3A_545 = vector.broadcast %mul3A_544 : i32 to vector<16xi32>
    %mul3A_546 = arith.muli %shift_right_logical3A_543, %mul3A_545 : vector<16xi32>
    %add3A_547 = arith.addi %mul3A_540, %mul3A_546 : vector<16xi32>
    %and3A_548 = arith.constant 127 : i32
    %and3A_549 = vector.broadcast %and3A_548 : i32 to vector<16xi32>
    %and3A_550 = arith.andi %get3A_531, %and3A_549 : vector<16xi32>
    %add3A_551 = arith.addi %add3A_547, %and3A_550 : vector<16xi32>
    %add3A_552 = arith.constant 0 : i32
    %add3A_553 = vector.broadcast %add3A_552 : i32 to vector<16xi32>
    %add3A_554 = arith.addi %add3A_551, %add3A_553 : vector<16xi32>
    %swap3A_555 = arith.constant 4 : i32
    %swap3A_556 = arith.index_cast %swap3A_555 : i32 to index
    %swap3A_557 = arith.constant 16 : index
    %swap3A_558 = tpu.vector_load %arg12[%swap3A_556, %swap3A_557] {strides = array<i32>} : memref<8x128xi32, #tpu.memory_space<vmem>>, vector<16xi32>,
    tpu.vector_store %arg12[%swap3A_556, %swap3A_557], %add3A_554 {strides = array<i32>} : memref<8x128xi32, #tpu.memory_space<vmem>>, vector<16xi32>,
    %add3A_559 = arith.constant 128 : i32
    %add3A_560 = vector.broadcast %add3A_559 : i32 to vector<16xi32>
    %add3A_561 = arith.addi %add3A_551, %add3A_560 : vector<16xi32>
    %swap3A_562 = arith.constant 5 : i32
    %swap3A_563 = arith.index_cast %swap3A_562 : i32 to index
    %swap3A_564 = arith.constant 16 : index
    %swap3A_565 = tpu.vector_load %arg12[%swap3A_563, %swap3A_564] {strides = array<i32>} : memref<8x128xi32, #tpu.memory_space<vmem>>, vector<16xi32>,
    tpu.vector_store %arg12[%swap3A_563, %swap3A_564], %add3A_561 {strides = array<i32>} : memref<8x128xi32, #tpu.memory_space<vmem>>, vector<16xi32>,
    %add3A_566 = arith.constant 256 : i32
    %add3A_567 = vector.broadcast %add3A_566 : i32 to vector<16xi32>
    %add3A_568 = arith.addi %add3A_551, %add3A_567 : vector<16xi32>
    %swap3A_569 = arith.constant 6 : i32
    %swap3A_570 = arith.index_cast %swap3A_569 : i32 to index
    %swap3A_571 = arith.constant 16 : index
    %swap3A_572 = tpu.vector_load %arg12[%swap3A_570, %swap3A_571] {strides = array<i32>} : memref<8x128xi32, #tpu.memory_space<vmem>>, vector<16xi32>,
    tpu.vector_store %arg12[%swap3A_570, %swap3A_571], %add3A_568 {strides = array<i32>} : memref<8x128xi32, #tpu.memory_space<vmem>>, vector<16xi32>,
    %add3A_573 = arith.constant 384 : i32
    %add3A_574 = vector.broadcast %add3A_573 : i32 to vector<16xi32>
    %add3A_575 = arith.addi %add3A_551, %add3A_574 : vector<16xi32>
    %swap3A_576 = arith.constant 7 : i32
    %swap3A_577 = arith.index_cast %swap3A_576 : i32 to index
    %swap3A_578 = arith.constant 16 : index
    %swap3A_579 = tpu.vector_load %arg12[%swap3A_577, %swap3A_578] {strides = array<i32>} : memref<8x128xi32, #tpu.memory_space<vmem>>, vector<16xi32>,
    tpu.vector_store %arg12[%swap3A_577, %swap3A_578], %add3A_575 {strides = array<i32>} : memref<8x128xi32, #tpu.memory_space<vmem>>, vector<16xi32>,
    %get3A_580 = arith.constant 1 : i32
    %get3A_581 = arith.index_cast %get3A_580 : i32 to index
    %get3A_582 = arith.constant 32 : index
    %get3A_583 = tpu.vector_load %arg10[%get3A_581, %get3A_582] {strides = array<i32>} : memref<2x128xi32, #tpu.memory_space<vmem>>, vector<16xi32>,
    %get3A_584 = arith.constant 1 : i32
    %get3A_585 = arith.index_cast %get3A_584 : i32 to index
    %get3A_586 = arith.constant 32 : index
    %get3A_587 = tpu.vector_load %arg11[%get3A_585, %get3A_586] {strides = array<i32>} : memref<2x128xi32, #tpu.memory_space<vmem>>, vector<16xi32>,
    %mul3A_588 = arith.constant 16384 : i32
    %mul3A_589 = vector.broadcast %mul3A_588 : i32 to vector<16xi32>
    %mul3A_590 = arith.muli %get3A_583, %mul3A_589 : vector<16xi32>
    %add3A_591 = arith.addi %mul3A_590, %get3A_587 : vector<16xi32>
    %swap3A_592 = arith.constant 160 : index
    %swap3A_593 = tpu.vector_load %arg13[%swap3A_592] {strides = array<i32>} : memref<256xi32, #tpu.memory_space<vmem>>, vector<16xi32>,
    tpu.vector_store %arg13[%swap3A_592], %add3A_591 {strides = array<i32>} : memref<256xi32, #tpu.memory_space<vmem>>, vector<16xi32>,
    %mul3A_594 = arith.constant 65536 : i32
    %mul3A_595 = vector.broadcast %mul3A_594 : i32 to vector<16xi32>
    %mul3A_596 = arith.muli %get3A_583, %mul3A_595 : vector<16xi32>
    %shift_right_logical3A_597 = arith.constant 7 : i32
    %shift_right_logical3A_598 = vector.broadcast %shift_right_logical3A_597 : i32 to vector<16xi32>
    %shift_right_logical3A_599 = arith.shrui %get3A_587, %shift_right_logical3A_598 : vector<16xi32>
    %mul3A_600 = arith.constant 512 : i32
    %mul3A_601 = vector.broadcast %mul3A_600 : i32 to vector<16xi32>
    %mul3A_602 = arith.muli %shift_right_logical3A_599, %mul3A_601 : vector<16xi32>
    %add3A_603 = arith.addi %mul3A_596, %mul3A_602 : vector<16xi32>
    %and3A_604 = arith.constant 127 : i32
    %and3A_605 = vector.broadcast %and3A_604 : i32 to vector<16xi32>
    %and3A_606 = arith.andi %get3A_587, %and3A_605 : vector<16xi32>
    %add3A_607 = arith.addi %add3A_603, %and3A_606 : vector<16xi32>
    %add3A_608 = arith.constant 0 : i32
    %add3A_609 = vector.broadcast %add3A_608 : i32 to vector<16xi32>
    %add3A_610 = arith.addi %add3A_607, %add3A_609 : vector<16xi32>
    %swap3A_611 = arith.constant 4 : i32
    %swap3A_612 = arith.index_cast %swap3A_611 : i32 to index
    %swap3A_613 = arith.constant 32 : index
    %swap3A_614 = tpu.vector_load %arg12[%swap3A_612, %swap3A_613] {strides = array<i32>} : memref<8x128xi32, #tpu.memory_space<vmem>>, vector<16xi32>,
    tpu.vector_store %arg12[%swap3A_612, %swap3A_613], %add3A_610 {strides = array<i32>} : memref<8x128xi32, #tpu.memory_space<vmem>>, vector<16xi32>,
    %add3A_615 = arith.constant 128 : i32
    %add3A_616 = vector.broadcast %add3A_615 : i32 to vector<16xi32>
    %add3A_617 = arith.addi %add3A_607, %add3A_616 : vector<16xi32>
    %swap3A_618 = arith.constant 5 : i32
    %swap3A_619 = arith.index_cast %swap3A_618 : i32 to index
    %swap3A_620 = arith.constant 32 : index
    %swap3A_621 = tpu.vector_load %arg12[%swap3A_619, %swap3A_620] {strides = array<i32>} : memref<8x128xi32, #tpu.memory_space<vmem>>, vector<16xi32>,
    tpu.vector_store %arg12[%swap3A_619, %swap3A_620], %add3A_617 {strides = array<i32>} : memref<8x128xi32, #tpu.memory_space<vmem>>, vector<16xi32>,
    %add3A_622 = arith.constant 256 : i32
    %add3A_623 = vector.broadcast %add3A_622 : i32 to vector<16xi32>
    %add3A_624 = arith.addi %add3A_607, %add3A_623 : vector<16xi32>
    %swap3A_625 = arith.constant 6 : i32
    %swap3A_626 = arith.index_cast %swap3A_625 : i32 to index
    %swap3A_627 = arith.constant 32 : index
    %swap3A_628 = tpu.vector_load %arg12[%swap3A_626, %swap3A_627] {strides = array<i32>} : memref<8x128xi32, #tpu.memory_space<vmem>>, vector<16xi32>,
    tpu.vector_store %arg12[%swap3A_626, %swap3A_627], %add3A_624 {strides = array<i32>} : memref<8x128xi32, #tpu.memory_space<vmem>>, vector<16xi32>,
    %add3A_629 = arith.constant 384 : i32
    %add3A_630 = vector.broadcast %add3A_629 : i32 to vector<16xi32>
    %add3A_631 = arith.addi %add3A_607, %add3A_630 : vector<16xi32>
    %swap3A_632 = arith.constant 7 : i32
    %swap3A_633 = arith.index_cast %swap3A_632 : i32 to index
    %swap3A_634 = arith.constant 32 : index
    %swap3A_635 = tpu.vector_load %arg12[%swap3A_633, %swap3A_634] {strides = array<i32>} : memref<8x128xi32, #tpu.memory_space<vmem>>, vector<16xi32>,
    tpu.vector_store %arg12[%swap3A_633, %swap3A_634], %add3A_631 {strides = array<i32>} : memref<8x128xi32, #tpu.memory_space<vmem>>, vector<16xi32>,
    %get3A_636 = arith.constant 1 : i32
    %get3A_637 = arith.index_cast %get3A_636 : i32 to index
    %get3A_638 = arith.constant 48 : index
    %get3A_639 = tpu.vector_load %arg10[%get3A_637, %get3A_638] {strides = array<i32>} : memref<2x128xi32, #tpu.memory_space<vmem>>, vector<16xi32>,
    %get3A_640 = arith.constant 1 : i32
    %get3A_641 = arith.index_cast %get3A_640 : i32 to index
    %get3A_642 = arith.constant 48 : index
    %get3A_643 = tpu.vector_load %arg11[%get3A_641, %get3A_642] {strides = array<i32>} : memref<2x128xi32, #tpu.memory_space<vmem>>, vector<16xi32>,
    %mul3A_644 = arith.constant 16384 : i32
    %mul3A_645 = vector.broadcast %mul3A_644 : i32 to vector<16xi32>
    %mul3A_646 = arith.muli %get3A_639, %mul3A_645 : vector<16xi32>
    %add3A_647 = arith.addi %mul3A_646, %get3A_643 : vector<16xi32>
    %swap3A_648 = arith.constant 176 : index
    %swap3A_649 = tpu.vector_load %arg13[%swap3A_648] {strides = array<i32>} : memref<256xi32, #tpu.memory_space<vmem>>, vector<16xi32>,
    tpu.vector_store %arg13[%swap3A_648], %add3A_647 {strides = array<i32>} : memref<256xi32, #tpu.memory_space<vmem>>, vector<16xi32>,
    %mul3A_650 = arith.constant 65536 : i32
    %mul3A_651 = vector.broadcast %mul3A_650 : i32 to vector<16xi32>
    %mul3A_652 = arith.muli %get3A_639, %mul3A_651 : vector<16xi32>
    %shift_right_logical3A_653 = arith.constant 7 : i32
    %shift_right_logical3A_654 = vector.broadcast %shift_right_logical3A_653 : i32 to vector<16xi32>
    %shift_right_logical3A_655 = arith.shrui %get3A_643, %shift_right_logical3A_654 : vector<16xi32>
    %mul3A_656 = arith.constant 512 : i32
    %mul3A_657 = vector.broadcast %mul3A_656 : i32 to vector<16xi32>
    %mul3A_658 = arith.muli %shift_right_logical3A_655, %mul3A_657 : vector<16xi32>
    %add3A_659 = arith.addi %mul3A_652, %mul3A_658 : vector<16xi32>
    %and3A_660 = arith.constant 127 : i32
    %and3A_661 = vector.broadcast %and3A_660 : i32 to vector<16xi32>
    %and3A_662 = arith.andi %get3A_643, %and3A_661 : vector<16xi32>
    %add3A_663 = arith.addi %add3A_659, %and3A_662 : vector<16xi32>
    %add3A_664 = arith.constant 0 : i32
    %add3A_665 = vector.broadcast %add3A_664 : i32 to vector<16xi32>
    %add3A_666 = arith.addi %add3A_663, %add3A_665 : vector<16xi32>
    %swap3A_667 = arith.constant 4 : i32
    %swap3A_668 = arith.index_cast %swap3A_667 : i32 to index
    %swap3A_669 = arith.constant 48 : index
    %swap3A_670 = tpu.vector_load %arg12[%swap3A_668, %swap3A_669] {strides = array<i32>} : memref<8x128xi32, #tpu.memory_space<vmem>>, vector<16xi32>,
    tpu.vector_store %arg12[%swap3A_668, %swap3A_669], %add3A_666 {strides = array<i32>} : memref<8x128xi32, #tpu.memory_space<vmem>>, vector<16xi32>,
    %add3A_671 = arith.constant 128 : i32
    %add3A_672 = vector.broadcast %add3A_671 : i32 to vector<16xi32>
    %add3A_673 = arith.addi %add3A_663, %add3A_672 : vector<16xi32>
    %swap3A_674 = arith.constant 5 : i32
    %swap3A_675 = arith.index_cast %swap3A_674 : i32 to index
    %swap3A_676 = arith.constant 48 : index
    %swap3A_677 = tpu.vector_load %arg12[%swap3A_675, %swap3A_676] {strides = array<i32>} : memref<8x128xi32, #tpu.memory_space<vmem>>, vector<16xi32>,
    tpu.vector_store %arg12[%swap3A_675, %swap3A_676], %add3A_673 {strides = array<i32>} : memref<8x128xi32, #tpu.memory_space<vmem>>, vector<16xi32>,
    %add3A_678 = arith.constant 256 : i32
    %add3A_679 = vector.broadcast %add3A_678 : i32 to vector<16xi32>
    %add3A_680 = arith.addi %add3A_663, %add3A_679 : vector<16xi32>
    %swap3A_681 = arith.constant 6 : i32
    %swap3A_682 = arith.index_cast %swap3A_681 : i32 to index
    %swap3A_683 = arith.constant 48 : index
    %swap3A_684 = tpu.vector_load %arg12[%swap3A_682, %swap3A_683] {strides = array<i32>} : memref<8x128xi32, #tpu.memory_space<vmem>>, vector<16xi32>,
    tpu.vector_store %arg12[%swap3A_682, %swap3A_683], %add3A_680 {strides = array<i32>} : memref<8x128xi32, #tpu.memory_space<vmem>>, vector<16xi32>,
    %add3A_685 = arith.constant 384 : i32
    %add3A_686 = vector.broadcast %add3A_685 : i32 to vector<16xi32>
    %add3A_687 = arith.addi %add3A_663, %add3A_686 : vector<16xi32>
    %swap3A_688 = arith.constant 7 : i32
    %swap3A_689 = arith.index_cast %swap3A_688 : i32 to index
    %swap3A_690 = arith.constant 48 : index
    %swap3A_691 = tpu.vector_load %arg12[%swap3A_689, %swap3A_690] {strides = array<i32>} : memref<8x128xi32, #tpu.memory_space<vmem>>, vector<16xi32>,
    tpu.vector_store %arg12[%swap3A_689, %swap3A_690], %add3A_687 {strides = array<i32>} : memref<8x128xi32, #tpu.memory_space<vmem>>, vector<16xi32>,
    %get3A_692 = arith.constant 1 : i32
    %get3A_693 = arith.index_cast %get3A_692 : i32 to index
    %get3A_694 = arith.constant 64 : index
    %get3A_695 = tpu.vector_load %arg10[%get3A_693, %get3A_694] {strides = array<i32>} : memref<2x128xi32, #tpu.memory_space<vmem>>, vector<16xi32>,
    %get3A_696 = arith.constant 1 : i32
    %get3A_697 = arith.index_cast %get3A_696 : i32 to index
    %get3A_698 = arith.constant 64 : index
    %get3A_699 = tpu.vector_load %arg11[%get3A_697, %get3A_698] {strides = array<i32>} : memref<2x128xi32, #tpu.memory_space<vmem>>, vector<16xi32>,
    %mul3A_700 = arith.constant 16384 : i32
    %mul3A_701 = vector.broadcast %mul3A_700 : i32 to vector<16xi32>
    %mul3A_702 = arith.muli %get3A_695, %mul3A_701 : vector<16xi32>
    %add3A_703 = arith.addi %mul3A_702, %get3A_699 : vector<16xi32>
    %swap3A_704 = arith.constant 192 : index
    %swap3A_705 = tpu.vector_load %arg13[%swap3A_704] {strides = array<i32>} : memref<256xi32, #tpu.memory_space<vmem>>, vector<16xi32>,
    tpu.vector_store %arg13[%swap3A_704], %add3A_703 {strides = array<i32>} : memref<256xi32, #tpu.memory_space<vmem>>, vector<16xi32>,
    %mul3A_706 = arith.constant 65536 : i32
    %mul3A_707 = vector.broadcast %mul3A_706 : i32 to vector<16xi32>
    %mul3A_708 = arith.muli %get3A_695, %mul3A_707 : vector<16xi32>
    %shift_right_logical3A_709 = arith.constant 7 : i32
    %shift_right_logical3A_710 = vector.broadcast %shift_right_logical3A_709 : i32 to vector<16xi32>
    %shift_right_logical3A_711 = arith.shrui %get3A_699, %shift_right_logical3A_710 : vector<16xi32>
    %mul3A_712 = arith.constant 512 : i32
    %mul3A_713 = vector.broadcast %mul3A_712 : i32 to vector<16xi32>
    %mul3A_714 = arith.muli %shift_right_logical3A_711, %mul3A_713 : vector<16xi32>
    %add3A_715 = arith.addi %mul3A_708, %mul3A_714 : vector<16xi32>
    %and3A_716 = arith.constant 127 : i32
    %and3A_717 = vector.broadcast %and3A_716 : i32 to vector<16xi32>
    %and3A_718 = arith.andi %get3A_699, %and3A_717 : vector<16xi32>
    %add3A_719 = arith.addi %add3A_715, %and3A_718 : vector<16xi32>
    %add3A_720 = arith.constant 0 : i32
    %add3A_721 = vector.broadcast %add3A_720 : i32 to vector<16xi32>
    %add3A_722 = arith.addi %add3A_719, %add3A_721 : vector<16xi32>
    %swap3A_723 = arith.constant 4 : i32
    %swap3A_724 = arith.index_cast %swap3A_723 : i32 to index
    %swap3A_725 = arith.constant 64 : index
    %swap3A_726 = tpu.vector_load %arg12[%swap3A_724, %swap3A_725] {strides = array<i32>} : memref<8x128xi32, #tpu.memory_space<vmem>>, vector<16xi32>,
    tpu.vector_store %arg12[%swap3A_724, %swap3A_725], %add3A_722 {strides = array<i32>} : memref<8x128xi32, #tpu.memory_space<vmem>>, vector<16xi32>,
    %add3A_727 = arith.constant 128 : i32
    %add3A_728 = vector.broadcast %add3A_727 : i32 to vector<16xi32>
    %add3A_729 = arith.addi %add3A_719, %add3A_728 : vector<16xi32>
    %swap3A_730 = arith.constant 5 : i32
    %swap3A_731 = arith.index_cast %swap3A_730 : i32 to index
    %swap3A_732 = arith.constant 64 : index
    %swap3A_733 = tpu.vector_load %arg12[%swap3A_731, %swap3A_732] {strides = array<i32>} : memref<8x128xi32, #tpu.memory_space<vmem>>, vector<16xi32>,
    tpu.vector_store %arg12[%swap3A_731, %swap3A_732], %add3A_729 {strides = array<i32>} : memref<8x128xi32, #tpu.memory_space<vmem>>, vector<16xi32>,
    %add3A_734 = arith.constant 256 : i32
    %add3A_735 = vector.broadcast %add3A_734 : i32 to vector<16xi32>
    %add3A_736 = arith.addi %add3A_719, %add3A_735 : vector<16xi32>
    %swap3A_737 = arith.constant 6 : i32
    %swap3A_738 = arith.index_cast %swap3A_737 : i32 to index
    %swap3A_739 = arith.constant 64 : index
    %swap3A_740 = tpu.vector_load %arg12[%swap3A_738, %swap3A_739] {strides = array<i32>} : memref<8x128xi32, #tpu.memory_space<vmem>>, vector<16xi32>,
    tpu.vector_store %arg12[%swap3A_738, %swap3A_739], %add3A_736 {strides = array<i32>} : memref<8x128xi32, #tpu.memory_space<vmem>>, vector<16xi32>,
    %add3A_741 = arith.constant 384 : i32
    %add3A_742 = vector.broadcast %add3A_741 : i32 to vector<16xi32>
    %add3A_743 = arith.addi %add3A_719, %add3A_742 : vector<16xi32>
    %swap3A_744 = arith.constant 7 : i32
    %swap3A_745 = arith.index_cast %swap3A_744 : i32 to index
    %swap3A_746 = arith.constant 64 : index
    %swap3A_747 = tpu.vector_load %arg12[%swap3A_745, %swap3A_746] {strides = array<i32>} : memref<8x128xi32, #tpu.memory_space<vmem>>, vector<16xi32>,
    tpu.vector_store %arg12[%swap3A_745, %swap3A_746], %add3A_743 {strides = array<i32>} : memref<8x128xi32, #tpu.memory_space<vmem>>, vector<16xi32>,
    %get3A_748 = arith.constant 1 : i32
    %get3A_749 = arith.index_cast %get3A_748 : i32 to index
    %get3A_750 = arith.constant 80 : index
    %get3A_751 = tpu.vector_load %arg10[%get3A_749, %get3A_750] {strides = array<i32>} : memref<2x128xi32, #tpu.memory_space<vmem>>, vector<16xi32>,
    %get3A_752 = arith.constant 1 : i32
    %get3A_753 = arith.index_cast %get3A_752 : i32 to index
    %get3A_754 = arith.constant 80 : index
    %get3A_755 = tpu.vector_load %arg11[%get3A_753, %get3A_754] {strides = array<i32>} : memref<2x128xi32, #tpu.memory_space<vmem>>, vector<16xi32>,
    %mul3A_756 = arith.constant 16384 : i32
    %mul3A_757 = vector.broadcast %mul3A_756 : i32 to vector<16xi32>
    %mul3A_758 = arith.muli %get3A_751, %mul3A_757 : vector<16xi32>
    %add3A_759 = arith.addi %mul3A_758, %get3A_755 : vector<16xi32>
    %swap3A_760 = arith.constant 208 : index
    %swap3A_761 = tpu.vector_load %arg13[%swap3A_760] {strides = array<i32>} : memref<256xi32, #tpu.memory_space<vmem>>, vector<16xi32>,
    tpu.vector_store %arg13[%swap3A_760], %add3A_759 {strides = array<i32>} : memref<256xi32, #tpu.memory_space<vmem>>, vector<16xi32>,
    %mul3A_762 = arith.constant 65536 : i32
    %mul3A_763 = vector.broadcast %mul3A_762 : i32 to vector<16xi32>
    %mul3A_764 = arith.muli %get3A_751, %mul3A_763 : vector<16xi32>
    %shift_right_logical3A_765 = arith.constant 7 : i32
    %shift_right_logical3A_766 = vector.broadcast %shift_right_logical3A_765 : i32 to vector<16xi32>
    %shift_right_logical3A_767 = arith.shrui %get3A_755, %shift_right_logical3A_766 : vector<16xi32>
    %mul3A_768 = arith.constant 512 : i32
    %mul3A_769 = vector.broadcast %mul3A_768 : i32 to vector<16xi32>
    %mul3A_770 = arith.muli %shift_right_logical3A_767, %mul3A_769 : vector<16xi32>
    %add3A_771 = arith.addi %mul3A_764, %mul3A_770 : vector<16xi32>
    %and3A_772 = arith.constant 127 : i32
    %and3A_773 = vector.broadcast %and3A_772 : i32 to vector<16xi32>
    %and3A_774 = arith.andi %get3A_755, %and3A_773 : vector<16xi32>
    %add3A_775 = arith.addi %add3A_771, %and3A_774 : vector<16xi32>
    %add3A_776 = arith.constant 0 : i32
    %add3A_777 = vector.broadcast %add3A_776 : i32 to vector<16xi32>
    %add3A_778 = arith.addi %add3A_775, %add3A_777 : vector<16xi32>
    %swap3A_779 = arith.constant 4 : i32
    %swap3A_780 = arith.index_cast %swap3A_779 : i32 to index
    %swap3A_781 = arith.constant 80 : index
    %swap3A_782 = tpu.vector_load %arg12[%swap3A_780, %swap3A_781] {strides = array<i32>} : memref<8x128xi32, #tpu.memory_space<vmem>>, vector<16xi32>,
    tpu.vector_store %arg12[%swap3A_780, %swap3A_781], %add3A_778 {strides = array<i32>} : memref<8x128xi32, #tpu.memory_space<vmem>>, vector<16xi32>,
    %add3A_783 = arith.constant 128 : i32
    %add3A_784 = vector.broadcast %add3A_783 : i32 to vector<16xi32>
    %add3A_785 = arith.addi %add3A_775, %add3A_784 : vector<16xi32>
    %swap3A_786 = arith.constant 5 : i32
    %swap3A_787 = arith.index_cast %swap3A_786 : i32 to index
    %swap3A_788 = arith.constant 80 : index
    %swap3A_789 = tpu.vector_load %arg12[%swap3A_787, %swap3A_788] {strides = array<i32>} : memref<8x128xi32, #tpu.memory_space<vmem>>, vector<16xi32>,
    tpu.vector_store %arg12[%swap3A_787, %swap3A_788], %add3A_785 {strides = array<i32>} : memref<8x128xi32, #tpu.memory_space<vmem>>, vector<16xi32>,
    %add3A_790 = arith.constant 256 : i32
    %add3A_791 = vector.broadcast %add3A_790 : i32 to vector<16xi32>
    %add3A_792 = arith.addi %add3A_775, %add3A_791 : vector<16xi32>
    %swap3A_793 = arith.constant 6 : i32
    %swap3A_794 = arith.index_cast %swap3A_793 : i32 to index
    %swap3A_795 = arith.constant 80 : index
    %swap3A_796 = tpu.vector_load %arg12[%swap3A_794, %swap3A_795] {strides = array<i32>} : memref<8x128xi32, #tpu.memory_space<vmem>>, vector<16xi32>,
    tpu.vector_store %arg12[%swap3A_794, %swap3A_795], %add3A_792 {strides = array<i32>} : memref<8x128xi32, #tpu.memory_space<vmem>>, vector<16xi32>,
    %add3A_797 = arith.constant 384 : i32
    %add3A_798 = vector.broadcast %add3A_797 : i32 to vector<16xi32>
    %add3A_799 = arith.addi %add3A_775, %add3A_798 : vector<16xi32>
    %swap3A_800 = arith.constant 7 : i32
    %swap3A_801 = arith.index_cast %swap3A_800 : i32 to index
    %swap3A_802 = arith.constant 80 : index
    %swap3A_803 = tpu.vector_load %arg12[%swap3A_801, %swap3A_802] {strides = array<i32>} : memref<8x128xi32, #tpu.memory_space<vmem>>, vector<16xi32>,
    tpu.vector_store %arg12[%swap3A_801, %swap3A_802], %add3A_799 {strides = array<i32>} : memref<8x128xi32, #tpu.memory_space<vmem>>, vector<16xi32>,
    %get3A_804 = arith.constant 1 : i32
    %get3A_805 = arith.index_cast %get3A_804 : i32 to index
    %get3A_806 = arith.constant 96 : index
    %get3A_807 = tpu.vector_load %arg10[%get3A_805, %get3A_806] {strides = array<i32>} : memref<2x128xi32, #tpu.memory_space<vmem>>, vector<16xi32>,
    %get3A_808 = arith.constant 1 : i32
    %get3A_809 = arith.index_cast %get3A_808 : i32 to index
    %get3A_810 = arith.constant 96 : index
    %get3A_811 = tpu.vector_load %arg11[%get3A_809, %get3A_810] {strides = array<i32>} : memref<2x128xi32, #tpu.memory_space<vmem>>, vector<16xi32>,
    %mul3A_812 = arith.constant 16384 : i32
    %mul3A_813 = vector.broadcast %mul3A_812 : i32 to vector<16xi32>
    %mul3A_814 = arith.muli %get3A_807, %mul3A_813 : vector<16xi32>
    %add3A_815 = arith.addi %mul3A_814, %get3A_811 : vector<16xi32>
    %swap3A_816 = arith.constant 224 : index
    %swap3A_817 = tpu.vector_load %arg13[%swap3A_816] {strides = array<i32>} : memref<256xi32, #tpu.memory_space<vmem>>, vector<16xi32>,
    tpu.vector_store %arg13[%swap3A_816], %add3A_815 {strides = array<i32>} : memref<256xi32, #tpu.memory_space<vmem>>, vector<16xi32>,
    %mul3A_818 = arith.constant 65536 : i32
    %mul3A_819 = vector.broadcast %mul3A_818 : i32 to vector<16xi32>
    %mul3A_820 = arith.muli %get3A_807, %mul3A_819 : vector<16xi32>
    %shift_right_logical3A_821 = arith.constant 7 : i32
    %shift_right_logical3A_822 = vector.broadcast %shift_right_logical3A_821 : i32 to vector<16xi32>
    %shift_right_logical3A_823 = arith.shrui %get3A_811, %shift_right_logical3A_822 : vector<16xi32>
    %mul3A_824 = arith.constant 512 : i32
    %mul3A_825 = vector.broadcast %mul3A_824 : i32 to vector<16xi32>
    %mul3A_826 = arith.muli %shift_right_logical3A_823, %mul3A_825 : vector<16xi32>
    %add3A_827 = arith.addi %mul3A_820, %mul3A_826 : vector<16xi32>
    %and3A_828 = arith.constant 127 : i32
    %and3A_829 = vector.broadcast %and3A_828 : i32 to vector<16xi32>
    %and3A_830 = arith.andi %get3A_811, %and3A_829 : vector<16xi32>
    %add3A_831 = arith.addi %add3A_827, %and3A_830 : vector<16xi32>
    %add3A_832 = arith.constant 0 : i32
    %add3A_833 = vector.broadcast %add3A_832 : i32 to vector<16xi32>
    %add3A_834 = arith.addi %add3A_831, %add3A_833 : vector<16xi32>
    %swap3A_835 = arith.constant 4 : i32
    %swap3A_836 = arith.index_cast %swap3A_835 : i32 to index
    %swap3A_837 = arith.constant 96 : index
    %swap3A_838 = tpu.vector_load %arg12[%swap3A_836, %swap3A_837] {strides = array<i32>} : memref<8x128xi32, #tpu.memory_space<vmem>>, vector<16xi32>,
    tpu.vector_store %arg12[%swap3A_836, %swap3A_837], %add3A_834 {strides = array<i32>} : memref<8x128xi32, #tpu.memory_space<vmem>>, vector<16xi32>,
    %add3A_839 = arith.constant 128 : i32
    %add3A_840 = vector.broadcast %add3A_839 : i32 to vector<16xi32>
    %add3A_841 = arith.addi %add3A_831, %add3A_840 : vector<16xi32>
    %swap3A_842 = arith.constant 5 : i32
    %swap3A_843 = arith.index_cast %swap3A_842 : i32 to index
    %swap3A_844 = arith.constant 96 : index
    %swap3A_845 = tpu.vector_load %arg12[%swap3A_843, %swap3A_844] {strides = array<i32>} : memref<8x128xi32, #tpu.memory_space<vmem>>, vector<16xi32>,
    tpu.vector_store %arg12[%swap3A_843, %swap3A_844], %add3A_841 {strides = array<i32>} : memref<8x128xi32, #tpu.memory_space<vmem>>, vector<16xi32>,
    %add3A_846 = arith.constant 256 : i32
    %add3A_847 = vector.broadcast %add3A_846 : i32 to vector<16xi32>
    %add3A_848 = arith.addi %add3A_831, %add3A_847 : vector<16xi32>
    %swap3A_849 = arith.constant 6 : i32
    %swap3A_850 = arith.index_cast %swap3A_849 : i32 to index
    %swap3A_851 = arith.constant 96 : index
    %swap3A_852 = tpu.vector_load %arg12[%swap3A_850, %swap3A_851] {strides = array<i32>} : memref<8x128xi32, #tpu.memory_space<vmem>>, vector<16xi32>,
    tpu.vector_store %arg12[%swap3A_850, %swap3A_851], %add3A_848 {strides = array<i32>} : memref<8x128xi32, #tpu.memory_space<vmem>>, vector<16xi32>,
    %add3A_853 = arith.constant 384 : i32
    %add3A_854 = vector.broadcast %add3A_853 : i32 to vector<16xi32>
    %add3A_855 = arith.addi %add3A_831, %add3A_854 : vector<16xi32>
    %swap3A_856 = arith.constant 7 : i32
    %swap3A_857 = arith.index_cast %swap3A_856 : i32 to index
    %swap3A_858 = arith.constant 96 : index
    %swap3A_859 = tpu.vector_load %arg12[%swap3A_857, %swap3A_858] {strides = array<i32>} : memref<8x128xi32, #tpu.memory_space<vmem>>, vector<16xi32>,
    tpu.vector_store %arg12[%swap3A_857, %swap3A_858], %add3A_855 {strides = array<i32>} : memref<8x128xi32, #tpu.memory_space<vmem>>, vector<16xi32>,
    %get3A_860 = arith.constant 1 : i32
    %get3A_861 = arith.index_cast %get3A_860 : i32 to index
    %get3A_862 = arith.constant 112 : index
    %get3A_863 = tpu.vector_load %arg10[%get3A_861, %get3A_862] {strides = array<i32>} : memref<2x128xi32, #tpu.memory_space<vmem>>, vector<16xi32>,
    %get3A_864 = arith.constant 1 : i32
    %get3A_865 = arith.index_cast %get3A_864 : i32 to index
    %get3A_866 = arith.constant 112 : index
    %get3A_867 = tpu.vector_load %arg11[%get3A_865, %get3A_866] {strides = array<i32>} : memref<2x128xi32, #tpu.memory_space<vmem>>, vector<16xi32>,
    %mul3A_868 = arith.constant 16384 : i32
    %mul3A_869 = vector.broadcast %mul3A_868 : i32 to vector<16xi32>
    %mul3A_870 = arith.muli %get3A_863, %mul3A_869 : vector<16xi32>
    %add3A_871 = arith.addi %mul3A_870, %get3A_867 : vector<16xi32>
    %swap3A_872 = arith.constant 240 : index
    %swap3A_873 = tpu.vector_load %arg13[%swap3A_872] {strides = array<i32>} : memref<256xi32, #tpu.memory_space<vmem>>, vector<16xi32>,
    tpu.vector_store %arg13[%swap3A_872], %add3A_871 {strides = array<i32>} : memref<256xi32, #tpu.memory_space<vmem>>, vector<16xi32>,
    %mul3A_874 = arith.constant 65536 : i32
    %mul3A_875 = vector.broadcast %mul3A_874 : i32 to vector<16xi32>
    %mul3A_876 = arith.muli %get3A_863, %mul3A_875 : vector<16xi32>
    %shift_right_logical3A_877 = arith.constant 7 : i32
    %shift_right_logical3A_878 = vector.broadcast %shift_right_logical3A_877 : i32 to vector<16xi32>
    %shift_right_logical3A_879 = arith.shrui %get3A_867, %shift_right_logical3A_878 : vector<16xi32>
    %mul3A_880 = arith.constant 512 : i32
    %mul3A_881 = vector.broadcast %mul3A_880 : i32 to vector<16xi32>
    %mul3A_882 = arith.muli %shift_right_logical3A_879, %mul3A_881 : vector<16xi32>
    %add3A_883 = arith.addi %mul3A_876, %mul3A_882 : vector<16xi32>
    %and3A_884 = arith.constant 127 : i32
    %and3A_885 = vector.broadcast %and3A_884 : i32 to vector<16xi32>
    %and3A_886 = arith.andi %get3A_867, %and3A_885 : vector<16xi32>
    %add3A_887 = arith.addi %add3A_883, %and3A_886 : vector<16xi32>
    %add3A_888 = arith.constant 0 : i32
    %add3A_889 = vector.broadcast %add3A_888 : i32 to vector<16xi32>
    %add3A_890 = arith.addi %add3A_887, %add3A_889 : vector<16xi32>
    %swap3A_891 = arith.constant 4 : i32
    %swap3A_892 = arith.index_cast %swap3A_891 : i32 to index
    %swap3A_893 = arith.constant 112 : index
    %swap3A_894 = tpu.vector_load %arg12[%swap3A_892, %swap3A_893] {strides = array<i32>} : memref<8x128xi32, #tpu.memory_space<vmem>>, vector<16xi32>,
    tpu.vector_store %arg12[%swap3A_892, %swap3A_893], %add3A_890 {strides = array<i32>} : memref<8x128xi32, #tpu.memory_space<vmem>>, vector<16xi32>,
    %add3A_895 = arith.constant 128 : i32
    %add3A_896 = vector.broadcast %add3A_895 : i32 to vector<16xi32>
    %add3A_897 = arith.addi %add3A_887, %add3A_896 : vector<16xi32>
    %swap3A_898 = arith.constant 5 : i32
    %swap3A_899 = arith.index_cast %swap3A_898 : i32 to index
    %swap3A_900 = arith.constant 112 : index
    %swap3A_901 = tpu.vector_load %arg12[%swap3A_899, %swap3A_900] {strides = array<i32>} : memref<8x128xi32, #tpu.memory_space<vmem>>, vector<16xi32>,
    tpu.vector_store %arg12[%swap3A_899, %swap3A_900], %add3A_897 {strides = array<i32>} : memref<8x128xi32, #tpu.memory_space<vmem>>, vector<16xi32>,
    %add3A_902 = arith.constant 256 : i32
    %add3A_903 = vector.broadcast %add3A_902 : i32 to vector<16xi32>
    %add3A_904 = arith.addi %add3A_887, %add3A_903 : vector<16xi32>
    %swap3A_905 = arith.constant 6 : i32
    %swap3A_906 = arith.index_cast %swap3A_905 : i32 to index
    %swap3A_907 = arith.constant 112 : index
    %swap3A_908 = tpu.vector_load %arg12[%swap3A_906, %swap3A_907] {strides = array<i32>} : memref<8x128xi32, #tpu.memory_space<vmem>>, vector<16xi32>,
    tpu.vector_store %arg12[%swap3A_906, %swap3A_907], %add3A_904 {strides = array<i32>} : memref<8x128xi32, #tpu.memory_space<vmem>>, vector<16xi32>,
    %add3A_909 = arith.constant 384 : i32
    %add3A_910 = vector.broadcast %add3A_909 : i32 to vector<16xi32>
    %add3A_911 = arith.addi %add3A_887, %add3A_910 : vector<16xi32>
    %swap3A_912 = arith.constant 7 : i32
    %swap3A_913 = arith.index_cast %swap3A_912 : i32 to index
    %swap3A_914 = arith.constant 112 : index
    %swap3A_915 = tpu.vector_load %arg12[%swap3A_913, %swap3A_914] {strides = array<i32>} : memref<8x128xi32, #tpu.memory_space<vmem>>, vector<16xi32>,
    tpu.vector_store %arg12[%swap3A_913, %swap3A_914], %add3A_911 {strides = array<i32>} : memref<8x128xi32, #tpu.memory_space<vmem>>, vector<16xi32>,
    %dma_start3A_916 = arith.constant 0 : i32
    %dma_start3A_917 = arith.constant 0 : i32
    %dma_start3A_918 = arith.constant 0 : i32
    %dma_start3A_919 = tpu.memref_slice %arg14[%dma_start3A_917, %dma_start3A_918] : memref<8x128xf32, #tpu.memory_space<vmem>> -> memref<1x128xf32, #tpu.memory_space<vmem>>
    %dma_start3A_920 = tpu.memref_squeeze %dma_start3A_919 : memref<1x128xf32, #tpu.memory_space<vmem>> -> memref<128xf32, #tpu.memory_space<vmem>>
    %dma_start3A_921 = arith.constant 0 : i32
    %dma_start3A_922 = tpu.memref_slice %arg12[%dma_start3A_916, %dma_start3A_921] : memref<8x128xi32, #tpu.memory_space<vmem>> -> memref<1x128xi32, #tpu.memory_space<vmem>>
    %dma_start3A_923 = tpu.memref_squeeze %dma_start3A_922 : memref<1x128xi32, #tpu.memory_space<vmem>> -> memref<128xi32, #tpu.memory_space<vmem>>
    %dma_start3A_924 = arith.constant 0 : i32
    %dma_start3A_925 = tpu.memref_slice %arg2[%dma_start3A_924] : memref<1048576xf32, #tpu.memory_space<hbm>> -> memref<1048576xf32, #tpu.memory_space<hbm>>
    tpu.enqueue_indirect_dma source(%dma_start3A_925 : memref<1048576xf32, #tpu.memory_space<hbm>>) target(%dma_start3A_920 : memref<128xf32, #tpu.memory_space<vmem>>) offsets(%dma_start3A_923 : memref<128xi32, #tpu.memory_space<vmem>>) semaphore(%arg22 : memref<!tpu.dma_semaphore, #tpu.memory_space<semaphore_mem>>)
    %dma_start3A_926 = arith.constant 1 : i32
    %dma_start3A_927 = arith.constant 1 : i32
    %dma_start3A_928 = arith.constant 0 : i32
    %dma_start3A_929 = tpu.memref_slice %arg14[%dma_start3A_927, %dma_start3A_928] : memref<8x128xf32, #tpu.memory_space<vmem>> -> memref<1x128xf32, #tpu.memory_space<vmem>>
    %dma_start3A_930 = tpu.memref_squeeze %dma_start3A_929 : memref<1x128xf32, #tpu.memory_space<vmem>> -> memref<128xf32, #tpu.memory_space<vmem>>
    %dma_start3A_931 = arith.constant 0 : i32
    %dma_start3A_932 = tpu.memref_slice %arg12[%dma_start3A_926, %dma_start3A_931] : memref<8x128xi32, #tpu.memory_space<vmem>> -> memref<1x128xi32, #tpu.memory_space<vmem>>
    %dma_start3A_933 = tpu.memref_squeeze %dma_start3A_932 : memref<1x128xi32, #tpu.memory_space<vmem>> -> memref<128xi32, #tpu.memory_space<vmem>>
    %dma_start3A_934 = arith.constant 0 : i32
    %dma_start3A_935 = tpu.memref_slice %arg2[%dma_start3A_934] : memref<1048576xf32, #tpu.memory_space<hbm>> -> memref<1048576xf32, #tpu.memory_space<hbm>>
    tpu.enqueue_indirect_dma source(%dma_start3A_935 : memref<1048576xf32, #tpu.memory_space<hbm>>) target(%dma_start3A_930 : memref<128xf32, #tpu.memory_space<vmem>>) offsets(%dma_start3A_933 : memref<128xi32, #tpu.memory_space<vmem>>) semaphore(%arg22 : memref<!tpu.dma_semaphore, #tpu.memory_space<semaphore_mem>>)
    %dma_start3A_936 = arith.constant 2 : i32
    %dma_start3A_937 = arith.constant 2 : i32
    %dma_start3A_938 = arith.constant 0 : i32
    %dma_start3A_939 = tpu.memref_slice %arg14[%dma_start3A_937, %dma_start3A_938] : memref<8x128xf32, #tpu.memory_space<vmem>> -> memref<1x128xf32, #tpu.memory_space<vmem>>
    %dma_start3A_940 = tpu.memref_squeeze %dma_start3A_939 : memref<1x128xf32, #tpu.memory_space<vmem>> -> memref<128xf32, #tpu.memory_space<vmem>>
    %dma_start3A_941 = arith.constant 0 : i32
    %dma_start3A_942 = tpu.memref_slice %arg12[%dma_start3A_936, %dma_start3A_941] : memref<8x128xi32, #tpu.memory_space<vmem>> -> memref<1x128xi32, #tpu.memory_space<vmem>>
    %dma_start3A_943 = tpu.memref_squeeze %dma_start3A_942 : memref<1x128xi32, #tpu.memory_space<vmem>> -> memref<128xi32, #tpu.memory_space<vmem>>
    %dma_start3A_944 = arith.constant 0 : i32
    %dma_start3A_945 = tpu.memref_slice %arg2[%dma_start3A_944] : memref<1048576xf32, #tpu.memory_space<hbm>> -> memref<1048576xf32, #tpu.memory_space<hbm>>
    tpu.enqueue_indirect_dma source(%dma_start3A_945 : memref<1048576xf32, #tpu.memory_space<hbm>>) target(%dma_start3A_940 : memref<128xf32, #tpu.memory_space<vmem>>) offsets(%dma_start3A_943 : memref<128xi32, #tpu.memory_space<vmem>>) semaphore(%arg22 : memref<!tpu.dma_semaphore, #tpu.memory_space<semaphore_mem>>)
    %dma_start3A_946 = arith.constant 3 : i32
    %dma_start3A_947 = arith.constant 3 : i32
    %dma_start3A_948 = arith.constant 0 : i32
    %dma_start3A_949 = tpu.memref_slice %arg14[%dma_start3A_947, %dma_start3A_948] : memref<8x128xf32, #tpu.memory_space<vmem>> -> memref<1x128xf32, #tpu.memory_space<vmem>>
    %dma_start3A_950 = tpu.memref_squeeze %dma_start3A_949 : memref<1x128xf32, #tpu.memory_space<vmem>> -> memref<128xf32, #tpu.memory_space<vmem>>
    %dma_start3A_951 = arith.constant 0 : i32
    %dma_start3A_952 = tpu.memref_slice %arg12[%dma_start3A_946, %dma_start3A_951] : memref<8x128xi32, #tpu.memory_space<vmem>> -> memref<1x128xi32, #tpu.memory_space<vmem>>
    %dma_start3A_953 = tpu.memref_squeeze %dma_start3A_952 : memref<1x128xi32, #tpu.memory_space<vmem>> -> memref<128xi32, #tpu.memory_space<vmem>>
    %dma_start3A_954 = arith.constant 0 : i32
    %dma_start3A_955 = tpu.memref_slice %arg2[%dma_start3A_954] : memref<1048576xf32, #tpu.memory_space<hbm>> -> memref<1048576xf32, #tpu.memory_space<hbm>>
    tpu.enqueue_indirect_dma source(%dma_start3A_955 : memref<1048576xf32, #tpu.memory_space<hbm>>) target(%dma_start3A_950 : memref<128xf32, #tpu.memory_space<vmem>>) offsets(%dma_start3A_953 : memref<128xi32, #tpu.memory_space<vmem>>) semaphore(%arg22 : memref<!tpu.dma_semaphore, #tpu.memory_space<semaphore_mem>>)
    %dma_start3A_956 = arith.constant 4 : i32
    %dma_start3A_957 = arith.constant 4 : i32
    %dma_start3A_958 = arith.constant 0 : i32
    %dma_start3A_959 = tpu.memref_slice %arg14[%dma_start3A_957, %dma_start3A_958] : memref<8x128xf32, #tpu.memory_space<vmem>> -> memref<1x128xf32, #tpu.memory_space<vmem>>
    %dma_start3A_960 = tpu.memref_squeeze %dma_start3A_959 : memref<1x128xf32, #tpu.memory_space<vmem>> -> memref<128xf32, #tpu.memory_space<vmem>>
    %dma_start3A_961 = arith.constant 0 : i32
    %dma_start3A_962 = tpu.memref_slice %arg12[%dma_start3A_956, %dma_start3A_961] : memref<8x128xi32, #tpu.memory_space<vmem>> -> memref<1x128xi32, #tpu.memory_space<vmem>>
    %dma_start3A_963 = tpu.memref_squeeze %dma_start3A_962 : memref<1x128xi32, #tpu.memory_space<vmem>> -> memref<128xi32, #tpu.memory_space<vmem>>
    %dma_start3A_964 = arith.constant 0 : i32
    %dma_start3A_965 = tpu.memref_slice %arg2[%dma_start3A_964] : memref<1048576xf32, #tpu.memory_space<hbm>> -> memref<1048576xf32, #tpu.memory_space<hbm>>
    tpu.enqueue_indirect_dma source(%dma_start3A_965 : memref<1048576xf32, #tpu.memory_space<hbm>>) target(%dma_start3A_960 : memref<128xf32, #tpu.memory_space<vmem>>) offsets(%dma_start3A_963 : memref<128xi32, #tpu.memory_space<vmem>>) semaphore(%arg23 : memref<!tpu.dma_semaphore, #tpu.memory_space<semaphore_mem>>)
    %dma_start3A_966 = arith.constant 5 : i32
    %dma_start3A_967 = arith.constant 5 : i32
    %dma_start3A_968 = arith.constant 0 : i32
    %dma_start3A_969 = tpu.memref_slice %arg14[%dma_start3A_967, %dma_start3A_968] : memref<8x128xf32, #tpu.memory_space<vmem>> -> memref<1x128xf32, #tpu.memory_space<vmem>>
    %dma_start3A_970 = tpu.memref_squeeze %dma_start3A_969 : memref<1x128xf32, #tpu.memory_space<vmem>> -> memref<128xf32, #tpu.memory_space<vmem>>
    %dma_start3A_971 = arith.constant 0 : i32
    %dma_start3A_972 = tpu.memref_slice %arg12[%dma_start3A_966, %dma_start3A_971] : memref<8x128xi32, #tpu.memory_space<vmem>> -> memref<1x128xi32, #tpu.memory_space<vmem>>
    %dma_start3A_973 = tpu.memref_squeeze %dma_start3A_972 : memref<1x128xi32, #tpu.memory_space<vmem>> -> memref<128xi32, #tpu.memory_space<vmem>>
    %dma_start3A_974 = arith.constant 0 : i32
    %dma_start3A_975 = tpu.memref_slice %arg2[%dma_start3A_974] : memref<1048576xf32, #tpu.memory_space<hbm>> -> memref<1048576xf32, #tpu.memory_space<hbm>>
    tpu.enqueue_indirect_dma source(%dma_start3A_975 : memref<1048576xf32, #tpu.memory_space<hbm>>) target(%dma_start3A_970 : memref<128xf32, #tpu.memory_space<vmem>>) offsets(%dma_start3A_973 : memref<128xi32, #tpu.memory_space<vmem>>) semaphore(%arg23 : memref<!tpu.dma_semaphore, #tpu.memory_space<semaphore_mem>>)
    %dma_start3A_976 = arith.constant 6 : i32
    %dma_start3A_977 = arith.constant 6 : i32
    %dma_start3A_978 = arith.constant 0 : i32
    %dma_start3A_979 = tpu.memref_slice %arg14[%dma_start3A_977, %dma_start3A_978] : memref<8x128xf32, #tpu.memory_space<vmem>> -> memref<1x128xf32, #tpu.memory_space<vmem>>
    %dma_start3A_980 = tpu.memref_squeeze %dma_start3A_979 : memref<1x128xf32, #tpu.memory_space<vmem>> -> memref<128xf32, #tpu.memory_space<vmem>>
    %dma_start3A_981 = arith.constant 0 : i32
    %dma_start3A_982 = tpu.memref_slice %arg12[%dma_start3A_976, %dma_start3A_981] : memref<8x128xi32, #tpu.memory_space<vmem>> -> memref<1x128xi32, #tpu.memory_space<vmem>>
    %dma_start3A_983 = tpu.memref_squeeze %dma_start3A_982 : memref<1x128xi32, #tpu.memory_space<vmem>> -> memref<128xi32, #tpu.memory_space<vmem>>
    %dma_start3A_984 = arith.constant 0 : i32
    %dma_start3A_985 = tpu.memref_slice %arg2[%dma_start3A_984] : memref<1048576xf32, #tpu.memory_space<hbm>> -> memref<1048576xf32, #tpu.memory_space<hbm>>
    tpu.enqueue_indirect_dma source(%dma_start3A_985 : memref<1048576xf32, #tpu.memory_space<hbm>>) target(%dma_start3A_980 : memref<128xf32, #tpu.memory_space<vmem>>) offsets(%dma_start3A_983 : memref<128xi32, #tpu.memory_space<vmem>>) semaphore(%arg23 : memref<!tpu.dma_semaphore, #tpu.memory_space<semaphore_mem>>)
    %dma_start3A_986 = arith.constant 7 : i32
    %dma_start3A_987 = arith.constant 7 : i32
    %dma_start3A_988 = arith.constant 0 : i32
    %dma_start3A_989 = tpu.memref_slice %arg14[%dma_start3A_987, %dma_start3A_988] : memref<8x128xf32, #tpu.memory_space<vmem>> -> memref<1x128xf32, #tpu.memory_space<vmem>>
    %dma_start3A_990 = tpu.memref_squeeze %dma_start3A_989 : memref<1x128xf32, #tpu.memory_space<vmem>> -> memref<128xf32, #tpu.memory_space<vmem>>
    %dma_start3A_991 = arith.constant 0 : i32
    %dma_start3A_992 = tpu.memref_slice %arg12[%dma_start3A_986, %dma_start3A_991] : memref<8x128xi32, #tpu.memory_space<vmem>> -> memref<1x128xi32, #tpu.memory_space<vmem>>
    %dma_start3A_993 = tpu.memref_squeeze %dma_start3A_992 : memref<1x128xi32, #tpu.memory_space<vmem>> -> memref<128xi32, #tpu.memory_space<vmem>>
    %dma_start3A_994 = arith.constant 0 : i32
    %dma_start3A_995 = tpu.memref_slice %arg2[%dma_start3A_994] : memref<1048576xf32, #tpu.memory_space<hbm>> -> memref<1048576xf32, #tpu.memory_space<hbm>>
    tpu.enqueue_indirect_dma source(%dma_start3A_995 : memref<1048576xf32, #tpu.memory_space<hbm>>) target(%dma_start3A_990 : memref<128xf32, #tpu.memory_space<vmem>>) offsets(%dma_start3A_993 : memref<128xi32, #tpu.memory_space<vmem>>) semaphore(%arg23 : memref<!tpu.dma_semaphore, #tpu.memory_space<semaphore_mem>>)
    %mul3A_996 = arith.constant 4096 : i32
    %mul3A_997 = arith.muli %arg0, %mul3A_996 : i32
    %mul3A_998 = arith.constant 256 : i32
    %mul3A_999 = arith.muli %arg1, %mul3A_998 : i32
    %add3A_1000 = arith.addi %mul3A_997, %mul3A_999 : i32
    %dma_start3A_1001 = tpu.memref_slice %arg8[%add3A_1000] : memref<8192xi32, #tpu.memory_space<hbm>> -> memref<256xi32, #tpu.memory_space<hbm>>
    %dma_start3A_1002 = tpu.memref_slice %arg8[%add3A_1000] : memref<8192xi32, #tpu.memory_space<hbm>> -> memref<256xi32, #tpu.memory_space<hbm>>
    tpu.enqueue_dma source(%arg13 : memref<256xi32, #tpu.memory_space<vmem>>) target(%dma_start3A_1002 : memref<256xi32, #tpu.memory_space<hbm>>) target_semaphore(%arg24 : memref<!tpu.dma_semaphore, #tpu.memory_space<semaphore_mem>>)
    %broadcast_in_dim3A = arith.constant 0.000000e+00 : f32
    %broadcast_in_dim3A_1003 = vector.broadcast %broadcast_in_dim3A : f32 to vector<16xf32>
    %dma_wait3A_1004 = arith.constant 0 : i32
    %dma_wait3A_1005 = arith.constant 0 : i32
    %dma_wait3A_1006 = arith.constant 0 : i32
    %dma_wait3A_1007 = tpu.memref_slice %arg14[%dma_wait3A_1005, %dma_wait3A_1006] : memref<8x128xf32, #tpu.memory_space<vmem>> -> memref<1x128xf32, #tpu.memory_space<vmem>>
    %dma_wait3A_1008 = tpu.memref_squeeze %dma_wait3A_1007 : memref<1x128xf32, #tpu.memory_space<vmem>> -> memref<128xf32, #tpu.memory_space<vmem>>
    %dma_wait3A_1009 = arith.constant 0 : i32
    %dma_wait3A_1010 = tpu.memref_slice %arg12[%dma_wait3A_1004, %dma_wait3A_1009] : memref<8x128xi32, #tpu.memory_space<vmem>> -> memref<1x128xi32, #tpu.memory_space<vmem>>
    %dma_wait3A_1011 = tpu.memref_squeeze %dma_wait3A_1010 : memref<1x128xi32, #tpu.memory_space<vmem>> -> memref<128xi32, #tpu.memory_space<vmem>>
    %dma_wait3A_1012 = arith.constant 0 : i32
    %dma_wait3A_1013 = tpu.memref_slice %arg2[%dma_wait3A_1012] : memref<1048576xf32, #tpu.memory_space<hbm>> -> memref<1048576xf32, #tpu.memory_space<hbm>>
    tpu.wait_indirect_dma semaphore(%arg22 : memref<!tpu.dma_semaphore, #tpu.memory_space<semaphore_mem>>) src(%dma_wait3A_1013 : memref<1048576xf32, #tpu.memory_space<hbm>>) dst(%dma_wait3A_1008 : memref<128xf32, #tpu.memory_space<vmem>>)
    %dma_wait3A_1014 = arith.constant 1 : i32
    %dma_wait3A_1015 = arith.constant 1 : i32
    %dma_wait3A_1016 = arith.constant 0 : i32
    %dma_wait3A_1017 = tpu.memref_slice %arg14[%dma_wait3A_1015, %dma_wait3A_1016] : memref<8x128xf32, #tpu.memory_space<vmem>> -> memref<1x128xf32, #tpu.memory_space<vmem>>
    %dma_wait3A_1018 = tpu.memref_squeeze %dma_wait3A_1017 : memref<1x128xf32, #tpu.memory_space<vmem>> -> memref<128xf32, #tpu.memory_space<vmem>>
    %dma_wait3A_1019 = arith.constant 0 : i32
    %dma_wait3A_1020 = tpu.memref_slice %arg12[%dma_wait3A_1014, %dma_wait3A_1019] : memref<8x128xi32, #tpu.memory_space<vmem>> -> memref<1x128xi32, #tpu.memory_space<vmem>>
    %dma_wait3A_1021 = tpu.memref_squeeze %dma_wait3A_1020 : memref<1x128xi32, #tpu.memory_space<vmem>> -> memref<128xi32, #tpu.memory_space<vmem>>
    %dma_wait3A_1022 = arith.constant 0 : i32
    %dma_wait3A_1023 = tpu.memref_slice %arg2[%dma_wait3A_1022] : memref<1048576xf32, #tpu.memory_space<hbm>> -> memref<1048576xf32, #tpu.memory_space<hbm>>
    tpu.wait_indirect_dma semaphore(%arg22 : memref<!tpu.dma_semaphore, #tpu.memory_space<semaphore_mem>>) src(%dma_wait3A_1023 : memref<1048576xf32, #tpu.memory_space<hbm>>) dst(%dma_wait3A_1018 : memref<128xf32, #tpu.memory_space<vmem>>)
    %dma_wait3A_1024 = arith.constant 2 : i32
    %dma_wait3A_1025 = arith.constant 2 : i32
    %dma_wait3A_1026 = arith.constant 0 : i32
    %dma_wait3A_1027 = tpu.memref_slice %arg14[%dma_wait3A_1025, %dma_wait3A_1026] : memref<8x128xf32, #tpu.memory_space<vmem>> -> memref<1x128xf32, #tpu.memory_space<vmem>>
    %dma_wait3A_1028 = tpu.memref_squeeze %dma_wait3A_1027 : memref<1x128xf32, #tpu.memory_space<vmem>> -> memref<128xf32, #tpu.memory_space<vmem>>
    %dma_wait3A_1029 = arith.constant 0 : i32
    %dma_wait3A_1030 = tpu.memref_slice %arg12[%dma_wait3A_1024, %dma_wait3A_1029] : memref<8x128xi32, #tpu.memory_space<vmem>> -> memref<1x128xi32, #tpu.memory_space<vmem>>
    %dma_wait3A_1031 = tpu.memref_squeeze %dma_wait3A_1030 : memref<1x128xi32, #tpu.memory_space<vmem>> -> memref<128xi32, #tpu.memory_space<vmem>>
    %dma_wait3A_1032 = arith.constant 0 : i32
    %dma_wait3A_1033 = tpu.memref_slice %arg2[%dma_wait3A_1032] : memref<1048576xf32, #tpu.memory_space<hbm>> -> memref<1048576xf32, #tpu.memory_space<hbm>>
    tpu.wait_indirect_dma semaphore(%arg22 : memref<!tpu.dma_semaphore, #tpu.memory_space<semaphore_mem>>) src(%dma_wait3A_1033 : memref<1048576xf32, #tpu.memory_space<hbm>>) dst(%dma_wait3A_1028 : memref<128xf32, #tpu.memory_space<vmem>>)
    %dma_wait3A_1034 = arith.constant 3 : i32
    %dma_wait3A_1035 = arith.constant 3 : i32
    %dma_wait3A_1036 = arith.constant 0 : i32
    %dma_wait3A_1037 = tpu.memref_slice %arg14[%dma_wait3A_1035, %dma_wait3A_1036] : memref<8x128xf32, #tpu.memory_space<vmem>> -> memref<1x128xf32, #tpu.memory_space<vmem>>
    %dma_wait3A_1038 = tpu.memref_squeeze %dma_wait3A_1037 : memref<1x128xf32, #tpu.memory_space<vmem>> -> memref<128xf32, #tpu.memory_space<vmem>>
    %dma_wait3A_1039 = arith.constant 0 : i32
    %dma_wait3A_1040 = tpu.memref_slice %arg12[%dma_wait3A_1034, %dma_wait3A_1039] : memref<8x128xi32, #tpu.memory_space<vmem>> -> memref<1x128xi32, #tpu.memory_space<vmem>>
    %dma_wait3A_1041 = tpu.memref_squeeze %dma_wait3A_1040 : memref<1x128xi32, #tpu.memory_space<vmem>> -> memref<128xi32, #tpu.memory_space<vmem>>
    %dma_wait3A_1042 = arith.constant 0 : i32
    %dma_wait3A_1043 = tpu.memref_slice %arg2[%dma_wait3A_1042] : memref<1048576xf32, #tpu.memory_space<hbm>> -> memref<1048576xf32, #tpu.memory_space<hbm>>
    tpu.wait_indirect_dma semaphore(%arg22 : memref<!tpu.dma_semaphore, #tpu.memory_space<semaphore_mem>>) src(%dma_wait3A_1043 : memref<1048576xf32, #tpu.memory_space<hbm>>) dst(%dma_wait3A_1038 : memref<128xf32, #tpu.memory_space<vmem>>)
    %get3A_1044 = arith.constant 0 : i32
    %get3A_1045 = arith.index_cast %get3A_1044 : i32 to index
    %get3A_1046 = arith.constant 0 : index
    %get3A_1047 = tpu.vector_load %arg10[%get3A_1045, %get3A_1046] {strides = array<i32>} : memref<2x128xi32, #tpu.memory_space<vmem>>, vector<16xi32>,
    %mul3A_1048 = arith.constant 4 : i32
    %mul3A_1049 = vector.broadcast %mul3A_1048 : i32 to vector<16xi32>
    %mul3A_1050 = arith.muli %get3A_1047, %mul3A_1049 : vector<16xi32>
    %get3A_1051 = arith.constant 0 : i32
    %get3A_1052 = arith.index_cast %get3A_1051 : i32 to index
    %get3A_1053 = arith.constant 0 : index
    %get3A_1054 = tpu.vector_load %arg14[%get3A_1052, %get3A_1053] {strides = array<i32>} : memref<8x128xf32, #tpu.memory_space<vmem>>, vector<16xf32>,
    %get3A_1055 = arith.constant 1 : i32
    %get3A_1056 = arith.index_cast %get3A_1055 : i32 to index
    %get3A_1057 = arith.constant 0 : index
    %get3A_1058 = tpu.vector_load %arg14[%get3A_1056, %get3A_1057] {strides = array<i32>} : memref<8x128xf32, #tpu.memory_space<vmem>>, vector<16xf32>,
    %get3A_1059 = arith.constant 2 : i32
    %get3A_1060 = arith.index_cast %get3A_1059 : i32 to index
    %get3A_1061 = arith.constant 0 : index
    %get3A_1062 = tpu.vector_load %arg14[%get3A_1060, %get3A_1061] {strides = array<i32>} : memref<8x128xf32, #tpu.memory_space<vmem>>, vector<16xf32>,
    %get3A_1063 = arith.constant 3 : i32
    %get3A_1064 = arith.index_cast %get3A_1063 : i32 to index
    %get3A_1065 = arith.constant 0 : index
    %get3A_1066 = tpu.vector_load %arg14[%get3A_1064, %get3A_1065] {strides = array<i32>} : memref<8x128xf32, #tpu.memory_space<vmem>>, vector<16xf32>,
    %gather3A = tpu.vector_load_idx %arg16[%mul3A_1050] : memref<64xf32, #tpu.memory_space<vmem>>[vector<16xi32>], vector<16xf32>,
    %add3A_1067 = arith.constant 1 : i32
    %add3A_1068 = vector.broadcast %add3A_1067 : i32 to vector<16xi32>
    %add3A_1069 = arith.addi %mul3A_1050, %add3A_1068 : vector<16xi32>
    %gather3A_1070 = tpu.vector_load_idx %arg16[%add3A_1069] : memref<64xf32, #tpu.memory_space<vmem>>[vector<16xi32>], vector<16xf32>,
    %add3A_1071 = arith.constant 2 : i32
    %add3A_1072 = vector.broadcast %add3A_1071 : i32 to vector<16xi32>
    %add3A_1073 = arith.addi %mul3A_1050, %add3A_1072 : vector<16xi32>
    %gather3A_1074 = tpu.vector_load_idx %arg16[%add3A_1073] : memref<64xf32, #tpu.memory_space<vmem>>[vector<16xi32>], vector<16xf32>,
    %add3A_1075 = arith.constant 3 : i32
    %add3A_1076 = vector.broadcast %add3A_1075 : i32 to vector<16xi32>
    %add3A_1077 = arith.addi %mul3A_1050, %add3A_1076 : vector<16xi32>
    %gather3A_1078 = tpu.vector_load_idx %arg16[%add3A_1077] : memref<64xf32, #tpu.memory_space<vmem>>[vector<16xi32>], vector<16xf32>,
    %max3A = arith.maximumf %gather3A, %get3A_1054 : vector<16xf32>
    %max3A_1079 = arith.maximumf %gather3A_1070, %get3A_1058 : vector<16xf32>
    %min3A = arith.minimumf %gather3A_1074, %get3A_1062 : vector<16xf32>
    %min3A_1080 = arith.minimumf %gather3A_1078, %get3A_1066 : vector<16xf32>
    %sub3A = arith.subf %min3A, %max3A : vector<16xf32>
    %max3A_1081 = arith.constant 0.000000e+00 : f32
    %max3A_1082 = vector.broadcast %max3A_1081 : f32 to vector<16xf32>
    %max3A_1083 = arith.maximumf %sub3A, %max3A_1082 : vector<16xf32>
    %sub3A_1084 = arith.subf %min3A_1080, %max3A_1079 : vector<16xf32>
    %max3A_1085 = arith.constant 0.000000e+00 : f32
    %max3A_1086 = vector.broadcast %max3A_1085 : f32 to vector<16xf32>
    %max3A_1087 = arith.maximumf %sub3A_1084, %max3A_1086 : vector<16xf32>
    %mul3A_1088 = arith.mulf %max3A_1083, %max3A_1087 : vector<16xf32>
    %sub3A_1089 = arith.subf %gather3A_1074, %gather3A : vector<16xf32>
    %sub3A_1090 = arith.subf %gather3A_1078, %gather3A_1070 : vector<16xf32>
    %mul3A_1091 = arith.mulf %sub3A_1089, %sub3A_1090 : vector<16xf32>
    %sub3A_1092 = arith.subf %get3A_1062, %get3A_1054 : vector<16xf32>
    %sub3A_1093 = arith.subf %get3A_1066, %get3A_1058 : vector<16xf32>
    %mul3A_1094 = arith.mulf %sub3A_1092, %sub3A_1093 : vector<16xf32>
    %add3A_1095 = arith.addf %mul3A_1091, %mul3A_1094 : vector<16xf32>
    %sub3A_1096 = arith.subf %add3A_1095, %mul3A_1088 : vector<16xf32>
    %max3A_1097 = arith.constant 9.99999997E-7 : f32
    %max3A_1098 = vector.broadcast %max3A_1097 : f32 to vector<16xf32>
    %max3A_1099 = arith.maximumf %sub3A_1096, %max3A_1098 : vector<16xf32>
    %div3A = arith.divf %mul3A_1088, %max3A_1099 : vector<16xf32>
    %max3A_1100 = arith.maximumf %gather3A_1074, %get3A_1062 : vector<16xf32>
    %min3A_1101 = arith.minimumf %gather3A, %get3A_1054 : vector<16xf32>
    %sub3A_1102 = arith.subf %max3A_1100, %min3A_1101 : vector<16xf32>
    %max3A_1103 = arith.constant 0.000000e+00 : f32
    %max3A_1104 = vector.broadcast %max3A_1103 : f32 to vector<16xf32>
    %max3A_1105 = arith.maximumf %sub3A_1102, %max3A_1104 : vector<16xf32>
    %max3A_1106 = arith.maximumf %gather3A_1078, %get3A_1066 : vector<16xf32>
    %min3A_1107 = arith.minimumf %gather3A_1070, %get3A_1058 : vector<16xf32>
    %sub3A_1108 = arith.subf %max3A_1106, %min3A_1107 : vector<16xf32>
    %max3A_1109 = arith.constant 0.000000e+00 : f32
    %max3A_1110 = vector.broadcast %max3A_1109 : f32 to vector<16xf32>
    %max3A_1111 = arith.maximumf %sub3A_1108, %max3A_1110 : vector<16xf32>
    %mul3A_1112 = arith.mulf %max3A_1105, %max3A_1111 : vector<16xf32>
    %max3A_1113 = arith.constant 9.99999997E-7 : f32
    %max3A_1114 = vector.broadcast %max3A_1113 : f32 to vector<16xf32>
    %max3A_1115 = arith.maximumf %mul3A_1112, %max3A_1114 : vector<16xf32>
    %sub3A_1116 = arith.subf %max3A_1115, %max3A_1099 : vector<16xf32>
    %div3A_1117 = arith.divf %sub3A_1116, %max3A_1115 : vector<16xf32>
    %sub3A_1118 = arith.subf %div3A, %div3A_1117 : vector<16xf32>
    %sub3A_1119 = arith.constant 1.000000e+00 : f32
    %sub3A_1120 = vector.broadcast %sub3A_1119 : f32 to vector<16xf32>
    %sub3A_1121 = arith.subf %sub3A_1120, %sub3A_1118 : vector<16xf32>
    %add3A_1122 = arith.addf %broadcast_in_dim3A_1003, %sub3A_1121 : vector<16xf32>
    %swap3A_1123 = arith.constant 0 : index
    %swap3A_1124 = tpu.vector_load %arg15[%swap3A_1123] {strides = array<i32>} : memref<256xf32, #tpu.memory_space<vmem>>, vector<16xf32>,
    tpu.vector_store %arg15[%swap3A_1123], %div3A {strides = array<i32>} : memref<256xf32, #tpu.memory_space<vmem>>, vector<16xf32>,
    %get3A_1125 = arith.constant 0 : i32
    %get3A_1126 = arith.index_cast %get3A_1125 : i32 to index
    %get3A_1127 = arith.constant 16 : index
    %get3A_1128 = tpu.vector_load %arg10[%get3A_1126, %get3A_1127] {strides = array<i32>} : memref<2x128xi32, #tpu.memory_space<vmem>>, vector<16xi32>,
    %mul3A_1129 = arith.constant 4 : i32
    %mul3A_1130 = vector.broadcast %mul3A_1129 : i32 to vector<16xi32>
    %mul3A_1131 = arith.muli %get3A_1128, %mul3A_1130 : vector<16xi32>
    %get3A_1132 = arith.constant 0 : i32
    %get3A_1133 = arith.index_cast %get3A_1132 : i32 to index
    %get3A_1134 = arith.constant 16 : index
    %get3A_1135 = tpu.vector_load %arg14[%get3A_1133, %get3A_1134] {strides = array<i32>} : memref<8x128xf32, #tpu.memory_space<vmem>>, vector<16xf32>,
    %get3A_1136 = arith.constant 1 : i32
    %get3A_1137 = arith.index_cast %get3A_1136 : i32 to index
    %get3A_1138 = arith.constant 16 : index
    %get3A_1139 = tpu.vector_load %arg14[%get3A_1137, %get3A_1138] {strides = array<i32>} : memref<8x128xf32, #tpu.memory_space<vmem>>, vector<16xf32>,
    %get3A_1140 = arith.constant 2 : i32
    %get3A_1141 = arith.index_cast %get3A_1140 : i32 to index
    %get3A_1142 = arith.constant 16 : index
    %get3A_1143 = tpu.vector_load %arg14[%get3A_1141, %get3A_1142] {strides = array<i32>} : memref<8x128xf32, #tpu.memory_space<vmem>>, vector<16xf32>,
    %get3A_1144 = arith.constant 3 : i32
    %get3A_1145 = arith.index_cast %get3A_1144 : i32 to index
    %get3A_1146 = arith.constant 16 : index
    %get3A_1147 = tpu.vector_load %arg14[%get3A_1145, %get3A_1146] {strides = array<i32>} : memref<8x128xf32, #tpu.memory_space<vmem>>, vector<16xf32>,
    %gather3A_1148 = tpu.vector_load_idx %arg16[%mul3A_1131] : memref<64xf32, #tpu.memory_space<vmem>>[vector<16xi32>], vector<16xf32>,
    %add3A_1149 = arith.constant 1 : i32
    %add3A_1150 = vector.broadcast %add3A_1149 : i32 to vector<16xi32>
    %add3A_1151 = arith.addi %mul3A_1131, %add3A_1150 : vector<16xi32>
    %gather3A_1152 = tpu.vector_load_idx %arg16[%add3A_1151] : memref<64xf32, #tpu.memory_space<vmem>>[vector<16xi32>], vector<16xf32>,
    %add3A_1153 = arith.constant 2 : i32
    %add3A_1154 = vector.broadcast %add3A_1153 : i32 to vector<16xi32>
    %add3A_1155 = arith.addi %mul3A_1131, %add3A_1154 : vector<16xi32>
    %gather3A_1156 = tpu.vector_load_idx %arg16[%add3A_1155] : memref<64xf32, #tpu.memory_space<vmem>>[vector<16xi32>], vector<16xf32>,
    %add3A_1157 = arith.constant 3 : i32
    %add3A_1158 = vector.broadcast %add3A_1157 : i32 to vector<16xi32>
    %add3A_1159 = arith.addi %mul3A_1131, %add3A_1158 : vector<16xi32>
    %gather3A_1160 = tpu.vector_load_idx %arg16[%add3A_1159] : memref<64xf32, #tpu.memory_space<vmem>>[vector<16xi32>], vector<16xf32>,
    %max3A_1161 = arith.maximumf %gather3A_1148, %get3A_1135 : vector<16xf32>
    %max3A_1162 = arith.maximumf %gather3A_1152, %get3A_1139 : vector<16xf32>
    %min3A_1163 = arith.minimumf %gather3A_1156, %get3A_1143 : vector<16xf32>
    %min3A_1164 = arith.minimumf %gather3A_1160, %get3A_1147 : vector<16xf32>
    %sub3A_1165 = arith.subf %min3A_1163, %max3A_1161 : vector<16xf32>
    %max3A_1166 = arith.constant 0.000000e+00 : f32
    %max3A_1167 = vector.broadcast %max3A_1166 : f32 to vector<16xf32>
    %max3A_1168 = arith.maximumf %sub3A_1165, %max3A_1167 : vector<16xf32>
    %sub3A_1169 = arith.subf %min3A_1164, %max3A_1162 : vector<16xf32>
    %max3A_1170 = arith.constant 0.000000e+00 : f32
    %max3A_1171 = vector.broadcast %max3A_1170 : f32 to vector<16xf32>
    %max3A_1172 = arith.maximumf %sub3A_1169, %max3A_1171 : vector<16xf32>
    %mul3A_1173 = arith.mulf %max3A_1168, %max3A_1172 : vector<16xf32>
    %sub3A_1174 = arith.subf %gather3A_1156, %gather3A_1148 : vector<16xf32>
    %sub3A_1175 = arith.subf %gather3A_1160, %gather3A_1152 : vector<16xf32>
    %mul3A_1176 = arith.mulf %sub3A_1174, %sub3A_1175 : vector<16xf32>
    %sub3A_1177 = arith.subf %get3A_1143, %get3A_1135 : vector<16xf32>
    %sub3A_1178 = arith.subf %get3A_1147, %get3A_1139 : vector<16xf32>
    %mul3A_1179 = arith.mulf %sub3A_1177, %sub3A_1178 : vector<16xf32>
    %add3A_1180 = arith.addf %mul3A_1176, %mul3A_1179 : vector<16xf32>
    %sub3A_1181 = arith.subf %add3A_1180, %mul3A_1173 : vector<16xf32>
    %max3A_1182 = arith.constant 9.99999997E-7 : f32
    %max3A_1183 = vector.broadcast %max3A_1182 : f32 to vector<16xf32>
    %max3A_1184 = arith.maximumf %sub3A_1181, %max3A_1183 : vector<16xf32>
    %div3A_1185 = arith.divf %mul3A_1173, %max3A_1184 : vector<16xf32>
    %max3A_1186 = arith.maximumf %gather3A_1156, %get3A_1143 : vector<16xf32>
    %min3A_1187 = arith.minimumf %gather3A_1148, %get3A_1135 : vector<16xf32>
    %sub3A_1188 = arith.subf %max3A_1186, %min3A_1187 : vector<16xf32>
    %max3A_1189 = arith.constant 0.000000e+00 : f32
    %max3A_1190 = vector.broadcast %max3A_1189 : f32 to vector<16xf32>
    %max3A_1191 = arith.maximumf %sub3A_1188, %max3A_1190 : vector<16xf32>
    %max3A_1192 = arith.maximumf %gather3A_1160, %get3A_1147 : vector<16xf32>
    %min3A_1193 = arith.minimumf %gather3A_1152, %get3A_1139 : vector<16xf32>
    %sub3A_1194 = arith.subf %max3A_1192, %min3A_1193 : vector<16xf32>
    %max3A_1195 = arith.constant 0.000000e+00 : f32
    %max3A_1196 = vector.broadcast %max3A_1195 : f32 to vector<16xf32>
    %max3A_1197 = arith.maximumf %sub3A_1194, %max3A_1196 : vector<16xf32>
    %mul3A_1198 = arith.mulf %max3A_1191, %max3A_1197 : vector<16xf32>
    %max3A_1199 = arith.constant 9.99999997E-7 : f32
    %max3A_1200 = vector.broadcast %max3A_1199 : f32 to vector<16xf32>
    %max3A_1201 = arith.maximumf %mul3A_1198, %max3A_1200 : vector<16xf32>
    %sub3A_1202 = arith.subf %max3A_1201, %max3A_1184 : vector<16xf32>
    %div3A_1203 = arith.divf %sub3A_1202, %max3A_1201 : vector<16xf32>
    %sub3A_1204 = arith.subf %div3A_1185, %div3A_1203 : vector<16xf32>
    %sub3A_1205 = arith.constant 1.000000e+00 : f32
    %sub3A_1206 = vector.broadcast %sub3A_1205 : f32 to vector<16xf32>
    %sub3A_1207 = arith.subf %sub3A_1206, %sub3A_1204 : vector<16xf32>
    %add3A_1208 = arith.addf %add3A_1122, %sub3A_1207 : vector<16xf32>
    %swap3A_1209 = arith.constant 16 : index
    %swap3A_1210 = tpu.vector_load %arg15[%swap3A_1209] {strides = array<i32>} : memref<256xf32, #tpu.memory_space<vmem>>, vector<16xf32>,
    tpu.vector_store %arg15[%swap3A_1209], %div3A_1185 {strides = array<i32>} : memref<256xf32, #tpu.memory_space<vmem>>, vector<16xf32>,
    %get3A_1211 = arith.constant 0 : i32
    %get3A_1212 = arith.index_cast %get3A_1211 : i32 to index
    %get3A_1213 = arith.constant 32 : index
    %get3A_1214 = tpu.vector_load %arg10[%get3A_1212, %get3A_1213] {strides = array<i32>} : memref<2x128xi32, #tpu.memory_space<vmem>>, vector<16xi32>,
    %mul3A_1215 = arith.constant 4 : i32
    %mul3A_1216 = vector.broadcast %mul3A_1215 : i32 to vector<16xi32>
    %mul3A_1217 = arith.muli %get3A_1214, %mul3A_1216 : vector<16xi32>
    %get3A_1218 = arith.constant 0 : i32
    %get3A_1219 = arith.index_cast %get3A_1218 : i32 to index
    %get3A_1220 = arith.constant 32 : index
    %get3A_1221 = tpu.vector_load %arg14[%get3A_1219, %get3A_1220] {strides = array<i32>} : memref<8x128xf32, #tpu.memory_space<vmem>>, vector<16xf32>,
    %get3A_1222 = arith.constant 1 : i32
    %get3A_1223 = arith.index_cast %get3A_1222 : i32 to index
    %get3A_1224 = arith.constant 32 : index
    %get3A_1225 = tpu.vector_load %arg14[%get3A_1223, %get3A_1224] {strides = array<i32>} : memref<8x128xf32, #tpu.memory_space<vmem>>, vector<16xf32>,
    %get3A_1226 = arith.constant 2 : i32
    %get3A_1227 = arith.index_cast %get3A_1226 : i32 to index
    %get3A_1228 = arith.constant 32 : index
    %get3A_1229 = tpu.vector_load %arg14[%get3A_1227, %get3A_1228] {strides = array<i32>} : memref<8x128xf32, #tpu.memory_space<vmem>>, vector<16xf32>,
    %get3A_1230 = arith.constant 3 : i32
    %get3A_1231 = arith.index_cast %get3A_1230 : i32 to index
    %get3A_1232 = arith.constant 32 : index
    %get3A_1233 = tpu.vector_load %arg14[%get3A_1231, %get3A_1232] {strides = array<i32>} : memref<8x128xf32, #tpu.memory_space<vmem>>, vector<16xf32>,
    %gather3A_1234 = tpu.vector_load_idx %arg16[%mul3A_1217] : memref<64xf32, #tpu.memory_space<vmem>>[vector<16xi32>], vector<16xf32>,
    %add3A_1235 = arith.constant 1 : i32
    %add3A_1236 = vector.broadcast %add3A_1235 : i32 to vector<16xi32>
    %add3A_1237 = arith.addi %mul3A_1217, %add3A_1236 : vector<16xi32>
    %gather3A_1238 = tpu.vector_load_idx %arg16[%add3A_1237] : memref<64xf32, #tpu.memory_space<vmem>>[vector<16xi32>], vector<16xf32>,
    %add3A_1239 = arith.constant 2 : i32
    %add3A_1240 = vector.broadcast %add3A_1239 : i32 to vector<16xi32>
    %add3A_1241 = arith.addi %mul3A_1217, %add3A_1240 : vector<16xi32>
    %gather3A_1242 = tpu.vector_load_idx %arg16[%add3A_1241] : memref<64xf32, #tpu.memory_space<vmem>>[vector<16xi32>], vector<16xf32>,
    %add3A_1243 = arith.constant 3 : i32
    %add3A_1244 = vector.broadcast %add3A_1243 : i32 to vector<16xi32>
    %add3A_1245 = arith.addi %mul3A_1217, %add3A_1244 : vector<16xi32>
    %gather3A_1246 = tpu.vector_load_idx %arg16[%add3A_1245] : memref<64xf32, #tpu.memory_space<vmem>>[vector<16xi32>], vector<16xf32>,
    %max3A_1247 = arith.maximumf %gather3A_1234, %get3A_1221 : vector<16xf32>
    %max3A_1248 = arith.maximumf %gather3A_1238, %get3A_1225 : vector<16xf32>
    %min3A_1249 = arith.minimumf %gather3A_1242, %get3A_1229 : vector<16xf32>
    %min3A_1250 = arith.minimumf %gather3A_1246, %get3A_1233 : vector<16xf32>
    %sub3A_1251 = arith.subf %min3A_1249, %max3A_1247 : vector<16xf32>
    %max3A_1252 = arith.constant 0.000000e+00 : f32
    %max3A_1253 = vector.broadcast %max3A_1252 : f32 to vector<16xf32>
    %max3A_1254 = arith.maximumf %sub3A_1251, %max3A_1253 : vector<16xf32>
    %sub3A_1255 = arith.subf %min3A_1250, %max3A_1248 : vector<16xf32>
    %max3A_1256 = arith.constant 0.000000e+00 : f32
    %max3A_1257 = vector.broadcast %max3A_1256 : f32 to vector<16xf32>
    %max3A_1258 = arith.maximumf %sub3A_1255, %max3A_1257 : vector<16xf32>
    %mul3A_1259 = arith.mulf %max3A_1254, %max3A_1258 : vector<16xf32>
    %sub3A_1260 = arith.subf %gather3A_1242, %gather3A_1234 : vector<16xf32>
    %sub3A_1261 = arith.subf %gather3A_1246, %gather3A_1238 : vector<16xf32>
    %mul3A_1262 = arith.mulf %sub3A_1260, %sub3A_1261 : vector<16xf32>
    %sub3A_1263 = arith.subf %get3A_1229, %get3A_1221 : vector<16xf32>
    %sub3A_1264 = arith.subf %get3A_1233, %get3A_1225 : vector<16xf32>
    %mul3A_1265 = arith.mulf %sub3A_1263, %sub3A_1264 : vector<16xf32>
    %add3A_1266 = arith.addf %mul3A_1262, %mul3A_1265 : vector<16xf32>
    %sub3A_1267 = arith.subf %add3A_1266, %mul3A_1259 : vector<16xf32>
    %max3A_1268 = arith.constant 9.99999997E-7 : f32
    %max3A_1269 = vector.broadcast %max3A_1268 : f32 to vector<16xf32>
    %max3A_1270 = arith.maximumf %sub3A_1267, %max3A_1269 : vector<16xf32>
    %div3A_1271 = arith.divf %mul3A_1259, %max3A_1270 : vector<16xf32>
    %max3A_1272 = arith.maximumf %gather3A_1242, %get3A_1229 : vector<16xf32>
    %min3A_1273 = arith.minimumf %gather3A_1234, %get3A_1221 : vector<16xf32>
    %sub3A_1274 = arith.subf %max3A_1272, %min3A_1273 : vector<16xf32>
    %max3A_1275 = arith.constant 0.000000e+00 : f32
    %max3A_1276 = vector.broadcast %max3A_1275 : f32 to vector<16xf32>
    %max3A_1277 = arith.maximumf %sub3A_1274, %max3A_1276 : vector<16xf32>
    %max3A_1278 = arith.maximumf %gather3A_1246, %get3A_1233 : vector<16xf32>
    %min3A_1279 = arith.minimumf %gather3A_1238, %get3A_1225 : vector<16xf32>
    %sub3A_1280 = arith.subf %max3A_1278, %min3A_1279 : vector<16xf32>
    %max3A_1281 = arith.constant 0.000000e+00 : f32
    %max3A_1282 = vector.broadcast %max3A_1281 : f32 to vector<16xf32>
    %max3A_1283 = arith.maximumf %sub3A_1280, %max3A_1282 : vector<16xf32>
    %mul3A_1284 = arith.mulf %max3A_1277, %max3A_1283 : vector<16xf32>
    %max3A_1285 = arith.constant 9.99999997E-7 : f32
    %max3A_1286 = vector.broadcast %max3A_1285 : f32 to vector<16xf32>
    %max3A_1287 = arith.maximumf %mul3A_1284, %max3A_1286 : vector<16xf32>
    %sub3A_1288 = arith.subf %max3A_1287, %max3A_1270 : vector<16xf32>
    %div3A_1289 = arith.divf %sub3A_1288, %max3A_1287 : vector<16xf32>
    %sub3A_1290 = arith.subf %div3A_1271, %div3A_1289 : vector<16xf32>
    %sub3A_1291 = arith.constant 1.000000e+00 : f32
    %sub3A_1292 = vector.broadcast %sub3A_1291 : f32 to vector<16xf32>
    %sub3A_1293 = arith.subf %sub3A_1292, %sub3A_1290 : vector<16xf32>
    %add3A_1294 = arith.addf %add3A_1208, %sub3A_1293 : vector<16xf32>
    %swap3A_1295 = arith.constant 32 : index
    %swap3A_1296 = tpu.vector_load %arg15[%swap3A_1295] {strides = array<i32>} : memref<256xf32, #tpu.memory_space<vmem>>, vector<16xf32>,
    tpu.vector_store %arg15[%swap3A_1295], %div3A_1271 {strides = array<i32>} : memref<256xf32, #tpu.memory_space<vmem>>, vector<16xf32>,
    %get3A_1297 = arith.constant 0 : i32
    %get3A_1298 = arith.index_cast %get3A_1297 : i32 to index
    %get3A_1299 = arith.constant 48 : index
    %get3A_1300 = tpu.vector_load %arg10[%get3A_1298, %get3A_1299] {strides = array<i32>} : memref<2x128xi32, #tpu.memory_space<vmem>>, vector<16xi32>,
    %mul3A_1301 = arith.constant 4 : i32
    %mul3A_1302 = vector.broadcast %mul3A_1301 : i32 to vector<16xi32>
    %mul3A_1303 = arith.muli %get3A_1300, %mul3A_1302 : vector<16xi32>
    %get3A_1304 = arith.constant 0 : i32
    %get3A_1305 = arith.index_cast %get3A_1304 : i32 to index
    %get3A_1306 = arith.constant 48 : index
    %get3A_1307 = tpu.vector_load %arg14[%get3A_1305, %get3A_1306] {strides = array<i32>} : memref<8x128xf32, #tpu.memory_space<vmem>>, vector<16xf32>,
    %get3A_1308 = arith.constant 1 : i32
    %get3A_1309 = arith.index_cast %get3A_1308 : i32 to index
    %get3A_1310 = arith.constant 48 : index
    %get3A_1311 = tpu.vector_load %arg14[%get3A_1309, %get3A_1310] {strides = array<i32>} : memref<8x128xf32, #tpu.memory_space<vmem>>, vector<16xf32>,
    %get3A_1312 = arith.constant 2 : i32
    %get3A_1313 = arith.index_cast %get3A_1312 : i32 to index
    %get3A_1314 = arith.constant 48 : index
    %get3A_1315 = tpu.vector_load %arg14[%get3A_1313, %get3A_1314] {strides = array<i32>} : memref<8x128xf32, #tpu.memory_space<vmem>>, vector<16xf32>,
    %get3A_1316 = arith.constant 3 : i32
    %get3A_1317 = arith.index_cast %get3A_1316 : i32 to index
    %get3A_1318 = arith.constant 48 : index
    %get3A_1319 = tpu.vector_load %arg14[%get3A_1317, %get3A_1318] {strides = array<i32>} : memref<8x128xf32, #tpu.memory_space<vmem>>, vector<16xf32>,
    %gather3A_1320 = tpu.vector_load_idx %arg16[%mul3A_1303] : memref<64xf32, #tpu.memory_space<vmem>>[vector<16xi32>], vector<16xf32>,
    %add3A_1321 = arith.constant 1 : i32
    %add3A_1322 = vector.broadcast %add3A_1321 : i32 to vector<16xi32>
    %add3A_1323 = arith.addi %mul3A_1303, %add3A_1322 : vector<16xi32>
    %gather3A_1324 = tpu.vector_load_idx %arg16[%add3A_1323] : memref<64xf32, #tpu.memory_space<vmem>>[vector<16xi32>], vector<16xf32>,
    %add3A_1325 = arith.constant 2 : i32
    %add3A_1326 = vector.broadcast %add3A_1325 : i32 to vector<16xi32>
    %add3A_1327 = arith.addi %mul3A_1303, %add3A_1326 : vector<16xi32>
    %gather3A_1328 = tpu.vector_load_idx %arg16[%add3A_1327] : memref<64xf32, #tpu.memory_space<vmem>>[vector<16xi32>], vector<16xf32>,
    %add3A_1329 = arith.constant 3 : i32
    %add3A_1330 = vector.broadcast %add3A_1329 : i32 to vector<16xi32>
    %add3A_1331 = arith.addi %mul3A_1303, %add3A_1330 : vector<16xi32>
    %gather3A_1332 = tpu.vector_load_idx %arg16[%add3A_1331] : memref<64xf32, #tpu.memory_space<vmem>>[vector<16xi32>], vector<16xf32>,
    %max3A_1333 = arith.maximumf %gather3A_1320, %get3A_1307 : vector<16xf32>
    %max3A_1334 = arith.maximumf %gather3A_1324, %get3A_1311 : vector<16xf32>
    %min3A_1335 = arith.minimumf %gather3A_1328, %get3A_1315 : vector<16xf32>
    %min3A_1336 = arith.minimumf %gather3A_1332, %get3A_1319 : vector<16xf32>
    %sub3A_1337 = arith.subf %min3A_1335, %max3A_1333 : vector<16xf32>
    %max3A_1338 = arith.constant 0.000000e+00 : f32
    %max3A_1339 = vector.broadcast %max3A_1338 : f32 to vector<16xf32>
    %max3A_1340 = arith.maximumf %sub3A_1337, %max3A_1339 : vector<16xf32>
    %sub3A_1341 = arith.subf %min3A_1336, %max3A_1334 : vector<16xf32>
    %max3A_1342 = arith.constant 0.000000e+00 : f32
    %max3A_1343 = vector.broadcast %max3A_1342 : f32 to vector<16xf32>
    %max3A_1344 = arith.maximumf %sub3A_1341, %max3A_1343 : vector<16xf32>
    %mul3A_1345 = arith.mulf %max3A_1340, %max3A_1344 : vector<16xf32>
    %sub3A_1346 = arith.subf %gather3A_1328, %gather3A_1320 : vector<16xf32>
    %sub3A_1347 = arith.subf %gather3A_1332, %gather3A_1324 : vector<16xf32>
    %mul3A_1348 = arith.mulf %sub3A_1346, %sub3A_1347 : vector<16xf32>
    %sub3A_1349 = arith.subf %get3A_1315, %get3A_1307 : vector<16xf32>
    %sub3A_1350 = arith.subf %get3A_1319, %get3A_1311 : vector<16xf32>
    %mul3A_1351 = arith.mulf %sub3A_1349, %sub3A_1350 : vector<16xf32>
    %add3A_1352 = arith.addf %mul3A_1348, %mul3A_1351 : vector<16xf32>
    %sub3A_1353 = arith.subf %add3A_1352, %mul3A_1345 : vector<16xf32>
    %max3A_1354 = arith.constant 9.99999997E-7 : f32
    %max3A_1355 = vector.broadcast %max3A_1354 : f32 to vector<16xf32>
    %max3A_1356 = arith.maximumf %sub3A_1353, %max3A_1355 : vector<16xf32>
    %div3A_1357 = arith.divf %mul3A_1345, %max3A_1356 : vector<16xf32>
    %max3A_1358 = arith.maximumf %gather3A_1328, %get3A_1315 : vector<16xf32>
    %min3A_1359 = arith.minimumf %gather3A_1320, %get3A_1307 : vector<16xf32>
    %sub3A_1360 = arith.subf %max3A_1358, %min3A_1359 : vector<16xf32>
    %max3A_1361 = arith.constant 0.000000e+00 : f32
    %max3A_1362 = vector.broadcast %max3A_1361 : f32 to vector<16xf32>
    %max3A_1363 = arith.maximumf %sub3A_1360, %max3A_1362 : vector<16xf32>
    %max3A_1364 = arith.maximumf %gather3A_1332, %get3A_1319 : vector<16xf32>
    %min3A_1365 = arith.minimumf %gather3A_1324, %get3A_1311 : vector<16xf32>
    %sub3A_1366 = arith.subf %max3A_1364, %min3A_1365 : vector<16xf32>
    %max3A_1367 = arith.constant 0.000000e+00 : f32
    %max3A_1368 = vector.broadcast %max3A_1367 : f32 to vector<16xf32>
    %max3A_1369 = arith.maximumf %sub3A_1366, %max3A_1368 : vector<16xf32>
    %mul3A_1370 = arith.mulf %max3A_1363, %max3A_1369 : vector<16xf32>
    %max3A_1371 = arith.constant 9.99999997E-7 : f32
    %max3A_1372 = vector.broadcast %max3A_1371 : f32 to vector<16xf32>
    %max3A_1373 = arith.maximumf %mul3A_1370, %max3A_1372 : vector<16xf32>
    %sub3A_1374 = arith.subf %max3A_1373, %max3A_1356 : vector<16xf32>
    %div3A_1375 = arith.divf %sub3A_1374, %max3A_1373 : vector<16xf32>
    %sub3A_1376 = arith.subf %div3A_1357, %div3A_1375 : vector<16xf32>
    %sub3A_1377 = arith.constant 1.000000e+00 : f32
    %sub3A_1378 = vector.broadcast %sub3A_1377 : f32 to vector<16xf32>
    %sub3A_1379 = arith.subf %sub3A_1378, %sub3A_1376 : vector<16xf32>
    %add3A_1380 = arith.addf %add3A_1294, %sub3A_1379 : vector<16xf32>
    %swap3A_1381 = arith.constant 48 : index
    %swap3A_1382 = tpu.vector_load %arg15[%swap3A_1381] {strides = array<i32>} : memref<256xf32, #tpu.memory_space<vmem>>, vector<16xf32>,
    tpu.vector_store %arg15[%swap3A_1381], %div3A_1357 {strides = array<i32>} : memref<256xf32, #tpu.memory_space<vmem>>, vector<16xf32>,
    %get3A_1383 = arith.constant 0 : i32
    %get3A_1384 = arith.index_cast %get3A_1383 : i32 to index
    %get3A_1385 = arith.constant 64 : index
    %get3A_1386 = tpu.vector_load %arg10[%get3A_1384, %get3A_1385] {strides = array<i32>} : memref<2x128xi32, #tpu.memory_space<vmem>>, vector<16xi32>,
    %mul3A_1387 = arith.constant 4 : i32
    %mul3A_1388 = vector.broadcast %mul3A_1387 : i32 to vector<16xi32>
    %mul3A_1389 = arith.muli %get3A_1386, %mul3A_1388 : vector<16xi32>
    %get3A_1390 = arith.constant 0 : i32
    %get3A_1391 = arith.index_cast %get3A_1390 : i32 to index
    %get3A_1392 = arith.constant 64 : index
    %get3A_1393 = tpu.vector_load %arg14[%get3A_1391, %get3A_1392] {strides = array<i32>} : memref<8x128xf32, #tpu.memory_space<vmem>>, vector<16xf32>,
    %get3A_1394 = arith.constant 1 : i32
    %get3A_1395 = arith.index_cast %get3A_1394 : i32 to index
    %get3A_1396 = arith.constant 64 : index
    %get3A_1397 = tpu.vector_load %arg14[%get3A_1395, %get3A_1396] {strides = array<i32>} : memref<8x128xf32, #tpu.memory_space<vmem>>, vector<16xf32>,
    %get3A_1398 = arith.constant 2 : i32
    %get3A_1399 = arith.index_cast %get3A_1398 : i32 to index
    %get3A_1400 = arith.constant 64 : index
    %get3A_1401 = tpu.vector_load %arg14[%get3A_1399, %get3A_1400] {strides = array<i32>} : memref<8x128xf32, #tpu.memory_space<vmem>>, vector<16xf32>,
    %get3A_1402 = arith.constant 3 : i32
    %get3A_1403 = arith.index_cast %get3A_1402 : i32 to index
    %get3A_1404 = arith.constant 64 : index
    %get3A_1405 = tpu.vector_load %arg14[%get3A_1403, %get3A_1404] {strides = array<i32>} : memref<8x128xf32, #tpu.memory_space<vmem>>, vector<16xf32>,
    %gather3A_1406 = tpu.vector_load_idx %arg16[%mul3A_1389] : memref<64xf32, #tpu.memory_space<vmem>>[vector<16xi32>], vector<16xf32>,
    %add3A_1407 = arith.constant 1 : i32
    %add3A_1408 = vector.broadcast %add3A_1407 : i32 to vector<16xi32>
    %add3A_1409 = arith.addi %mul3A_1389, %add3A_1408 : vector<16xi32>
    %gather3A_1410 = tpu.vector_load_idx %arg16[%add3A_1409] : memref<64xf32, #tpu.memory_space<vmem>>[vector<16xi32>], vector<16xf32>,
    %add3A_1411 = arith.constant 2 : i32
    %add3A_1412 = vector.broadcast %add3A_1411 : i32 to vector<16xi32>
    %add3A_1413 = arith.addi %mul3A_1389, %add3A_1412 : vector<16xi32>
    %gather3A_1414 = tpu.vector_load_idx %arg16[%add3A_1413] : memref<64xf32, #tpu.memory_space<vmem>>[vector<16xi32>], vector<16xf32>,
    %add3A_1415 = arith.constant 3 : i32
    %add3A_1416 = vector.broadcast %add3A_1415 : i32 to vector<16xi32>
    %add3A_1417 = arith.addi %mul3A_1389, %add3A_1416 : vector<16xi32>
    %gather3A_1418 = tpu.vector_load_idx %arg16[%add3A_1417] : memref<64xf32, #tpu.memory_space<vmem>>[vector<16xi32>], vector<16xf32>,
    %max3A_1419 = arith.maximumf %gather3A_1406, %get3A_1393 : vector<16xf32>
    %max3A_1420 = arith.maximumf %gather3A_1410, %get3A_1397 : vector<16xf32>
    %min3A_1421 = arith.minimumf %gather3A_1414, %get3A_1401 : vector<16xf32>
    %min3A_1422 = arith.minimumf %gather3A_1418, %get3A_1405 : vector<16xf32>
    %sub3A_1423 = arith.subf %min3A_1421, %max3A_1419 : vector<16xf32>
    %max3A_1424 = arith.constant 0.000000e+00 : f32
    %max3A_1425 = vector.broadcast %max3A_1424 : f32 to vector<16xf32>
    %max3A_1426 = arith.maximumf %sub3A_1423, %max3A_1425 : vector<16xf32>
    %sub3A_1427 = arith.subf %min3A_1422, %max3A_1420 : vector<16xf32>
    %max3A_1428 = arith.constant 0.000000e+00 : f32
    %max3A_1429 = vector.broadcast %max3A_1428 : f32 to vector<16xf32>
    %max3A_1430 = arith.maximumf %sub3A_1427, %max3A_1429 : vector<16xf32>
    %mul3A_1431 = arith.mulf %max3A_1426, %max3A_1430 : vector<16xf32>
    %sub3A_1432 = arith.subf %gather3A_1414, %gather3A_1406 : vector<16xf32>
    %sub3A_1433 = arith.subf %gather3A_1418, %gather3A_1410 : vector<16xf32>
    %mul3A_1434 = arith.mulf %sub3A_1432, %sub3A_1433 : vector<16xf32>
    %sub3A_1435 = arith.subf %get3A_1401, %get3A_1393 : vector<16xf32>
    %sub3A_1436 = arith.subf %get3A_1405, %get3A_1397 : vector<16xf32>
    %mul3A_1437 = arith.mulf %sub3A_1435, %sub3A_1436 : vector<16xf32>
    %add3A_1438 = arith.addf %mul3A_1434, %mul3A_1437 : vector<16xf32>
    %sub3A_1439 = arith.subf %add3A_1438, %mul3A_1431 : vector<16xf32>
    %max3A_1440 = arith.constant 9.99999997E-7 : f32
    %max3A_1441 = vector.broadcast %max3A_1440 : f32 to vector<16xf32>
    %max3A_1442 = arith.maximumf %sub3A_1439, %max3A_1441 : vector<16xf32>
    %div3A_1443 = arith.divf %mul3A_1431, %max3A_1442 : vector<16xf32>
    %max3A_1444 = arith.maximumf %gather3A_1414, %get3A_1401 : vector<16xf32>
    %min3A_1445 = arith.minimumf %gather3A_1406, %get3A_1393 : vector<16xf32>
    %sub3A_1446 = arith.subf %max3A_1444, %min3A_1445 : vector<16xf32>
    %max3A_1447 = arith.constant 0.000000e+00 : f32
    %max3A_1448 = vector.broadcast %max3A_1447 : f32 to vector<16xf32>
    %max3A_1449 = arith.maximumf %sub3A_1446, %max3A_1448 : vector<16xf32>
    %max3A_1450 = arith.maximumf %gather3A_1418, %get3A_1405 : vector<16xf32>
    %min3A_1451 = arith.minimumf %gather3A_1410, %get3A_1397 : vector<16xf32>
    %sub3A_1452 = arith.subf %max3A_1450, %min3A_1451 : vector<16xf32>
    %max3A_1453 = arith.constant 0.000000e+00 : f32
    %max3A_1454 = vector.broadcast %max3A_1453 : f32 to vector<16xf32>
    %max3A_1455 = arith.maximumf %sub3A_1452, %max3A_1454 : vector<16xf32>
    %mul3A_1456 = arith.mulf %max3A_1449, %max3A_1455 : vector<16xf32>
    %max3A_1457 = arith.constant 9.99999997E-7 : f32
    %max3A_1458 = vector.broadcast %max3A_1457 : f32 to vector<16xf32>
    %max3A_1459 = arith.maximumf %mul3A_1456, %max3A_1458 : vector<16xf32>
    %sub3A_1460 = arith.subf %max3A_1459, %max3A_1442 : vector<16xf32>
    %div3A_1461 = arith.divf %sub3A_1460, %max3A_1459 : vector<16xf32>
    %sub3A_1462 = arith.subf %div3A_1443, %div3A_1461 : vector<16xf32>
    %sub3A_1463 = arith.constant 1.000000e+00 : f32
    %sub3A_1464 = vector.broadcast %sub3A_1463 : f32 to vector<16xf32>
    %sub3A_1465 = arith.subf %sub3A_1464, %sub3A_1462 : vector<16xf32>
    %add3A_1466 = arith.addf %add3A_1380, %sub3A_1465 : vector<16xf32>
    %swap3A_1467 = arith.constant 64 : index
    %swap3A_1468 = tpu.vector_load %arg15[%swap3A_1467] {strides = array<i32>} : memref<256xf32, #tpu.memory_space<vmem>>, vector<16xf32>,
    tpu.vector_store %arg15[%swap3A_1467], %div3A_1443 {strides = array<i32>} : memref<256xf32, #tpu.memory_space<vmem>>, vector<16xf32>,
    %get3A_1469 = arith.constant 0 : i32
    %get3A_1470 = arith.index_cast %get3A_1469 : i32 to index
    %get3A_1471 = arith.constant 80 : index
    %get3A_1472 = tpu.vector_load %arg10[%get3A_1470, %get3A_1471] {strides = array<i32>} : memref<2x128xi32, #tpu.memory_space<vmem>>, vector<16xi32>,
    %mul3A_1473 = arith.constant 4 : i32
    %mul3A_1474 = vector.broadcast %mul3A_1473 : i32 to vector<16xi32>
    %mul3A_1475 = arith.muli %get3A_1472, %mul3A_1474 : vector<16xi32>
    %get3A_1476 = arith.constant 0 : i32
    %get3A_1477 = arith.index_cast %get3A_1476 : i32 to index
    %get3A_1478 = arith.constant 80 : index
    %get3A_1479 = tpu.vector_load %arg14[%get3A_1477, %get3A_1478] {strides = array<i32>} : memref<8x128xf32, #tpu.memory_space<vmem>>, vector<16xf32>,
    %get3A_1480 = arith.constant 1 : i32
    %get3A_1481 = arith.index_cast %get3A_1480 : i32 to index
    %get3A_1482 = arith.constant 80 : index
    %get3A_1483 = tpu.vector_load %arg14[%get3A_1481, %get3A_1482] {strides = array<i32>} : memref<8x128xf32, #tpu.memory_space<vmem>>, vector<16xf32>,
    %get3A_1484 = arith.constant 2 : i32
    %get3A_1485 = arith.index_cast %get3A_1484 : i32 to index
    %get3A_1486 = arith.constant 80 : index
    %get3A_1487 = tpu.vector_load %arg14[%get3A_1485, %get3A_1486] {strides = array<i32>} : memref<8x128xf32, #tpu.memory_space<vmem>>, vector<16xf32>,
    %get3A_1488 = arith.constant 3 : i32
    %get3A_1489 = arith.index_cast %get3A_1488 : i32 to index
    %get3A_1490 = arith.constant 80 : index
    %get3A_1491 = tpu.vector_load %arg14[%get3A_1489, %get3A_1490] {strides = array<i32>} : memref<8x128xf32, #tpu.memory_space<vmem>>, vector<16xf32>,
    %gather3A_1492 = tpu.vector_load_idx %arg16[%mul3A_1475] : memref<64xf32, #tpu.memory_space<vmem>>[vector<16xi32>], vector<16xf32>,
    %add3A_1493 = arith.constant 1 : i32
    %add3A_1494 = vector.broadcast %add3A_1493 : i32 to vector<16xi32>
    %add3A_1495 = arith.addi %mul3A_1475, %add3A_1494 : vector<16xi32>
    %gather3A_1496 = tpu.vector_load_idx %arg16[%add3A_1495] : memref<64xf32, #tpu.memory_space<vmem>>[vector<16xi32>], vector<16xf32>,
    %add3A_1497 = arith.constant 2 : i32
    %add3A_1498 = vector.broadcast %add3A_1497 : i32 to vector<16xi32>
    %add3A_1499 = arith.addi %mul3A_1475, %add3A_1498 : vector<16xi32>
    %gather3A_1500 = tpu.vector_load_idx %arg16[%add3A_1499] : memref<64xf32, #tpu.memory_space<vmem>>[vector<16xi32>], vector<16xf32>,
    %add3A_1501 = arith.constant 3 : i32
    %add3A_1502 = vector.broadcast %add3A_1501 : i32 to vector<16xi32>
    %add3A_1503 = arith.addi %mul3A_1475, %add3A_1502 : vector<16xi32>
    %gather3A_1504 = tpu.vector_load_idx %arg16[%add3A_1503] : memref<64xf32, #tpu.memory_space<vmem>>[vector<16xi32>], vector<16xf32>,
    %max3A_1505 = arith.maximumf %gather3A_1492, %get3A_1479 : vector<16xf32>
    %max3A_1506 = arith.maximumf %gather3A_1496, %get3A_1483 : vector<16xf32>
    %min3A_1507 = arith.minimumf %gather3A_1500, %get3A_1487 : vector<16xf32>
    %min3A_1508 = arith.minimumf %gather3A_1504, %get3A_1491 : vector<16xf32>
    %sub3A_1509 = arith.subf %min3A_1507, %max3A_1505 : vector<16xf32>
    %max3A_1510 = arith.constant 0.000000e+00 : f32
    %max3A_1511 = vector.broadcast %max3A_1510 : f32 to vector<16xf32>
    %max3A_1512 = arith.maximumf %sub3A_1509, %max3A_1511 : vector<16xf32>
    %sub3A_1513 = arith.subf %min3A_1508, %max3A_1506 : vector<16xf32>
    %max3A_1514 = arith.constant 0.000000e+00 : f32
    %max3A_1515 = vector.broadcast %max3A_1514 : f32 to vector<16xf32>
    %max3A_1516 = arith.maximumf %sub3A_1513, %max3A_1515 : vector<16xf32>
    %mul3A_1517 = arith.mulf %max3A_1512, %max3A_1516 : vector<16xf32>
    %sub3A_1518 = arith.subf %gather3A_1500, %gather3A_1492 : vector<16xf32>
    %sub3A_1519 = arith.subf %gather3A_1504, %gather3A_1496 : vector<16xf32>
    %mul3A_1520 = arith.mulf %sub3A_1518, %sub3A_1519 : vector<16xf32>
    %sub3A_1521 = arith.subf %get3A_1487, %get3A_1479 : vector<16xf32>
    %sub3A_1522 = arith.subf %get3A_1491, %get3A_1483 : vector<16xf32>
    %mul3A_1523 = arith.mulf %sub3A_1521, %sub3A_1522 : vector<16xf32>
    %add3A_1524 = arith.addf %mul3A_1520, %mul3A_1523 : vector<16xf32>
    %sub3A_1525 = arith.subf %add3A_1524, %mul3A_1517 : vector<16xf32>
    %max3A_1526 = arith.constant 9.99999997E-7 : f32
    %max3A_1527 = vector.broadcast %max3A_1526 : f32 to vector<16xf32>
    %max3A_1528 = arith.maximumf %sub3A_1525, %max3A_1527 : vector<16xf32>
    %div3A_1529 = arith.divf %mul3A_1517, %max3A_1528 : vector<16xf32>
    %max3A_1530 = arith.maximumf %gather3A_1500, %get3A_1487 : vector<16xf32>
    %min3A_1531 = arith.minimumf %gather3A_1492, %get3A_1479 : vector<16xf32>
    %sub3A_1532 = arith.subf %max3A_1530, %min3A_1531 : vector<16xf32>
    %max3A_1533 = arith.constant 0.000000e+00 : f32
    %max3A_1534 = vector.broadcast %max3A_1533 : f32 to vector<16xf32>
    %max3A_1535 = arith.maximumf %sub3A_1532, %max3A_1534 : vector<16xf32>
    %max3A_1536 = arith.maximumf %gather3A_1504, %get3A_1491 : vector<16xf32>
    %min3A_1537 = arith.minimumf %gather3A_1496, %get3A_1483 : vector<16xf32>
    %sub3A_1538 = arith.subf %max3A_1536, %min3A_1537 : vector<16xf32>
    %max3A_1539 = arith.constant 0.000000e+00 : f32
    %max3A_1540 = vector.broadcast %max3A_1539 : f32 to vector<16xf32>
    %max3A_1541 = arith.maximumf %sub3A_1538, %max3A_1540 : vector<16xf32>
    %mul3A_1542 = arith.mulf %max3A_1535, %max3A_1541 : vector<16xf32>
    %max3A_1543 = arith.constant 9.99999997E-7 : f32
    %max3A_1544 = vector.broadcast %max3A_1543 : f32 to vector<16xf32>
    %max3A_1545 = arith.maximumf %mul3A_1542, %max3A_1544 : vector<16xf32>
    %sub3A_1546 = arith.subf %max3A_1545, %max3A_1528 : vector<16xf32>
    %div3A_1547 = arith.divf %sub3A_1546, %max3A_1545 : vector<16xf32>
    %sub3A_1548 = arith.subf %div3A_1529, %div3A_1547 : vector<16xf32>
    %sub3A_1549 = arith.constant 1.000000e+00 : f32
    %sub3A_1550 = vector.broadcast %sub3A_1549 : f32 to vector<16xf32>
    %sub3A_1551 = arith.subf %sub3A_1550, %sub3A_1548 : vector<16xf32>
    %add3A_1552 = arith.addf %add3A_1466, %sub3A_1551 : vector<16xf32>
    %swap3A_1553 = arith.constant 80 : index
    %swap3A_1554 = tpu.vector_load %arg15[%swap3A_1553] {strides = array<i32>} : memref<256xf32, #tpu.memory_space<vmem>>, vector<16xf32>,
    tpu.vector_store %arg15[%swap3A_1553], %div3A_1529 {strides = array<i32>} : memref<256xf32, #tpu.memory_space<vmem>>, vector<16xf32>,
    %get3A_1555 = arith.constant 0 : i32
    %get3A_1556 = arith.index_cast %get3A_1555 : i32 to index
    %get3A_1557 = arith.constant 96 : index
    %get3A_1558 = tpu.vector_load %arg10[%get3A_1556, %get3A_1557] {strides = array<i32>} : memref<2x128xi32, #tpu.memory_space<vmem>>, vector<16xi32>,
    %mul3A_1559 = arith.constant 4 : i32
    %mul3A_1560 = vector.broadcast %mul3A_1559 : i32 to vector<16xi32>
    %mul3A_1561 = arith.muli %get3A_1558, %mul3A_1560 : vector<16xi32>
    %get3A_1562 = arith.constant 0 : i32
    %get3A_1563 = arith.index_cast %get3A_1562 : i32 to index
    %get3A_1564 = arith.constant 96 : index
    %get3A_1565 = tpu.vector_load %arg14[%get3A_1563, %get3A_1564] {strides = array<i32>} : memref<8x128xf32, #tpu.memory_space<vmem>>, vector<16xf32>,
    %get3A_1566 = arith.constant 1 : i32
    %get3A_1567 = arith.index_cast %get3A_1566 : i32 to index
    %get3A_1568 = arith.constant 96 : index
    %get3A_1569 = tpu.vector_load %arg14[%get3A_1567, %get3A_1568] {strides = array<i32>} : memref<8x128xf32, #tpu.memory_space<vmem>>, vector<16xf32>,
    %get3A_1570 = arith.constant 2 : i32
    %get3A_1571 = arith.index_cast %get3A_1570 : i32 to index
    %get3A_1572 = arith.constant 96 : index
    %get3A_1573 = tpu.vector_load %arg14[%get3A_1571, %get3A_1572] {strides = array<i32>} : memref<8x128xf32, #tpu.memory_space<vmem>>, vector<16xf32>,
    %get3A_1574 = arith.constant 3 : i32
    %get3A_1575 = arith.index_cast %get3A_1574 : i32 to index
    %get3A_1576 = arith.constant 96 : index
    %get3A_1577 = tpu.vector_load %arg14[%get3A_1575, %get3A_1576] {strides = array<i32>} : memref<8x128xf32, #tpu.memory_space<vmem>>, vector<16xf32>,
    %gather3A_1578 = tpu.vector_load_idx %arg16[%mul3A_1561] : memref<64xf32, #tpu.memory_space<vmem>>[vector<16xi32>], vector<16xf32>,
    %add3A_1579 = arith.constant 1 : i32
    %add3A_1580 = vector.broadcast %add3A_1579 : i32 to vector<16xi32>
    %add3A_1581 = arith.addi %mul3A_1561, %add3A_1580 : vector<16xi32>
    %gather3A_1582 = tpu.vector_load_idx %arg16[%add3A_1581] : memref<64xf32, #tpu.memory_space<vmem>>[vector<16xi32>], vector<16xf32>,
    %add3A_1583 = arith.constant 2 : i32
    %add3A_1584 = vector.broadcast %add3A_1583 : i32 to vector<16xi32>
    %add3A_1585 = arith.addi %mul3A_1561, %add3A_1584 : vector<16xi32>
    %gather3A_1586 = tpu.vector_load_idx %arg16[%add3A_1585] : memref<64xf32, #tpu.memory_space<vmem>>[vector<16xi32>], vector<16xf32>,
    %add3A_1587 = arith.constant 3 : i32
    %add3A_1588 = vector.broadcast %add3A_1587 : i32 to vector<16xi32>
    %add3A_1589 = arith.addi %mul3A_1561, %add3A_1588 : vector<16xi32>
    %gather3A_1590 = tpu.vector_load_idx %arg16[%add3A_1589] : memref<64xf32, #tpu.memory_space<vmem>>[vector<16xi32>], vector<16xf32>,
    %max3A_1591 = arith.maximumf %gather3A_1578, %get3A_1565 : vector<16xf32>
    %max3A_1592 = arith.maximumf %gather3A_1582, %get3A_1569 : vector<16xf32>
    %min3A_1593 = arith.minimumf %gather3A_1586, %get3A_1573 : vector<16xf32>
    %min3A_1594 = arith.minimumf %gather3A_1590, %get3A_1577 : vector<16xf32>
    %sub3A_1595 = arith.subf %min3A_1593, %max3A_1591 : vector<16xf32>
    %max3A_1596 = arith.constant 0.000000e+00 : f32
    %max3A_1597 = vector.broadcast %max3A_1596 : f32 to vector<16xf32>
    %max3A_1598 = arith.maximumf %sub3A_1595, %max3A_1597 : vector<16xf32>
    %sub3A_1599 = arith.subf %min3A_1594, %max3A_1592 : vector<16xf32>
    %max3A_1600 = arith.constant 0.000000e+00 : f32
    %max3A_1601 = vector.broadcast %max3A_1600 : f32 to vector<16xf32>
    %max3A_1602 = arith.maximumf %sub3A_1599, %max3A_1601 : vector<16xf32>
    %mul3A_1603 = arith.mulf %max3A_1598, %max3A_1602 : vector<16xf32>
    %sub3A_1604 = arith.subf %gather3A_1586, %gather3A_1578 : vector<16xf32>
    %sub3A_1605 = arith.subf %gather3A_1590, %gather3A_1582 : vector<16xf32>
    %mul3A_1606 = arith.mulf %sub3A_1604, %sub3A_1605 : vector<16xf32>
    %sub3A_1607 = arith.subf %get3A_1573, %get3A_1565 : vector<16xf32>
    %sub3A_1608 = arith.subf %get3A_1577, %get3A_1569 : vector<16xf32>
    %mul3A_1609 = arith.mulf %sub3A_1607, %sub3A_1608 : vector<16xf32>
    %add3A_1610 = arith.addf %mul3A_1606, %mul3A_1609 : vector<16xf32>
    %sub3A_1611 = arith.subf %add3A_1610, %mul3A_1603 : vector<16xf32>
    %max3A_1612 = arith.constant 9.99999997E-7 : f32
    %max3A_1613 = vector.broadcast %max3A_1612 : f32 to vector<16xf32>
    %max3A_1614 = arith.maximumf %sub3A_1611, %max3A_1613 : vector<16xf32>
    %div3A_1615 = arith.divf %mul3A_1603, %max3A_1614 : vector<16xf32>
    %max3A_1616 = arith.maximumf %gather3A_1586, %get3A_1573 : vector<16xf32>
    %min3A_1617 = arith.minimumf %gather3A_1578, %get3A_1565 : vector<16xf32>
    %sub3A_1618 = arith.subf %max3A_1616, %min3A_1617 : vector<16xf32>
    %max3A_1619 = arith.constant 0.000000e+00 : f32
    %max3A_1620 = vector.broadcast %max3A_1619 : f32 to vector<16xf32>
    %max3A_1621 = arith.maximumf %sub3A_1618, %max3A_1620 : vector<16xf32>
    %max3A_1622 = arith.maximumf %gather3A_1590, %get3A_1577 : vector<16xf32>
    %min3A_1623 = arith.minimumf %gather3A_1582, %get3A_1569 : vector<16xf32>
    %sub3A_1624 = arith.subf %max3A_1622, %min3A_1623 : vector<16xf32>
    %max3A_1625 = arith.constant 0.000000e+00 : f32
    %max3A_1626 = vector.broadcast %max3A_1625 : f32 to vector<16xf32>
    %max3A_1627 = arith.maximumf %sub3A_1624, %max3A_1626 : vector<16xf32>
    %mul3A_1628 = arith.mulf %max3A_1621, %max3A_1627 : vector<16xf32>
    %max3A_1629 = arith.constant 9.99999997E-7 : f32
    %max3A_1630 = vector.broadcast %max3A_1629 : f32 to vector<16xf32>
    %max3A_1631 = arith.maximumf %mul3A_1628, %max3A_1630 : vector<16xf32>
    %sub3A_1632 = arith.subf %max3A_1631, %max3A_1614 : vector<16xf32>
    %div3A_1633 = arith.divf %sub3A_1632, %max3A_1631 : vector<16xf32>
    %sub3A_1634 = arith.subf %div3A_1615, %div3A_1633 : vector<16xf32>
    %sub3A_1635 = arith.constant 1.000000e+00 : f32
    %sub3A_1636 = vector.broadcast %sub3A_1635 : f32 to vector<16xf32>
    %sub3A_1637 = arith.subf %sub3A_1636, %sub3A_1634 : vector<16xf32>
    %add3A_1638 = arith.addf %add3A_1552, %sub3A_1637 : vector<16xf32>
    %swap3A_1639 = arith.constant 96 : index
    %swap3A_1640 = tpu.vector_load %arg15[%swap3A_1639] {strides = array<i32>} : memref<256xf32, #tpu.memory_space<vmem>>, vector<16xf32>,
    tpu.vector_store %arg15[%swap3A_1639], %div3A_1615 {strides = array<i32>} : memref<256xf32, #tpu.memory_space<vmem>>, vector<16xf32>,
    %get3A_1641 = arith.constant 0 : i32
    %get3A_1642 = arith.index_cast %get3A_1641 : i32 to index
    %get3A_1643 = arith.constant 112 : index
    %get3A_1644 = tpu.vector_load %arg10[%get3A_1642, %get3A_1643] {strides = array<i32>} : memref<2x128xi32, #tpu.memory_space<vmem>>, vector<16xi32>,
    %mul3A_1645 = arith.constant 4 : i32
    %mul3A_1646 = vector.broadcast %mul3A_1645 : i32 to vector<16xi32>
    %mul3A_1647 = arith.muli %get3A_1644, %mul3A_1646 : vector<16xi32>
    %get3A_1648 = arith.constant 0 : i32
    %get3A_1649 = arith.index_cast %get3A_1648 : i32 to index
    %get3A_1650 = arith.constant 112 : index
    %get3A_1651 = tpu.vector_load %arg14[%get3A_1649, %get3A_1650] {strides = array<i32>} : memref<8x128xf32, #tpu.memory_space<vmem>>, vector<16xf32>,
    %get3A_1652 = arith.constant 1 : i32
    %get3A_1653 = arith.index_cast %get3A_1652 : i32 to index
    %get3A_1654 = arith.constant 112 : index
    %get3A_1655 = tpu.vector_load %arg14[%get3A_1653, %get3A_1654] {strides = array<i32>} : memref<8x128xf32, #tpu.memory_space<vmem>>, vector<16xf32>,
    %get3A_1656 = arith.constant 2 : i32
    %get3A_1657 = arith.index_cast %get3A_1656 : i32 to index
    %get3A_1658 = arith.constant 112 : index
    %get3A_1659 = tpu.vector_load %arg14[%get3A_1657, %get3A_1658] {strides = array<i32>} : memref<8x128xf32, #tpu.memory_space<vmem>>, vector<16xf32>,
    %get3A_1660 = arith.constant 3 : i32
    %get3A_1661 = arith.index_cast %get3A_1660 : i32 to index
    %get3A_1662 = arith.constant 112 : index
    %get3A_1663 = tpu.vector_load %arg14[%get3A_1661, %get3A_1662] {strides = array<i32>} : memref<8x128xf32, #tpu.memory_space<vmem>>, vector<16xf32>,
    %gather3A_1664 = tpu.vector_load_idx %arg16[%mul3A_1647] : memref<64xf32, #tpu.memory_space<vmem>>[vector<16xi32>], vector<16xf32>,
    %add3A_1665 = arith.constant 1 : i32
    %add3A_1666 = vector.broadcast %add3A_1665 : i32 to vector<16xi32>
    %add3A_1667 = arith.addi %mul3A_1647, %add3A_1666 : vector<16xi32>
    %gather3A_1668 = tpu.vector_load_idx %arg16[%add3A_1667] : memref<64xf32, #tpu.memory_space<vmem>>[vector<16xi32>], vector<16xf32>,
    %add3A_1669 = arith.constant 2 : i32
    %add3A_1670 = vector.broadcast %add3A_1669 : i32 to vector<16xi32>
    %add3A_1671 = arith.addi %mul3A_1647, %add3A_1670 : vector<16xi32>
    %gather3A_1672 = tpu.vector_load_idx %arg16[%add3A_1671] : memref<64xf32, #tpu.memory_space<vmem>>[vector<16xi32>], vector<16xf32>,
    %add3A_1673 = arith.constant 3 : i32
    %add3A_1674 = vector.broadcast %add3A_1673 : i32 to vector<16xi32>
    %add3A_1675 = arith.addi %mul3A_1647, %add3A_1674 : vector<16xi32>
    %gather3A_1676 = tpu.vector_load_idx %arg16[%add3A_1675] : memref<64xf32, #tpu.memory_space<vmem>>[vector<16xi32>], vector<16xf32>,
    %max3A_1677 = arith.maximumf %gather3A_1664, %get3A_1651 : vector<16xf32>
    %max3A_1678 = arith.maximumf %gather3A_1668, %get3A_1655 : vector<16xf32>
    %min3A_1679 = arith.minimumf %gather3A_1672, %get3A_1659 : vector<16xf32>
    %min3A_1680 = arith.minimumf %gather3A_1676, %get3A_1663 : vector<16xf32>
    %sub3A_1681 = arith.subf %min3A_1679, %max3A_1677 : vector<16xf32>
    %max3A_1682 = arith.constant 0.000000e+00 : f32
    %max3A_1683 = vector.broadcast %max3A_1682 : f32 to vector<16xf32>
    %max3A_1684 = arith.maximumf %sub3A_1681, %max3A_1683 : vector<16xf32>
    %sub3A_1685 = arith.subf %min3A_1680, %max3A_1678 : vector<16xf32>
    %max3A_1686 = arith.constant 0.000000e+00 : f32
    %max3A_1687 = vector.broadcast %max3A_1686 : f32 to vector<16xf32>
    %max3A_1688 = arith.maximumf %sub3A_1685, %max3A_1687 : vector<16xf32>
    %mul3A_1689 = arith.mulf %max3A_1684, %max3A_1688 : vector<16xf32>
    %sub3A_1690 = arith.subf %gather3A_1672, %gather3A_1664 : vector<16xf32>
    %sub3A_1691 = arith.subf %gather3A_1676, %gather3A_1668 : vector<16xf32>
    %mul3A_1692 = arith.mulf %sub3A_1690, %sub3A_1691 : vector<16xf32>
    %sub3A_1693 = arith.subf %get3A_1659, %get3A_1651 : vector<16xf32>
    %sub3A_1694 = arith.subf %get3A_1663, %get3A_1655 : vector<16xf32>
    %mul3A_1695 = arith.mulf %sub3A_1693, %sub3A_1694 : vector<16xf32>
    %add3A_1696 = arith.addf %mul3A_1692, %mul3A_1695 : vector<16xf32>
    %sub3A_1697 = arith.subf %add3A_1696, %mul3A_1689 : vector<16xf32>
    %max3A_1698 = arith.constant 9.99999997E-7 : f32
    %max3A_1699 = vector.broadcast %max3A_1698 : f32 to vector<16xf32>
    %max3A_1700 = arith.maximumf %sub3A_1697, %max3A_1699 : vector<16xf32>
    %div3A_1701 = arith.divf %mul3A_1689, %max3A_1700 : vector<16xf32>
    %max3A_1702 = arith.maximumf %gather3A_1672, %get3A_1659 : vector<16xf32>
    %min3A_1703 = arith.minimumf %gather3A_1664, %get3A_1651 : vector<16xf32>
    %sub3A_1704 = arith.subf %max3A_1702, %min3A_1703 : vector<16xf32>
    %max3A_1705 = arith.constant 0.000000e+00 : f32
    %max3A_1706 = vector.broadcast %max3A_1705 : f32 to vector<16xf32>
    %max3A_1707 = arith.maximumf %sub3A_1704, %max3A_1706 : vector<16xf32>
    %max3A_1708 = arith.maximumf %gather3A_1676, %get3A_1663 : vector<16xf32>
    %min3A_1709 = arith.minimumf %gather3A_1668, %get3A_1655 : vector<16xf32>
    %sub3A_1710 = arith.subf %max3A_1708, %min3A_1709 : vector<16xf32>
    %max3A_1711 = arith.constant 0.000000e+00 : f32
    %max3A_1712 = vector.broadcast %max3A_1711 : f32 to vector<16xf32>
    %max3A_1713 = arith.maximumf %sub3A_1710, %max3A_1712 : vector<16xf32>
    %mul3A_1714 = arith.mulf %max3A_1707, %max3A_1713 : vector<16xf32>
    %max3A_1715 = arith.constant 9.99999997E-7 : f32
    %max3A_1716 = vector.broadcast %max3A_1715 : f32 to vector<16xf32>
    %max3A_1717 = arith.maximumf %mul3A_1714, %max3A_1716 : vector<16xf32>
    %sub3A_1718 = arith.subf %max3A_1717, %max3A_1700 : vector<16xf32>
    %div3A_1719 = arith.divf %sub3A_1718, %max3A_1717 : vector<16xf32>
    %sub3A_1720 = arith.subf %div3A_1701, %div3A_1719 : vector<16xf32>
    %sub3A_1721 = arith.constant 1.000000e+00 : f32
    %sub3A_1722 = vector.broadcast %sub3A_1721 : f32 to vector<16xf32>
    %sub3A_1723 = arith.subf %sub3A_1722, %sub3A_1720 : vector<16xf32>
    %add3A_1724 = arith.addf %add3A_1638, %sub3A_1723 : vector<16xf32>
    %swap3A_1725 = arith.constant 112 : index
    %swap3A_1726 = tpu.vector_load %arg15[%swap3A_1725] {strides = array<i32>} : memref<256xf32, #tpu.memory_space<vmem>>, vector<16xf32>,
    tpu.vector_store %arg15[%swap3A_1725], %div3A_1701 {strides = array<i32>} : memref<256xf32, #tpu.memory_space<vmem>>, vector<16xf32>,
    %mul3A_1727 = arith.constant 4096 : i32
    %mul3A_1728 = arith.muli %arg0, %mul3A_1727 : i32
    %mul3A_1729 = arith.constant 256 : i32
    %mul3A_1730 = arith.muli %arg1, %mul3A_1729 : i32
    %add3A_1731 = arith.addi %mul3A_1728, %mul3A_1730 : i32
    %add3A_1732 = arith.constant 0 : i32
    %add3A_1733 = arith.addi %add3A_1731, %add3A_1732 : i32
    %dma_start3A_1734 = arith.constant 0 : i32
    %dma_start3A_1735 = tpu.memref_slice %arg15[%dma_start3A_1734] : memref<256xf32, #tpu.memory_space<vmem>> -> memref<128xf32, #tpu.memory_space<vmem>>
    %dma_start3A_1736 = tpu.memref_slice %arg9[%add3A_1733] : memref<8192xf32, #tpu.memory_space<hbm>> -> memref<128xf32, #tpu.memory_space<hbm>>
    %dma_start3A_1737 = tpu.memref_slice %arg9[%add3A_1733] : memref<8192xf32, #tpu.memory_space<hbm>> -> memref<128xf32, #tpu.memory_space<hbm>>
    %dma_start3A_1738 = arith.constant 0 : i32
    %dma_start3A_1739 = tpu.memref_slice %arg15[%dma_start3A_1738] : memref<256xf32, #tpu.memory_space<vmem>> -> memref<128xf32, #tpu.memory_space<vmem>>
    tpu.enqueue_dma source(%dma_start3A_1739 : memref<128xf32, #tpu.memory_space<vmem>>) target(%dma_start3A_1737 : memref<128xf32, #tpu.memory_space<hbm>>) target_semaphore(%arg24 : memref<!tpu.dma_semaphore, #tpu.memory_space<semaphore_mem>>)
    %dma_wait3A_1740 = arith.constant 4 : i32
    %dma_wait3A_1741 = arith.constant 4 : i32
    %dma_wait3A_1742 = arith.constant 0 : i32
    %dma_wait3A_1743 = tpu.memref_slice %arg14[%dma_wait3A_1741, %dma_wait3A_1742] : memref<8x128xf32, #tpu.memory_space<vmem>> -> memref<1x128xf32, #tpu.memory_space<vmem>>
    %dma_wait3A_1744 = tpu.memref_squeeze %dma_wait3A_1743 : memref<1x128xf32, #tpu.memory_space<vmem>> -> memref<128xf32, #tpu.memory_space<vmem>>
    %dma_wait3A_1745 = arith.constant 0 : i32
    %dma_wait3A_1746 = tpu.memref_slice %arg12[%dma_wait3A_1740, %dma_wait3A_1745] : memref<8x128xi32, #tpu.memory_space<vmem>> -> memref<1x128xi32, #tpu.memory_space<vmem>>
    %dma_wait3A_1747 = tpu.memref_squeeze %dma_wait3A_1746 : memref<1x128xi32, #tpu.memory_space<vmem>> -> memref<128xi32, #tpu.memory_space<vmem>>
    %dma_wait3A_1748 = arith.constant 0 : i32
    %dma_wait3A_1749 = tpu.memref_slice %arg2[%dma_wait3A_1748] : memref<1048576xf32, #tpu.memory_space<hbm>> -> memref<1048576xf32, #tpu.memory_space<hbm>>
    tpu.wait_indirect_dma semaphore(%arg23 : memref<!tpu.dma_semaphore, #tpu.memory_space<semaphore_mem>>) src(%dma_wait3A_1749 : memref<1048576xf32, #tpu.memory_space<hbm>>) dst(%dma_wait3A_1744 : memref<128xf32, #tpu.memory_space<vmem>>)
    %dma_wait3A_1750 = arith.constant 5 : i32
    %dma_wait3A_1751 = arith.constant 5 : i32
    %dma_wait3A_1752 = arith.constant 0 : i32
    %dma_wait3A_1753 = tpu.memref_slice %arg14[%dma_wait3A_1751, %dma_wait3A_1752] : memref<8x128xf32, #tpu.memory_space<vmem>> -> memref<1x128xf32, #tpu.memory_space<vmem>>
    %dma_wait3A_1754 = tpu.memref_squeeze %dma_wait3A_1753 : memref<1x128xf32, #tpu.memory_space<vmem>> -> memref<128xf32, #tpu.memory_space<vmem>>
    %dma_wait3A_1755 = arith.constant 0 : i32
    %dma_wait3A_1756 = tpu.memref_slice %arg12[%dma_wait3A_1750, %dma_wait3A_1755] : memref<8x128xi32, #tpu.memory_space<vmem>> -> memref<1x128xi32, #tpu.memory_space<vmem>>
    %dma_wait3A_1757 = tpu.memref_squeeze %dma_wait3A_1756 : memref<1x128xi32, #tpu.memory_space<vmem>> -> memref<128xi32, #tpu.memory_space<vmem>>
    %dma_wait3A_1758 = arith.constant 0 : i32
    %dma_wait3A_1759 = tpu.memref_slice %arg2[%dma_wait3A_1758] : memref<1048576xf32, #tpu.memory_space<hbm>> -> memref<1048576xf32, #tpu.memory_space<hbm>>
    tpu.wait_indirect_dma semaphore(%arg23 : memref<!tpu.dma_semaphore, #tpu.memory_space<semaphore_mem>>) src(%dma_wait3A_1759 : memref<1048576xf32, #tpu.memory_space<hbm>>) dst(%dma_wait3A_1754 : memref<128xf32, #tpu.memory_space<vmem>>)
    %dma_wait3A_1760 = arith.constant 6 : i32
    %dma_wait3A_1761 = arith.constant 6 : i32
    %dma_wait3A_1762 = arith.constant 0 : i32
    %dma_wait3A_1763 = tpu.memref_slice %arg14[%dma_wait3A_1761, %dma_wait3A_1762] : memref<8x128xf32, #tpu.memory_space<vmem>> -> memref<1x128xf32, #tpu.memory_space<vmem>>
    %dma_wait3A_1764 = tpu.memref_squeeze %dma_wait3A_1763 : memref<1x128xf32, #tpu.memory_space<vmem>> -> memref<128xf32, #tpu.memory_space<vmem>>
    %dma_wait3A_1765 = arith.constant 0 : i32
    %dma_wait3A_1766 = tpu.memref_slice %arg12[%dma_wait3A_1760, %dma_wait3A_1765] : memref<8x128xi32, #tpu.memory_space<vmem>> -> memref<1x128xi32, #tpu.memory_space<vmem>>
    %dma_wait3A_1767 = tpu.memref_squeeze %dma_wait3A_1766 : memref<1x128xi32, #tpu.memory_space<vmem>> -> memref<128xi32, #tpu.memory_space<vmem>>
    %dma_wait3A_1768 = arith.constant 0 : i32
    %dma_wait3A_1769 = tpu.memref_slice %arg2[%dma_wait3A_1768] : memref<1048576xf32, #tpu.memory_space<hbm>> -> memref<1048576xf32, #tpu.memory_space<hbm>>
    tpu.wait_indirect_dma semaphore(%arg23 : memref<!tpu.dma_semaphore, #tpu.memory_space<semaphore_mem>>) src(%dma_wait3A_1769 : memref<1048576xf32, #tpu.memory_space<hbm>>) dst(%dma_wait3A_1764 : memref<128xf32, #tpu.memory_space<vmem>>)
    %dma_wait3A_1770 = arith.constant 7 : i32
    %dma_wait3A_1771 = arith.constant 7 : i32
    %dma_wait3A_1772 = arith.constant 0 : i32
    %dma_wait3A_1773 = tpu.memref_slice %arg14[%dma_wait3A_1771, %dma_wait3A_1772] : memref<8x128xf32, #tpu.memory_space<vmem>> -> memref<1x128xf32, #tpu.memory_space<vmem>>
    %dma_wait3A_1774 = tpu.memref_squeeze %dma_wait3A_1773 : memref<1x128xf32, #tpu.memory_space<vmem>> -> memref<128xf32, #tpu.memory_space<vmem>>
    %dma_wait3A_1775 = arith.constant 0 : i32
    %dma_wait3A_1776 = tpu.memref_slice %arg12[%dma_wait3A_1770, %dma_wait3A_1775] : memref<8x128xi32, #tpu.memory_space<vmem>> -> memref<1x128xi32, #tpu.memory_space<vmem>>
    %dma_wait3A_1777 = tpu.memref_squeeze %dma_wait3A_1776 : memref<1x128xi32, #tpu.memory_space<vmem>> -> memref<128xi32, #tpu.memory_space<vmem>>
    %dma_wait3A_1778 = arith.constant 0 : i32
    %dma_wait3A_1779 = tpu.memref_slice %arg2[%dma_wait3A_1778] : memref<1048576xf32, #tpu.memory_space<hbm>> -> memref<1048576xf32, #tpu.memory_space<hbm>>
    tpu.wait_indirect_dma semaphore(%arg23 : memref<!tpu.dma_semaphore, #tpu.memory_space<semaphore_mem>>) src(%dma_wait3A_1779 : memref<1048576xf32, #tpu.memory_space<hbm>>) dst(%dma_wait3A_1774 : memref<128xf32, #tpu.memory_space<vmem>>)
    %get3A_1780 = arith.constant 1 : i32
    %get3A_1781 = arith.index_cast %get3A_1780 : i32 to index
    %get3A_1782 = arith.constant 0 : index
    %get3A_1783 = tpu.vector_load %arg10[%get3A_1781, %get3A_1782] {strides = array<i32>} : memref<2x128xi32, #tpu.memory_space<vmem>>, vector<16xi32>,
    %mul3A_1784 = arith.constant 4 : i32
    %mul3A_1785 = vector.broadcast %mul3A_1784 : i32 to vector<16xi32>
    %mul3A_1786 = arith.muli %get3A_1783, %mul3A_1785 : vector<16xi32>
    %get3A_1787 = arith.constant 4 : i32
    %get3A_1788 = arith.index_cast %get3A_1787 : i32 to index
    %get3A_1789 = arith.constant 0 : index
    %get3A_1790 = tpu.vector_load %arg14[%get3A_1788, %get3A_1789] {strides = array<i32>} : memref<8x128xf32, #tpu.memory_space<vmem>>, vector<16xf32>,
    %get3A_1791 = arith.constant 5 : i32
    %get3A_1792 = arith.index_cast %get3A_1791 : i32 to index
    %get3A_1793 = arith.constant 0 : index
    %get3A_1794 = tpu.vector_load %arg14[%get3A_1792, %get3A_1793] {strides = array<i32>} : memref<8x128xf32, #tpu.memory_space<vmem>>, vector<16xf32>,
    %get3A_1795 = arith.constant 6 : i32
    %get3A_1796 = arith.index_cast %get3A_1795 : i32 to index
    %get3A_1797 = arith.constant 0 : index
    %get3A_1798 = tpu.vector_load %arg14[%get3A_1796, %get3A_1797] {strides = array<i32>} : memref<8x128xf32, #tpu.memory_space<vmem>>, vector<16xf32>,
    %get3A_1799 = arith.constant 7 : i32
    %get3A_1800 = arith.index_cast %get3A_1799 : i32 to index
    %get3A_1801 = arith.constant 0 : index
    %get3A_1802 = tpu.vector_load %arg14[%get3A_1800, %get3A_1801] {strides = array<i32>} : memref<8x128xf32, #tpu.memory_space<vmem>>, vector<16xf32>,
    %gather3A_1803 = tpu.vector_load_idx %arg16[%mul3A_1786] : memref<64xf32, #tpu.memory_space<vmem>>[vector<16xi32>], vector<16xf32>,
    %add3A_1804 = arith.constant 1 : i32
    %add3A_1805 = vector.broadcast %add3A_1804 : i32 to vector<16xi32>
    %add3A_1806 = arith.addi %mul3A_1786, %add3A_1805 : vector<16xi32>
    %gather3A_1807 = tpu.vector_load_idx %arg16[%add3A_1806] : memref<64xf32, #tpu.memory_space<vmem>>[vector<16xi32>], vector<16xf32>,
    %add3A_1808 = arith.constant 2 : i32
    %add3A_1809 = vector.broadcast %add3A_1808 : i32 to vector<16xi32>
    %add3A_1810 = arith.addi %mul3A_1786, %add3A_1809 : vector<16xi32>
    %gather3A_1811 = tpu.vector_load_idx %arg16[%add3A_1810] : memref<64xf32, #tpu.memory_space<vmem>>[vector<16xi32>], vector<16xf32>,
    %add3A_1812 = arith.constant 3 : i32
    %add3A_1813 = vector.broadcast %add3A_1812 : i32 to vector<16xi32>
    %add3A_1814 = arith.addi %mul3A_1786, %add3A_1813 : vector<16xi32>
    %gather3A_1815 = tpu.vector_load_idx %arg16[%add3A_1814] : memref<64xf32, #tpu.memory_space<vmem>>[vector<16xi32>], vector<16xf32>,
    %max3A_1816 = arith.maximumf %gather3A_1803, %get3A_1790 : vector<16xf32>
    %max3A_1817 = arith.maximumf %gather3A_1807, %get3A_1794 : vector<16xf32>
    %min3A_1818 = arith.minimumf %gather3A_1811, %get3A_1798 : vector<16xf32>
    %min3A_1819 = arith.minimumf %gather3A_1815, %get3A_1802 : vector<16xf32>
    %sub3A_1820 = arith.subf %min3A_1818, %max3A_1816 : vector<16xf32>
    %max3A_1821 = arith.constant 0.000000e+00 : f32
    %max3A_1822 = vector.broadcast %max3A_1821 : f32 to vector<16xf32>
    %max3A_1823 = arith.maximumf %sub3A_1820, %max3A_1822 : vector<16xf32>
    %sub3A_1824 = arith.subf %min3A_1819, %max3A_1817 : vector<16xf32>
    %max3A_1825 = arith.constant 0.000000e+00 : f32
    %max3A_1826 = vector.broadcast %max3A_1825 : f32 to vector<16xf32>
    %max3A_1827 = arith.maximumf %sub3A_1824, %max3A_1826 : vector<16xf32>
    %mul3A_1828 = arith.mulf %max3A_1823, %max3A_1827 : vector<16xf32>
    %sub3A_1829 = arith.subf %gather3A_1811, %gather3A_1803 : vector<16xf32>
    %sub3A_1830 = arith.subf %gather3A_1815, %gather3A_1807 : vector<16xf32>
    %mul3A_1831 = arith.mulf %sub3A_1829, %sub3A_1830 : vector<16xf32>
    %sub3A_1832 = arith.subf %get3A_1798, %get3A_1790 : vector<16xf32>
    %sub3A_1833 = arith.subf %get3A_1802, %get3A_1794 : vector<16xf32>
    %mul3A_1834 = arith.mulf %sub3A_1832, %sub3A_1833 : vector<16xf32>
    %add3A_1835 = arith.addf %mul3A_1831, %mul3A_1834 : vector<16xf32>
    %sub3A_1836 = arith.subf %add3A_1835, %mul3A_1828 : vector<16xf32>
    %max3A_1837 = arith.constant 9.99999997E-7 : f32
    %max3A_1838 = vector.broadcast %max3A_1837 : f32 to vector<16xf32>
    %max3A_1839 = arith.maximumf %sub3A_1836, %max3A_1838 : vector<16xf32>
    %div3A_1840 = arith.divf %mul3A_1828, %max3A_1839 : vector<16xf32>
    %max3A_1841 = arith.maximumf %gather3A_1811, %get3A_1798 : vector<16xf32>
    %min3A_1842 = arith.minimumf %gather3A_1803, %get3A_1790 : vector<16xf32>
    %sub3A_1843 = arith.subf %max3A_1841, %min3A_1842 : vector<16xf32>
    %max3A_1844 = arith.constant 0.000000e+00 : f32
    %max3A_1845 = vector.broadcast %max3A_1844 : f32 to vector<16xf32>
    %max3A_1846 = arith.maximumf %sub3A_1843, %max3A_1845 : vector<16xf32>
    %max3A_1847 = arith.maximumf %gather3A_1815, %get3A_1802 : vector<16xf32>
    %min3A_1848 = arith.minimumf %gather3A_1807, %get3A_1794 : vector<16xf32>
    %sub3A_1849 = arith.subf %max3A_1847, %min3A_1848 : vector<16xf32>
    %max3A_1850 = arith.constant 0.000000e+00 : f32
    %max3A_1851 = vector.broadcast %max3A_1850 : f32 to vector<16xf32>
    %max3A_1852 = arith.maximumf %sub3A_1849, %max3A_1851 : vector<16xf32>
    %mul3A_1853 = arith.mulf %max3A_1846, %max3A_1852 : vector<16xf32>
    %max3A_1854 = arith.constant 9.99999997E-7 : f32
    %max3A_1855 = vector.broadcast %max3A_1854 : f32 to vector<16xf32>
    %max3A_1856 = arith.maximumf %mul3A_1853, %max3A_1855 : vector<16xf32>
    %sub3A_1857 = arith.subf %max3A_1856, %max3A_1839 : vector<16xf32>
    %div3A_1858 = arith.divf %sub3A_1857, %max3A_1856 : vector<16xf32>
    %sub3A_1859 = arith.subf %div3A_1840, %div3A_1858 : vector<16xf32>
    %sub3A_1860 = arith.constant 1.000000e+00 : f32
    %sub3A_1861 = vector.broadcast %sub3A_1860 : f32 to vector<16xf32>
    %sub3A_1862 = arith.subf %sub3A_1861, %sub3A_1859 : vector<16xf32>
    %add3A_1863 = arith.addf %add3A_1724, %sub3A_1862 : vector<16xf32>
    %swap3A_1864 = arith.constant 128 : index
    %swap3A_1865 = tpu.vector_load %arg15[%swap3A_1864] {strides = array<i32>} : memref<256xf32, #tpu.memory_space<vmem>>, vector<16xf32>,
    tpu.vector_store %arg15[%swap3A_1864], %div3A_1840 {strides = array<i32>} : memref<256xf32, #tpu.memory_space<vmem>>, vector<16xf32>,
    %get3A_1866 = arith.constant 1 : i32
    %get3A_1867 = arith.index_cast %get3A_1866 : i32 to index
    %get3A_1868 = arith.constant 16 : index
    %get3A_1869 = tpu.vector_load %arg10[%get3A_1867, %get3A_1868] {strides = array<i32>} : memref<2x128xi32, #tpu.memory_space<vmem>>, vector<16xi32>,
    %mul3A_1870 = arith.constant 4 : i32
    %mul3A_1871 = vector.broadcast %mul3A_1870 : i32 to vector<16xi32>
    %mul3A_1872 = arith.muli %get3A_1869, %mul3A_1871 : vector<16xi32>
    %get3A_1873 = arith.constant 4 : i32
    %get3A_1874 = arith.index_cast %get3A_1873 : i32 to index
    %get3A_1875 = arith.constant 16 : index
    %get3A_1876 = tpu.vector_load %arg14[%get3A_1874, %get3A_1875] {strides = array<i32>} : memref<8x128xf32, #tpu.memory_space<vmem>>, vector<16xf32>,
    %get3A_1877 = arith.constant 5 : i32
    %get3A_1878 = arith.index_cast %get3A_1877 : i32 to index
    %get3A_1879 = arith.constant 16 : index
    %get3A_1880 = tpu.vector_load %arg14[%get3A_1878, %get3A_1879] {strides = array<i32>} : memref<8x128xf32, #tpu.memory_space<vmem>>, vector<16xf32>,
    %get3A_1881 = arith.constant 6 : i32
    %get3A_1882 = arith.index_cast %get3A_1881 : i32 to index
    %get3A_1883 = arith.constant 16 : index
    %get3A_1884 = tpu.vector_load %arg14[%get3A_1882, %get3A_1883] {strides = array<i32>} : memref<8x128xf32, #tpu.memory_space<vmem>>, vector<16xf32>,
    %get3A_1885 = arith.constant 7 : i32
    %get3A_1886 = arith.index_cast %get3A_1885 : i32 to index
    %get3A_1887 = arith.constant 16 : index
    %get3A_1888 = tpu.vector_load %arg14[%get3A_1886, %get3A_1887] {strides = array<i32>} : memref<8x128xf32, #tpu.memory_space<vmem>>, vector<16xf32>,
    %gather3A_1889 = tpu.vector_load_idx %arg16[%mul3A_1872] : memref<64xf32, #tpu.memory_space<vmem>>[vector<16xi32>], vector<16xf32>,
    %add3A_1890 = arith.constant 1 : i32
    %add3A_1891 = vector.broadcast %add3A_1890 : i32 to vector<16xi32>
    %add3A_1892 = arith.addi %mul3A_1872, %add3A_1891 : vector<16xi32>
    %gather3A_1893 = tpu.vector_load_idx %arg16[%add3A_1892] : memref<64xf32, #tpu.memory_space<vmem>>[vector<16xi32>], vector<16xf32>,
    %add3A_1894 = arith.constant 2 : i32
    %add3A_1895 = vector.broadcast %add3A_1894 : i32 to vector<16xi32>
    %add3A_1896 = arith.addi %mul3A_1872, %add3A_1895 : vector<16xi32>
    %gather3A_1897 = tpu.vector_load_idx %arg16[%add3A_1896] : memref<64xf32, #tpu.memory_space<vmem>>[vector<16xi32>], vector<16xf32>,
    %add3A_1898 = arith.constant 3 : i32
    %add3A_1899 = vector.broadcast %add3A_1898 : i32 to vector<16xi32>
    %add3A_1900 = arith.addi %mul3A_1872, %add3A_1899 : vector<16xi32>
    %gather3A_1901 = tpu.vector_load_idx %arg16[%add3A_1900] : memref<64xf32, #tpu.memory_space<vmem>>[vector<16xi32>], vector<16xf32>,
    %max3A_1902 = arith.maximumf %gather3A_1889, %get3A_1876 : vector<16xf32>
    %max3A_1903 = arith.maximumf %gather3A_1893, %get3A_1880 : vector<16xf32>
    %min3A_1904 = arith.minimumf %gather3A_1897, %get3A_1884 : vector<16xf32>
    %min3A_1905 = arith.minimumf %gather3A_1901, %get3A_1888 : vector<16xf32>
    %sub3A_1906 = arith.subf %min3A_1904, %max3A_1902 : vector<16xf32>
    %max3A_1907 = arith.constant 0.000000e+00 : f32
    %max3A_1908 = vector.broadcast %max3A_1907 : f32 to vector<16xf32>
    %max3A_1909 = arith.maximumf %sub3A_1906, %max3A_1908 : vector<16xf32>
    %sub3A_1910 = arith.subf %min3A_1905, %max3A_1903 : vector<16xf32>
    %max3A_1911 = arith.constant 0.000000e+00 : f32
    %max3A_1912 = vector.broadcast %max3A_1911 : f32 to vector<16xf32>
    %max3A_1913 = arith.maximumf %sub3A_1910, %max3A_1912 : vector<16xf32>
    %mul3A_1914 = arith.mulf %max3A_1909, %max3A_1913 : vector<16xf32>
    %sub3A_1915 = arith.subf %gather3A_1897, %gather3A_1889 : vector<16xf32>
    %sub3A_1916 = arith.subf %gather3A_1901, %gather3A_1893 : vector<16xf32>
    %mul3A_1917 = arith.mulf %sub3A_1915, %sub3A_1916 : vector<16xf32>
    %sub3A_1918 = arith.subf %get3A_1884, %get3A_1876 : vector<16xf32>
    %sub3A_1919 = arith.subf %get3A_1888, %get3A_1880 : vector<16xf32>
    %mul3A_1920 = arith.mulf %sub3A_1918, %sub3A_1919 : vector<16xf32>
    %add3A_1921 = arith.addf %mul3A_1917, %mul3A_1920 : vector<16xf32>
    %sub3A_1922 = arith.subf %add3A_1921, %mul3A_1914 : vector<16xf32>
    %max3A_1923 = arith.constant 9.99999997E-7 : f32
    %max3A_1924 = vector.broadcast %max3A_1923 : f32 to vector<16xf32>
    %max3A_1925 = arith.maximumf %sub3A_1922, %max3A_1924 : vector<16xf32>
    %div3A_1926 = arith.divf %mul3A_1914, %max3A_1925 : vector<16xf32>
    %max3A_1927 = arith.maximumf %gather3A_1897, %get3A_1884 : vector<16xf32>
    %min3A_1928 = arith.minimumf %gather3A_1889, %get3A_1876 : vector<16xf32>
    %sub3A_1929 = arith.subf %max3A_1927, %min3A_1928 : vector<16xf32>
    %max3A_1930 = arith.constant 0.000000e+00 : f32
    %max3A_1931 = vector.broadcast %max3A_1930 : f32 to vector<16xf32>
    %max3A_1932 = arith.maximumf %sub3A_1929, %max3A_1931 : vector<16xf32>
    %max3A_1933 = arith.maximumf %gather3A_1901, %get3A_1888 : vector<16xf32>
    %min3A_1934 = arith.minimumf %gather3A_1893, %get3A_1880 : vector<16xf32>
    %sub3A_1935 = arith.subf %max3A_1933, %min3A_1934 : vector<16xf32>
    %max3A_1936 = arith.constant 0.000000e+00 : f32
    %max3A_1937 = vector.broadcast %max3A_1936 : f32 to vector<16xf32>
    %max3A_1938 = arith.maximumf %sub3A_1935, %max3A_1937 : vector<16xf32>
    %mul3A_1939 = arith.mulf %max3A_1932, %max3A_1938 : vector<16xf32>
    %max3A_1940 = arith.constant 9.99999997E-7 : f32
    %max3A_1941 = vector.broadcast %max3A_1940 : f32 to vector<16xf32>
    %max3A_1942 = arith.maximumf %mul3A_1939, %max3A_1941 : vector<16xf32>
    %sub3A_1943 = arith.subf %max3A_1942, %max3A_1925 : vector<16xf32>
    %div3A_1944 = arith.divf %sub3A_1943, %max3A_1942 : vector<16xf32>
    %sub3A_1945 = arith.subf %div3A_1926, %div3A_1944 : vector<16xf32>
    %sub3A_1946 = arith.constant 1.000000e+00 : f32
    %sub3A_1947 = vector.broadcast %sub3A_1946 : f32 to vector<16xf32>
    %sub3A_1948 = arith.subf %sub3A_1947, %sub3A_1945 : vector<16xf32>
    %add3A_1949 = arith.addf %add3A_1863, %sub3A_1948 : vector<16xf32>
    %swap3A_1950 = arith.constant 144 : index
    %swap3A_1951 = tpu.vector_load %arg15[%swap3A_1950] {strides = array<i32>} : memref<256xf32, #tpu.memory_space<vmem>>, vector<16xf32>,
    tpu.vector_store %arg15[%swap3A_1950], %div3A_1926 {strides = array<i32>} : memref<256xf32, #tpu.memory_space<vmem>>, vector<16xf32>,
    %get3A_1952 = arith.constant 1 : i32
    %get3A_1953 = arith.index_cast %get3A_1952 : i32 to index
    %get3A_1954 = arith.constant 32 : index
    %get3A_1955 = tpu.vector_load %arg10[%get3A_1953, %get3A_1954] {strides = array<i32>} : memref<2x128xi32, #tpu.memory_space<vmem>>, vector<16xi32>,
    %mul3A_1956 = arith.constant 4 : i32
    %mul3A_1957 = vector.broadcast %mul3A_1956 : i32 to vector<16xi32>
    %mul3A_1958 = arith.muli %get3A_1955, %mul3A_1957 : vector<16xi32>
    %get3A_1959 = arith.constant 4 : i32
    %get3A_1960 = arith.index_cast %get3A_1959 : i32 to index
    %get3A_1961 = arith.constant 32 : index
    %get3A_1962 = tpu.vector_load %arg14[%get3A_1960, %get3A_1961] {strides = array<i32>} : memref<8x128xf32, #tpu.memory_space<vmem>>, vector<16xf32>,
    %get3A_1963 = arith.constant 5 : i32
    %get3A_1964 = arith.index_cast %get3A_1963 : i32 to index
    %get3A_1965 = arith.constant 32 : index
    %get3A_1966 = tpu.vector_load %arg14[%get3A_1964, %get3A_1965] {strides = array<i32>} : memref<8x128xf32, #tpu.memory_space<vmem>>, vector<16xf32>,
    %get3A_1967 = arith.constant 6 : i32
    %get3A_1968 = arith.index_cast %get3A_1967 : i32 to index
    %get3A_1969 = arith.constant 32 : index
    %get3A_1970 = tpu.vector_load %arg14[%get3A_1968, %get3A_1969] {strides = array<i32>} : memref<8x128xf32, #tpu.memory_space<vmem>>, vector<16xf32>,
    %get3A_1971 = arith.constant 7 : i32
    %get3A_1972 = arith.index_cast %get3A_1971 : i32 to index
    %get3A_1973 = arith.constant 32 : index
    %get3A_1974 = tpu.vector_load %arg14[%get3A_1972, %get3A_1973] {strides = array<i32>} : memref<8x128xf32, #tpu.memory_space<vmem>>, vector<16xf32>,
    %gather3A_1975 = tpu.vector_load_idx %arg16[%mul3A_1958] : memref<64xf32, #tpu.memory_space<vmem>>[vector<16xi32>], vector<16xf32>,
    %add3A_1976 = arith.constant 1 : i32
    %add3A_1977 = vector.broadcast %add3A_1976 : i32 to vector<16xi32>
    %add3A_1978 = arith.addi %mul3A_1958, %add3A_1977 : vector<16xi32>
    %gather3A_1979 = tpu.vector_load_idx %arg16[%add3A_1978] : memref<64xf32, #tpu.memory_space<vmem>>[vector<16xi32>], vector<16xf32>,
    %add3A_1980 = arith.constant 2 : i32
    %add3A_1981 = vector.broadcast %add3A_1980 : i32 to vector<16xi32>
    %add3A_1982 = arith.addi %mul3A_1958, %add3A_1981 : vector<16xi32>
    %gather3A_1983 = tpu.vector_load_idx %arg16[%add3A_1982] : memref<64xf32, #tpu.memory_space<vmem>>[vector<16xi32>], vector<16xf32>,
    %add3A_1984 = arith.constant 3 : i32
    %add3A_1985 = vector.broadcast %add3A_1984 : i32 to vector<16xi32>
    %add3A_1986 = arith.addi %mul3A_1958, %add3A_1985 : vector<16xi32>
    %gather3A_1987 = tpu.vector_load_idx %arg16[%add3A_1986] : memref<64xf32, #tpu.memory_space<vmem>>[vector<16xi32>], vector<16xf32>,
    %max3A_1988 = arith.maximumf %gather3A_1975, %get3A_1962 : vector<16xf32>
    %max3A_1989 = arith.maximumf %gather3A_1979, %get3A_1966 : vector<16xf32>
    %min3A_1990 = arith.minimumf %gather3A_1983, %get3A_1970 : vector<16xf32>
    %min3A_1991 = arith.minimumf %gather3A_1987, %get3A_1974 : vector<16xf32>
    %sub3A_1992 = arith.subf %min3A_1990, %max3A_1988 : vector<16xf32>
    %max3A_1993 = arith.constant 0.000000e+00 : f32
    %max3A_1994 = vector.broadcast %max3A_1993 : f32 to vector<16xf32>
    %max3A_1995 = arith.maximumf %sub3A_1992, %max3A_1994 : vector<16xf32>
    %sub3A_1996 = arith.subf %min3A_1991, %max3A_1989 : vector<16xf32>
    %max3A_1997 = arith.constant 0.000000e+00 : f32
    %max3A_1998 = vector.broadcast %max3A_1997 : f32 to vector<16xf32>
    %max3A_1999 = arith.maximumf %sub3A_1996, %max3A_1998 : vector<16xf32>
    %mul3A_2000 = arith.mulf %max3A_1995, %max3A_1999 : vector<16xf32>
    %sub3A_2001 = arith.subf %gather3A_1983, %gather3A_1975 : vector<16xf32>
    %sub3A_2002 = arith.subf %gather3A_1987, %gather3A_1979 : vector<16xf32>
    %mul3A_2003 = arith.mulf %sub3A_2001, %sub3A_2002 : vector<16xf32>
    %sub3A_2004 = arith.subf %get3A_1970, %get3A_1962 : vector<16xf32>
    %sub3A_2005 = arith.subf %get3A_1974, %get3A_1966 : vector<16xf32>
    %mul3A_2006 = arith.mulf %sub3A_2004, %sub3A_2005 : vector<16xf32>
    %add3A_2007 = arith.addf %mul3A_2003, %mul3A_2006 : vector<16xf32>
    %sub3A_2008 = arith.subf %add3A_2007, %mul3A_2000 : vector<16xf32>
    %max3A_2009 = arith.constant 9.99999997E-7 : f32
    %max3A_2010 = vector.broadcast %max3A_2009 : f32 to vector<16xf32>
    %max3A_2011 = arith.maximumf %sub3A_2008, %max3A_2010 : vector<16xf32>
    %div3A_2012 = arith.divf %mul3A_2000, %max3A_2011 : vector<16xf32>
    %max3A_2013 = arith.maximumf %gather3A_1983, %get3A_1970 : vector<16xf32>
    %min3A_2014 = arith.minimumf %gather3A_1975, %get3A_1962 : vector<16xf32>
    %sub3A_2015 = arith.subf %max3A_2013, %min3A_2014 : vector<16xf32>
    %max3A_2016 = arith.constant 0.000000e+00 : f32
    %max3A_2017 = vector.broadcast %max3A_2016 : f32 to vector<16xf32>
    %max3A_2018 = arith.maximumf %sub3A_2015, %max3A_2017 : vector<16xf32>
    %max3A_2019 = arith.maximumf %gather3A_1987, %get3A_1974 : vector<16xf32>
    %min3A_2020 = arith.minimumf %gather3A_1979, %get3A_1966 : vector<16xf32>
    %sub3A_2021 = arith.subf %max3A_2019, %min3A_2020 : vector<16xf32>
    %max3A_2022 = arith.constant 0.000000e+00 : f32
    %max3A_2023 = vector.broadcast %max3A_2022 : f32 to vector<16xf32>
    %max3A_2024 = arith.maximumf %sub3A_2021, %max3A_2023 : vector<16xf32>
    %mul3A_2025 = arith.mulf %max3A_2018, %max3A_2024 : vector<16xf32>
    %max3A_2026 = arith.constant 9.99999997E-7 : f32
    %max3A_2027 = vector.broadcast %max3A_2026 : f32 to vector<16xf32>
    %max3A_2028 = arith.maximumf %mul3A_2025, %max3A_2027 : vector<16xf32>
    %sub3A_2029 = arith.subf %max3A_2028, %max3A_2011 : vector<16xf32>
    %div3A_2030 = arith.divf %sub3A_2029, %max3A_2028 : vector<16xf32>
    %sub3A_2031 = arith.subf %div3A_2012, %div3A_2030 : vector<16xf32>
    %sub3A_2032 = arith.constant 1.000000e+00 : f32
    %sub3A_2033 = vector.broadcast %sub3A_2032 : f32 to vector<16xf32>
    %sub3A_2034 = arith.subf %sub3A_2033, %sub3A_2031 : vector<16xf32>
    %add3A_2035 = arith.addf %add3A_1949, %sub3A_2034 : vector<16xf32>
    %swap3A_2036 = arith.constant 160 : index
    %swap3A_2037 = tpu.vector_load %arg15[%swap3A_2036] {strides = array<i32>} : memref<256xf32, #tpu.memory_space<vmem>>, vector<16xf32>,
    tpu.vector_store %arg15[%swap3A_2036], %div3A_2012 {strides = array<i32>} : memref<256xf32, #tpu.memory_space<vmem>>, vector<16xf32>,
    %get3A_2038 = arith.constant 1 : i32
    %get3A_2039 = arith.index_cast %get3A_2038 : i32 to index
    %get3A_2040 = arith.constant 48 : index
    %get3A_2041 = tpu.vector_load %arg10[%get3A_2039, %get3A_2040] {strides = array<i32>} : memref<2x128xi32, #tpu.memory_space<vmem>>, vector<16xi32>,
    %mul3A_2042 = arith.constant 4 : i32
    %mul3A_2043 = vector.broadcast %mul3A_2042 : i32 to vector<16xi32>
    %mul3A_2044 = arith.muli %get3A_2041, %mul3A_2043 : vector<16xi32>
    %get3A_2045 = arith.constant 4 : i32
    %get3A_2046 = arith.index_cast %get3A_2045 : i32 to index
    %get3A_2047 = arith.constant 48 : index
    %get3A_2048 = tpu.vector_load %arg14[%get3A_2046, %get3A_2047] {strides = array<i32>} : memref<8x128xf32, #tpu.memory_space<vmem>>, vector<16xf32>,
    %get3A_2049 = arith.constant 5 : i32
    %get3A_2050 = arith.index_cast %get3A_2049 : i32 to index
    %get3A_2051 = arith.constant 48 : index
    %get3A_2052 = tpu.vector_load %arg14[%get3A_2050, %get3A_2051] {strides = array<i32>} : memref<8x128xf32, #tpu.memory_space<vmem>>, vector<16xf32>,
    %get3A_2053 = arith.constant 6 : i32
    %get3A_2054 = arith.index_cast %get3A_2053 : i32 to index
    %get3A_2055 = arith.constant 48 : index
    %get3A_2056 = tpu.vector_load %arg14[%get3A_2054, %get3A_2055] {strides = array<i32>} : memref<8x128xf32, #tpu.memory_space<vmem>>, vector<16xf32>,
    %get3A_2057 = arith.constant 7 : i32
    %get3A_2058 = arith.index_cast %get3A_2057 : i32 to index
    %get3A_2059 = arith.constant 48 : index
    %get3A_2060 = tpu.vector_load %arg14[%get3A_2058, %get3A_2059] {strides = array<i32>} : memref<8x128xf32, #tpu.memory_space<vmem>>, vector<16xf32>,
    %gather3A_2061 = tpu.vector_load_idx %arg16[%mul3A_2044] : memref<64xf32, #tpu.memory_space<vmem>>[vector<16xi32>], vector<16xf32>,
    %add3A_2062 = arith.constant 1 : i32
    %add3A_2063 = vector.broadcast %add3A_2062 : i32 to vector<16xi32>
    %add3A_2064 = arith.addi %mul3A_2044, %add3A_2063 : vector<16xi32>
    %gather3A_2065 = tpu.vector_load_idx %arg16[%add3A_2064] : memref<64xf32, #tpu.memory_space<vmem>>[vector<16xi32>], vector<16xf32>,
    %add3A_2066 = arith.constant 2 : i32
    %add3A_2067 = vector.broadcast %add3A_2066 : i32 to vector<16xi32>
    %add3A_2068 = arith.addi %mul3A_2044, %add3A_2067 : vector<16xi32>
    %gather3A_2069 = tpu.vector_load_idx %arg16[%add3A_2068] : memref<64xf32, #tpu.memory_space<vmem>>[vector<16xi32>], vector<16xf32>,
    %add3A_2070 = arith.constant 3 : i32
    %add3A_2071 = vector.broadcast %add3A_2070 : i32 to vector<16xi32>
    %add3A_2072 = arith.addi %mul3A_2044, %add3A_2071 : vector<16xi32>
    %gather3A_2073 = tpu.vector_load_idx %arg16[%add3A_2072] : memref<64xf32, #tpu.memory_space<vmem>>[vector<16xi32>], vector<16xf32>,
    %max3A_2074 = arith.maximumf %gather3A_2061, %get3A_2048 : vector<16xf32>
    %max3A_2075 = arith.maximumf %gather3A_2065, %get3A_2052 : vector<16xf32>
    %min3A_2076 = arith.minimumf %gather3A_2069, %get3A_2056 : vector<16xf32>
    %min3A_2077 = arith.minimumf %gather3A_2073, %get3A_2060 : vector<16xf32>
    %sub3A_2078 = arith.subf %min3A_2076, %max3A_2074 : vector<16xf32>
    %max3A_2079 = arith.constant 0.000000e+00 : f32
    %max3A_2080 = vector.broadcast %max3A_2079 : f32 to vector<16xf32>
    %max3A_2081 = arith.maximumf %sub3A_2078, %max3A_2080 : vector<16xf32>
    %sub3A_2082 = arith.subf %min3A_2077, %max3A_2075 : vector<16xf32>
    %max3A_2083 = arith.constant 0.000000e+00 : f32
    %max3A_2084 = vector.broadcast %max3A_2083 : f32 to vector<16xf32>
    %max3A_2085 = arith.maximumf %sub3A_2082, %max3A_2084 : vector<16xf32>
    %mul3A_2086 = arith.mulf %max3A_2081, %max3A_2085 : vector<16xf32>
    %sub3A_2087 = arith.subf %gather3A_2069, %gather3A_2061 : vector<16xf32>
    %sub3A_2088 = arith.subf %gather3A_2073, %gather3A_2065 : vector<16xf32>
    %mul3A_2089 = arith.mulf %sub3A_2087, %sub3A_2088 : vector<16xf32>
    %sub3A_2090 = arith.subf %get3A_2056, %get3A_2048 : vector<16xf32>
    %sub3A_2091 = arith.subf %get3A_2060, %get3A_2052 : vector<16xf32>
    %mul3A_2092 = arith.mulf %sub3A_2090, %sub3A_2091 : vector<16xf32>
    %add3A_2093 = arith.addf %mul3A_2089, %mul3A_2092 : vector<16xf32>
    %sub3A_2094 = arith.subf %add3A_2093, %mul3A_2086 : vector<16xf32>
    %max3A_2095 = arith.constant 9.99999997E-7 : f32
    %max3A_2096 = vector.broadcast %max3A_2095 : f32 to vector<16xf32>
    %max3A_2097 = arith.maximumf %sub3A_2094, %max3A_2096 : vector<16xf32>
    %div3A_2098 = arith.divf %mul3A_2086, %max3A_2097 : vector<16xf32>
    %max3A_2099 = arith.maximumf %gather3A_2069, %get3A_2056 : vector<16xf32>
    %min3A_2100 = arith.minimumf %gather3A_2061, %get3A_2048 : vector<16xf32>
    %sub3A_2101 = arith.subf %max3A_2099, %min3A_2100 : vector<16xf32>
    %max3A_2102 = arith.constant 0.000000e+00 : f32
    %max3A_2103 = vector.broadcast %max3A_2102 : f32 to vector<16xf32>
    %max3A_2104 = arith.maximumf %sub3A_2101, %max3A_2103 : vector<16xf32>
    %max3A_2105 = arith.maximumf %gather3A_2073, %get3A_2060 : vector<16xf32>
    %min3A_2106 = arith.minimumf %gather3A_2065, %get3A_2052 : vector<16xf32>
    %sub3A_2107 = arith.subf %max3A_2105, %min3A_2106 : vector<16xf32>
    %max3A_2108 = arith.constant 0.000000e+00 : f32
    %max3A_2109 = vector.broadcast %max3A_2108 : f32 to vector<16xf32>
    %max3A_2110 = arith.maximumf %sub3A_2107, %max3A_2109 : vector<16xf32>
    %mul3A_2111 = arith.mulf %max3A_2104, %max3A_2110 : vector<16xf32>
    %max3A_2112 = arith.constant 9.99999997E-7 : f32
    %max3A_2113 = vector.broadcast %max3A_2112 : f32 to vector<16xf32>
    %max3A_2114 = arith.maximumf %mul3A_2111, %max3A_2113 : vector<16xf32>
    %sub3A_2115 = arith.subf %max3A_2114, %max3A_2097 : vector<16xf32>
    %div3A_2116 = arith.divf %sub3A_2115, %max3A_2114 : vector<16xf32>
    %sub3A_2117 = arith.subf %div3A_2098, %div3A_2116 : vector<16xf32>
    %sub3A_2118 = arith.constant 1.000000e+00 : f32
    %sub3A_2119 = vector.broadcast %sub3A_2118 : f32 to vector<16xf32>
    %sub3A_2120 = arith.subf %sub3A_2119, %sub3A_2117 : vector<16xf32>
    %add3A_2121 = arith.addf %add3A_2035, %sub3A_2120 : vector<16xf32>
    %swap3A_2122 = arith.constant 176 : index
    %swap3A_2123 = tpu.vector_load %arg15[%swap3A_2122] {strides = array<i32>} : memref<256xf32, #tpu.memory_space<vmem>>, vector<16xf32>,
    tpu.vector_store %arg15[%swap3A_2122], %div3A_2098 {strides = array<i32>} : memref<256xf32, #tpu.memory_space<vmem>>, vector<16xf32>,
    %get3A_2124 = arith.constant 1 : i32
    %get3A_2125 = arith.index_cast %get3A_2124 : i32 to index
    %get3A_2126 = arith.constant 64 : index
    %get3A_2127 = tpu.vector_load %arg10[%get3A_2125, %get3A_2126] {strides = array<i32>} : memref<2x128xi32, #tpu.memory_space<vmem>>, vector<16xi32>,
    %mul3A_2128 = arith.constant 4 : i32
    %mul3A_2129 = vector.broadcast %mul3A_2128 : i32 to vector<16xi32>
    %mul3A_2130 = arith.muli %get3A_2127, %mul3A_2129 : vector<16xi32>
    %get3A_2131 = arith.constant 4 : i32
    %get3A_2132 = arith.index_cast %get3A_2131 : i32 to index
    %get3A_2133 = arith.constant 64 : index
    %get3A_2134 = tpu.vector_load %arg14[%get3A_2132, %get3A_2133] {strides = array<i32>} : memref<8x128xf32, #tpu.memory_space<vmem>>, vector<16xf32>,
    %get3A_2135 = arith.constant 5 : i32
    %get3A_2136 = arith.index_cast %get3A_2135 : i32 to index
    %get3A_2137 = arith.constant 64 : index
    %get3A_2138 = tpu.vector_load %arg14[%get3A_2136, %get3A_2137] {strides = array<i32>} : memref<8x128xf32, #tpu.memory_space<vmem>>, vector<16xf32>,
    %get3A_2139 = arith.constant 6 : i32
    %get3A_2140 = arith.index_cast %get3A_2139 : i32 to index
    %get3A_2141 = arith.constant 64 : index
    %get3A_2142 = tpu.vector_load %arg14[%get3A_2140, %get3A_2141] {strides = array<i32>} : memref<8x128xf32, #tpu.memory_space<vmem>>, vector<16xf32>,
    %get3A_2143 = arith.constant 7 : i32
    %get3A_2144 = arith.index_cast %get3A_2143 : i32 to index
    %get3A_2145 = arith.constant 64 : index
    %get3A_2146 = tpu.vector_load %arg14[%get3A_2144, %get3A_2145] {strides = array<i32>} : memref<8x128xf32, #tpu.memory_space<vmem>>, vector<16xf32>,
    %gather3A_2147 = tpu.vector_load_idx %arg16[%mul3A_2130] : memref<64xf32, #tpu.memory_space<vmem>>[vector<16xi32>], vector<16xf32>,
    %add3A_2148 = arith.constant 1 : i32
    %add3A_2149 = vector.broadcast %add3A_2148 : i32 to vector<16xi32>
    %add3A_2150 = arith.addi %mul3A_2130, %add3A_2149 : vector<16xi32>
    %gather3A_2151 = tpu.vector_load_idx %arg16[%add3A_2150] : memref<64xf32, #tpu.memory_space<vmem>>[vector<16xi32>], vector<16xf32>,
    %add3A_2152 = arith.constant 2 : i32
    %add3A_2153 = vector.broadcast %add3A_2152 : i32 to vector<16xi32>
    %add3A_2154 = arith.addi %mul3A_2130, %add3A_2153 : vector<16xi32>
    %gather3A_2155 = tpu.vector_load_idx %arg16[%add3A_2154] : memref<64xf32, #tpu.memory_space<vmem>>[vector<16xi32>], vector<16xf32>,
    %add3A_2156 = arith.constant 3 : i32
    %add3A_2157 = vector.broadcast %add3A_2156 : i32 to vector<16xi32>
    %add3A_2158 = arith.addi %mul3A_2130, %add3A_2157 : vector<16xi32>
    %gather3A_2159 = tpu.vector_load_idx %arg16[%add3A_2158] : memref<64xf32, #tpu.memory_space<vmem>>[vector<16xi32>], vector<16xf32>,
    %max3A_2160 = arith.maximumf %gather3A_2147, %get3A_2134 : vector<16xf32>
    %max3A_2161 = arith.maximumf %gather3A_2151, %get3A_2138 : vector<16xf32>
    %min3A_2162 = arith.minimumf %gather3A_2155, %get3A_2142 : vector<16xf32>
    %min3A_2163 = arith.minimumf %gather3A_2159, %get3A_2146 : vector<16xf32>
    %sub3A_2164 = arith.subf %min3A_2162, %max3A_2160 : vector<16xf32>
    %max3A_2165 = arith.constant 0.000000e+00 : f32
    %max3A_2166 = vector.broadcast %max3A_2165 : f32 to vector<16xf32>
    %max3A_2167 = arith.maximumf %sub3A_2164, %max3A_2166 : vector<16xf32>
    %sub3A_2168 = arith.subf %min3A_2163, %max3A_2161 : vector<16xf32>
    %max3A_2169 = arith.constant 0.000000e+00 : f32
    %max3A_2170 = vector.broadcast %max3A_2169 : f32 to vector<16xf32>
    %max3A_2171 = arith.maximumf %sub3A_2168, %max3A_2170 : vector<16xf32>
    %mul3A_2172 = arith.mulf %max3A_2167, %max3A_2171 : vector<16xf32>
    %sub3A_2173 = arith.subf %gather3A_2155, %gather3A_2147 : vector<16xf32>
    %sub3A_2174 = arith.subf %gather3A_2159, %gather3A_2151 : vector<16xf32>
    %mul3A_2175 = arith.mulf %sub3A_2173, %sub3A_2174 : vector<16xf32>
    %sub3A_2176 = arith.subf %get3A_2142, %get3A_2134 : vector<16xf32>
    %sub3A_2177 = arith.subf %get3A_2146, %get3A_2138 : vector<16xf32>
    %mul3A_2178 = arith.mulf %sub3A_2176, %sub3A_2177 : vector<16xf32>
    %add3A_2179 = arith.addf %mul3A_2175, %mul3A_2178 : vector<16xf32>
    %sub3A_2180 = arith.subf %add3A_2179, %mul3A_2172 : vector<16xf32>
    %max3A_2181 = arith.constant 9.99999997E-7 : f32
    %max3A_2182 = vector.broadcast %max3A_2181 : f32 to vector<16xf32>
    %max3A_2183 = arith.maximumf %sub3A_2180, %max3A_2182 : vector<16xf32>
    %div3A_2184 = arith.divf %mul3A_2172, %max3A_2183 : vector<16xf32>
    %max3A_2185 = arith.maximumf %gather3A_2155, %get3A_2142 : vector<16xf32>
    %min3A_2186 = arith.minimumf %gather3A_2147, %get3A_2134 : vector<16xf32>
    %sub3A_2187 = arith.subf %max3A_2185, %min3A_2186 : vector<16xf32>
    %max3A_2188 = arith.constant 0.000000e+00 : f32
    %max3A_2189 = vector.broadcast %max3A_2188 : f32 to vector<16xf32>
    %max3A_2190 = arith.maximumf %sub3A_2187, %max3A_2189 : vector<16xf32>
    %max3A_2191 = arith.maximumf %gather3A_2159, %get3A_2146 : vector<16xf32>
    %min3A_2192 = arith.minimumf %gather3A_2151, %get3A_2138 : vector<16xf32>
    %sub3A_2193 = arith.subf %max3A_2191, %min3A_2192 : vector<16xf32>
    %max3A_2194 = arith.constant 0.000000e+00 : f32
    %max3A_2195 = vector.broadcast %max3A_2194 : f32 to vector<16xf32>
    %max3A_2196 = arith.maximumf %sub3A_2193, %max3A_2195 : vector<16xf32>
    %mul3A_2197 = arith.mulf %max3A_2190, %max3A_2196 : vector<16xf32>
    %max3A_2198 = arith.constant 9.99999997E-7 : f32
    %max3A_2199 = vector.broadcast %max3A_2198 : f32 to vector<16xf32>
    %max3A_2200 = arith.maximumf %mul3A_2197, %max3A_2199 : vector<16xf32>
    %sub3A_2201 = arith.subf %max3A_2200, %max3A_2183 : vector<16xf32>
    %div3A_2202 = arith.divf %sub3A_2201, %max3A_2200 : vector<16xf32>
    %sub3A_2203 = arith.subf %div3A_2184, %div3A_2202 : vector<16xf32>
    %sub3A_2204 = arith.constant 1.000000e+00 : f32
    %sub3A_2205 = vector.broadcast %sub3A_2204 : f32 to vector<16xf32>
    %sub3A_2206 = arith.subf %sub3A_2205, %sub3A_2203 : vector<16xf32>
    %add3A_2207 = arith.addf %add3A_2121, %sub3A_2206 : vector<16xf32>
    %swap3A_2208 = arith.constant 192 : index
    %swap3A_2209 = tpu.vector_load %arg15[%swap3A_2208] {strides = array<i32>} : memref<256xf32, #tpu.memory_space<vmem>>, vector<16xf32>,
    tpu.vector_store %arg15[%swap3A_2208], %div3A_2184 {strides = array<i32>} : memref<256xf32, #tpu.memory_space<vmem>>, vector<16xf32>,
    %get3A_2210 = arith.constant 1 : i32
    %get3A_2211 = arith.index_cast %get3A_2210 : i32 to index
    %get3A_2212 = arith.constant 80 : index
    %get3A_2213 = tpu.vector_load %arg10[%get3A_2211, %get3A_2212] {strides = array<i32>} : memref<2x128xi32, #tpu.memory_space<vmem>>, vector<16xi32>,
    %mul3A_2214 = arith.constant 4 : i32
    %mul3A_2215 = vector.broadcast %mul3A_2214 : i32 to vector<16xi32>
    %mul3A_2216 = arith.muli %get3A_2213, %mul3A_2215 : vector<16xi32>
    %get3A_2217 = arith.constant 4 : i32
    %get3A_2218 = arith.index_cast %get3A_2217 : i32 to index
    %get3A_2219 = arith.constant 80 : index
    %get3A_2220 = tpu.vector_load %arg14[%get3A_2218, %get3A_2219] {strides = array<i32>} : memref<8x128xf32, #tpu.memory_space<vmem>>, vector<16xf32>,
    %get3A_2221 = arith.constant 5 : i32
    %get3A_2222 = arith.index_cast %get3A_2221 : i32 to index
    %get3A_2223 = arith.constant 80 : index
    %get3A_2224 = tpu.vector_load %arg14[%get3A_2222, %get3A_2223] {strides = array<i32>} : memref<8x128xf32, #tpu.memory_space<vmem>>, vector<16xf32>,
    %get3A_2225 = arith.constant 6 : i32
    %get3A_2226 = arith.index_cast %get3A_2225 : i32 to index
    %get3A_2227 = arith.constant 80 : index
    %get3A_2228 = tpu.vector_load %arg14[%get3A_2226, %get3A_2227] {strides = array<i32>} : memref<8x128xf32, #tpu.memory_space<vmem>>, vector<16xf32>,
    %get3A_2229 = arith.constant 7 : i32
    %get3A_2230 = arith.index_cast %get3A_2229 : i32 to index
    %get3A_2231 = arith.constant 80 : index
    %get3A_2232 = tpu.vector_load %arg14[%get3A_2230, %get3A_2231] {strides = array<i32>} : memref<8x128xf32, #tpu.memory_space<vmem>>, vector<16xf32>,
    %gather3A_2233 = tpu.vector_load_idx %arg16[%mul3A_2216] : memref<64xf32, #tpu.memory_space<vmem>>[vector<16xi32>], vector<16xf32>,
    %add3A_2234 = arith.constant 1 : i32
    %add3A_2235 = vector.broadcast %add3A_2234 : i32 to vector<16xi32>
    %add3A_2236 = arith.addi %mul3A_2216, %add3A_2235 : vector<16xi32>
    %gather3A_2237 = tpu.vector_load_idx %arg16[%add3A_2236] : memref<64xf32, #tpu.memory_space<vmem>>[vector<16xi32>], vector<16xf32>,
    %add3A_2238 = arith.constant 2 : i32
    %add3A_2239 = vector.broadcast %add3A_2238 : i32 to vector<16xi32>
    %add3A_2240 = arith.addi %mul3A_2216, %add3A_2239 : vector<16xi32>
    %gather3A_2241 = tpu.vector_load_idx %arg16[%add3A_2240] : memref<64xf32, #tpu.memory_space<vmem>>[vector<16xi32>], vector<16xf32>,
    %add3A_2242 = arith.constant 3 : i32
    %add3A_2243 = vector.broadcast %add3A_2242 : i32 to vector<16xi32>
    %add3A_2244 = arith.addi %mul3A_2216, %add3A_2243 : vector<16xi32>
    %gather3A_2245 = tpu.vector_load_idx %arg16[%add3A_2244] : memref<64xf32, #tpu.memory_space<vmem>>[vector<16xi32>], vector<16xf32>,
    %max3A_2246 = arith.maximumf %gather3A_2233, %get3A_2220 : vector<16xf32>
    %max3A_2247 = arith.maximumf %gather3A_2237, %get3A_2224 : vector<16xf32>
    %min3A_2248 = arith.minimumf %gather3A_2241, %get3A_2228 : vector<16xf32>
    %min3A_2249 = arith.minimumf %gather3A_2245, %get3A_2232 : vector<16xf32>
    %sub3A_2250 = arith.subf %min3A_2248, %max3A_2246 : vector<16xf32>
    %max3A_2251 = arith.constant 0.000000e+00 : f32
    %max3A_2252 = vector.broadcast %max3A_2251 : f32 to vector<16xf32>
    %max3A_2253 = arith.maximumf %sub3A_2250, %max3A_2252 : vector<16xf32>
    %sub3A_2254 = arith.subf %min3A_2249, %max3A_2247 : vector<16xf32>
    %max3A_2255 = arith.constant 0.000000e+00 : f32
    %max3A_2256 = vector.broadcast %max3A_2255 : f32 to vector<16xf32>
    %max3A_2257 = arith.maximumf %sub3A_2254, %max3A_2256 : vector<16xf32>
    %mul3A_2258 = arith.mulf %max3A_2253, %max3A_2257 : vector<16xf32>
    %sub3A_2259 = arith.subf %gather3A_2241, %gather3A_2233 : vector<16xf32>
    %sub3A_2260 = arith.subf %gather3A_2245, %gather3A_2237 : vector<16xf32>
    %mul3A_2261 = arith.mulf %sub3A_2259, %sub3A_2260 : vector<16xf32>
    %sub3A_2262 = arith.subf %get3A_2228, %get3A_2220 : vector<16xf32>
    %sub3A_2263 = arith.subf %get3A_2232, %get3A_2224 : vector<16xf32>
    %mul3A_2264 = arith.mulf %sub3A_2262, %sub3A_2263 : vector<16xf32>
    %add3A_2265 = arith.addf %mul3A_2261, %mul3A_2264 : vector<16xf32>
    %sub3A_2266 = arith.subf %add3A_2265, %mul3A_2258 : vector<16xf32>
    %max3A_2267 = arith.constant 9.99999997E-7 : f32
    %max3A_2268 = vector.broadcast %max3A_2267 : f32 to vector<16xf32>
    %max3A_2269 = arith.maximumf %sub3A_2266, %max3A_2268 : vector<16xf32>
    %div3A_2270 = arith.divf %mul3A_2258, %max3A_2269 : vector<16xf32>
    %max3A_2271 = arith.maximumf %gather3A_2241, %get3A_2228 : vector<16xf32>
    %min3A_2272 = arith.minimumf %gather3A_2233, %get3A_2220 : vector<16xf32>
    %sub3A_2273 = arith.subf %max3A_2271, %min3A_2272 : vector<16xf32>
    %max3A_2274 = arith.constant 0.000000e+00 : f32
    %max3A_2275 = vector.broadcast %max3A_2274 : f32 to vector<16xf32>
    %max3A_2276 = arith.maximumf %sub3A_2273, %max3A_2275 : vector<16xf32>
    %max3A_2277 = arith.maximumf %gather3A_2245, %get3A_2232 : vector<16xf32>
    %min3A_2278 = arith.minimumf %gather3A_2237, %get3A_2224 : vector<16xf32>
    %sub3A_2279 = arith.subf %max3A_2277, %min3A_2278 : vector<16xf32>
    %max3A_2280 = arith.constant 0.000000e+00 : f32
    %max3A_2281 = vector.broadcast %max3A_2280 : f32 to vector<16xf32>
    %max3A_2282 = arith.maximumf %sub3A_2279, %max3A_2281 : vector<16xf32>
    %mul3A_2283 = arith.mulf %max3A_2276, %max3A_2282 : vector<16xf32>
    %max3A_2284 = arith.constant 9.99999997E-7 : f32
    %max3A_2285 = vector.broadcast %max3A_2284 : f32 to vector<16xf32>
    %max3A_2286 = arith.maximumf %mul3A_2283, %max3A_2285 : vector<16xf32>
    %sub3A_2287 = arith.subf %max3A_2286, %max3A_2269 : vector<16xf32>
    %div3A_2288 = arith.divf %sub3A_2287, %max3A_2286 : vector<16xf32>
    %sub3A_2289 = arith.subf %div3A_2270, %div3A_2288 : vector<16xf32>
    %sub3A_2290 = arith.constant 1.000000e+00 : f32
    %sub3A_2291 = vector.broadcast %sub3A_2290 : f32 to vector<16xf32>
    %sub3A_2292 = arith.subf %sub3A_2291, %sub3A_2289 : vector<16xf32>
    %add3A_2293 = arith.addf %add3A_2207, %sub3A_2292 : vector<16xf32>
    %swap3A_2294 = arith.constant 208 : index
    %swap3A_2295 = tpu.vector_load %arg15[%swap3A_2294] {strides = array<i32>} : memref<256xf32, #tpu.memory_space<vmem>>, vector<16xf32>,
    tpu.vector_store %arg15[%swap3A_2294], %div3A_2270 {strides = array<i32>} : memref<256xf32, #tpu.memory_space<vmem>>, vector<16xf32>,
    %get3A_2296 = arith.constant 1 : i32
    %get3A_2297 = arith.index_cast %get3A_2296 : i32 to index
    %get3A_2298 = arith.constant 96 : index
    %get3A_2299 = tpu.vector_load %arg10[%get3A_2297, %get3A_2298] {strides = array<i32>} : memref<2x128xi32, #tpu.memory_space<vmem>>, vector<16xi32>,
    %mul3A_2300 = arith.constant 4 : i32
    %mul3A_2301 = vector.broadcast %mul3A_2300 : i32 to vector<16xi32>
    %mul3A_2302 = arith.muli %get3A_2299, %mul3A_2301 : vector<16xi32>
    %get3A_2303 = arith.constant 4 : i32
    %get3A_2304 = arith.index_cast %get3A_2303 : i32 to index
    %get3A_2305 = arith.constant 96 : index
    %get3A_2306 = tpu.vector_load %arg14[%get3A_2304, %get3A_2305] {strides = array<i32>} : memref<8x128xf32, #tpu.memory_space<vmem>>, vector<16xf32>,
    %get3A_2307 = arith.constant 5 : i32
    %get3A_2308 = arith.index_cast %get3A_2307 : i32 to index
    %get3A_2309 = arith.constant 96 : index
    %get3A_2310 = tpu.vector_load %arg14[%get3A_2308, %get3A_2309] {strides = array<i32>} : memref<8x128xf32, #tpu.memory_space<vmem>>, vector<16xf32>,
    %get3A_2311 = arith.constant 6 : i32
    %get3A_2312 = arith.index_cast %get3A_2311 : i32 to index
    %get3A_2313 = arith.constant 96 : index
    %get3A_2314 = tpu.vector_load %arg14[%get3A_2312, %get3A_2313] {strides = array<i32>} : memref<8x128xf32, #tpu.memory_space<vmem>>, vector<16xf32>,
    %get3A_2315 = arith.constant 7 : i32
    %get3A_2316 = arith.index_cast %get3A_2315 : i32 to index
    %get3A_2317 = arith.constant 96 : index
    %get3A_2318 = tpu.vector_load %arg14[%get3A_2316, %get3A_2317] {strides = array<i32>} : memref<8x128xf32, #tpu.memory_space<vmem>>, vector<16xf32>,
    %gather3A_2319 = tpu.vector_load_idx %arg16[%mul3A_2302] : memref<64xf32, #tpu.memory_space<vmem>>[vector<16xi32>], vector<16xf32>,
    %add3A_2320 = arith.constant 1 : i32
    %add3A_2321 = vector.broadcast %add3A_2320 : i32 to vector<16xi32>
    %add3A_2322 = arith.addi %mul3A_2302, %add3A_2321 : vector<16xi32>
    %gather3A_2323 = tpu.vector_load_idx %arg16[%add3A_2322] : memref<64xf32, #tpu.memory_space<vmem>>[vector<16xi32>], vector<16xf32>,
    %add3A_2324 = arith.constant 2 : i32
    %add3A_2325 = vector.broadcast %add3A_2324 : i32 to vector<16xi32>
    %add3A_2326 = arith.addi %mul3A_2302, %add3A_2325 : vector<16xi32>
    %gather3A_2327 = tpu.vector_load_idx %arg16[%add3A_2326] : memref<64xf32, #tpu.memory_space<vmem>>[vector<16xi32>], vector<16xf32>,
    %add3A_2328 = arith.constant 3 : i32
    %add3A_2329 = vector.broadcast %add3A_2328 : i32 to vector<16xi32>
    %add3A_2330 = arith.addi %mul3A_2302, %add3A_2329 : vector<16xi32>
    %gather3A_2331 = tpu.vector_load_idx %arg16[%add3A_2330] : memref<64xf32, #tpu.memory_space<vmem>>[vector<16xi32>], vector<16xf32>,
    %max3A_2332 = arith.maximumf %gather3A_2319, %get3A_2306 : vector<16xf32>
    %max3A_2333 = arith.maximumf %gather3A_2323, %get3A_2310 : vector<16xf32>
    %min3A_2334 = arith.minimumf %gather3A_2327, %get3A_2314 : vector<16xf32>
    %min3A_2335 = arith.minimumf %gather3A_2331, %get3A_2318 : vector<16xf32>
    %sub3A_2336 = arith.subf %min3A_2334, %max3A_2332 : vector<16xf32>
    %max3A_2337 = arith.constant 0.000000e+00 : f32
    %max3A_2338 = vector.broadcast %max3A_2337 : f32 to vector<16xf32>
    %max3A_2339 = arith.maximumf %sub3A_2336, %max3A_2338 : vector<16xf32>
    %sub3A_2340 = arith.subf %min3A_2335, %max3A_2333 : vector<16xf32>
    %max3A_2341 = arith.constant 0.000000e+00 : f32
    %max3A_2342 = vector.broadcast %max3A_2341 : f32 to vector<16xf32>
    %max3A_2343 = arith.maximumf %sub3A_2340, %max3A_2342 : vector<16xf32>
    %mul3A_2344 = arith.mulf %max3A_2339, %max3A_2343 : vector<16xf32>
    %sub3A_2345 = arith.subf %gather3A_2327, %gather3A_2319 : vector<16xf32>
    %sub3A_2346 = arith.subf %gather3A_2331, %gather3A_2323 : vector<16xf32>
    %mul3A_2347 = arith.mulf %sub3A_2345, %sub3A_2346 : vector<16xf32>
    %sub3A_2348 = arith.subf %get3A_2314, %get3A_2306 : vector<16xf32>
    %sub3A_2349 = arith.subf %get3A_2318, %get3A_2310 : vector<16xf32>
    %mul3A_2350 = arith.mulf %sub3A_2348, %sub3A_2349 : vector<16xf32>
    %add3A_2351 = arith.addf %mul3A_2347, %mul3A_2350 : vector<16xf32>
    %sub3A_2352 = arith.subf %add3A_2351, %mul3A_2344 : vector<16xf32>
    %max3A_2353 = arith.constant 9.99999997E-7 : f32
    %max3A_2354 = vector.broadcast %max3A_2353 : f32 to vector<16xf32>
    %max3A_2355 = arith.maximumf %sub3A_2352, %max3A_2354 : vector<16xf32>
    %div3A_2356 = arith.divf %mul3A_2344, %max3A_2355 : vector<16xf32>
    %max3A_2357 = arith.maximumf %gather3A_2327, %get3A_2314 : vector<16xf32>
    %min3A_2358 = arith.minimumf %gather3A_2319, %get3A_2306 : vector<16xf32>
    %sub3A_2359 = arith.subf %max3A_2357, %min3A_2358 : vector<16xf32>
    %max3A_2360 = arith.constant 0.000000e+00 : f32
    %max3A_2361 = vector.broadcast %max3A_2360 : f32 to vector<16xf32>
    %max3A_2362 = arith.maximumf %sub3A_2359, %max3A_2361 : vector<16xf32>
    %max3A_2363 = arith.maximumf %gather3A_2331, %get3A_2318 : vector<16xf32>
    %min3A_2364 = arith.minimumf %gather3A_2323, %get3A_2310 : vector<16xf32>
    %sub3A_2365 = arith.subf %max3A_2363, %min3A_2364 : vector<16xf32>
    %max3A_2366 = arith.constant 0.000000e+00 : f32
    %max3A_2367 = vector.broadcast %max3A_2366 : f32 to vector<16xf32>
    %max3A_2368 = arith.maximumf %sub3A_2365, %max3A_2367 : vector<16xf32>
    %mul3A_2369 = arith.mulf %max3A_2362, %max3A_2368 : vector<16xf32>
    %max3A_2370 = arith.constant 9.99999997E-7 : f32
    %max3A_2371 = vector.broadcast %max3A_2370 : f32 to vector<16xf32>
    %max3A_2372 = arith.maximumf %mul3A_2369, %max3A_2371 : vector<16xf32>
    %sub3A_2373 = arith.subf %max3A_2372, %max3A_2355 : vector<16xf32>
    %div3A_2374 = arith.divf %sub3A_2373, %max3A_2372 : vector<16xf32>
    %sub3A_2375 = arith.subf %div3A_2356, %div3A_2374 : vector<16xf32>
    %sub3A_2376 = arith.constant 1.000000e+00 : f32
    %sub3A_2377 = vector.broadcast %sub3A_2376 : f32 to vector<16xf32>
    %sub3A_2378 = arith.subf %sub3A_2377, %sub3A_2375 : vector<16xf32>
    %add3A_2379 = arith.addf %add3A_2293, %sub3A_2378 : vector<16xf32>
    %swap3A_2380 = arith.constant 224 : index
    %swap3A_2381 = tpu.vector_load %arg15[%swap3A_2380] {strides = array<i32>} : memref<256xf32, #tpu.memory_space<vmem>>, vector<16xf32>,
    tpu.vector_store %arg15[%swap3A_2380], %div3A_2356 {strides = array<i32>} : memref<256xf32, #tpu.memory_space<vmem>>, vector<16xf32>,
    %get3A_2382 = arith.constant 1 : i32
    %get3A_2383 = arith.index_cast %get3A_2382 : i32 to index
    %get3A_2384 = arith.constant 112 : index
    %get3A_2385 = tpu.vector_load %arg10[%get3A_2383, %get3A_2384] {strides = array<i32>} : memref<2x128xi32, #tpu.memory_space<vmem>>, vector<16xi32>,
    %mul3A_2386 = arith.constant 4 : i32
    %mul3A_2387 = vector.broadcast %mul3A_2386 : i32 to vector<16xi32>
    %mul3A_2388 = arith.muli %get3A_2385, %mul3A_2387 : vector<16xi32>
    %get3A_2389 = arith.constant 4 : i32
    %get3A_2390 = arith.index_cast %get3A_2389 : i32 to index
    %get3A_2391 = arith.constant 112 : index
    %get3A_2392 = tpu.vector_load %arg14[%get3A_2390, %get3A_2391] {strides = array<i32>} : memref<8x128xf32, #tpu.memory_space<vmem>>, vector<16xf32>,
    %get3A_2393 = arith.constant 5 : i32
    %get3A_2394 = arith.index_cast %get3A_2393 : i32 to index
    %get3A_2395 = arith.constant 112 : index
    %get3A_2396 = tpu.vector_load %arg14[%get3A_2394, %get3A_2395] {strides = array<i32>} : memref<8x128xf32, #tpu.memory_space<vmem>>, vector<16xf32>,
    %get3A_2397 = arith.constant 6 : i32
    %get3A_2398 = arith.index_cast %get3A_2397 : i32 to index
    %get3A_2399 = arith.constant 112 : index
    %get3A_2400 = tpu.vector_load %arg14[%get3A_2398, %get3A_2399] {strides = array<i32>} : memref<8x128xf32, #tpu.memory_space<vmem>>, vector<16xf32>,
    %get3A_2401 = arith.constant 7 : i32
    %get3A_2402 = arith.index_cast %get3A_2401 : i32 to index
    %get3A_2403 = arith.constant 112 : index
    %get3A_2404 = tpu.vector_load %arg14[%get3A_2402, %get3A_2403] {strides = array<i32>} : memref<8x128xf32, #tpu.memory_space<vmem>>, vector<16xf32>,
    %gather3A_2405 = tpu.vector_load_idx %arg16[%mul3A_2388] : memref<64xf32, #tpu.memory_space<vmem>>[vector<16xi32>], vector<16xf32>,
    %add3A_2406 = arith.constant 1 : i32
    %add3A_2407 = vector.broadcast %add3A_2406 : i32 to vector<16xi32>
    %add3A_2408 = arith.addi %mul3A_2388, %add3A_2407 : vector<16xi32>
    %gather3A_2409 = tpu.vector_load_idx %arg16[%add3A_2408] : memref<64xf32, #tpu.memory_space<vmem>>[vector<16xi32>], vector<16xf32>,
    %add3A_2410 = arith.constant 2 : i32
    %add3A_2411 = vector.broadcast %add3A_2410 : i32 to vector<16xi32>
    %add3A_2412 = arith.addi %mul3A_2388, %add3A_2411 : vector<16xi32>
    %gather3A_2413 = tpu.vector_load_idx %arg16[%add3A_2412] : memref<64xf32, #tpu.memory_space<vmem>>[vector<16xi32>], vector<16xf32>,
    %add3A_2414 = arith.constant 3 : i32
    %add3A_2415 = vector.broadcast %add3A_2414 : i32 to vector<16xi32>
    %add3A_2416 = arith.addi %mul3A_2388, %add3A_2415 : vector<16xi32>
    %gather3A_2417 = tpu.vector_load_idx %arg16[%add3A_2416] : memref<64xf32, #tpu.memory_space<vmem>>[vector<16xi32>], vector<16xf32>,
    %max3A_2418 = arith.maximumf %gather3A_2405, %get3A_2392 : vector<16xf32>
    %max3A_2419 = arith.maximumf %gather3A_2409, %get3A_2396 : vector<16xf32>
    %min3A_2420 = arith.minimumf %gather3A_2413, %get3A_2400 : vector<16xf32>
    %min3A_2421 = arith.minimumf %gather3A_2417, %get3A_2404 : vector<16xf32>
    %sub3A_2422 = arith.subf %min3A_2420, %max3A_2418 : vector<16xf32>
    %max3A_2423 = arith.constant 0.000000e+00 : f32
    %max3A_2424 = vector.broadcast %max3A_2423 : f32 to vector<16xf32>
    %max3A_2425 = arith.maximumf %sub3A_2422, %max3A_2424 : vector<16xf32>
    %sub3A_2426 = arith.subf %min3A_2421, %max3A_2419 : vector<16xf32>
    %max3A_2427 = arith.constant 0.000000e+00 : f32
    %max3A_2428 = vector.broadcast %max3A_2427 : f32 to vector<16xf32>
    %max3A_2429 = arith.maximumf %sub3A_2426, %max3A_2428 : vector<16xf32>
    %mul3A_2430 = arith.mulf %max3A_2425, %max3A_2429 : vector<16xf32>
    %sub3A_2431 = arith.subf %gather3A_2413, %gather3A_2405 : vector<16xf32>
    %sub3A_2432 = arith.subf %gather3A_2417, %gather3A_2409 : vector<16xf32>
    %mul3A_2433 = arith.mulf %sub3A_2431, %sub3A_2432 : vector<16xf32>
    %sub3A_2434 = arith.subf %get3A_2400, %get3A_2392 : vector<16xf32>
    %sub3A_2435 = arith.subf %get3A_2404, %get3A_2396 : vector<16xf32>
    %mul3A_2436 = arith.mulf %sub3A_2434, %sub3A_2435 : vector<16xf32>
    %add3A_2437 = arith.addf %mul3A_2433, %mul3A_2436 : vector<16xf32>
    %sub3A_2438 = arith.subf %add3A_2437, %mul3A_2430 : vector<16xf32>
    %max3A_2439 = arith.constant 9.99999997E-7 : f32
    %max3A_2440 = vector.broadcast %max3A_2439 : f32 to vector<16xf32>
    %max3A_2441 = arith.maximumf %sub3A_2438, %max3A_2440 : vector<16xf32>
    %div3A_2442 = arith.divf %mul3A_2430, %max3A_2441 : vector<16xf32>
    %max3A_2443 = arith.maximumf %gather3A_2413, %get3A_2400 : vector<16xf32>
    %min3A_2444 = arith.minimumf %gather3A_2405, %get3A_2392 : vector<16xf32>
    %sub3A_2445 = arith.subf %max3A_2443, %min3A_2444 : vector<16xf32>
    %max3A_2446 = arith.constant 0.000000e+00 : f32
    %max3A_2447 = vector.broadcast %max3A_2446 : f32 to vector<16xf32>
    %max3A_2448 = arith.maximumf %sub3A_2445, %max3A_2447 : vector<16xf32>
    %max3A_2449 = arith.maximumf %gather3A_2417, %get3A_2404 : vector<16xf32>
    %min3A_2450 = arith.minimumf %gather3A_2409, %get3A_2396 : vector<16xf32>
    %sub3A_2451 = arith.subf %max3A_2449, %min3A_2450 : vector<16xf32>
    %max3A_2452 = arith.constant 0.000000e+00 : f32
    %max3A_2453 = vector.broadcast %max3A_2452 : f32 to vector<16xf32>
    %max3A_2454 = arith.maximumf %sub3A_2451, %max3A_2453 : vector<16xf32>
    %mul3A_2455 = arith.mulf %max3A_2448, %max3A_2454 : vector<16xf32>
    %max3A_2456 = arith.constant 9.99999997E-7 : f32
    %max3A_2457 = vector.broadcast %max3A_2456 : f32 to vector<16xf32>
    %max3A_2458 = arith.maximumf %mul3A_2455, %max3A_2457 : vector<16xf32>
    %sub3A_2459 = arith.subf %max3A_2458, %max3A_2441 : vector<16xf32>
    %div3A_2460 = arith.divf %sub3A_2459, %max3A_2458 : vector<16xf32>
    %sub3A_2461 = arith.subf %div3A_2442, %div3A_2460 : vector<16xf32>
    %sub3A_2462 = arith.constant 1.000000e+00 : f32
    %sub3A_2463 = vector.broadcast %sub3A_2462 : f32 to vector<16xf32>
    %sub3A_2464 = arith.subf %sub3A_2463, %sub3A_2461 : vector<16xf32>
    %add3A_2465 = arith.addf %add3A_2379, %sub3A_2464 : vector<16xf32>
    %swap3A_2466 = arith.constant 240 : index
    %swap3A_2467 = tpu.vector_load %arg15[%swap3A_2466] {strides = array<i32>} : memref<256xf32, #tpu.memory_space<vmem>>, vector<16xf32>,
    tpu.vector_store %arg15[%swap3A_2466], %div3A_2442 {strides = array<i32>} : memref<256xf32, #tpu.memory_space<vmem>>, vector<16xf32>,
    %mul3A_2468 = arith.constant 4096 : i32
    %mul3A_2469 = arith.muli %arg0, %mul3A_2468 : i32
    %mul3A_2470 = arith.constant 256 : i32
    %mul3A_2471 = arith.muli %arg1, %mul3A_2470 : i32
    %add3A_2472 = arith.addi %mul3A_2469, %mul3A_2471 : i32
    %add3A_2473 = arith.constant 128 : i32
    %add3A_2474 = arith.addi %add3A_2472, %add3A_2473 : i32
    %dma_start3A_2475 = arith.constant 128 : i32
    %dma_start3A_2476 = tpu.memref_slice %arg15[%dma_start3A_2475] : memref<256xf32, #tpu.memory_space<vmem>> -> memref<128xf32, #tpu.memory_space<vmem>>
    %dma_start3A_2477 = tpu.memref_slice %arg9[%add3A_2474] : memref<8192xf32, #tpu.memory_space<hbm>> -> memref<128xf32, #tpu.memory_space<hbm>>
    %dma_start3A_2478 = tpu.memref_slice %arg9[%add3A_2474] : memref<8192xf32, #tpu.memory_space<hbm>> -> memref<128xf32, #tpu.memory_space<hbm>>
    %dma_start3A_2479 = arith.constant 128 : i32
    %dma_start3A_2480 = tpu.memref_slice %arg15[%dma_start3A_2479] : memref<256xf32, #tpu.memory_space<vmem>> -> memref<128xf32, #tpu.memory_space<vmem>>
    tpu.enqueue_dma source(%dma_start3A_2480 : memref<128xf32, #tpu.memory_space<vmem>>) target(%dma_start3A_2478 : memref<128xf32, #tpu.memory_space<hbm>>) target_semaphore(%arg24 : memref<!tpu.dma_semaphore, #tpu.memory_space<semaphore_mem>>)
    %swap3A_2481 = arith.constant 0 : index
    %swap3A_2482 = tpu.vector_load %arg17[%swap3A_2481] {strides = array<i32>} : memref<16xf32, #tpu.memory_space<vmem>>, vector<16xf32>,
    tpu.vector_store %arg17[%swap3A_2481], %add3A_2465 {strides = array<i32>} : memref<16xf32, #tpu.memory_space<vmem>>, vector<16xf32>,
    %mul3A_2483 = arith.constant 16 : i32
    %mul3A_2484 = arith.muli %add3A, %mul3A_2483 : i32
    %dma_start3A_2485 = tpu.memref_slice %arg7[%mul3A_2484] : memref<512xf32, #tpu.memory_space<hbm>> -> memref<16xf32, #tpu.memory_space<hbm>>
    %dma_start3A_2486 = tpu.memref_slice %arg7[%mul3A_2484] : memref<512xf32, #tpu.memory_space<hbm>> -> memref<16xf32, #tpu.memory_space<hbm>>
    tpu.enqueue_dma source(%arg17 : memref<16xf32, #tpu.memory_space<vmem>>) target(%dma_start3A_2486 : memref<16xf32, #tpu.memory_space<hbm>>) target_semaphore(%arg21 : memref<!tpu.dma_semaphore, #tpu.memory_space<semaphore_mem>>)
    %dma_wait3A_2487 = tpu.memref_slice %arg8[%add3A_1000] : memref<8192xi32, #tpu.memory_space<hbm>> -> memref<256xi32, #tpu.memory_space<hbm>>
    %dma_wait3A_2488 = tpu.memref_slice %arg8[%add3A_1000] : memref<8192xi32, #tpu.memory_space<hbm>> -> memref<256xi32, #tpu.memory_space<hbm>>
    tpu.wait_dma2 semaphore(%arg24 : memref<!tpu.dma_semaphore, #tpu.memory_space<semaphore_mem>>) src(%arg13 : memref<256xi32, #tpu.memory_space<vmem>>) dst(%dma_wait3A_2488 : memref<256xi32, #tpu.memory_space<hbm>>)
    %dma_wait3A_2489 = arith.constant 0 : i32
    %dma_wait3A_2490 = tpu.memref_slice %arg15[%dma_wait3A_2489] : memref<256xf32, #tpu.memory_space<vmem>> -> memref<128xf32, #tpu.memory_space<vmem>>
    %dma_wait3A_2491 = tpu.memref_slice %arg9[%add3A_1733] : memref<8192xf32, #tpu.memory_space<hbm>> -> memref<128xf32, #tpu.memory_space<hbm>>
    %dma_wait3A_2492 = tpu.memref_slice %arg9[%add3A_1733] : memref<8192xf32, #tpu.memory_space<hbm>> -> memref<128xf32, #tpu.memory_space<hbm>>
    %dma_wait3A_2493 = arith.constant 0 : i32
    %dma_wait3A_2494 = tpu.memref_slice %arg15[%dma_wait3A_2493] : memref<256xf32, #tpu.memory_space<vmem>> -> memref<128xf32, #tpu.memory_space<vmem>>
    tpu.wait_dma2 semaphore(%arg24 : memref<!tpu.dma_semaphore, #tpu.memory_space<semaphore_mem>>) src(%dma_wait3A_2494 : memref<128xf32, #tpu.memory_space<vmem>>) dst(%dma_wait3A_2492 : memref<128xf32, #tpu.memory_space<hbm>>)
    %dma_wait3A_2495 = arith.constant 128 : i32
    %dma_wait3A_2496 = tpu.memref_slice %arg15[%dma_wait3A_2495] : memref<256xf32, #tpu.memory_space<vmem>> -> memref<128xf32, #tpu.memory_space<vmem>>
    %dma_wait3A_2497 = tpu.memref_slice %arg9[%add3A_2474] : memref<8192xf32, #tpu.memory_space<hbm>> -> memref<128xf32, #tpu.memory_space<hbm>>
    %dma_wait3A_2498 = tpu.memref_slice %arg9[%add3A_2474] : memref<8192xf32, #tpu.memory_space<hbm>> -> memref<128xf32, #tpu.memory_space<hbm>>
    %dma_wait3A_2499 = arith.constant 128 : i32
    %dma_wait3A_2500 = tpu.memref_slice %arg15[%dma_wait3A_2499] : memref<256xf32, #tpu.memory_space<vmem>> -> memref<128xf32, #tpu.memory_space<vmem>>
    tpu.wait_dma2 semaphore(%arg24 : memref<!tpu.dma_semaphore, #tpu.memory_space<semaphore_mem>>) src(%dma_wait3A_2500 : memref<128xf32, #tpu.memory_space<vmem>>) dst(%dma_wait3A_2498 : memref<128xf32, #tpu.memory_space<hbm>>)
    %barrier3A = arith.constant 0 : index
    tpu.barrier barrier_id(%barrier3A)
    %mul3A_2501 = arith.constant 4096 : i32
    %mul3A_2502 = arith.muli %arg0, %mul3A_2501 : i32
    %dma_start3A_2503 = tpu.memref_slice %arg8[%mul3A_2502] : memref<8192xi32, #tpu.memory_space<hbm>> -> memref<4096xi32, #tpu.memory_space<hbm>>
    %dma_start3A_2504 = tpu.memref_slice %arg8[%mul3A_2502] : memref<8192xi32, #tpu.memory_space<hbm>> -> memref<4096xi32, #tpu.memory_space<hbm>>
    tpu.enqueue_dma source(%dma_start3A_2504 : memref<4096xi32, #tpu.memory_space<hbm>>) target(%arg19 : memref<4096xi32, #tpu.memory_space<vmem>>) target_semaphore(%arg25 : memref<!tpu.dma_semaphore, #tpu.memory_space<semaphore_mem>>)
    %mul3A_2505 = arith.constant 4096 : i32
    %mul3A_2506 = arith.muli %arg0, %mul3A_2505 : i32
    %dma_start3A_2507 = tpu.memref_slice %arg9[%mul3A_2506] : memref<8192xf32, #tpu.memory_space<hbm>> -> memref<4096xf32, #tpu.memory_space<hbm>>
    %dma_start3A_2508 = tpu.memref_slice %arg9[%mul3A_2506] : memref<8192xf32, #tpu.memory_space<hbm>> -> memref<4096xf32, #tpu.memory_space<hbm>>
    tpu.enqueue_dma source(%dma_start3A_2508 : memref<4096xf32, #tpu.memory_space<hbm>>) target(%arg20 : memref<4096xf32, #tpu.memory_space<vmem>>) target_semaphore(%arg25 : memref<!tpu.dma_semaphore, #tpu.memory_space<semaphore_mem>>)
    %dma_wait3A_2509 = tpu.memref_slice %arg8[%mul3A_2502] : memref<8192xi32, #tpu.memory_space<hbm>> -> memref<4096xi32, #tpu.memory_space<hbm>>
    %dma_wait3A_2510 = tpu.memref_slice %arg8[%mul3A_2502] : memref<8192xi32, #tpu.memory_space<hbm>> -> memref<4096xi32, #tpu.memory_space<hbm>>
    tpu.wait_dma2 semaphore(%arg25 : memref<!tpu.dma_semaphore, #tpu.memory_space<semaphore_mem>>) src(%dma_wait3A_2510 : memref<4096xi32, #tpu.memory_space<hbm>>) dst(%arg19 : memref<4096xi32, #tpu.memory_space<vmem>>)
    %dma_wait3A_2511 = tpu.memref_slice %arg9[%mul3A_2506] : memref<8192xf32, #tpu.memory_space<hbm>> -> memref<4096xf32, #tpu.memory_space<hbm>>
    %dma_wait3A_2512 = tpu.memref_slice %arg9[%mul3A_2506] : memref<8192xf32, #tpu.memory_space<hbm>> -> memref<4096xf32, #tpu.memory_space<hbm>>
    tpu.wait_dma2 semaphore(%arg25 : memref<!tpu.dma_semaphore, #tpu.memory_space<semaphore_mem>>) src(%dma_wait3A_2512 : memref<4096xf32, #tpu.memory_space<hbm>>) dst(%arg20 : memref<4096xf32, #tpu.memory_space<vmem>>)
    %mul3A_2513 = arith.constant 16384 : i32
    %mul3A_2514 = arith.muli %arg1, %mul3A_2513 : i32
    %scan3A_2515 = arith.constant 0 : i32
    %scan3A_2516 = arith.constant 0 : i32
    %scan3A_2517 = arith.constant 16 : i32
    %scan3A_2518 = arith.addi %scan3A_2516, %scan3A_2517 : i32
    %scan3A_2519 = arith.constant 1 : i32
    scf.for %scan3A_2618 = %scan3A_2516 to %scan3A_2518 step %scan3A_2519  : i32 {
      %mul3A_2619 = arith.constant 16 : i32
      %mul3A_2620 = arith.muli %scan3A_2618, %mul3A_2619 : i32
      %add3A_2621 = arith.constant 0 : i32
      %add3A_2622 = arith.addi %add3A_2621, %mul3A_2620 : i32
      %get3A_2623 = arith.index_cast %add3A_2622 : i32 to index
      %get3A_2624 = tpu.vector_load %arg19[%get3A_2623] {strides = array<i32>} : memref<4096xi32, #tpu.memory_space<vmem>>, vector<16xi32>,
      %get3A_2625 = arith.index_cast %add3A_2622 : i32 to index
      %get3A_2626 = tpu.vector_load %arg20[%get3A_2625] {strides = array<i32>} : memref<4096xf32, #tpu.memory_space<vmem>>, vector<16xf32>,
      %sub3A_2627 = vector.broadcast %mul3A_2514 : i32 to vector<16xi32>
      %sub3A_2628 = arith.subi %get3A_2624, %sub3A_2627 : vector<16xi32>
      %ge3A = vector.broadcast %mul3A_2514 : i32 to vector<16xi32>
      %ge3A_2629 = arith.cmpi sge, %get3A_2624, %ge3A : vector<16xi32>
      %add3A_2630 = arith.constant 16384 : i32
      %add3A_2631 = arith.addi %mul3A_2514, %add3A_2630 : i32
      %lt3A = vector.broadcast %add3A_2631 : i32 to vector<16xi32>
      %lt3A_2632 = arith.cmpi slt, %get3A_2624, %lt3A : vector<16xi32>
      %and3A_2633 = arith.andi %ge3A_2629, %lt3A_2632 : vector<16xi1>
      %and3A_2634 = arith.constant 16383 : i32
      %and3A_2635 = vector.broadcast %and3A_2634 : i32 to vector<16xi32>
      %and3A_2636 = arith.andi %sub3A_2628, %and3A_2635 : vector<16xi32>
      tpu.vector_store_idx %arg18[%and3A_2636], %get3A_2626 masked %and3A_2633 : memref<16384xf32, #tpu.memory_space<vmem>>[vector<16xi32>], vector<16xf32>, vector<16xi1>
    }
    %scan3A_2520 = arith.constant 16 : i32
    %scan3A_2521 = arith.constant 0 : i32
    %scan3A_2522 = arith.constant 0 : i32
    %scan3A_2523 = arith.constant 16 : i32
    %scan3A_2524 = arith.addi %scan3A_2522, %scan3A_2523 : i32
    %scan3A_2525 = arith.constant 1 : i32
    scf.for %scan3A_2618 = %scan3A_2522 to %scan3A_2524 step %scan3A_2525  : i32 {
      %mul3A_2619 = arith.constant 16 : i32
      %mul3A_2620 = arith.muli %scan3A_2618, %mul3A_2619 : i32
      %add3A_2621 = arith.constant 256 : i32
      %add3A_2622 = arith.addi %add3A_2621, %mul3A_2620 : i32
      %get3A_2623 = arith.index_cast %add3A_2622 : i32 to index
      %get3A_2624 = tpu.vector_load %arg19[%get3A_2623] {strides = array<i32>} : memref<4096xi32, #tpu.memory_space<vmem>>, vector<16xi32>,
      %get3A_2625 = arith.index_cast %add3A_2622 : i32 to index
      %get3A_2626 = tpu.vector_load %arg20[%get3A_2625] {strides = array<i32>} : memref<4096xf32, #tpu.memory_space<vmem>>, vector<16xf32>,
      %sub3A_2627 = vector.broadcast %mul3A_2514 : i32 to vector<16xi32>
      %sub3A_2628 = arith.subi %get3A_2624, %sub3A_2627 : vector<16xi32>
      %ge3A = vector.broadcast %mul3A_2514 : i32 to vector<16xi32>
      %ge3A_2629 = arith.cmpi sge, %get3A_2624, %ge3A : vector<16xi32>
      %add3A_2630 = arith.constant 16384 : i32
      %add3A_2631 = arith.addi %mul3A_2514, %add3A_2630 : i32
      %lt3A = vector.broadcast %add3A_2631 : i32 to vector<16xi32>
      %lt3A_2632 = arith.cmpi slt, %get3A_2624, %lt3A : vector<16xi32>
      %and3A_2633 = arith.andi %ge3A_2629, %lt3A_2632 : vector<16xi1>
      %and3A_2634 = arith.constant 16383 : i32
      %and3A_2635 = vector.broadcast %and3A_2634 : i32 to vector<16xi32>
      %and3A_2636 = arith.andi %sub3A_2628, %and3A_2635 : vector<16xi32>
      tpu.vector_store_idx %arg18[%and3A_2636], %get3A_2626 masked %and3A_2633 : memref<16384xf32, #tpu.memory_space<vmem>>[vector<16xi32>], vector<16xf32>, vector<16xi1>
    }
    %scan3A_2526 = arith.constant 16 : i32
    %scan3A_2527 = arith.constant 0 : i32
    %scan3A_2528 = arith.constant 0 : i32
    %scan3A_2529 = arith.constant 16 : i32
    %scan3A_2530 = arith.addi %scan3A_2528, %scan3A_2529 : i32
    %scan3A_2531 = arith.constant 1 : i32
    scf.for %scan3A_2618 = %scan3A_2528 to %scan3A_2530 step %scan3A_2531  : i32 {
      %mul3A_2619 = arith.constant 16 : i32
      %mul3A_2620 = arith.muli %scan3A_2618, %mul3A_2619 : i32
      %add3A_2621 = arith.constant 512 : i32
      %add3A_2622 = arith.addi %add3A_2621, %mul3A_2620 : i32
      %get3A_2623 = arith.index_cast %add3A_2622 : i32 to index
      %get3A_2624 = tpu.vector_load %arg19[%get3A_2623] {strides = array<i32>} : memref<4096xi32, #tpu.memory_space<vmem>>, vector<16xi32>,
      %get3A_2625 = arith.index_cast %add3A_2622 : i32 to index
      %get3A_2626 = tpu.vector_load %arg20[%get3A_2625] {strides = array<i32>} : memref<4096xf32, #tpu.memory_space<vmem>>, vector<16xf32>,
      %sub3A_2627 = vector.broadcast %mul3A_2514 : i32 to vector<16xi32>
      %sub3A_2628 = arith.subi %get3A_2624, %sub3A_2627 : vector<16xi32>
      %ge3A = vector.broadcast %mul3A_2514 : i32 to vector<16xi32>
      %ge3A_2629 = arith.cmpi sge, %get3A_2624, %ge3A : vector<16xi32>
      %add3A_2630 = arith.constant 16384 : i32
      %add3A_2631 = arith.addi %mul3A_2514, %add3A_2630 : i32
      %lt3A = vector.broadcast %add3A_2631 : i32 to vector<16xi32>
      %lt3A_2632 = arith.cmpi slt, %get3A_2624, %lt3A : vector<16xi32>
      %and3A_2633 = arith.andi %ge3A_2629, %lt3A_2632 : vector<16xi1>
      %and3A_2634 = arith.constant 16383 : i32
      %and3A_2635 = vector.broadcast %and3A_2634 : i32 to vector<16xi32>
      %and3A_2636 = arith.andi %sub3A_2628, %and3A_2635 : vector<16xi32>
      tpu.vector_store_idx %arg18[%and3A_2636], %get3A_2626 masked %and3A_2633 : memref<16384xf32, #tpu.memory_space<vmem>>[vector<16xi32>], vector<16xf32>, vector<16xi1>
    }
    %scan3A_2532 = arith.constant 16 : i32
    %scan3A_2533 = arith.constant 0 : i32
    %scan3A_2534 = arith.constant 0 : i32
    %scan3A_2535 = arith.constant 16 : i32
    %scan3A_2536 = arith.addi %scan3A_2534, %scan3A_2535 : i32
    %scan3A_2537 = arith.constant 1 : i32
    scf.for %scan3A_2618 = %scan3A_2534 to %scan3A_2536 step %scan3A_2537  : i32 {
      %mul3A_2619 = arith.constant 16 : i32
      %mul3A_2620 = arith.muli %scan3A_2618, %mul3A_2619 : i32
      %add3A_2621 = arith.constant 768 : i32
      %add3A_2622 = arith.addi %add3A_2621, %mul3A_2620 : i32
      %get3A_2623 = arith.index_cast %add3A_2622 : i32 to index
      %get3A_2624 = tpu.vector_load %arg19[%get3A_2623] {strides = array<i32>} : memref<4096xi32, #tpu.memory_space<vmem>>, vector<16xi32>,
      %get3A_2625 = arith.index_cast %add3A_2622 : i32 to index
      %get3A_2626 = tpu.vector_load %arg20[%get3A_2625] {strides = array<i32>} : memref<4096xf32, #tpu.memory_space<vmem>>, vector<16xf32>,
      %sub3A_2627 = vector.broadcast %mul3A_2514 : i32 to vector<16xi32>
      %sub3A_2628 = arith.subi %get3A_2624, %sub3A_2627 : vector<16xi32>
      %ge3A = vector.broadcast %mul3A_2514 : i32 to vector<16xi32>
      %ge3A_2629 = arith.cmpi sge, %get3A_2624, %ge3A : vector<16xi32>
      %add3A_2630 = arith.constant 16384 : i32
      %add3A_2631 = arith.addi %mul3A_2514, %add3A_2630 : i32
      %lt3A = vector.broadcast %add3A_2631 : i32 to vector<16xi32>
      %lt3A_2632 = arith.cmpi slt, %get3A_2624, %lt3A : vector<16xi32>
      %and3A_2633 = arith.andi %ge3A_2629, %lt3A_2632 : vector<16xi1>
      %and3A_2634 = arith.constant 16383 : i32
      %and3A_2635 = vector.broadcast %and3A_2634 : i32 to vector<16xi32>
      %and3A_2636 = arith.andi %sub3A_2628, %and3A_2635 : vector<16xi32>
      tpu.vector_store_idx %arg18[%and3A_2636], %get3A_2626 masked %and3A_2633 : memref<16384xf32, #tpu.memory_space<vmem>>[vector<16xi32>], vector<16xf32>, vector<16xi1>
    }
    %scan3A_2538 = arith.constant 16 : i32
    %scan3A_2539 = arith.constant 0 : i32
    %scan3A_2540 = arith.constant 0 : i32
    %scan3A_2541 = arith.constant 16 : i32
    %scan3A_2542 = arith.addi %scan3A_2540, %scan3A_2541 : i32
    %scan3A_2543 = arith.constant 1 : i32
    scf.for %scan3A_2618 = %scan3A_2540 to %scan3A_2542 step %scan3A_2543  : i32 {
      %mul3A_2619 = arith.constant 16 : i32
      %mul3A_2620 = arith.muli %scan3A_2618, %mul3A_2619 : i32
      %add3A_2621 = arith.constant 1024 : i32
      %add3A_2622 = arith.addi %add3A_2621, %mul3A_2620 : i32
      %get3A_2623 = arith.index_cast %add3A_2622 : i32 to index
      %get3A_2624 = tpu.vector_load %arg19[%get3A_2623] {strides = array<i32>} : memref<4096xi32, #tpu.memory_space<vmem>>, vector<16xi32>,
      %get3A_2625 = arith.index_cast %add3A_2622 : i32 to index
      %get3A_2626 = tpu.vector_load %arg20[%get3A_2625] {strides = array<i32>} : memref<4096xf32, #tpu.memory_space<vmem>>, vector<16xf32>,
      %sub3A_2627 = vector.broadcast %mul3A_2514 : i32 to vector<16xi32>
      %sub3A_2628 = arith.subi %get3A_2624, %sub3A_2627 : vector<16xi32>
      %ge3A = vector.broadcast %mul3A_2514 : i32 to vector<16xi32>
      %ge3A_2629 = arith.cmpi sge, %get3A_2624, %ge3A : vector<16xi32>
      %add3A_2630 = arith.constant 16384 : i32
      %add3A_2631 = arith.addi %mul3A_2514, %add3A_2630 : i32
      %lt3A = vector.broadcast %add3A_2631 : i32 to vector<16xi32>
      %lt3A_2632 = arith.cmpi slt, %get3A_2624, %lt3A : vector<16xi32>
      %and3A_2633 = arith.andi %ge3A_2629, %lt3A_2632 : vector<16xi1>
      %and3A_2634 = arith.constant 16383 : i32
      %and3A_2635 = vector.broadcast %and3A_2634 : i32 to vector<16xi32>
      %and3A_2636 = arith.andi %sub3A_2628, %and3A_2635 : vector<16xi32>
      tpu.vector_store_idx %arg18[%and3A_2636], %get3A_2626 masked %and3A_2633 : memref<16384xf32, #tpu.memory_space<vmem>>[vector<16xi32>], vector<16xf32>, vector<16xi1>
    }
    %scan3A_2544 = arith.constant 16 : i32
    %scan3A_2545 = arith.constant 0 : i32
    %scan3A_2546 = arith.constant 0 : i32
    %scan3A_2547 = arith.constant 16 : i32
    %scan3A_2548 = arith.addi %scan3A_2546, %scan3A_2547 : i32
    %scan3A_2549 = arith.constant 1 : i32
    scf.for %scan3A_2618 = %scan3A_2546 to %scan3A_2548 step %scan3A_2549  : i32 {
      %mul3A_2619 = arith.constant 16 : i32
      %mul3A_2620 = arith.muli %scan3A_2618, %mul3A_2619 : i32
      %add3A_2621 = arith.constant 1280 : i32
      %add3A_2622 = arith.addi %add3A_2621, %mul3A_2620 : i32
      %get3A_2623 = arith.index_cast %add3A_2622 : i32 to index
      %get3A_2624 = tpu.vector_load %arg19[%get3A_2623] {strides = array<i32>} : memref<4096xi32, #tpu.memory_space<vmem>>, vector<16xi32>,
      %get3A_2625 = arith.index_cast %add3A_2622 : i32 to index
      %get3A_2626 = tpu.vector_load %arg20[%get3A_2625] {strides = array<i32>} : memref<4096xf32, #tpu.memory_space<vmem>>, vector<16xf32>,
      %sub3A_2627 = vector.broadcast %mul3A_2514 : i32 to vector<16xi32>
      %sub3A_2628 = arith.subi %get3A_2624, %sub3A_2627 : vector<16xi32>
      %ge3A = vector.broadcast %mul3A_2514 : i32 to vector<16xi32>
      %ge3A_2629 = arith.cmpi sge, %get3A_2624, %ge3A : vector<16xi32>
      %add3A_2630 = arith.constant 16384 : i32
      %add3A_2631 = arith.addi %mul3A_2514, %add3A_2630 : i32
      %lt3A = vector.broadcast %add3A_2631 : i32 to vector<16xi32>
      %lt3A_2632 = arith.cmpi slt, %get3A_2624, %lt3A : vector<16xi32>
      %and3A_2633 = arith.andi %ge3A_2629, %lt3A_2632 : vector<16xi1>
      %and3A_2634 = arith.constant 16383 : i32
      %and3A_2635 = vector.broadcast %and3A_2634 : i32 to vector<16xi32>
      %and3A_2636 = arith.andi %sub3A_2628, %and3A_2635 : vector<16xi32>
      tpu.vector_store_idx %arg18[%and3A_2636], %get3A_2626 masked %and3A_2633 : memref<16384xf32, #tpu.memory_space<vmem>>[vector<16xi32>], vector<16xf32>, vector<16xi1>
    }
    %scan3A_2550 = arith.constant 16 : i32
    %scan3A_2551 = arith.constant 0 : i32
    %scan3A_2552 = arith.constant 0 : i32
    %scan3A_2553 = arith.constant 16 : i32
    %scan3A_2554 = arith.addi %scan3A_2552, %scan3A_2553 : i32
    %scan3A_2555 = arith.constant 1 : i32
    scf.for %scan3A_2618 = %scan3A_2552 to %scan3A_2554 step %scan3A_2555  : i32 {
      %mul3A_2619 = arith.constant 16 : i32
      %mul3A_2620 = arith.muli %scan3A_2618, %mul3A_2619 : i32
      %add3A_2621 = arith.constant 1536 : i32
      %add3A_2622 = arith.addi %add3A_2621, %mul3A_2620 : i32
      %get3A_2623 = arith.index_cast %add3A_2622 : i32 to index
      %get3A_2624 = tpu.vector_load %arg19[%get3A_2623] {strides = array<i32>} : memref<4096xi32, #tpu.memory_space<vmem>>, vector<16xi32>,
      %get3A_2625 = arith.index_cast %add3A_2622 : i32 to index
      %get3A_2626 = tpu.vector_load %arg20[%get3A_2625] {strides = array<i32>} : memref<4096xf32, #tpu.memory_space<vmem>>, vector<16xf32>,
      %sub3A_2627 = vector.broadcast %mul3A_2514 : i32 to vector<16xi32>
      %sub3A_2628 = arith.subi %get3A_2624, %sub3A_2627 : vector<16xi32>
      %ge3A = vector.broadcast %mul3A_2514 : i32 to vector<16xi32>
      %ge3A_2629 = arith.cmpi sge, %get3A_2624, %ge3A : vector<16xi32>
      %add3A_2630 = arith.constant 16384 : i32
      %add3A_2631 = arith.addi %mul3A_2514, %add3A_2630 : i32
      %lt3A = vector.broadcast %add3A_2631 : i32 to vector<16xi32>
      %lt3A_2632 = arith.cmpi slt, %get3A_2624, %lt3A : vector<16xi32>
      %and3A_2633 = arith.andi %ge3A_2629, %lt3A_2632 : vector<16xi1>
      %and3A_2634 = arith.constant 16383 : i32
      %and3A_2635 = vector.broadcast %and3A_2634 : i32 to vector<16xi32>
      %and3A_2636 = arith.andi %sub3A_2628, %and3A_2635 : vector<16xi32>
      tpu.vector_store_idx %arg18[%and3A_2636], %get3A_2626 masked %and3A_2633 : memref<16384xf32, #tpu.memory_space<vmem>>[vector<16xi32>], vector<16xf32>, vector<16xi1>
    }
    %scan3A_2556 = arith.constant 16 : i32
    %scan3A_2557 = arith.constant 0 : i32
    %scan3A_2558 = arith.constant 0 : i32
    %scan3A_2559 = arith.constant 16 : i32
    %scan3A_2560 = arith.addi %scan3A_2558, %scan3A_2559 : i32
    %scan3A_2561 = arith.constant 1 : i32
    scf.for %scan3A_2618 = %scan3A_2558 to %scan3A_2560 step %scan3A_2561  : i32 {
      %mul3A_2619 = arith.constant 16 : i32
      %mul3A_2620 = arith.muli %scan3A_2618, %mul3A_2619 : i32
      %add3A_2621 = arith.constant 1792 : i32
      %add3A_2622 = arith.addi %add3A_2621, %mul3A_2620 : i32
      %get3A_2623 = arith.index_cast %add3A_2622 : i32 to index
      %get3A_2624 = tpu.vector_load %arg19[%get3A_2623] {strides = array<i32>} : memref<4096xi32, #tpu.memory_space<vmem>>, vector<16xi32>,
      %get3A_2625 = arith.index_cast %add3A_2622 : i32 to index
      %get3A_2626 = tpu.vector_load %arg20[%get3A_2625] {strides = array<i32>} : memref<4096xf32, #tpu.memory_space<vmem>>, vector<16xf32>,
      %sub3A_2627 = vector.broadcast %mul3A_2514 : i32 to vector<16xi32>
      %sub3A_2628 = arith.subi %get3A_2624, %sub3A_2627 : vector<16xi32>
      %ge3A = vector.broadcast %mul3A_2514 : i32 to vector<16xi32>
      %ge3A_2629 = arith.cmpi sge, %get3A_2624, %ge3A : vector<16xi32>
      %add3A_2630 = arith.constant 16384 : i32
      %add3A_2631 = arith.addi %mul3A_2514, %add3A_2630 : i32
      %lt3A = vector.broadcast %add3A_2631 : i32 to vector<16xi32>
      %lt3A_2632 = arith.cmpi slt, %get3A_2624, %lt3A : vector<16xi32>
      %and3A_2633 = arith.andi %ge3A_2629, %lt3A_2632 : vector<16xi1>
      %and3A_2634 = arith.constant 16383 : i32
      %and3A_2635 = vector.broadcast %and3A_2634 : i32 to vector<16xi32>
      %and3A_2636 = arith.andi %sub3A_2628, %and3A_2635 : vector<16xi32>
      tpu.vector_store_idx %arg18[%and3A_2636], %get3A_2626 masked %and3A_2633 : memref<16384xf32, #tpu.memory_space<vmem>>[vector<16xi32>], vector<16xf32>, vector<16xi1>
    }
    %scan3A_2562 = arith.constant 16 : i32
    %scan3A_2563 = arith.constant 0 : i32
    %scan3A_2564 = arith.constant 0 : i32
    %scan3A_2565 = arith.constant 16 : i32
    %scan3A_2566 = arith.addi %scan3A_2564, %scan3A_2565 : i32
    %scan3A_2567 = arith.constant 1 : i32
    scf.for %scan3A_2618 = %scan3A_2564 to %scan3A_2566 step %scan3A_2567  : i32 {
      %mul3A_2619 = arith.constant 16 : i32
      %mul3A_2620 = arith.muli %scan3A_2618, %mul3A_2619 : i32
      %add3A_2621 = arith.constant 2048 : i32
      %add3A_2622 = arith.addi %add3A_2621, %mul3A_2620 : i32
      %get3A_2623 = arith.index_cast %add3A_2622 : i32 to index
      %get3A_2624 = tpu.vector_load %arg19[%get3A_2623] {strides = array<i32>} : memref<4096xi32, #tpu.memory_space<vmem>>, vector<16xi32>,
      %get3A_2625 = arith.index_cast %add3A_2622 : i32 to index
      %get3A_2626 = tpu.vector_load %arg20[%get3A_2625] {strides = array<i32>} : memref<4096xf32, #tpu.memory_space<vmem>>, vector<16xf32>,
      %sub3A_2627 = vector.broadcast %mul3A_2514 : i32 to vector<16xi32>
      %sub3A_2628 = arith.subi %get3A_2624, %sub3A_2627 : vector<16xi32>
      %ge3A = vector.broadcast %mul3A_2514 : i32 to vector<16xi32>
      %ge3A_2629 = arith.cmpi sge, %get3A_2624, %ge3A : vector<16xi32>
      %add3A_2630 = arith.constant 16384 : i32
      %add3A_2631 = arith.addi %mul3A_2514, %add3A_2630 : i32
      %lt3A = vector.broadcast %add3A_2631 : i32 to vector<16xi32>
      %lt3A_2632 = arith.cmpi slt, %get3A_2624, %lt3A : vector<16xi32>
      %and3A_2633 = arith.andi %ge3A_2629, %lt3A_2632 : vector<16xi1>
      %and3A_2634 = arith.constant 16383 : i32
      %and3A_2635 = vector.broadcast %and3A_2634 : i32 to vector<16xi32>
      %and3A_2636 = arith.andi %sub3A_2628, %and3A_2635 : vector<16xi32>
      tpu.vector_store_idx %arg18[%and3A_2636], %get3A_2626 masked %and3A_2633 : memref<16384xf32, #tpu.memory_space<vmem>>[vector<16xi32>], vector<16xf32>, vector<16xi1>
    }
    %scan3A_2568 = arith.constant 16 : i32
    %scan3A_2569 = arith.constant 0 : i32
    %scan3A_2570 = arith.constant 0 : i32
    %scan3A_2571 = arith.constant 16 : i32
    %scan3A_2572 = arith.addi %scan3A_2570, %scan3A_2571 : i32
    %scan3A_2573 = arith.constant 1 : i32
    scf.for %scan3A_2618 = %scan3A_2570 to %scan3A_2572 step %scan3A_2573  : i32 {
      %mul3A_2619 = arith.constant 16 : i32
      %mul3A_2620 = arith.muli %scan3A_2618, %mul3A_2619 : i32
      %add3A_2621 = arith.constant 2304 : i32
      %add3A_2622 = arith.addi %add3A_2621, %mul3A_2620 : i32
      %get3A_2623 = arith.index_cast %add3A_2622 : i32 to index
      %get3A_2624 = tpu.vector_load %arg19[%get3A_2623] {strides = array<i32>} : memref<4096xi32, #tpu.memory_space<vmem>>, vector<16xi32>,
      %get3A_2625 = arith.index_cast %add3A_2622 : i32 to index
      %get3A_2626 = tpu.vector_load %arg20[%get3A_2625] {strides = array<i32>} : memref<4096xf32, #tpu.memory_space<vmem>>, vector<16xf32>,
      %sub3A_2627 = vector.broadcast %mul3A_2514 : i32 to vector<16xi32>
      %sub3A_2628 = arith.subi %get3A_2624, %sub3A_2627 : vector<16xi32>
      %ge3A = vector.broadcast %mul3A_2514 : i32 to vector<16xi32>
      %ge3A_2629 = arith.cmpi sge, %get3A_2624, %ge3A : vector<16xi32>
      %add3A_2630 = arith.constant 16384 : i32
      %add3A_2631 = arith.addi %mul3A_2514, %add3A_2630 : i32
      %lt3A = vector.broadcast %add3A_2631 : i32 to vector<16xi32>
      %lt3A_2632 = arith.cmpi slt, %get3A_2624, %lt3A : vector<16xi32>
      %and3A_2633 = arith.andi %ge3A_2629, %lt3A_2632 : vector<16xi1>
      %and3A_2634 = arith.constant 16383 : i32
      %and3A_2635 = vector.broadcast %and3A_2634 : i32 to vector<16xi32>
      %and3A_2636 = arith.andi %sub3A_2628, %and3A_2635 : vector<16xi32>
      tpu.vector_store_idx %arg18[%and3A_2636], %get3A_2626 masked %and3A_2633 : memref<16384xf32, #tpu.memory_space<vmem>>[vector<16xi32>], vector<16xf32>, vector<16xi1>
    }
    %scan3A_2574 = arith.constant 16 : i32
    %scan3A_2575 = arith.constant 0 : i32
    %scan3A_2576 = arith.constant 0 : i32
    %scan3A_2577 = arith.constant 16 : i32
    %scan3A_2578 = arith.addi %scan3A_2576, %scan3A_2577 : i32
    %scan3A_2579 = arith.constant 1 : i32
    scf.for %scan3A_2618 = %scan3A_2576 to %scan3A_2578 step %scan3A_2579  : i32 {
      %mul3A_2619 = arith.constant 16 : i32
      %mul3A_2620 = arith.muli %scan3A_2618, %mul3A_2619 : i32
      %add3A_2621 = arith.constant 2560 : i32
      %add3A_2622 = arith.addi %add3A_2621, %mul3A_2620 : i32
      %get3A_2623 = arith.index_cast %add3A_2622 : i32 to index
      %get3A_2624 = tpu.vector_load %arg19[%get3A_2623] {strides = array<i32>} : memref<4096xi32, #tpu.memory_space<vmem>>, vector<16xi32>,
      %get3A_2625 = arith.index_cast %add3A_2622 : i32 to index
      %get3A_2626 = tpu.vector_load %arg20[%get3A_2625] {strides = array<i32>} : memref<4096xf32, #tpu.memory_space<vmem>>, vector<16xf32>,
      %sub3A_2627 = vector.broadcast %mul3A_2514 : i32 to vector<16xi32>
      %sub3A_2628 = arith.subi %get3A_2624, %sub3A_2627 : vector<16xi32>
      %ge3A = vector.broadcast %mul3A_2514 : i32 to vector<16xi32>
      %ge3A_2629 = arith.cmpi sge, %get3A_2624, %ge3A : vector<16xi32>
      %add3A_2630 = arith.constant 16384 : i32
      %add3A_2631 = arith.addi %mul3A_2514, %add3A_2630 : i32
      %lt3A = vector.broadcast %add3A_2631 : i32 to vector<16xi32>
      %lt3A_2632 = arith.cmpi slt, %get3A_2624, %lt3A : vector<16xi32>
      %and3A_2633 = arith.andi %ge3A_2629, %lt3A_2632 : vector<16xi1>
      %and3A_2634 = arith.constant 16383 : i32
      %and3A_2635 = vector.broadcast %and3A_2634 : i32 to vector<16xi32>
      %and3A_2636 = arith.andi %sub3A_2628, %and3A_2635 : vector<16xi32>
      tpu.vector_store_idx %arg18[%and3A_2636], %get3A_2626 masked %and3A_2633 : memref<16384xf32, #tpu.memory_space<vmem>>[vector<16xi32>], vector<16xf32>, vector<16xi1>
    }
    %scan3A_2580 = arith.constant 16 : i32
    %scan3A_2581 = arith.constant 0 : i32
    %scan3A_2582 = arith.constant 0 : i32
    %scan3A_2583 = arith.constant 16 : i32
    %scan3A_2584 = arith.addi %scan3A_2582, %scan3A_2583 : i32
    %scan3A_2585 = arith.constant 1 : i32
    scf.for %scan3A_2618 = %scan3A_2582 to %scan3A_2584 step %scan3A_2585  : i32 {
      %mul3A_2619 = arith.constant 16 : i32
      %mul3A_2620 = arith.muli %scan3A_2618, %mul3A_2619 : i32
      %add3A_2621 = arith.constant 2816 : i32
      %add3A_2622 = arith.addi %add3A_2621, %mul3A_2620 : i32
      %get3A_2623 = arith.index_cast %add3A_2622 : i32 to index
      %get3A_2624 = tpu.vector_load %arg19[%get3A_2623] {strides = array<i32>} : memref<4096xi32, #tpu.memory_space<vmem>>, vector<16xi32>,
      %get3A_2625 = arith.index_cast %add3A_2622 : i32 to index
      %get3A_2626 = tpu.vector_load %arg20[%get3A_2625] {strides = array<i32>} : memref<4096xf32, #tpu.memory_space<vmem>>, vector<16xf32>,
      %sub3A_2627 = vector.broadcast %mul3A_2514 : i32 to vector<16xi32>
      %sub3A_2628 = arith.subi %get3A_2624, %sub3A_2627 : vector<16xi32>
      %ge3A = vector.broadcast %mul3A_2514 : i32 to vector<16xi32>
      %ge3A_2629 = arith.cmpi sge, %get3A_2624, %ge3A : vector<16xi32>
      %add3A_2630 = arith.constant 16384 : i32
      %add3A_2631 = arith.addi %mul3A_2514, %add3A_2630 : i32
      %lt3A = vector.broadcast %add3A_2631 : i32 to vector<16xi32>
      %lt3A_2632 = arith.cmpi slt, %get3A_2624, %lt3A : vector<16xi32>
      %and3A_2633 = arith.andi %ge3A_2629, %lt3A_2632 : vector<16xi1>
      %and3A_2634 = arith.constant 16383 : i32
      %and3A_2635 = vector.broadcast %and3A_2634 : i32 to vector<16xi32>
      %and3A_2636 = arith.andi %sub3A_2628, %and3A_2635 : vector<16xi32>
      tpu.vector_store_idx %arg18[%and3A_2636], %get3A_2626 masked %and3A_2633 : memref<16384xf32, #tpu.memory_space<vmem>>[vector<16xi32>], vector<16xf32>, vector<16xi1>
    }
    %scan3A_2586 = arith.constant 16 : i32
    %scan3A_2587 = arith.constant 0 : i32
    %scan3A_2588 = arith.constant 0 : i32
    %scan3A_2589 = arith.constant 16 : i32
    %scan3A_2590 = arith.addi %scan3A_2588, %scan3A_2589 : i32
    %scan3A_2591 = arith.constant 1 : i32
    scf.for %scan3A_2618 = %scan3A_2588 to %scan3A_2590 step %scan3A_2591  : i32 {
      %mul3A_2619 = arith.constant 16 : i32
      %mul3A_2620 = arith.muli %scan3A_2618, %mul3A_2619 : i32
      %add3A_2621 = arith.constant 3072 : i32
      %add3A_2622 = arith.addi %add3A_2621, %mul3A_2620 : i32
      %get3A_2623 = arith.index_cast %add3A_2622 : i32 to index
      %get3A_2624 = tpu.vector_load %arg19[%get3A_2623] {strides = array<i32>} : memref<4096xi32, #tpu.memory_space<vmem>>, vector<16xi32>,
      %get3A_2625 = arith.index_cast %add3A_2622 : i32 to index
      %get3A_2626 = tpu.vector_load %arg20[%get3A_2625] {strides = array<i32>} : memref<4096xf32, #tpu.memory_space<vmem>>, vector<16xf32>,
      %sub3A_2627 = vector.broadcast %mul3A_2514 : i32 to vector<16xi32>
      %sub3A_2628 = arith.subi %get3A_2624, %sub3A_2627 : vector<16xi32>
      %ge3A = vector.broadcast %mul3A_2514 : i32 to vector<16xi32>
      %ge3A_2629 = arith.cmpi sge, %get3A_2624, %ge3A : vector<16xi32>
      %add3A_2630 = arith.constant 16384 : i32
      %add3A_2631 = arith.addi %mul3A_2514, %add3A_2630 : i32
      %lt3A = vector.broadcast %add3A_2631 : i32 to vector<16xi32>
      %lt3A_2632 = arith.cmpi slt, %get3A_2624, %lt3A : vector<16xi32>
      %and3A_2633 = arith.andi %ge3A_2629, %lt3A_2632 : vector<16xi1>
      %and3A_2634 = arith.constant 16383 : i32
      %and3A_2635 = vector.broadcast %and3A_2634 : i32 to vector<16xi32>
      %and3A_2636 = arith.andi %sub3A_2628, %and3A_2635 : vector<16xi32>
      tpu.vector_store_idx %arg18[%and3A_2636], %get3A_2626 masked %and3A_2633 : memref<16384xf32, #tpu.memory_space<vmem>>[vector<16xi32>], vector<16xf32>, vector<16xi1>
    }
    %scan3A_2592 = arith.constant 16 : i32
    %scan3A_2593 = arith.constant 0 : i32
    %scan3A_2594 = arith.constant 0 : i32
    %scan3A_2595 = arith.constant 16 : i32
    %scan3A_2596 = arith.addi %scan3A_2594, %scan3A_2595 : i32
    %scan3A_2597 = arith.constant 1 : i32
    scf.for %scan3A_2618 = %scan3A_2594 to %scan3A_2596 step %scan3A_2597  : i32 {
      %mul3A_2619 = arith.constant 16 : i32
      %mul3A_2620 = arith.muli %scan3A_2618, %mul3A_2619 : i32
      %add3A_2621 = arith.constant 3328 : i32
      %add3A_2622 = arith.addi %add3A_2621, %mul3A_2620 : i32
      %get3A_2623 = arith.index_cast %add3A_2622 : i32 to index
      %get3A_2624 = tpu.vector_load %arg19[%get3A_2623] {strides = array<i32>} : memref<4096xi32, #tpu.memory_space<vmem>>, vector<16xi32>,
      %get3A_2625 = arith.index_cast %add3A_2622 : i32 to index
      %get3A_2626 = tpu.vector_load %arg20[%get3A_2625] {strides = array<i32>} : memref<4096xf32, #tpu.memory_space<vmem>>, vector<16xf32>,
      %sub3A_2627 = vector.broadcast %mul3A_2514 : i32 to vector<16xi32>
      %sub3A_2628 = arith.subi %get3A_2624, %sub3A_2627 : vector<16xi32>
      %ge3A = vector.broadcast %mul3A_2514 : i32 to vector<16xi32>
      %ge3A_2629 = arith.cmpi sge, %get3A_2624, %ge3A : vector<16xi32>
      %add3A_2630 = arith.constant 16384 : i32
      %add3A_2631 = arith.addi %mul3A_2514, %add3A_2630 : i32
      %lt3A = vector.broadcast %add3A_2631 : i32 to vector<16xi32>
      %lt3A_2632 = arith.cmpi slt, %get3A_2624, %lt3A : vector<16xi32>
      %and3A_2633 = arith.andi %ge3A_2629, %lt3A_2632 : vector<16xi1>
      %and3A_2634 = arith.constant 16383 : i32
      %and3A_2635 = vector.broadcast %and3A_2634 : i32 to vector<16xi32>
      %and3A_2636 = arith.andi %sub3A_2628, %and3A_2635 : vector<16xi32>
      tpu.vector_store_idx %arg18[%and3A_2636], %get3A_2626 masked %and3A_2633 : memref<16384xf32, #tpu.memory_space<vmem>>[vector<16xi32>], vector<16xf32>, vector<16xi1>
    }
    %scan3A_2598 = arith.constant 16 : i32
    %scan3A_2599 = arith.constant 0 : i32
    %scan3A_2600 = arith.constant 0 : i32
    %scan3A_2601 = arith.constant 16 : i32
    %scan3A_2602 = arith.addi %scan3A_2600, %scan3A_2601 : i32
    %scan3A_2603 = arith.constant 1 : i32
    scf.for %scan3A_2618 = %scan3A_2600 to %scan3A_2602 step %scan3A_2603  : i32 {
      %mul3A_2619 = arith.constant 16 : i32
      %mul3A_2620 = arith.muli %scan3A_2618, %mul3A_2619 : i32
      %add3A_2621 = arith.constant 3584 : i32
      %add3A_2622 = arith.addi %add3A_2621, %mul3A_2620 : i32
      %get3A_2623 = arith.index_cast %add3A_2622 : i32 to index
      %get3A_2624 = tpu.vector_load %arg19[%get3A_2623] {strides = array<i32>} : memref<4096xi32, #tpu.memory_space<vmem>>, vector<16xi32>,
      %get3A_2625 = arith.index_cast %add3A_2622 : i32 to index
      %get3A_2626 = tpu.vector_load %arg20[%get3A_2625] {strides = array<i32>} : memref<4096xf32, #tpu.memory_space<vmem>>, vector<16xf32>,
      %sub3A_2627 = vector.broadcast %mul3A_2514 : i32 to vector<16xi32>
      %sub3A_2628 = arith.subi %get3A_2624, %sub3A_2627 : vector<16xi32>
      %ge3A = vector.broadcast %mul3A_2514 : i32 to vector<16xi32>
      %ge3A_2629 = arith.cmpi sge, %get3A_2624, %ge3A : vector<16xi32>
      %add3A_2630 = arith.constant 16384 : i32
      %add3A_2631 = arith.addi %mul3A_2514, %add3A_2630 : i32
      %lt3A = vector.broadcast %add3A_2631 : i32 to vector<16xi32>
      %lt3A_2632 = arith.cmpi slt, %get3A_2624, %lt3A : vector<16xi32>
      %and3A_2633 = arith.andi %ge3A_2629, %lt3A_2632 : vector<16xi1>
      %and3A_2634 = arith.constant 16383 : i32
      %and3A_2635 = vector.broadcast %and3A_2634 : i32 to vector<16xi32>
      %and3A_2636 = arith.andi %sub3A_2628, %and3A_2635 : vector<16xi32>
      tpu.vector_store_idx %arg18[%and3A_2636], %get3A_2626 masked %and3A_2633 : memref<16384xf32, #tpu.memory_space<vmem>>[vector<16xi32>], vector<16xf32>, vector<16xi1>
    }
    %scan3A_2604 = arith.constant 16 : i32
    %scan3A_2605 = arith.constant 0 : i32
    %scan3A_2606 = arith.constant 0 : i32
    %scan3A_2607 = arith.constant 16 : i32
    %scan3A_2608 = arith.addi %scan3A_2606, %scan3A_2607 : i32
    %scan3A_2609 = arith.constant 1 : i32
    scf.for %scan3A_2618 = %scan3A_2606 to %scan3A_2608 step %scan3A_2609  : i32 {
      %mul3A_2619 = arith.constant 16 : i32
      %mul3A_2620 = arith.muli %scan3A_2618, %mul3A_2619 : i32
      %add3A_2621 = arith.constant 3840 : i32
      %add3A_2622 = arith.addi %add3A_2621, %mul3A_2620 : i32
      %get3A_2623 = arith.index_cast %add3A_2622 : i32 to index
      %get3A_2624 = tpu.vector_load %arg19[%get3A_2623] {strides = array<i32>} : memref<4096xi32, #tpu.memory_space<vmem>>, vector<16xi32>,
      %get3A_2625 = arith.index_cast %add3A_2622 : i32 to index
      %get3A_2626 = tpu.vector_load %arg20[%get3A_2625] {strides = array<i32>} : memref<4096xf32, #tpu.memory_space<vmem>>, vector<16xf32>,
      %sub3A_2627 = vector.broadcast %mul3A_2514 : i32 to vector<16xi32>
      %sub3A_2628 = arith.subi %get3A_2624, %sub3A_2627 : vector<16xi32>
      %ge3A = vector.broadcast %mul3A_2514 : i32 to vector<16xi32>
      %ge3A_2629 = arith.cmpi sge, %get3A_2624, %ge3A : vector<16xi32>
      %add3A_2630 = arith.constant 16384 : i32
      %add3A_2631 = arith.addi %mul3A_2514, %add3A_2630 : i32
      %lt3A = vector.broadcast %add3A_2631 : i32 to vector<16xi32>
      %lt3A_2632 = arith.cmpi slt, %get3A_2624, %lt3A : vector<16xi32>
      %and3A_2633 = arith.andi %ge3A_2629, %lt3A_2632 : vector<16xi1>
      %and3A_2634 = arith.constant 16383 : i32
      %and3A_2635 = vector.broadcast %and3A_2634 : i32 to vector<16xi32>
      %and3A_2636 = arith.andi %sub3A_2628, %and3A_2635 : vector<16xi32>
      tpu.vector_store_idx %arg18[%and3A_2636], %get3A_2626 masked %and3A_2633 : memref<16384xf32, #tpu.memory_space<vmem>>[vector<16xi32>], vector<16xf32>, vector<16xi1>
    }
    %scan3A_2610 = arith.constant 16 : i32
    %mul3A_2611 = arith.constant 262144 : i32
    %mul3A_2612 = arith.muli %arg0, %mul3A_2611 : i32
    %mul3A_2613 = arith.constant 16384 : i32
    %mul3A_2614 = arith.muli %arg1, %mul3A_2613 : i32
    %add3A_2615 = arith.addi %mul3A_2612, %mul3A_2614 : i32
    "tpu.region"() ({
      %run_scoped3A = tpu.sem_alloc : memref<!tpu.dma_semaphore, #tpu.memory_space<semaphore_mem>>
      %dma_start3A_2618 = tpu.memref_slice %arg6[%add3A_2615] : memref<524288xf32, #tpu.memory_space<hbm>> -> memref<16384xf32, #tpu.memory_space<hbm>>
      %dma_start3A_2619 = tpu.memref_slice %arg6[%add3A_2615] : memref<524288xf32, #tpu.memory_space<hbm>> -> memref<16384xf32, #tpu.memory_space<hbm>>
      tpu.enqueue_dma source(%arg18 : memref<16384xf32, #tpu.memory_space<vmem>>) target(%dma_start3A_2619 : memref<16384xf32, #tpu.memory_space<hbm>>) target_semaphore(%run_scoped3A : memref<!tpu.dma_semaphore, #tpu.memory_space<semaphore_mem>>)
      %dma_wait3A_2620 = tpu.memref_slice %arg6[%add3A_2615] : memref<524288xf32, #tpu.memory_space<hbm>> -> memref<16384xf32, #tpu.memory_space<hbm>>
      %dma_wait3A_2621 = tpu.memref_slice %arg6[%add3A_2615] : memref<524288xf32, #tpu.memory_space<hbm>> -> memref<16384xf32, #tpu.memory_space<hbm>>
      tpu.wait_dma2 semaphore(%run_scoped3A : memref<!tpu.dma_semaphore, #tpu.memory_space<semaphore_mem>>) src(%arg18 : memref<16384xf32, #tpu.memory_space<vmem>>) dst(%dma_wait3A_2621 : memref<16384xf32, #tpu.memory_space<hbm>>)
      tpu.yield
    }) : () -> ()
    %dma_wait3A_2616 = tpu.memref_slice %arg7[%mul3A_2484] : memref<512xf32, #tpu.memory_space<hbm>> -> memref<16xf32, #tpu.memory_space<hbm>>
    %dma_wait3A_2617 = tpu.memref_slice %arg7[%mul3A_2484] : memref<512xf32, #tpu.memory_space<hbm>> -> memref<16xf32, #tpu.memory_space<hbm>>
    tpu.wait_dma2 semaphore(%arg21 : memref<!tpu.dma_semaphore, #tpu.memory_space<semaphore_mem>>) src(%arg17 : memref<16xf32, #tpu.memory_space<vmem>>) dst(%dma_wait3A_2617 : memref<16xf32, #tpu.memory_space<hbm>>)
    return
  }
}

module attributes {stable_mosaic.version = 14 : i64} {
  func.func @_tc1_body(%arg0: memref<2048x128xf32, #tpu.memory_space<vmem>>, %arg1: memref<1xf32, #tpu.memory_space<smem>>) attributes {dimension_semantics = [], scalar_prefetch = 0 : i64, scratch_operands = 0 : i64, tpu.core_type = #tpu.core_type<tc>} {
    %get3A = arith.constant 0 : index
    %get3A_0 = arith.constant 0 : index
    %get3A_1 = vector.load %arg0[%get3A, %get3A_0] : memref<2048x128xf32, #tpu.memory_space<vmem>>, vector<2048x128xf32>
    %max3A = arith.constant 0.000000e+00 : f32
    %max3A_2 = vector.broadcast %max3A : f32 to vector<2048x128xf32>
    %max3A_3 = arith.maximumf %get3A_1, %max3A_2 : vector<2048x128xf32>
    %abs3A = math.absf %get3A_1 : vector<2048x128xf32>
    %neg3A = arith.constant 0.000000e+00 : f32
    %neg3A_4 = vector.broadcast %neg3A : f32 to vector<2048x128xf32>
    %neg3A_5 = arith.subf %neg3A_4, %abs3A : vector<2048x128xf32>
    %exp3A = math.exp %neg3A_5 : vector<2048x128xf32>
    %log1p3A = math.log1p %exp3A : vector<2048x128xf32>
    %add3A = arith.addf %max3A_3, %log1p3A : vector<2048x128xf32>
    %reduce_sum3A = vector.shape_cast %add3A : vector<2048x128xf32> to vector<1x2048x128xf32>
    %reduce_sum3A_6 = arith.constant dense<0.000000e+00> : vector<1xf32>
    %reduce_sum3A_7 = vector.multi_reduction <add>, %reduce_sum3A, %reduce_sum3A_6 [1, 2] : vector<1x2048x128xf32> to vector<1xf32>
    %reduce_sum3A_8 = vector.shape_cast %reduce_sum3A_7 : vector<1xf32> to vector<1x1x1xf32>
    %reduce_sum3A_9 = vector.extract %reduce_sum3A_8[0, 0, 0] : f32 from vector<1x1x1xf32>
    %swap3A = arith.constant 0 : index
    %swap3A_10 = memref.load %arg1[%swap3A] : memref<1xf32, #tpu.memory_space<smem>>
    memref.store %reduce_sum3A_9, %arg1[%swap3A] : memref<1xf32, #tpu.memory_space<smem>>
    return
  }
}

module attributes {stable_mosaic.version = 14 : i64} {
  func.func @_tc2_body(%arg0: memref<2048x128xf32, #tpu.memory_space<vmem>>, %arg1: memref<2x2048x128xf32, #tpu.memory_space<vmem>>, %arg2: memref<4x128xf32, #tpu.memory_space<vmem>>, %arg3: memref<1xf32, #tpu.memory_space<smem>>, %arg4: memref<1xf32, #tpu.memory_space<smem>>, %arg5: memref<1xf32, #tpu.memory_space<smem>>) attributes {dimension_semantics = [], scalar_prefetch = 0 : i64, scratch_operands = 0 : i64, tpu.core_type = #tpu.core_type<tc>} {
    %get3A = arith.constant 0 : index
    %get3A_0 = arith.constant 0 : index
    %get3A_1 = vector.load %arg0[%get3A, %get3A_0] : memref<2048x128xf32, #tpu.memory_space<vmem>>, vector<2048x128xf32>
    %get3A_2 = arith.constant 0 : index
    %get3A_3 = arith.constant 0 : index
    %get3A_4 = arith.constant 0 : index
    %get3A_5 = vector.load %arg1[%get3A_2, %get3A_3, %get3A_4] : memref<2x2048x128xf32, #tpu.memory_space<vmem>>, vector<1x2048x128xf32>
    %get3A_6 = vector.shape_cast %get3A_5 : vector<1x2048x128xf32> to vector<2048x128xf32>
    %get3A_7 = arith.constant 1 : index
    %get3A_8 = arith.constant 0 : index
    %get3A_9 = arith.constant 0 : index
    %get3A_10 = vector.load %arg1[%get3A_7, %get3A_8, %get3A_9] : memref<2x2048x128xf32, #tpu.memory_space<vmem>>, vector<1x2048x128xf32>
    %get3A_11 = vector.shape_cast %get3A_10 : vector<1x2048x128xf32> to vector<2048x128xf32>
    %max3A = arith.maximumf %get3A_6, %get3A_11 : vector<2048x128xf32>
    %get3A_12 = arith.constant 0 : index
    %get3A_13 = memref.load %arg4[%get3A_12] : memref<1xf32, #tpu.memory_space<smem>>
    %mul3A = arith.mulf %get3A_1, %max3A : vector<2048x128xf32>
    %reduce_sum3A = vector.shape_cast %mul3A : vector<2048x128xf32> to vector<1x2048x128xf32>
    %reduce_sum3A_14 = arith.constant dense<0.000000e+00> : vector<1xf32>
    %reduce_sum3A_15 = vector.multi_reduction <add>, %reduce_sum3A, %reduce_sum3A_14 [1, 2] : vector<1x2048x128xf32> to vector<1xf32>
    %reduce_sum3A_16 = vector.shape_cast %reduce_sum3A_15 : vector<1xf32> to vector<1x1x1xf32>
    %reduce_sum3A_17 = vector.extract %reduce_sum3A_16[0, 0, 0] : f32 from vector<1x1x1xf32>
    %sub3A = arith.subf %get3A_13, %reduce_sum3A_17 : f32
    %get3A_18 = arith.constant 0 : index
    %get3A_19 = arith.constant 0 : index
    %get3A_20 = vector.load %arg2[%get3A_18, %get3A_19] : memref<4x128xf32, #tpu.memory_space<vmem>>, vector<4x128xf32>
    %reduce_sum3A_21 = vector.shape_cast %get3A_20 : vector<4x128xf32> to vector<1x4x128xf32>
    %reduce_sum3A_22 = arith.constant dense<0.000000e+00> : vector<1xf32>
    %reduce_sum3A_23 = vector.multi_reduction <add>, %reduce_sum3A_21, %reduce_sum3A_22 [1, 2] : vector<1x4x128xf32> to vector<1xf32>
    %reduce_sum3A_24 = vector.shape_cast %reduce_sum3A_23 : vector<1xf32> to vector<1x1x1xf32>
    %reduce_sum3A_25 = vector.extract %reduce_sum3A_24[0, 0, 0] : f32 from vector<1x1x1xf32>
    %add3A = arith.addf %sub3A, %reduce_sum3A_25 : f32
    %get3A_26 = arith.constant 0 : index
    %get3A_27 = memref.load %arg3[%get3A_26] : memref<1xf32, #tpu.memory_space<smem>>
    %max3A_28 = arith.constant 1.000000e+00 : f32
    %max3A_29 = arith.maximumf %get3A_27, %max3A_28 : f32
    %div3A = arith.divf %add3A, %max3A_29 : f32
    %swap3A = arith.constant 0 : index
    %swap3A_30 = memref.load %arg5[%swap3A] : memref<1xf32, #tpu.memory_space<smem>>
    memref.store %div3A, %arg5[%swap3A] : memref<1xf32, #tpu.memory_space<smem>>
    return
  }
}

</mosaic_0001>

<sc_bundles>
// kernel: kernel.5.cloned.1.call-start
scs
__scs_entry_jumppad:
0x0: {  	(pc) =	sbr.rel $0x88, $3  }
0x1: {  	(tag) =	ssettag $0x0;
	lr =	simm.s32 $0x1  }
0x2: {  	[smem:$0x3F9B] =	sst lr;
	_ =	strace $0xD0000000  }
0x3: {  	_ = 	snop  }
0x4: {  	_ = 	snop  }
0x5: {  	_ = 	snop  }
0x6: {  	_ = 	snop  }
0x7: {  	_ = 	snop  }
__scs_overlays_trampoline_lowered:
0x8: {  	[smem:$0x3FAA] =	sst s0  }
0x9: {  	[smem:$0x3FAB] =	sst s1  }
0xa: {  	[smem:$0x3FAC] =	sst s2  }
0xb: {  	[smem:$0x3FAD] =	sst s3  }
0xc: {  	[smem:$0x3FAE] =	sst s4  }
0xd: {  	[smem:$0x3FAF] =	sst s5  }
0xe: {  	[smem:$0x3FB0] =	sst s6  }
0xf: {  	[smem:$0x3FB1] =	sst s7  }
0x10: {  	[smem:$0x3FB2] =	sst s8  }
0x11: {  	[smem:$0x3FB3] =	sst s9;
	s0 =	simm.s32 @!p0 $0x0  }
0x12: {  	s1 =	sld [smem:$0x3F99];
	s0 =	simm.s32 @p0 $0x1  }
0x13: {  	[smem:$0x3FB4] =	sst s0;
	s0 =	simm.s32 @!p1 $0x0  }
0x14: {  	s2 =	sld [smem:$0x3F98];
	s0 =	simm.s32 @p1 $0x1  }
0x15: {  	[smem:$0x3FB5] =	sst s0;
	s0 =	simm.s32 @!p2 $0x0  }
0x16: {  	s3 =	sld [smem:$0x3FDB];
	s0 =	simm.s32 @p2 $0x1  }
0x17: {  	s4 =	simm.s32 $0x1BF5;
	[smem:$0x3FB7] =	sst s0  }
0x18: {  	s0 =	sld [smem:$0x3F9A];
	_ =	swait.ge [sflag:s4], $0x0  }
0x19: {  	s7 =	sld [smem:$0x3F9B]  }
0x1a: {  	s8 =	sadd.s32 $0xFFFFE003, lr  }
0x1b: {  	s9 =	sadd.s32 $0xFFFFFEF7, lr;
	s5 =	simm.s32 $0xFFFFFFFF;
	p2 =	slt.u32 s8, $0xFFFFF086  }
0x1c: {  	p1 =	slt.u32 s9, $0xF7A;
	s5 =	simm.s32 @!p2 $0x0  }
0x1d: {  	s5 =	simm.s32 @p1 $0x1;
	p0 =	seq.s32 s7, s2  }
0x1e: {  	s7 =	smul.u32 @!p0 $0xF7A, s2;
	p2 =	seq.s32 @!p0 s5, $0x0  }
0x1f: {  	s9 =	smul.u32 $0xF7A, s1;
	s8 =	simm.s32 @!p0 $0x1BF5;
	p2 =	por !p2, p0  }
0x20: {  	[sflag:s8] =	ssyncset.s32 @!p0 $0xFFFFF086;
	s6 =	sadd.s32 @!p0 s3, s7;
	s7 =	simm.s32 @!p0 $0x108  }
0x21: {  	s3 =	sadd.s32 s3, s9;
	s6 =	sadd.s32 @!p0 $0x88, s6;
	s7 =	simm.s32 @p2 $0x1082  }
0x22: {  	[simem:s7], [sflag:s8] =	dma.local @!p0 [hbm:s6], $0xF7A  }
0x23: {  	s9 =	sor.u32 $0xD0000000, s2;
	s6 =	simm.s32 $0x108;
	_ =	swait.ge @!p0 [sflag:s8], $0x0  }
0x24: {  	s3 =	sadd.s32 $0x88, s3;
	s6 =	simm.s32 @!p1 $0x1082;
	[sflag:s4] =	ssyncset.s32 $0xFFFFF086  }
0x25: {  	[simem:s6], [sflag:s4] =	dma.local [hbm:s3], $0xF7A  }
0x26: {  	[smem:$0x3F9B] =	sst s1;
	(tag) =	ssettag s2;
	_ =	strace s9  }
0x27: {  	s1 =	sld [smem:$0x3FAB]  }
0x28: {  	s2 =	sld [smem:$0x3FAC]  }
0x29: {  	s4 =	sld [smem:$0x3FAE]  }
0x2a: {  	p0 =	seq.s32 s5, $0x0;
	s5 =	sld [smem:$0x3FAF]  }
0x2b: {  	s6 =	sld [smem:$0x3FB0]  }
0x2c: {  	s7 =	sld [smem:$0x3FB1]  }
0x2d: {  	s3 =	simm.s32 $0x108;
	s8 =	sld [smem:$0x3FB2]  }
0x2e: {  	s3 =	simm.s32 @!p0 $0x1082;
	s9 =	sld [smem:$0x3FB3]  }
0x2f: {  	lr =	sadd.s32 s0, s3;
	s0 =	sld [smem:$0x3FAA]  }
0x30: {  	s3 =	sld [smem:$0x3FAD]  }
0x31: {  	[smem:$0x3FB6] =	sst s10  }
0x32: {  	s10 =	sld [smem:$0x3FB4];
	_ =	sdelay $0x3  }
0x33: {  	p0 =	seq.s32 s10, $0x1;
	s10 =	sld [smem:$0x3FB6];
	_ =	sdelay $0x3  }
0x34: {  	[smem:$0x3FB6] =	sst s10  }
0x35: {  	s10 =	sld [smem:$0x3FB5];
	_ =	sdelay $0x3  }
0x36: {  	p1 =	seq.s32 s10, $0x1;
	s10 =	sld [smem:$0x3FB6];
	_ =	sdelay $0x3  }
0x37: {  	[smem:$0x3FB6] =	sst s10  }
0x38: {  	s10 =	sld [smem:$0x3FB7]  }
0x39: {  	_ = 	snop;
	(pc) =	sbr.ind lr, $3  }
0x3a: {  	_ = 	snop  }
0x3b: {  	_ = 	snop  }
0x3c: {  	p2 =	seq.s32 s10, $0x1;
	s10 =	sld [smem:$0x3FB6]  }
0x3d: {  	_ =	shalt  }
0x3e: {  	_ =	shalt  }
0x3f: {  	_ =	shalt  }
0x40: {  	_ =	shalt  }
0x41: {  	_ =	shalt  }
0x42: {  	_ =	shalt  }
0x43: {  	_ =	shalt  }
0x44: {  	_ =	shalt  }
0x45: {  	_ =	shalt  }
0x46: {  	_ =	shalt  }
0x47: {  	_ =	shalt  }
0x48: {  	_ =	shalt  }
0x49: {  	_ =	shalt  }
0x4a: {  	_ =	shalt  }
0x4b: {  	_ =	shalt  }
0x4c: {  	_ =	shalt  }
0x4d: {  	_ =	shalt  }
0x4e: {  	_ =	shalt  }
0x4f: {  	_ =	shalt  }
0x50: {  	_ =	shalt  }
0x51: {  	_ =	shalt  }
0x52: {  	_ =	shalt  }
0x53: {  	_ =	shalt  }
0x54: {  	_ =	shalt  }
0x55: {  	_ =	shalt  }
0x56: {  	_ =	shalt  }
0x57: {  	_ =	shalt  }
0x58: {  	_ =	shalt  }
0x59: {  	_ =	shalt  }
0x5a: {  	_ =	shalt  }
0x5b: {  	_ =	shalt  }
0x5c: {  	_ =	shalt  }
0x5d: {  	_ =	shalt  }
0x5e: {  	_ =	shalt  }
0x5f: {  	_ =	shalt  }
0x60: {  	_ =	shalt  }
0x61: {  	_ =	shalt  }
0x62: {  	_ =	shalt  }
0x63: {  	_ =	shalt  }
0x64: {  	_ =	shalt  }
0x65: {  	_ =	shalt  }
0x66: {  	_ =	shalt  }
0x67: {  	_ =	shalt  }
0x68: {  	_ =	shalt  }
0x69: {  	_ =	shalt  }
0x6a: {  	_ =	shalt  }
0x6b: {  	_ =	shalt  }
0x6c: {  	_ =	shalt  }
0x6d: {  	_ =	shalt  }
0x6e: {  	_ =	shalt  }
0x6f: {  	_ =	shalt  }
0x70: {  	_ =	shalt  }
0x71: {  	_ =	shalt  }
0x72: {  	_ =	shalt  }
0x73: {  	_ =	shalt  }
0x74: {  	_ =	shalt  }
0x75: {  	_ =	shalt  }
0x76: {  	_ =	shalt  }
0x77: {  	_ =	shalt  }
0x78: {  	_ =	shalt  }
0x79: {  	_ =	shalt  }
0x7a: {  	_ =	shalt  }
0x7b: {  	_ =	shalt  }
0x7c: {  	_ =	shalt  }
0x7d: {  	_ =	shalt  }
0x7e: {  	_ =	shalt  }
0x7f: {  	_ =	shalt  }
0x80: {  	_ =	shalt  }
0x81: {  	_ =	shalt  }
0x82: {  	_ =	shalt  }
0x83: {  	_ =	shalt  }
0x84: {  	_ =	shalt  }
0x85: {  	_ =	shalt  }
0x86: {  	_ =	shalt  }
0x87: {  	_ =	shalt  }
.Lfunc_end0:
.L_simem_size_0:
called_computation_lowered:
.L_overlay_start_0:
0x88: {  	s2 =	sld [smem:$0x3FD9]  }
0x89: {  	s3 =	sld [smem:$0x3FFE];
	_ =	sdelay $0x1  }
0x8a: {  	s1 =	srdreg.scid  }
0x8b: {  	s0 =	sand.u32 $0x1, s1  }
0x8c: {  	s17 =	sshll.u32 s0, $0xA;
	s2 =	sadd.s32 s3, s2  }
0x8d: {  	s2 =	sadd.s32 s2, s17  }
0x8e: {  	[smem:$0x3FC2] =	sst s2  }
0x8f: {  	_ = 	snop  }
0x90: {  	s2 =	sld [smem:$0x3FC8]  }
0x91: {  	s18 =	sld [smem:$0x3FC5]  }
0x92: {  	s4 =	sld [smem:$0x3FC4]  }
0x93: {  	s5 =	sld [smem:$0x3FD0];
	(tm) =	ssettm $0x1  }
0x94: {  	s6 =	sld [smem:$0x3FFB];
	_ =	sdelay $0x3  }
0x95: {  	_ =	strace s6  }
0x96: {  	s6 =	sld [smem:$0x3FFC];
	_ =	sdelay $0x3  }
0x97: {  	_ =	strace s6  }
0x98: {  	s6 =	sld [smem:$0x3FFD];
	_ =	sdelay $0x3  }
0x99: {  	_ =	strace s6  }
0x9a: {  	_ =	strace $0x8FFFFFFF  }
0x9b: {  	s19 =	sld [smem:$0x3FDB];
	_ =	sdelay $0x1  }
0x9c: {  	s7 =	simm.s32 $_scs_section_size  }
0x9d: {  	s8 =	simm.s32 $_size__tile_overlayer_lowered;
	s9 =	simm.s32 $_tile_overlayer_lowered  }
0x9e: {  	s22 =	simm.s32 $0x1BFF;
	s21 =	sshll.u32 s9, $0x1;
	s6 =	sadd.s32 s7, s19  }
0x9f: {  	s10 =	simm.s32 $0x0;
	s20 =	sshll.u32 s8, $0x1;
	s8 =	sadd.s32 s21, s6  }
0xa0: {  	[timem:s10], [sflag:s22] =	dma.local [hbm:s8], s20  }
0xa1: {  	_ =	swait.ge [sflag:s22], s20  }
0xa2: {  	s7 =	ssub.s32 $0x0, s20;
	[sflag:s22] =	ssyncset.done $0x0  }
0xa3: {  	[sflag:s22] =	ssyncadd.s32 s7;
	_ =	sdelay $0x1  }
0xa4: {  	s23 =	simm.s32 $0x1B8B  }
0xa5: {  	_ =	swait.ge [sflag:s23], $0x1  }
0xa6: {  	[sflag:s23] =	ssyncset.done $0x0  }
0xa7: {  	s25 =	simm.s32 $0x1B8E;
	s24 =	sld [smem:$0x3FFE];
	[sflag:s23] =	ssyncadd.s32 $0xFFFFFFFF  }
0xa8: {  	s26 =	simm.s32 $execute0_lowered;
	[smem:$0x3FD2] =	sst s25  }
0xa9: {  	s8 =	sshll.u32 s26, $0x1;
	_ =	strace $0x80000046;
	[dreg:$0x1] =	wrdreg $0xFFFFFFFF  }
0xaa: {  	s28 =	simm.s32 $_size_execute0_lowered;
	s6 =	sadd.s32 s6, s8;
	[dreg:$0x0] =	wrdreg $0x0  }
0xab: {  	s8 =	sshll.u32 s28, $0x1;
	[dreg:$0x2] =	wrdreg s6  }
0xac: {  	[dreg:$0x3] =	wrdreg s8  }
0xad: {  	[dreg:$0x4] =	wrdreg $0xC0  }
0xae: {  	_ =	task [dreg:s10], $0x5FFFF  }
0xaf: {  	[dreg:$0x1] =	wrdreg $0xFFFFFFFF  }
0xb0: {  	[dreg:$0x0] =	wrdreg $0x60  }
0xb1: {  	[dreg:$0x2] =	wrdreg s2  }
0xb2: {  	[dreg:$0x3] =	wrdreg s5  }
0xb3: {  	[dreg:$0x4] =	wrdreg s18  }
0xb4: {  	[dreg:$0x5] =	wrdreg s4  }
0xb5: {  	[dreg:$0x6] =	wrdreg s24  }
0xb6: {  	[dreg:$0x7] =	wrdreg $0x9  }
0xb7: {  	_ =	task.clear_ibuf [dreg:s10], $0x8FFFF;
	_ =	strace $0x90000046  }
0xb8: {  	s29 =	simm.s32 $0x9;
	_ =	strace $0x80000048  }
0xb9: {  	_ =	swait.ge [sflag:s29], $0x1  }
0xba: {  	[sflag:s29] =	ssyncadd.s32 $0xFFFFFFFF  }
0xbb: {  	_ =	strace $0x90000048  }
0xbc: {  	_ =	sfence  }
0xbd: {  	s30 =	sld [smem:$0x0];
	_ =	sdelay $0x2  }
0xbe: {  	s31 =	sshll.u32 s1, $0xD;
	s1 =	sshrl.u32 s1, $0x2  }
0xbf: {  	s3 =	sand.u32 $0x4000, s31;
	s1 =	sadd.s32 s1, s30  }
0xc0: {  	s0 =	sor.u32 s3, s0;
	s1 =	sshll.u32 s1, $0x11  }
0xc1: {  	s0 =	sor.u32 s1, s0  }
0xc2: {  	s0 =	sadd.s32 $0x8F2B, s0  }
0xc3: {  	[sflag:s0] =	ssyncadd.remote.s32 $0x1  }
0xc4: {  	_ =	sfence.sel $0xFFFF  }
0xc5: {  	[dreg:$0x0] =	wrdreg $0xFFFFFFFF;
	(pc) =	sbr.abs _section_cstart, $3  }
0xc6: {  	[dreg:$0x1] =	wrdreg $0xFFFFFFFF  }
0xc7: {  	_ =	task.clear_ibuf [dreg:s10], $0x2FFFF;
	_ =	strace $0x9FFFFFFF  }
0xc8: {  	(tm) =	ssettm $0x7FFFFFFF  }
0xc9: {  	_ =	shalt  }
tec
execute0_lowered:
.L_overlay_start_1:
0x0: {  	(tag) =	ssettag $0x1  }
0x1: {  	s0 =	rddreg [dreg:$0x0]  }
0x2: {  	s1 =	rddreg [dreg:$0x2]  }
0x3: {  	s2 =	rddreg [dreg:$0x3]  }
0x4: {  	s3 =	srdreg.scid;
	s5 =	rddreg [dreg:$0x4]  }
0x5: {  	s8 =	stileid.u32;
	s4 =	simm.s32 $0x0;
	s15 =	simm.s32 $0xC00  }
0x6: {  	s17 =	simm.s32 $0x1;
	s18 =	simm.s32 $0x80;
	s16 =	simm.s32 $0xA80  }
0x7: {  	s19 =	simm.s32 $0x600;
	s20 =	simm.s32 $0x2;
	s21 =	simm.s32 $0xB00  }
0x8: {  	s22 =	simm.s32 $0x3;
	s28 =	simm.s32 $0x5D00;
	s29 =	simm.s32 $0x5  }
0x9: {  	s31 =	simm.s32 $0x6;
	s3 =	sand.u32 $0x1, s3;
	s30 =	sshll.u32 s8, $0xE  }
0xa: {  	s7 =	sshll.u32 s8, $0x1;
	[smem:$0x7FF] =	sst s4;
	s11 =	sadd.s32 $0xE00, s5  }
0xb: {  	s12 =	sadd.s32 $0x1200, s5;
	s25 =	sshll.u32 s8, $0x5;
	s6 =	sshll.u32 s3, $0x12  }
0xc: {  	s7 =	sor.u32 s3, s7;
	_ =	strace $0x80000047;
	s24 =	ssub.s32 $0x2, s3  }
0xd: {  	s3 =	sshll.u32 s3, $0x9;
	s6 =	sor.u32 s30, s6;
	s23 =	sshll.u32 s7, $0x1  }
0xe: {  	s26 =	sshrl.u32 s24, $0x1;
	s7 =	sshll.u32 s7, $0x5;
	s9 =	sor.u32 s25, s3  }
0xf: {  	s25 =	simm.s32 $0x4;
	s6 =	sshrl.u32 s6, $0x3;
	s10 =	sadd.s32 s23, s5  }
0x10: {  	s14 =	ssub.s32 s24, s26;
	s8 =	sadd.s32 s11, s9;
	s11 =	sadd.s32 s11, s3  }
0x11: {  	s23 =	simm.s32 $0xB80;
	s24 =	simm.s32 $0xC80;
	s26 =	simm.s32 $0x4D00  }
0x12: {  	s13 =	sadd.s32 s6, s5;
	s5 =	sadd.s32 s1, s7;
	s6 =	sadd.s32 s12, s9  }
0x13: {  	s7 =	sadd.s32 s2, s7;
	s10 =	sadd.s32 $0x11600, s10;
	s12 =	sadd.s32 s12, s3  }
0x14: {  	v0 =	vmov s30;
	s3 =	sadd.s32 $0x4000, s30;
	s14 =	smax.u32 s14, $0x1;
	s30 =	simm.s32 $0xD00  }
0x15: {  	v2 =	vimm.f32 $0.0e+00;
	s2 =	simm.s32 $0x0;
	s9 =	sadd.s32 $0x10, s6;
	s13 =	sadd.s32 $0x1600, s13;
	v1 =	vmov s3  }
.LBB2_1:
0x16: {  	s1 =	rddreg [dreg:$0x1]  }
0x17: {  	[tilespmem:s15], [sflag:$0x1] =	stream.linear.gather [hbm4b:s1+s4], $0x80, $0x38;
	[tilespmem:$0x6D00] =	vst v63  }
0x18: {  	_ = 	snop  }
0x19: {  	[tilespmem:s4], [sflag:$0x1] =	stream.linear.gather [hbm4b:s5+s4], $0x100, $0x38;
	[tilespmem:$0x6D00] =	vst v63  }
0x1a: {  	s3 =	simm.s32 $0x100  }
0x1b: {  	[tilespmem:s3], [sflag:$0x1] =	stream.linear.gather [hbm4b:s7+s4], $0x100, $0x38;
	[tilespmem:$0x6D00] =	vst v63  }
0x1c: {  	s1 =	simm.s32 $0x200;
	s3 =	simm.s32 $0x0  }
.LBB2_2:
0x1d: {  	p0 =	sne.s32 s1, $0xFE00;
	[tilespmem:s3+$0xD70] =	vst v2  }
0x1e: {  	[tilespmem:s3+$0xD00] =	vst v2  }
0x1f: {  	[tilespmem:s3+$0xD10] =	vst v2  }
.Ltmp0:
0x20: {  	[tilespmem:s3+$0xD20] =	vst v2;
	(pc) =	sbr.rel @p0 .LBB2_2-.Ltmp0, $4  }
0x21: {  	[tilespmem:s3+$0xD30] =	vst v2  }
0x22: {  	[tilespmem:s3+$0xD40] =	vst v2  }
0x23: {  	[tilespmem:s3+$0xD50] =	vst v2  }
0x24: {  	[tilespmem:s3+$0xD60] =	vst v2;
	s3 =	sshra.s32 s1, $0x2;
	s1 =	sadd.s32 $0x200, s1  }
0x25: {  	[tilespmem:s3+$0xD70] =	vst v2  }
0x26: {  	[tilespmem:s3+$0xD00] =	vst v2  }
0x27: {  	[tilespmem:s3+$0xD10] =	vst v2  }
0x28: {  	[tilespmem:s3+$0xD20] =	vst v2  }
0x29: {  	[tilespmem:s3+$0xD30] =	vst v2  }
0x2a: {  	[tilespmem:s3+$0xD40] =	vst v2  }
0x2b: {  	[tilespmem:s3+$0xD50] =	vst v2  }
0x2c: {  	[tilespmem:s3+$0xD60] =	vst v2  }
0x2d: {  	_ =	swait.ge [sflag:s17], $0x80  }
0x2e: {  	[sflag:s17] =	ssyncset.done $0x0  }
0x2f: {  	[sflag:s17] =	ssyncadd.s32 $0xFFFFFF80  }
0x30: {  	_ =	swait.ge [sflag:s17], $0x100  }
0x31: {  	[sflag:s17] =	ssyncset.done $0x0  }
0x32: {  	[sflag:s17] =	ssyncadd.s32 $0xFFFFFF00  }
0x33: {  	_ =	swait.ge [sflag:s17], $0x100  }
0x34: {  	[sflag:s17] =	ssyncset.done $0x0  }
0x35: {  	[sflag:s17] =	ssyncadd.s32 $0xFFFFFF00  }
0x36: {  	v3 =	vld [tilespmem:$0x100]  }
0x37: {  	v4 =	vld [tilespmem:$0x0];
	_ =	sdelay $0x2  }
0x38: {  	v6 =	vld [tilespmem:$0x110]  }
0x39: {  	v8 =	vld [tilespmem:$0x10];
	v5 =	vshll.u32 v3, $0x2  }
0x3a: {  	v7 =	vshll.u32 v4, $0xE;
	v4 =	vshll.u32 v4, $0x10;
	v5 =	vand.u32 $0xFFFFFE00, v5  }
0x3b: {  	v7 =	vadd.s32 v3, v7;
	v3 =	vand.u32 $0x7F, v3;
	v4 =	vadd.s32 v4, v5  }
0x3c: {  	[tilespmem:$0x600] =	vst v7;
	v3 =	vor.u32 v3, v4  }
0x3d: {  	v34 =	vld [tilespmem:$0x120];
	[tilespmem:$0x200] =	vst v3;
	v4 =	vor.u32 $0x80, v3  }
0x3e: {  	v9 =	vld [tilespmem:$0x20];
	v33 =	vshll.u32 v6, $0x2;
	v35 =	vshll.u32 v8, $0xE;
	v32 =	vor.u32 $0x100, v3;
	[tilespmem:$0x280] =	vst v4  }
0x3f: {  	v8 =	vshll.u32 v8, $0x10;
	v5 =	vand.u32 $0xFFFFFE00, v33;
	v3 =	vor.u32 $0x180, v3;
	[tilespmem:$0x300] =	vst v32  }
0x40: {  	v37 =	vand.u32 $0x7F, v6;
	v36 =	vadd.s32 v8, v5;
	[tilespmem:$0x380] =	vst v3;
	v3 =	vadd.s32 v6, v35  }
0x41: {  	[tilespmem:$0x610] =	vst v3;
	v3 =	vor.u32 v37, v36  }
0x42: {  	v40 =	vld [tilespmem:$0x130];
	[tilespmem:$0x210] =	vst v3;
	v4 =	vor.u32 $0x80, v3  }
0x43: {  	v43 =	vld [tilespmem:$0x30];
	v39 =	vshll.u32 v34, $0x2;
	v41 =	vshll.u32 v9, $0xE;
	v38 =	vor.u32 $0x100, v3;
	[tilespmem:$0x290] =	vst v4  }
0x44: {  	v42 =	vshll.u32 v9, $0x10;
	v5 =	vand.u32 $0xFFFFFE00, v39;
	v3 =	vor.u32 $0x180, v3;
	[tilespmem:$0x310] =	vst v38  }
0x45: {  	v45 =	vand.u32 $0x7F, v34;
	v44 =	vadd.s32 v42, v5;
	[tilespmem:$0x390] =	vst v3;
	v3 =	vadd.s32 v34, v41  }
0x46: {  	[tilespmem:$0x620] =	vst v3;
	v3 =	vor.u32 v45, v44  }
0x47: {  	v48 =	vld [tilespmem:$0x140];
	[tilespmem:$0x220] =	vst v3;
	v4 =	vor.u32 $0x80, v3  }
0x48: {  	v51 =	vld [tilespmem:$0x40];
	v47 =	vshll.u32 v40, $0x2;
	v49 =	vshll.u32 v43, $0xE;
	v46 =	vor.u32 $0x100, v3;
	[tilespmem:$0x2A0] =	vst v4  }
0x49: {  	v50 =	vshll.u32 v43, $0x10;
	v5 =	vand.u32 $0xFFFFFE00, v47;
	v3 =	vor.u32 $0x180, v3;
	[tilespmem:$0x320] =	vst v46  }
0x4a: {  	v53 =	vand.u32 $0x7F, v40;
	v52 =	vadd.s32 v50, v5;
	[tilespmem:$0x3A0] =	vst v3;
	v3 =	vadd.s32 v40, v49  }
0x4b: {  	[tilespmem:$0x630] =	vst v3;
	v3 =	vor.u32 v53, v52  }
0x4c: {  	v56 =	vld [tilespmem:$0x150];
	[tilespmem:$0x230] =	vst v3;
	v4 =	vor.u32 $0x80, v3  }
0x4d: {  	v59 =	vld [tilespmem:$0x50];
	v55 =	vshll.u32 v48, $0x2;
	v57 =	vshll.u32 v51, $0xE;
	v54 =	vor.u32 $0x100, v3;
	[tilespmem:$0x2B0] =	vst v4  }
0x4e: {  	v58 =	vshll.u32 v51, $0x10;
	v5 =	vand.u32 $0xFFFFFE00, v55;
	v3 =	vor.u32 $0x180, v3;
	[tilespmem:$0x330] =	vst v54  }
0x4f: {  	v61 =	vand.u32 $0x7F, v48;
	v60 =	vadd.s32 v58, v5;
	[tilespmem:$0x3B0] =	vst v3;
	v3 =	vadd.s32 v48, v57  }
0x50: {  	[tilespmem:$0x640] =	vst v3;
	v3 =	vor.u32 v61, v60  }
0x51: {  	v12 =	vld [tilespmem:$0x160];
	[tilespmem:$0x240] =	vst v3;
	v4 =	vor.u32 $0x80, v3  }
0x52: {  	v15 =	vld [tilespmem:$0x60];
	v63 =	vshll.u32 v56, $0x2;
	v13 =	vshll.u32 v59, $0xE;
	v62 =	vor.u32 $0x100, v3;
	[tilespmem:$0x2C0] =	vst v4  }
0x53: {  	v14 =	vshll.u32 v59, $0x10;
	v5 =	vand.u32 $0xFFFFFE00, v63;
	v3 =	vor.u32 $0x180, v3;
	[tilespmem:$0x340] =	vst v62  }
0x54: {  	v17 =	vand.u32 $0x7F, v56;
	v16 =	vadd.s32 v14, v5;
	[tilespmem:$0x3C0] =	vst v3;
	v3 =	vadd.s32 v56, v13  }
0x55: {  	[tilespmem:$0x650] =	vst v3;
	v3 =	vor.u32 v17, v16  }
0x56: {  	v20 =	vld [tilespmem:$0x170];
	[tilespmem:$0x250] =	vst v3;
	v4 =	vor.u32 $0x80, v3  }
0x57: {  	v23 =	vld [tilespmem:$0x70];
	v19 =	vshll.u32 v12, $0x2;
	v21 =	vshll.u32 v15, $0xE;
	v18 =	vor.u32 $0x100, v3;
	[tilespmem:$0x2D0] =	vst v4  }
0x58: {  	v22 =	vshll.u32 v15, $0x10;
	v5 =	vand.u32 $0xFFFFFE00, v19;
	v3 =	vor.u32 $0x180, v3;
	[tilespmem:$0x350] =	vst v18  }
0x59: {  	v25 =	vand.u32 $0x7F, v12;
	v24 =	vadd.s32 v22, v5;
	[tilespmem:$0x3D0] =	vst v3;
	v3 =	vadd.s32 v12, v21  }
0x5a: {  	[tilespmem:$0x660] =	vst v3;
	v3 =	vor.u32 v25, v24  }
0x5b: {  	v28 =	vld [tilespmem:$0x180];
	[tilespmem:$0x260] =	vst v3;
	v4 =	vor.u32 $0x80, v3  }
0x5c: {  	v31 =	vld [tilespmem:$0x80];
	v27 =	vshll.u32 v20, $0x2;
	v29 =	vshll.u32 v23, $0xE;
	v26 =	vor.u32 $0x100, v3;
	[tilespmem:$0x2E0] =	vst v4  }
0x5d: {  	v30 =	vshll.u32 v23, $0x10;
	v5 =	vand.u32 $0xFFFFFE00, v27;
	v3 =	vor.u32 $0x180, v3;
	[tilespmem:$0x360] =	vst v26  }
0x5e: {  	v33 =	vand.u32 $0x7F, v20;
	v32 =	vadd.s32 v30, v5;
	[tilespmem:$0x3E0] =	vst v3;
	v3 =	vadd.s32 v20, v29  }
0x5f: {  	[tilespmem:$0x670] =	vst v3;
	v3 =	vor.u32 v33, v32  }
0x60: {  	v39 =	vld [tilespmem:$0x90];
	[tilespmem:$0x270] =	vst v3;
	v4 =	vor.u32 $0x80, v3  }
0x61: {  	v35 =	vshll.u32 v28, $0x2;
	v36 =	vld [tilespmem:$0x190];
	v37 =	vshll.u32 v31, $0xE;
	v34 =	vor.u32 $0x100, v3;
	[tilespmem:$0x2F0] =	vst v4  }
0x62: {  	v38 =	vshll.u32 v31, $0x10;
	v5 =	vand.u32 $0xFFFFFE00, v35;
	v3 =	vor.u32 $0x180, v3;
	[tilespmem:$0x370] =	vst v34  }
0x63: {  	v41 =	vand.u32 $0x7F, v28;
	v40 =	vadd.s32 v38, v5;
	[tilespmem:$0x3F0] =	vst v3;
	v3 =	vadd.s32 v28, v37  }
0x64: {  	[tilespmem:$0x680] =	vst v3;
	v3 =	vor.u32 v41, v40  }
0x65: {  	v47 =	vld [tilespmem:$0xA0];
	[tilespmem:$0x400] =	vst v3;
	v4 =	vor.u32 $0x80, v3  }
0x66: {  	v44 =	vld [tilespmem:$0x1A0];
	v45 =	vshll.u32 v39, $0xE;
	v43 =	vshll.u32 v36, $0x2;
	v42 =	vor.u32 $0x100, v3;
	[tilespmem:$0x480] =	vst v4  }
0x67: {  	v46 =	vshll.u32 v39, $0x10;
	v5 =	vand.u32 $0xFFFFFE00, v43;
	v3 =	vor.u32 $0x180, v3;
	[tilespmem:$0x500] =	vst v42  }
0x68: {  	v49 =	vand.u32 $0x7F, v36;
	v48 =	vadd.s32 v46, v5;
	[tilespmem:$0x580] =	vst v3;
	v3 =	vadd.s32 v36, v45  }
0x69: {  	[tilespmem:$0x690] =	vst v3;
	v3 =	vor.u32 v49, v48  }
0x6a: {  	v55 =	vld [tilespmem:$0xB0];
	[tilespmem:$0x410] =	vst v3;
	v4 =	vor.u32 $0x80, v3  }
0x6b: {  	v52 =	vld [tilespmem:$0x1B0];
	v53 =	vshll.u32 v47, $0xE;
	v51 =	vshll.u32 v44, $0x2;
	v50 =	vor.u32 $0x100, v3;
	[tilespmem:$0x490] =	vst v4  }
0x6c: {  	v54 =	vshll.u32 v47, $0x10;
	v5 =	vand.u32 $0xFFFFFE00, v51;
	v3 =	vor.u32 $0x180, v3;
	[tilespmem:$0x510] =	vst v50  }
0x6d: {  	v57 =	vand.u32 $0x7F, v44;
	v56 =	vadd.s32 v54, v5;
	[tilespmem:$0x590] =	vst v3;
	v3 =	vadd.s32 v44, v53  }
0x6e: {  	[tilespmem:$0x6A0] =	vst v3;
	v3 =	vor.u32 v57, v56  }
0x6f: {  	v63 =	vld [tilespmem:$0xC0];
	[tilespmem:$0x420] =	vst v3;
	v4 =	vor.u32 $0x80, v3  }
0x70: {  	v60 =	vld [tilespmem:$0x1C0];
	v61 =	vshll.u32 v55, $0xE;
	v59 =	vshll.u32 v52, $0x2;
	v58 =	vor.u32 $0x100, v3;
	[tilespmem:$0x4A0] =	vst v4  }
0x71: {  	v62 =	vshll.u32 v55, $0x10;
	v5 =	vand.u32 $0xFFFFFE00, v59;
	v3 =	vor.u32 $0x180, v3;
	[tilespmem:$0x520] =	vst v58  }
0x72: {  	v11 =	vadd.s32 v62, v5;
	v12 =	vand.u32 $0x7F, v52;
	[tilespmem:$0x5A0] =	vst v3;
	v3 =	vadd.s32 v52, v61  }
0x73: {  	[tilespmem:$0x6B0] =	vst v3;
	v3 =	vor.u32 v12, v11  }
0x74: {  	v15 =	vld [tilespmem:$0x1D0];
	[tilespmem:$0x430] =	vst v3;
	v4 =	vor.u32 $0x80, v3  }
0x75: {  	v16 =	vshll.u32 v63, $0xE;
	v14 =	vshll.u32 v60, $0x2;
	v13 =	vor.u32 $0x100, v3;
	[tilespmem:$0x4B0] =	vst v4  }
0x76: {  	v17 =	vshll.u32 v63, $0x10;
	v18 =	vld [tilespmem:$0xD0];
	v5 =	vand.u32 $0xFFFFFE00, v14;
	v3 =	vor.u32 $0x180, v3;
	[tilespmem:$0x530] =	vst v13  }
0x77: {  	v19 =	vadd.s32 v17, v5;
	v20 =	vand.u32 $0x7F, v60;
	[tilespmem:$0x5B0] =	vst v3;
	v3 =	vadd.s32 v60, v16  }
0x78: {  	[tilespmem:$0x6C0] =	vst v3;
	v3 =	vor.u32 v20, v19  }
0x79: {  	v23 =	vld [tilespmem:$0x1E0];
	v22 =	vshll.u32 v15, $0x2;
	[tilespmem:$0x440] =	vst v3;
	v4 =	vor.u32 $0x80, v3  }
0x7a: {  	v5 =	vand.u32 $0xFFFFFE00, v22;
	v21 =	vor.u32 $0x100, v3;
	[tilespmem:$0x4C0] =	vst v4  }
0x7b: {  	v26 =	vld [tilespmem:$0xE0];
	v24 =	vshll.u32 v18, $0xE;
	v25 =	vshll.u32 v18, $0x10;
	v3 =	vor.u32 $0x180, v3;
	[tilespmem:$0x540] =	vst v21  }
0x7c: {  	v27 =	vadd.s32 v25, v5;
	v28 =	vand.u32 $0x7F, v15;
	[tilespmem:$0x5C0] =	vst v3;
	v3 =	vadd.s32 v15, v24  }
0x7d: {  	[tilespmem:$0x6D0] =	vst v3;
	v3 =	vor.u32 v28, v27  }
0x7e: {  	v30 =	vshll.u32 v23, $0x2;
	[tilespmem:$0x450] =	vst v3;
	v4 =	vor.u32 $0x80, v3  }
0x7f: {  	v5 =	vand.u32 $0xFFFFFE00, v30;
	v29 =	vor.u32 $0x100, v3;
	v31 =	vld [tilespmem:$0x1F0];
	[tilespmem:$0x4D0] =	vst v4  }
0x80: {  	v32 =	vshll.u32 v26, $0xE;
	v33 =	vshll.u32 v26, $0x10;
	v3 =	vor.u32 $0x180, v3;
	v34 =	vld [tilespmem:$0xF0];
	[tilespmem:$0x550] =	vst v29  }
0x81: {  	v35 =	vadd.s32 v33, v5;
	v36 =	vand.u32 $0x7F, v23;
	[tilespmem:$0x5D0] =	vst v3;
	v3 =	vadd.s32 v23, v32  }
0x82: {  	[tilespmem:$0x6E0] =	vst v3;
	v3 =	vor.u32 v36, v35  }
0x83: {  	[tilespmem:$0x460] =	vst v3;
	v4 =	vor.u32 $0x80, v3  }
0x84: {  	v37 =	vor.u32 $0x100, v3;
	v3 =	vor.u32 $0x180, v3;
	[tilespmem:$0x4E0] =	vst v4;
	v38 =	vshll.u32 v31, $0x2  }
0x85: {  	[tilespmem:$0x560] =	vst v37;
	v39 =	vshll.u32 v34, $0xE;
	v40 =	vshll.u32 v34, $0x10;
	v5 =	vand.u32 $0xFFFFFE00, v38  }
0x86: {  	[tilespmem:$0x5E0] =	vst v3;
	v42 =	vand.u32 $0x7F, v31;
	v3 =	vadd.s32 v31, v39;
	v41 =	vadd.s32 v40, v5  }
0x87: {  	[tilespmem:$0x6F0] =	vst v3;
	v3 =	vor.u32 v42, v41  }
0x88: {  	[tilespmem:$0x470] =	vst v3;
	v4 =	vor.u32 $0x80, v3  }
0x89: {  	v43 =	vor.u32 $0x100, v3;
	[tilespmem:$0x4F0] =	vst v4  }
0x8a: {  	v3 =	vor.u32 $0x180, v3;
	[tilespmem:$0x570] =	vst v43  }
0x8b: {  	s1 =	simm.s32 $0x200;
	s3 =	simm.s32 $0x700;
	[tilespmem:$0x5F0] =	vst v3  }
0x8c: {  	[tilespmem:s3], [sflag:$0x2] =	stream.indirect.gather [hbm4b:s0+s18], $0x1, s1, s18, $0xb8;
	[tilespmem:$0x6D00] =	vst v63  }
0x8d: {  	s1 =	simm.s32 $0x280;
	s3 =	simm.s32 $0x780  }
0x8e: {  	[tilespmem:s3], [sflag:$0x2] =	stream.indirect.gather [hbm4b:s0+s18], $0x1, s1, s18, $0xb8;
	[tilespmem:$0x6D00] =	vst v63  }
0x8f: {  	s1 =	simm.s32 $0x300;
	s3 =	simm.s32 $0x800  }
0x90: {  	[tilespmem:s3], [sflag:$0x2] =	stream.indirect.gather [hbm4b:s0+s18], $0x1, s1, s18, $0xb8;
	[tilespmem:$0x6D00] =	vst v63  }
0x91: {  	s1 =	simm.s32 $0x380;
	s3 =	simm.s32 $0x880  }
0x92: {  	[tilespmem:s3], [sflag:$0x2] =	stream.indirect.gather [hbm4b:s0+s18], $0x1, s1, s18, $0xb8;
	[tilespmem:$0x6D00] =	vst v63  }
0x93: {  	s1 =	simm.s32 $0x400;
	s3 =	simm.s32 $0x900  }
0x94: {  	[tilespmem:s3], [sflag:$0x3] =	stream.indirect.gather [hbm4b:s0+s18], $0x1, s1, s18, $0xb8;
	[tilespmem:$0x6D00] =	vst v63  }
0x95: {  	s1 =	simm.s32 $0x480;
	s3 =	simm.s32 $0x980  }
0x96: {  	[tilespmem:s3], [sflag:$0x3] =	stream.indirect.gather [hbm4b:s0+s18], $0x1, s1, s18, $0xb8;
	[tilespmem:$0x6D00] =	vst v63  }
0x97: {  	s1 =	simm.s32 $0x500;
	s3 =	simm.s32 $0xA00  }
0x98: {  	[tilespmem:s3], [sflag:$0x3] =	stream.indirect.gather [hbm4b:s0+s18], $0x1, s1, s18, $0xb8;
	[tilespmem:$0x6D00] =	vst v63  }
0x99: {  	s3 =	simm.s32 $0x580  }
0x9a: {  	[tilespmem:s16], [sflag:$0x3] =	stream.indirect.gather [hbm4b:s0+s18], $0x1, s3, s18, $0xb8;
	[tilespmem:$0x6D00] =	vst v63  }
0x9b: {  	s1 =	simm.s32 $0x0  }
0x9c: {  	[hbm4b:s8+s1] =	stream.linear.scatter [tilespmem:s19], [sflag:$0x4], $0x100, $0x38;
	[tilespmem:$0x6D00] =	vst v63  }
0x9d: {  	_ =	swait.ge [sflag:s20], $0x80  }
0x9e: {  	[sflag:s20] =	ssyncset.done $0x0  }
0x9f: {  	[sflag:s20] =	ssyncadd.s32 $0xFFFFFF80  }
0xa0: {  	_ =	swait.ge [sflag:s20], $0x80  }
0xa1: {  	[sflag:s20] =	ssyncset.done $0x0  }
0xa2: {  	[sflag:s20] =	ssyncadd.s32 $0xFFFFFF80  }
0xa3: {  	_ =	swait.ge [sflag:s20], $0x80  }
0xa4: {  	[sflag:s20] =	ssyncset.done $0x0  }
0xa5: {  	[sflag:s20] =	ssyncadd.s32 $0xFFFFFF80  }
0xa6: {  	_ =	swait.ge [sflag:s20], $0x80  }
0xa7: {  	[sflag:s20] =	ssyncset.done $0x0  }
0xa8: {  	[sflag:s20] =	ssyncadd.s32 $0xFFFFFF80  }
0xa9: {  	v3 =	vld [tilespmem:$0x0];
	_ =	sdelay $0x4  }
0xaa: {  	v3 =	vshll.u32 v3, $0x2  }
0xab: {  	v10 =	vld [tilespmem:$0x700];
	v44 =	vor.u32 $0x1, v3  }
0xac: {  	v11 =	vld [tilespmem:$0x780];
	v45 =	vor.u32 $0x2, v3  }
0xad: {  	v12 =	vld [tilespmem:$0x800];
	v46 =	vor.u32 $0x3, v3  }
0xae: {  	v13 =	vld [tilespmem:$0x880]  }
0xaf: {  	v47 =	vld.idx.msk [tilespmem:v3+s15+$0x0], $0xffff  }
0xb0: {  	v48 =	vld.idx.msk [tilespmem:v44+s15+$0x0], $0xffff  }
0xb1: {  	v14 =	vld.idx.msk [tilespmem:v45+s15+$0x0], $0xffff  }
0xb2: {  	v49 =	vld.idx.msk [tilespmem:v46+s15+$0x0], $0xffff;
	_ =	sdelay $0x2  }
0xb3: {  	v53 =	vsub.f32 v12, v10;
	v54 =	vsub.f32 v13, v11  }
0xb4: {  	v3 =	vmax.f32 v47, v10;
	v4 =	vmax.f32 v48, v11;
	v5 =	vmin.f32 v14, v12  }
0xb5: {  	v50 =	vsub.f32 v14, v47;
	v51 =	vsub.f32 v49, v48;
	v52 =	vmin.f32 v49, v13  }
0xb6: {  	v3 =	vsub.f32 v5, v3;
	v4 =	vsub.f32 v52, v4  }
0xb7: {  	v56 =	vmul.f32 v54, v53;
	v55 =	vmul.f32 v51, v50  }
0xb8: {  	v3 =	vmax.f32 v3, $0.0e+00;
	v4 =	vmax.f32 v4, $0.0e+00  }
0xb9: {  	v3 =	vmul.f32 v4, v3;
	v57 =	vadd.f32 v55, v56;
	_ =	sdelay $0x1  }
0xba: {  	v4 =	vsub.f32 v57, v3;
	_ =	sdelay $0x1  }
0xbb: {  	[tilespmem:$0x1F9A0] =	vst v11;
	v11 =	vmax.f32 v4, $9.999999970e-07  }
0xbc: {  	(erf) = vrcp.f32 v11;
	_ =	sdelay $0x2  }
0xbd: {  	v58 =	vld [tilespmem:$0x10];
	_ =	sdelay $0x4  }
0xbe: {  	v4 =	vshll.u32 v58, $0x2  }
0xbf: {  	v62 =	vld [tilespmem:$0x710];
	v60 =	vor.u32 $0x1, v4;
	v59 =	vpop (erf)  }
0xc0: {  	v63 =	vld [tilespmem:$0x790];
	v18 =	vor.u32 $0x3, v4;
	v61 =	vmul.f32 v59, v3  }
0xc1: {  	v19 =	vld [tilespmem:$0x810];
	v3 =	vor.u32 $0x2, v4  }
0xc2: {  	v15 =	vld [tilespmem:$0x890];
	[tilespmem:$0xB00] =	vst v61  }
0xc3: {  	v7 =	vld.idx.msk [tilespmem:v4+s15+$0x0], $0xffff  }
0xc4: {  	v20 =	vld.idx.msk [tilespmem:v60+s15+$0x0], $0xffff  }
0xc5: {  	v22 =	vld.idx.msk [tilespmem:v18+s15+$0x0], $0xffff  }
0xc6: {  	v21 =	vld.idx.msk [tilespmem:v3+s15+$0x0], $0xffff;
	_ =	sdelay $0x2  }
0xc7: {  	v27 =	vsub.f32 v19, v62;
	v28 =	vsub.f32 v15, v63  }
0xc8: {  	v3 =	vmax.f32 v7, v62;
	v23 =	vmax.f32 v20, v63;
	v25 =	vsub.f32 v22, v20  }
0xc9: {  	v26 =	vmin.f32 v22, v15;
	v24 =	vmin.f32 v21, v19;
	v6 =	vsub.f32 v21, v7  }
0xca: {  	v4 =	vsub.f32 v26, v23;
	v3 =	vsub.f32 v24, v3  }
0xcb: {  	v30 =	vmul.f32 v28, v27;
	v29 =	vmul.f32 v25, v6  }
0xcc: {  	v4 =	vmax.f32 v4, $0.0e+00;
	v3 =	vmax.f32 v3, $0.0e+00  }
0xcd: {  	v3 =	vmul.f32 v4, v3;
	v31 =	vadd.f32 v29, v30;
	_ =	sdelay $0x1  }
0xce: {  	v4 =	vsub.f32 v31, v3;
	_ =	sdelay $0x1  }
0xcf: {  	v4 =	vmax.f32 v4, $9.999999970e-07  }
0xd0: {  	(erf) = vrcp.f32 v4;
	_ =	sdelay $0x2  }
0xd1: {  	v32 =	vld [tilespmem:$0x20];
	_ =	sdelay $0x4  }
0xd2: {  	[tilespmem:$0x1FBA0] =	vst v4;
	v4 =	vshll.u32 v32, $0x2  }
0xd3: {  	v36 =	vld [tilespmem:$0x720];
	v34 =	vor.u32 $0x1, v4;
	v33 =	vpop (erf)  }
0xd4: {  	v37 =	vld [tilespmem:$0x7A0];
	v38 =	vor.u32 $0x3, v4;
	v35 =	vmul.f32 v33, v3  }
0xd5: {  	v39 =	vld [tilespmem:$0x820];
	v3 =	vor.u32 $0x2, v4  }
0xd6: {  	v43 =	vld [tilespmem:$0x8A0];
	[tilespmem:$0xB10] =	vst v35  }
0xd7: {  	v40 =	vld.idx.msk [tilespmem:v4+s15+$0x0], $0xffff  }
0xd8: {  	[tilespmem:$0x1F9D0] =	vst v7;
	v7 =	vld.idx.msk [tilespmem:v34+s15+$0x0], $0xffff  }
0xd9: {  	v42 =	vld.idx.msk [tilespmem:v38+s15+$0x0], $0xffff  }
0xda: {  	v41 =	vld.idx.msk [tilespmem:v3+s15+$0x0], $0xffff;
	_ =	sdelay $0x1  }
0xdb: {  	[tilespmem:$0x1F950] =	vst v47  }
0xdc: {  	[tilespmem:$0x1F990] =	vst v48;
	v47 =	vsub.f32 v39, v36;
	v48 =	vsub.f32 v43, v37  }
0xdd: {  	[tilespmem:$0x1FA90] =	vst v7;
	v3 =	vmax.f32 v40, v36;
	v44 =	vmax.f32 v7, v37;
	v7 =	vsub.f32 v42, v7  }
0xde: {  	v46 =	vmin.f32 v42, v43;
	v45 =	vmin.f32 v41, v39;
	v6 =	vsub.f32 v41, v40  }
0xdf: {  	v4 =	vsub.f32 v46, v44;
	v3 =	vsub.f32 v45, v3  }
0xe0: {  	[tilespmem:$0x1F970] =	vst v49;
	v50 =	vmul.f32 v48, v47;
	v49 =	vmul.f32 v7, v6  }
0xe1: {  	v4 =	vmax.f32 v4, $0.0e+00;
	v3 =	vmax.f32 v3, $0.0e+00  }
0xe2: {  	v3 =	vmul.f32 v4, v3;
	v51 =	vadd.f32 v49, v50;
	_ =	sdelay $0x1  }
0xe3: {  	v4 =	vsub.f32 v51, v3;
	_ =	sdelay $0x1  }
0xe4: {  	v4 =	vmax.f32 v4, $9.999999970e-07  }
0xe5: {  	(erf) = vrcp.f32 v4;
	_ =	sdelay $0x2  }
0xe6: {  	v52 =	vld [tilespmem:$0x30];
	_ =	sdelay $0x4  }
0xe7: {  	[tilespmem:$0x1FBD0] =	vst v4;
	v4 =	vshll.u32 v52, $0x2  }
0xe8: {  	v56 =	vld [tilespmem:$0x730];
	v54 =	vor.u32 $0x1, v4;
	v53 =	vpop (erf)  }
0xe9: {  	v57 =	vld [tilespmem:$0x7B0];
	v58 =	vor.u32 $0x3, v4;
	v55 =	vmul.f32 v53, v3  }
0xea: {  	[tilespmem:$0x1FA20] =	vst v63;
	v59 =	vld [tilespmem:$0x830];
	v3 =	vor.u32 $0x2, v4  }
0xeb: {  	v63 =	vld [tilespmem:$0x8B0];
	[tilespmem:$0xB20] =	vst v55  }
0xec: {  	v7 =	vld.idx.msk [tilespmem:v4+s15+$0x0], $0xffff  }
0xed: {  	v60 =	vld.idx.msk [tilespmem:v54+s15+$0x0], $0xffff  }
0xee: {  	[tilespmem:$0x1F9E0] =	vst v62;
	v62 =	vld.idx.msk [tilespmem:v58+s15+$0x0], $0xffff  }
0xef: {  	[tilespmem:$0x1FBB0] =	vst v61;
	v61 =	vld.idx.msk [tilespmem:v3+s15+$0x0], $0xffff;
	_ =	sdelay $0x1  }
0xf0: {  	[tilespmem:$0x1F9C0] =	vst v19  }
0xf1: {  	[tilespmem:$0x1FA10] =	vst v20;
	v19 =	vsub.f32 v59, v56;
	v20 =	vsub.f32 v63, v57  }
0xf2: {  	[tilespmem:$0x1F940] =	vst v12;
	v3 =	vmax.f32 v7, v56;
	v12 =	vmax.f32 v60, v57;
	v17 =	vsub.f32 v62, v60  }
0xf3: {  	v18 =	vmin.f32 v62, v63;
	v16 =	vmin.f32 v61, v59;
	v6 =	vsub.f32 v61, v7  }
0xf4: {  	[tilespmem:$0x1F9F0] =	vst v22;
	v4 =	vsub.f32 v18, v12;
	v3 =	vsub.f32 v16, v3  }
0xf5: {  	[tilespmem:$0x1F9B0] =	vst v21;
	v22 =	vmul.f32 v20, v19;
	v21 =	vmul.f32 v17, v6  }
0xf6: {  	v4 =	vmax.f32 v4, $0.0e+00;
	v3 =	vmax.f32 v3, $0.0e+00  }
0xf7: {  	v3 =	vmul.f32 v4, v3;
	v23 =	vadd.f32 v21, v22;
	_ =	sdelay $0x1  }
0xf8: {  	v4 =	vsub.f32 v23, v3;
	_ =	sdelay $0x1  }
0xf9: {  	v4 =	vmax.f32 v4, $9.999999970e-07  }
0xfa: {  	(erf) = vrcp.f32 v4;
	_ =	sdelay $0x2  }
0xfb: {  	v24 =	vld [tilespmem:$0x40];
	_ =	sdelay $0x4  }
0xfc: {  	[tilespmem:$0x1FBF0] =	vst v4;
	v4 =	vshll.u32 v24, $0x2  }
0xfd: {  	v28 =	vld [tilespmem:$0x740];
	v26 =	vor.u32 $0x1, v4;
	v25 =	vpop (erf)  }
0xfe: {  	v29 =	vld [tilespmem:$0x7C0];
	v30 =	vor.u32 $0x3, v4;
	v27 =	vmul.f32 v25, v3  }
0xff: {  	v31 =	vld [tilespmem:$0x840];
	[tilespmem:$0x1FBC0] =	vst v35;
	v3 =	vor.u32 $0x2, v4  }
0x100: {  	v35 =	vld [tilespmem:$0x8C0];
	[tilespmem:$0xB30] =	vst v27  }
0x101: {  	[tilespmem:$0x1FAD0] =	vst v7;
	v7 =	vld.idx.msk [tilespmem:v4+s15+$0x0], $0xffff  }
0x102: {  	v32 =	vld.idx.msk [tilespmem:v26+s15+$0x0], $0xffff  }
0x103: {  	v34 =	vld.idx.msk [tilespmem:v30+s15+$0x0], $0xffff  }
0x104: {  	v33 =	vld.idx.msk [tilespmem:v3+s15+$0x0], $0xffff  }
0x105: {  	[tilespmem:$0x1FA60] =	vst v36  }
0x106: {  	[tilespmem:$0x1FA50] =	vst v40  }
0x107: {  	[tilespmem:$0x1FA30] =	vst v41;
	v40 =	vsub.f32 v31, v28;
	v41 =	vsub.f32 v35, v29  }
0x108: {  	[tilespmem:$0x1FAA0] =	vst v37;
	v3 =	vmax.f32 v7, v28;
	v36 =	vmax.f32 v32, v29;
	v38 =	vsub.f32 v34, v32  }
0x109: {  	[tilespmem:$0x1FA40] =	vst v39;
	v39 =	vmin.f32 v34, v35;
	v37 =	vmin.f32 v33, v31;
	v6 =	vsub.f32 v33, v7  }
0x10a: {  	[tilespmem:$0x1FA80] =	vst v43;
	v4 =	vsub.f32 v39, v36;
	v3 =	vsub.f32 v37, v3  }
0x10b: {  	[tilespmem:$0x1FA70] =	vst v42;
	v43 =	vmul.f32 v41, v40;
	v42 =	vmul.f32 v38, v6  }
0x10c: {  	v4 =	vmax.f32 v4, $0.0e+00;
	v3 =	vmax.f32 v3, $0.0e+00  }
0x10d: {  	v3 =	vmul.f32 v4, v3;
	v44 =	vadd.f32 v42, v43;
	_ =	sdelay $0x1  }
0x10e: {  	v4 =	vsub.f32 v44, v3;
	_ =	sdelay $0x1  }
0x10f: {  	v4 =	vmax.f32 v4, $9.999999970e-07  }
0x110: {  	(erf) = vrcp.f32 v4;
	_ =	sdelay $0x2  }
0x111: {  	v45 =	vld [tilespmem:$0x50];
	_ =	sdelay $0x4  }
0x112: {  	[tilespmem:$0x1FC80] =	vst v4;
	v4 =	vshll.u32 v45, $0x2  }
0x113: {  	v49 =	vld [tilespmem:$0x750];
	v47 =	vor.u32 $0x1, v4;
	v46 =	vpop (erf)  }
0x114: {  	v50 =	vld [tilespmem:$0x7D0];
	v51 =	vor.u32 $0x3, v4;
	v48 =	vmul.f32 v46, v3  }
0x115: {  	[tilespmem:$0x1FAE0] =	vst v56;
	v52 =	vld [tilespmem:$0x850];
	v3 =	vor.u32 $0x2, v4  }
0x116: {  	v56 =	vld [tilespmem:$0x8D0];
	[tilespmem:$0xB40] =	vst v48  }
0x117: {  	[tilespmem:$0x1FB50] =	vst v7;
	v7 =	vld.idx.msk [tilespmem:v4+s15+$0x0], $0xffff  }
0x118: {  	v53 =	vld.idx.msk [tilespmem:v47+s15+$0x0], $0xffff  }
0x119: {  	[tilespmem:$0x1FBE0] =	vst v55;
	v55 =	vld.idx.msk [tilespmem:v51+s15+$0x0], $0xffff  }
0x11a: {  	v54 =	vld.idx.msk [tilespmem:v3+s15+$0x0], $0xffff  }
0x11b: {  	[tilespmem:$0x1FB20] =	vst v57  }
0x11c: {  	[tilespmem:$0x1FAF0] =	vst v62  }
0x11d: {  	[tilespmem:$0x1FAB0] =	vst v61;
	v61 =	vsub.f32 v52, v49;
	v62 =	vsub.f32 v56, v50  }
0x11e: {  	[tilespmem:$0x1FAC0] =	vst v59;
	v3 =	vmax.f32 v7, v49;
	v57 =	vmax.f32 v53, v50;
	v59 =	vsub.f32 v55, v53  }
0x11f: {  	[tilespmem:$0x1FB10] =	vst v60;
	v60 =	vmin.f32 v55, v56;
	v58 =	vmin.f32 v54, v52;
	v6 =	vsub.f32 v54, v7  }
0x120: {  	v4 =	vsub.f32 v60, v57;
	v3 =	vsub.f32 v58, v3  }
0x121: {  	[tilespmem:$0x1FB00] =	vst v63;
	v9 =	vmul.f32 v62, v61;
	v63 =	vmul.f32 v59, v6  }
0x122: {  	v4 =	vmax.f32 v4, $0.0e+00;
	v3 =	vmax.f32 v3, $0.0e+00  }
0x123: {  	[tilespmem:$0x1F960] =	vst v10;
	v3 =	vmul.f32 v4, v3;
	v10 =	vadd.f32 v63, v9;
	_ =	sdelay $0x1  }
0x124: {  	v4 =	vsub.f32 v10, v3;
	_ =	sdelay $0x1  }
0x125: {  	v4 =	vmax.f32 v4, $9.999999970e-07  }
0x126: {  	(erf) = vrcp.f32 v4;
	_ =	sdelay $0x2  }
0x127: {  	[tilespmem:$0x1F980] =	vst v13;
	v13 =	vld [tilespmem:$0x60];
	_ =	sdelay $0x3  }
0x128: {  	[tilespmem:$0x1FA00] =	vst v15  }
0x129: {  	[tilespmem:$0x1FE30] =	vst v4;
	v4 =	vshll.u32 v13, $0x2  }
0x12a: {  	[tilespmem:$0x1F930] =	vst v14;
	v21 =	vld [tilespmem:$0x760];
	v15 =	vor.u32 $0x1, v4;
	v14 =	vpop (erf)  }
0x12b: {  	v22 =	vld [tilespmem:$0x7E0];
	v17 =	vor.u32 $0x3, v4;
	v16 =	vmul.f32 v14, v3  }
0x12c: {  	v23 =	vld [tilespmem:$0x860];
	v3 =	vor.u32 $0x2, v4  }
0x12d: {  	v24 =	vld [tilespmem:$0x8E0];
	[tilespmem:$0xB50] =	vst v16  }
0x12e: {  	[tilespmem:$0x1FC20] =	vst v7;
	v7 =	vld.idx.msk [tilespmem:v4+s15+$0x0], $0xffff  }
0x12f: {  	v18 =	vld.idx.msk [tilespmem:v15+s15+$0x0], $0xffff  }
0x130: {  	v20 =	vld.idx.msk [tilespmem:v17+s15+$0x0], $0xffff  }
0x131: {  	v19 =	vld.idx.msk [tilespmem:v3+s15+$0x0], $0xffff;
	_ =	sdelay $0x2  }
0x132: {  	[tilespmem:$0x1FB90] =	vst v29;
	v29 =	vsub.f32 v23, v21;
	v10 =	vsub.f32 v24, v22  }
0x133: {  	[tilespmem:$0x1FE10] =	vst v27;
	v3 =	vmax.f32 v7, v21;
	v25 =	vmax.f32 v18, v22;
	v27 =	vsub.f32 v20, v18  }
0x134: {  	[tilespmem:$0x1FB60] =	vst v28;
	v28 =	vmin.f32 v20, v24;
	v26 =	vmin.f32 v19, v23;
	v6 =	vsub.f32 v19, v7  }
0x135: {  	v4 =	vsub.f32 v28, v25;
	v3 =	vsub.f32 v26, v3  }
0x136: {  	[tilespmem:$0x1FB40] =	vst v31;
	v31 =	vmul.f32 v10, v29;
	v30 =	vmul.f32 v27, v6  }
0x137: {  	v4 =	vmax.f32 v4, $0.0e+00;
	v3 =	vmax.f32 v3, $0.0e+00  }
0x138: {  	[tilespmem:$0x1FB80] =	vst v32;
	v3 =	vmul.f32 v4, v3;
	v32 =	vadd.f32 v30, v31;
	_ =	sdelay $0x1  }
0x139: {  	v4 =	vsub.f32 v32, v3;
	_ =	sdelay $0x1  }
0x13a: {  	v4 =	vmax.f32 v4, $9.999999970e-07  }
0x13b: {  	(erf) = vrcp.f32 v4;
	_ =	sdelay $0x2  }
0x13c: {  	[tilespmem:$0x1FB30] =	vst v33;
	v33 =	vld [tilespmem:$0x70];
	_ =	sdelay $0x4  }
0x13d: {  	[tilespmem:$0x1FE60] =	vst v4;
	v4 =	vshll.u32 v33, $0x2  }
0x13e: {  	v41 =	vld [tilespmem:$0x770];
	v12 =	vmov v35;
	[tilespmem:$0x1FB70] =	vst v34;
	v35 =	vor.u32 $0x1, v4;
	v34 =	vpop (erf)  }
0x13f: {  	v42 =	vld [tilespmem:$0x7F0];
	v37 =	vor.u32 $0x3, v4;
	v36 =	vmul.f32 v34, v3  }
0x140: {  	v43 =	vld [tilespmem:$0x870];
	v3 =	vor.u32 $0x2, v4  }
0x141: {  	v44 =	vld [tilespmem:$0x8F0];
	[tilespmem:$0xB60] =	vst v36  }
0x142: {  	[tilespmem:$0x1FCB0] =	vst v7;
	v7 =	vld.idx.msk [tilespmem:v4+s15+$0x0], $0xffff  }
0x143: {  	v38 =	vld.idx.msk [tilespmem:v35+s15+$0x0], $0xffff  }
0x144: {  	v40 =	vld.idx.msk [tilespmem:v37+s15+$0x0], $0xffff  }
0x145: {  	[tilespmem:$0x1FD40] =	vst v41;
	v39 =	vld.idx.msk [tilespmem:v3+s15+$0x0], $0xffff  }
0x146: {  	[tilespmem:$0x1FC30] =	vst v49  }
0x147: {  	[tilespmem:$0x1FC70] =	vst v50  }
0x148: {  	[tilespmem:$0x1FC10] =	vst v52;
	v49 =	vsub.f32 v43, v41;
	v10 =	vsub.f32 v44, v42  }
0x149: {  	[tilespmem:$0x1FC50] =	vst v56;
	v3 =	vmax.f32 v7, v41;
	v45 =	vmax.f32 v38, v42;
	v47 =	vsub.f32 v40, v38  }
0x14a: {  	[tilespmem:$0x1FE20] =	vst v48;
	v48 =	vmin.f32 v40, v44;
	v46 =	vmin.f32 v39, v43;
	v6 =	vsub.f32 v39, v7  }
0x14b: {  	[tilespmem:$0x1FCC0] =	vst v21;
	v4 =	vsub.f32 v48, v45;
	v3 =	vsub.f32 v46, v3  }
0x14c: {  	[tilespmem:$0x1FD00] =	vst v22;
	v51 =	vmul.f32 v10, v49;
	v50 =	vmul.f32 v47, v6  }
0x14d: {  	[tilespmem:$0x1FCA0] =	vst v23;
	v4 =	vmax.f32 v4, $0.0e+00;
	v3 =	vmax.f32 v3, $0.0e+00  }
0x14e: {  	[tilespmem:$0x1FCE0] =	vst v24;
	v3 =	vmul.f32 v4, v3;
	v52 =	vadd.f32 v50, v51  }
0x14f: {  	[tilespmem:$0x1FD80] =	vst v42  }
0x150: {  	[tilespmem:$0x1FD20] =	vst v43;
	v4 =	vsub.f32 v52, v3  }
0x151: {  	[tilespmem:$0x1FD60] =	vst v44  }
0x152: {  	[tilespmem:$0x1FC60] =	vst v53;
	v4 =	vmax.f32 v4, $9.999999970e-07  }
0x153: {  	[tilespmem:$0x1FC40] =	vst v55;
	(erf) = vrcp.f32 v4  }
0x154: {  	[tilespmem:$0x1FC00] =	vst v54  }
0x155: {  	[tilespmem:$0x1FE70] =	vst v16  }
0x156: {  	[tilespmem:$0x1FCF0] =	vst v18  }
0x157: {  	[tilespmem:$0x1FCD0] =	vst v20  }
0x158: {  	[tilespmem:$0x1FC90] =	vst v19  }
0x159: {  	[tilespmem:$0x1FE90] =	vst v36  }
0x15a: {  	[tilespmem:$0x1FD30] =	vst v7  }
0x15b: {  	[tilespmem:$0x1FD70] =	vst v38  }
0x15c: {  	[tilespmem:$0x1FE80] =	vst v4;
	v4 =	vpop (erf)  }
0x15d: {  	[tilespmem:$0x1FD50] =	vst v40;
	v3 =	vmul.f32 v4, v3  }
0x15e: {  	[tilespmem:$0x1FD10] =	vst v39  }
0x15f: {  	[tilespmem:$0x1FEA0] =	vst v3  }
0x160: {  	[tilespmem:$0xB70] =	vst v3  }
0x161: {  	[hbm4b:s6+s1] =	stream.linear.scatter [tilespmem:s21], [sflag:$0x4], $0x80, $0x38;
	[tilespmem:$0x6D00] =	vst v63  }
0x162: {  	_ =	swait.ge [sflag:s22], $0x80  }
0x163: {  	[sflag:s22] =	ssyncset.done $0x0  }
0x164: {  	[sflag:s22] =	ssyncadd.s32 $0xFFFFFF80  }
0x165: {  	_ =	swait.ge [sflag:s22], $0x80  }
0x166: {  	[sflag:s22] =	ssyncset.done $0x0  }
0x167: {  	[sflag:s22] =	ssyncadd.s32 $0xFFFFFF80  }
0x168: {  	_ =	swait.ge [sflag:s22], $0x80  }
0x169: {  	[sflag:s22] =	ssyncset.done $0x0  }
0x16a: {  	[sflag:s22] =	ssyncadd.s32 $0xFFFFFF80  }
0x16b: {  	_ =	swait.ge [sflag:s22], $0x80  }
0x16c: {  	[sflag:s22] =	ssyncset.done $0x0  }
0x16d: {  	[sflag:s22] =	ssyncadd.s32 $0xFFFFFF80  }
0x16e: {  	v3 =	vld [tilespmem:$0x80];
	_ =	sdelay $0x4  }
0x16f: {  	v3 =	vshll.u32 v3, $0x2  }
0x170: {  	v60 =	vld [tilespmem:$0x900];
	v53 =	vor.u32 $0x1, v3  }
0x171: {  	v61 =	vld [tilespmem:$0x980];
	v54 =	vor.u32 $0x2, v3  }
0x172: {  	v16 =	vld [tilespmem:$0xA00];
	v55 =	vor.u32 $0x3, v3  }
0x173: {  	v62 =	vld [tilespmem:$0xA80]  }
0x174: {  	v56 =	vld.idx.msk [tilespmem:v3+s15+$0x0], $0xffff  }
0x175: {  	v57 =	vld.idx.msk [tilespmem:v53+s15+$0x0], $0xffff  }
0x176: {  	v58 =	vld.idx.msk [tilespmem:v54+s15+$0x0], $0xffff  }
0x177: {  	v59 =	vld.idx.msk [tilespmem:v55+s15+$0x0], $0xffff;
	_ =	sdelay $0x2  }
0x178: {  	v19 =	vsub.f32 v16, v60;
	v20 =	vsub.f32 v62, v61  }
0x179: {  	v3 =	vmax.f32 v56, v60;
	v4 =	vmax.f32 v57, v61;
	v5 =	vmin.f32 v58, v16  }
0x17a: {  	v63 =	vsub.f32 v58, v56;
	v17 =	vsub.f32 v59, v57;
	v18 =	vmin.f32 v59, v62  }
0x17b: {  	v3 =	vsub.f32 v5, v3;
	v4 =	vsub.f32 v18, v4  }
0x17c: {  	v22 =	vmul.f32 v20, v19;
	v21 =	vmul.f32 v17, v63  }
0x17d: {  	v3 =	vmax.f32 v3, $0.0e+00;
	v4 =	vmax.f32 v4, $0.0e+00  }
0x17e: {  	v3 =	vmul.f32 v4, v3;
	v23 =	vadd.f32 v21, v22;
	_ =	sdelay $0x1  }
0x17f: {  	v4 =	vsub.f32 v23, v3;
	_ =	sdelay $0x1  }
0x180: {  	v4 =	vmax.f32 v4, $9.999999970e-07  }
0x181: {  	(erf) = vrcp.f32 v4;
	_ =	sdelay $0x2  }
0x182: {  	v24 =	vld [tilespmem:$0x90];
	_ =	sdelay $0x4  }
0x183: {  	[tilespmem:$0x1FEB0] =	vst v4;
	v4 =	vshll.u32 v24, $0x2  }
0x184: {  	v54 =	vld [tilespmem:$0xA10];
	v26 =	vor.u32 $0x1, v4;
	v25 =	vpop (erf)  }
0x185: {  	v55 =	vld [tilespmem:$0xA90];
	[tilespmem:$0x1FDB0] =	vst v56;
	v28 =	vor.u32 $0x3, v4;
	v27 =	vmul.f32 v25, v3  }
0x186: {  	[tilespmem:$0x1FDF0] =	vst v57;
	v56 =	vld [tilespmem:$0x910];
	v3 =	vor.u32 $0x2, v4  }
0x187: {  	v57 =	vld [tilespmem:$0x990];
	[tilespmem:$0xB80] =	vst v27  }
0x188: {  	v7 =	vld.idx.msk [tilespmem:v4+s15+$0x0], $0xffff  }
0x189: {  	v29 =	vld.idx.msk [tilespmem:v26+s15+$0x0], $0xffff  }
0x18a: {  	[tilespmem:$0x1FDE0] =	vst v62;
	v62 =	vld.idx.msk [tilespmem:v28+s15+$0x0], $0xffff  }
0x18b: {  	[tilespmem:$0x1FD90] =	vst v58;
	v58 =	vld.idx.msk [tilespmem:v3+s15+$0x0], $0xffff;
	_ =	sdelay $0x2  }
0x18c: {  	v35 =	vsub.f32 v54, v56;
	v36 =	vsub.f32 v55, v57  }
0x18d: {  	v3 =	vmax.f32 v7, v56;
	v30 =	vmax.f32 v29, v57;
	v33 =	vsub.f32 v62, v29  }
0x18e: {  	v34 =	vmin.f32 v62, v55;
	v31 =	vmin.f32 v58, v54;
	v32 =	vsub.f32 v58, v7  }
0x18f: {  	v4 =	vsub.f32 v34, v30;
	v3 =	vsub.f32 v31, v3  }
0x190: {  	v38 =	vmul.f32 v36, v35;
	v37 =	vmul.f32 v33, v32  }
0x191: {  	v4 =	vmax.f32 v4, $0.0e+00;
	v3 =	vmax.f32 v3, $0.0e+00  }
0x192: {  	v3 =	vmul.f32 v4, v3;
	v39 =	vadd.f32 v37, v38;
	_ =	sdelay $0x1  }
0x193: {  	v4 =	vsub.f32 v39, v3;
	_ =	sdelay $0x1  }
0x194: {  	v4 =	vmax.f32 v4, $9.999999970e-07  }
0x195: {  	(erf) = vrcp.f32 v4;
	_ =	sdelay $0x2  }
0x196: {  	v40 =	vld [tilespmem:$0xA0];
	_ =	sdelay $0x4  }
0x197: {  	[tilespmem:$0x1FED0] =	vst v4;
	v4 =	vshll.u32 v40, $0x2  }
0x198: {  	v48 =	vld [tilespmem:$0x9A0];
	v42 =	vor.u32 $0x1, v4;
	v41 =	vpop (erf)  }
0x199: {  	[tilespmem:$0x1FDD0] =	vst v59;
	v59 =	vld [tilespmem:$0xA20];
	v44 =	vor.u32 $0x3, v4;
	v43 =	vmul.f32 v41, v3  }
0x19a: {  	[tilespmem:$0x1FE00] =	vst v61;
	v61 =	vld [tilespmem:$0xAA0];
	v3 =	vor.u32 $0x2, v4  }
0x19b: {  	v63 =	vld [tilespmem:$0x920];
	[tilespmem:$0xB90] =	vst v43  }
0x19c: {  	[tilespmem:$0x1FE40] =	vst v7;
	v7 =	vld.idx.msk [tilespmem:v4+s15+$0x0], $0xffff  }
0x19d: {  	v45 =	vld.idx.msk [tilespmem:v42+s15+$0x0], $0xffff  }
0x19e: {  	v47 =	vld.idx.msk [tilespmem:v44+s15+$0x0], $0xffff  }
0x19f: {  	v46 =	vld.idx.msk [tilespmem:v3+s15+$0x0], $0xffff;
	_ =	sdelay $0x2  }
0x1a0: {  	v10 =	vsub.f32 v61, v48;
	v53 =	vsub.f32 v59, v63  }
0x1a1: {  	v3 =	vmax.f32 v7, v63;
	v49 =	vmax.f32 v45, v48;
	v51 =	vsub.f32 v47, v45  }
0x1a2: {  	v52 =	vmin.f32 v47, v61;
	v50 =	vmin.f32 v46, v59;
	v6 =	vsub.f32 v46, v7  }
0x1a3: {  	v4 =	vsub.f32 v52, v49;
	v3 =	vsub.f32 v50, v3  }
0x1a4: {  	[tilespmem:$0x1FDC0] =	vst v60;
	v10 =	vmul.f32 v10, v53;
	v60 =	vmul.f32 v51, v6  }
0x1a5: {  	v4 =	vmax.f32 v4, $0.0e+00;
	v3 =	vmax.f32 v3, $0.0e+00  }
0x1a6: {  	v3 =	vmul.f32 v4, v3;
	v13 =	vadd.f32 v60, v10;
	_ =	sdelay $0x1  }
0x1a7: {  	v4 =	vsub.f32 v13, v3;
	_ =	sdelay $0x1  }
0x1a8: {  	v4 =	vmax.f32 v4, $9.999999970e-07  }
0x1a9: {  	(erf) = vrcp.f32 v4;
	_ =	sdelay $0x2  }
0x1aa: {  	v14 =	vld [tilespmem:$0xB0];
	_ =	sdelay $0x3  }
0x1ab: {  	[tilespmem:$0x1FDA0] =	vst v16  }
0x1ac: {  	[tilespmem:$0x1FF40] =	vst v4;
	v4 =	vshll.u32 v14, $0x2  }
0x1ad: {  	[tilespmem:$0x1FF20] =	vst v48;
	v48 =	vld [tilespmem:$0x930];
	v16 =	vor.u32 $0x1, v4;
	v15 =	vpop (erf)  }
0x1ae: {  	[tilespmem:$0x1FF00] =	vst v47;
	v47 =	vld [tilespmem:$0xAB0];
	v18 =	vor.u32 $0x3, v4;
	v17 =	vmul.f32 v15, v3  }
0x1af: {  	v49 =	vld [tilespmem:$0x9B0];
	[tilespmem:$0x1FEE0] =	vst v46;
	v3 =	vor.u32 $0x2, v4  }
0x1b0: {  	v46 =	vld [tilespmem:$0xA30];
	[tilespmem:$0xBA0] =	vst v17  }
0x1b1: {  	v52 =	vld.idx.msk [tilespmem:v4+s15+$0x0], $0xffff  }
0x1b2: {  	v53 =	vld.idx.msk [tilespmem:v16+s15+$0x0], $0xffff  }
0x1b3: {  	v51 =	vld.idx.msk [tilespmem:v18+s15+$0x0], $0xffff  }
0x1b4: {  	v50 =	vld.idx.msk [tilespmem:v3+s15+$0x0], $0xffff;
	_ =	sdelay $0x2  }
0x1b5: {  	v25 =	vsub.f32 v47, v49;
	v24 =	vsub.f32 v46, v48  }
0x1b6: {  	v3 =	vmax.f32 v52, v48;
	v19 =	vmax.f32 v53, v49;
	v22 =	vsub.f32 v51, v53  }
0x1b7: {  	v23 =	vmin.f32 v51, v47;
	v20 =	vmin.f32 v50, v46;
	v21 =	vsub.f32 v50, v52  }
0x1b8: {  	v4 =	vsub.f32 v23, v19;
	v3 =	vsub.f32 v20, v3  }
0x1b9: {  	[tilespmem:$0x1FEC0] =	vst v27;
	v27 =	vmul.f32 v25, v24;
	v26 =	vmul.f32 v22, v21  }
0x1ba: {  	v4 =	vmax.f32 v4, $0.0e+00;
	v3 =	vmax.f32 v3, $0.0e+00  }
0x1bb: {  	v3 =	vmul.f32 v4, v3;
	v28 =	vadd.f32 v26, v27;
	_ =	sdelay $0x1  }
0x1bc: {  	v4 =	vsub.f32 v28, v3;
	_ =	sdelay $0x1  }
0x1bd: {  	v4 =	vmax.f32 v4, $9.999999970e-07  }
0x1be: {  	(erf) = vrcp.f32 v4;
	_ =	sdelay $0x2  }
0x1bf: {  	[tilespmem:$0x1FE50] =	vst v29;
	v29 =	vld [tilespmem:$0xC0];
	_ =	sdelay $0x4  }
0x1c0: {  	[tilespmem:$0x1FF50] =	vst v4;
	v4 =	vshll.u32 v29, $0x2  }
0x1c1: {  	v38 =	vld [tilespmem:$0xA40];
	v31 =	vor.u32 $0x1, v4;
	v30 =	vpop (erf)  }
0x1c2: {  	v39 =	vld [tilespmem:$0xAC0];
	v33 =	vor.u32 $0x3, v4;
	v32 =	vmul.f32 v30, v3  }
0x1c3: {  	v40 =	vld [tilespmem:$0x940];
	v3 =	vor.u32 $0x2, v4  }
0x1c4: {  	v42 =	vld [tilespmem:$0x9C0];
	[tilespmem:$0xBB0] =	vst v32  }
0x1c5: {  	v44 =	vld.idx.msk [tilespmem:v4+s15+$0x0], $0xffff  }
0x1c6: {  	[tilespmem:$0x1FF10] =	vst v45;
	v45 =	vld.idx.msk [tilespmem:v31+s15+$0x0], $0xffff  }
0x1c7: {  	[tilespmem:$0x1FF30] =	vst v43;
	v43 =	vld.idx.msk [tilespmem:v33+s15+$0x0], $0xffff  }
0x1c8: {  	v41 =	vld.idx.msk [tilespmem:v3+s15+$0x0], $0xffff;
	_ =	sdelay $0x2  }
0x1c9: {  	v13 =	vsub.f32 v38, v40;
	v14 =	vsub.f32 v39, v42  }
0x1ca: {  	v3 =	vmax.f32 v44, v40;
	v34 =	vmax.f32 v45, v42;
	v37 =	vsub.f32 v43, v45  }
0x1cb: {  	v60 =	vmin.f32 v43, v39;
	v35 =	vmin.f32 v41, v38;
	v36 =	vsub.f32 v41, v44  }
0x1cc: {  	v4 =	vsub.f32 v60, v34;
	v3 =	vsub.f32 v35, v3  }
0x1cd: {  	v16 =	vmul.f32 v14, v13;
	v15 =	vmul.f32 v37, v36  }
0x1ce: {  	v4 =	vmax.f32 v4, $0.0e+00;
	v3 =	vmax.f32 v3, $0.0e+00  }
0x1cf: {  	[tilespmem:$0x1FF60] =	vst v17;
	v3 =	vmul.f32 v4, v3;
	v17 =	vadd.f32 v15, v16;
	_ =	sdelay $0x1  }
0x1d0: {  	v4 =	vsub.f32 v17, v3;
	_ =	sdelay $0x1  }
0x1d1: {  	v4 =	vmax.f32 v4, $9.999999970e-07  }
0x1d2: {  	(erf) = vrcp.f32 v4;
	_ =	sdelay $0x2  }
0x1d3: {  	v18 =	vld [tilespmem:$0xD0];
	_ =	sdelay $0x4  }
0x1d4: {  	[tilespmem:$0x1FF70] =	vst v4;
	v4 =	vshll.u32 v18, $0x2  }
0x1d5: {  	v29 =	vld [tilespmem:$0xA50];
	v20 =	vor.u32 $0x1, v4;
	v19 =	vpop (erf)  }
0x1d6: {  	v30 =	vld [tilespmem:$0xAD0];
	v22 =	vor.u32 $0x3, v4;
	v21 =	vmul.f32 v19, v3  }
0x1d7: {  	v31 =	vld [tilespmem:$0x950];
	v3 =	vor.u32 $0x2, v4  }
0x1d8: {  	v33 =	vld [tilespmem:$0x9D0];
	[tilespmem:$0xBC0] =	vst v21  }
0x1d9: {  	v36 =	vld.idx.msk [tilespmem:v4+s15+$0x0], $0xffff  }
0x1da: {  	v37 =	vld.idx.msk [tilespmem:v20+s15+$0x0], $0xffff  }
0x1db: {  	v34 =	vld.idx.msk [tilespmem:v22+s15+$0x0], $0xffff  }
0x1dc: {  	[tilespmem:$0x1FF80] =	vst v32;
	v32 =	vld.idx.msk [tilespmem:v3+s15+$0x0], $0xffff;
	_ =	sdelay $0x2  }
0x1dd: {  	v28 =	vsub.f32 v29, v31;
	v35 =	vsub.f32 v30, v33  }
0x1de: {  	v3 =	vmax.f32 v36, v31;
	v23 =	vmax.f32 v37, v33;
	v26 =	vsub.f32 v34, v37  }
0x1df: {  	v27 =	vmin.f32 v34, v30;
	v24 =	vmin.f32 v32, v29;
	v25 =	vsub.f32 v32, v36  }
0x1e0: {  	v4 =	vsub.f32 v27, v23;
	v3 =	vsub.f32 v24, v3  }
0x1e1: {  	v10 =	vmul.f32 v35, v28;
	v60 =	vmul.f32 v26, v25  }
0x1e2: {  	v4 =	vmax.f32 v4, $0.0e+00;
	v3 =	vmax.f32 v3, $0.0e+00  }
0x1e3: {  	v3 =	vmul.f32 v4, v3;
	v13 =	vadd.f32 v60, v10;
	_ =	sdelay $0x1  }
0x1e4: {  	v4 =	vsub.f32 v13, v3;
	_ =	sdelay $0x1  }
0x1e5: {  	v4 =	vmax.f32 v4, $9.999999970e-07  }
0x1e6: {  	(erf) = vrcp.f32 v4;
	_ =	sdelay $0x2  }
0x1e7: {  	v14 =	vld [tilespmem:$0xE0];
	_ =	sdelay $0x4  }
0x1e8: {  	[tilespmem:$0x1FF90] =	vst v4;
	v4 =	vshll.u32 v14, $0x2  }
0x1e9: {  	[tilespmem:$0x1FFA0] =	vst v21;
	v21 =	vld [tilespmem:$0xA60];
	v16 =	vor.u32 $0x1, v4;
	v15 =	vpop (erf)  }
0x1ea: {  	v22 =	vld [tilespmem:$0x960];
	v18 =	vor.u32 $0x3, v4;
	v17 =	vmul.f32 v15, v3  }
0x1eb: {  	v26 =	vld [tilespmem:$0x9E0];
	v3 =	vor.u32 $0x2, v4  }
0x1ec: {  	v25 =	vld [tilespmem:$0xAE0];
	[tilespmem:$0xBD0] =	vst v17  }
0x1ed: {  	v24 =	vld.idx.msk [tilespmem:v4+s15+$0x0], $0xffff  }
0x1ee: {  	v28 =	vld.idx.msk [tilespmem:v16+s15+$0x0], $0xffff  }
0x1ef: {  	v27 =	vld.idx.msk [tilespmem:v18+s15+$0x0], $0xffff  }
0x1f0: {  	v23 =	vld.idx.msk [tilespmem:v3+s15+$0x0], $0xffff;
	_ =	sdelay $0x2  }
0x1f1: {  	v14 =	vsub.f32 v21, v22;
	v15 =	vsub.f32 v25, v26  }
0x1f2: {  	v3 =	vmax.f32 v24, v22;
	v19 =	vmax.f32 v28, v26;
	v60 =	vsub.f32 v27, v28  }
0x1f3: {  	v13 =	vmin.f32 v27, v25;
	v20 =	vmin.f32 v23, v21;
	v35 =	vsub.f32 v23, v24  }
0x1f4: {  	v4 =	vsub.f32 v13, v19;
	v3 =	vsub.f32 v20, v3  }
0x1f5: {  	[tilespmem:$0x1FFC0] =	vst v17;
	v17 =	vmul.f32 v15, v14;
	v16 =	vmul.f32 v60, v35  }
0x1f6: {  	v4 =	vmax.f32 v4, $0.0e+00;
	v3 =	vmax.f32 v3, $0.0e+00  }
0x1f7: {  	v3 =	vmul.f32 v4, v3;
	v18 =	vadd.f32 v16, v17;
	_ =	sdelay $0x1  }
0x1f8: {  	v4 =	vsub.f32 v18, v3;
	_ =	sdelay $0x1  }
0x1f9: {  	v4 =	vmax.f32 v4, $9.999999970e-07  }
0x1fa: {  	(erf) = vrcp.f32 v4;
	_ =	sdelay $0x2  }
0x1fb: {  	v19 =	vld [tilespmem:$0xF0];
	_ =	sdelay $0x4  }
0x1fc: {  	[tilespmem:$0x1FFB0] =	vst v4;
	v4 =	vshll.u32 v19, $0x2  }
0x1fd: {  	v15 =	vld [tilespmem:$0x970];
	v35 =	vor.u32 $0x1, v4;
	v20 =	vpop (erf)  }
0x1fe: {  	v14 =	vld [tilespmem:$0xAF0];
	v8 =	vor.u32 $0x3, v4;
	v60 =	vmul.f32 v20, v3  }
0x1ff: {  	v13 =	vld [tilespmem:$0xA70];
	v3 =	vor.u32 $0x2, v4  }
0x200: {  	v17 =	vld [tilespmem:$0x9F0];
	[tilespmem:$0xBE0] =	vst v60  }
0x201: {  	v19 =	vld.idx.msk [tilespmem:v4+s15+$0x0], $0xffff  }
0x202: {  	v20 =	vld.idx.msk [tilespmem:v35+s15+$0x0], $0xffff  }
0x203: {  	v18 =	vld.idx.msk [tilespmem:v8+s15+$0x0], $0xffff  }
0x204: {  	v16 =	vld.idx.msk [tilespmem:v3+s15+$0x0], $0xffff;
	_ =	sdelay $0x1  }
0x205: {  	v9 =	vsub.f32 v13, v15;
	v10 =	vsub.f32 v14, v17;
	_ =	sdelay $0x1  }
0x206: {  	v4 =	vmul.f32 v10, v9  }
0x207: {  	[tilespmem:$0x1FEF0] =	vst v7;
	v10 =	vld [tilespmem:$0x1F950];
	v35 =	vmax.f32 v19, v15;
	v6 =	vsub.f32 v18, v20;
	v7 =	vmin.f32 v16, v13  }
0x208: {  	v8 =	vsub.f32 v16, v19;
	v7 =	vsub.f32 v7, v35;
	v35 =	vld [tilespmem:$0x1F960]  }
0x209: {  	v9 =	vld [tilespmem:$0x1F940]  }
0x20a: {  	v6 =	vmul.f32 v6, v8;
	v8 =	vld [tilespmem:$0x1F930]  }
0x20b: {  	[tilespmem:$0x1FFF0] =	vst v60;
	v60 =	vmax.f32 v20, v17;
	v3 =	vmin.f32 v18, v14  }
0x20c: {  	v3 =	vsub.f32 v3, v60;
	v60 =	vmax.f32 v7, $0.0e+00;
	v7 =	vld [tilespmem:$0x1F990]  }
0x20d: {  	v5 =	vmin.f32 v10, v35;
	v10 =	vld [tilespmem:$0x1F980]  }
0x20e: {  	v3 =	vmax.f32 v3, $0.0e+00;
	v35 =	vld [tilespmem:$0x1F9A0]  }
0x20f: {  	v60 =	vmul.f32 v3, v60;
	v3 =	vadd.f32 v6, v4;
	v4 =	vmax.f32 v8, v9;
	v9 =	vld [tilespmem:$0x1F970];
	_ =	sdelay $0x4  }
0x210: {  	v7 =	vmin.f32 v7, v35;
	v35 =	vld [tilespmem:$0x1F9E0];
	v6 =	vmax.f32 v9, v10  }
0x211: {  	v4 =	vsub.f32 v4, v5;
	v5 =	vsub.f32 v6, v7;
	v7 =	vld [tilespmem:$0x1F9D0];
	_ =	sdelay $0x1  }
0x212: {  	v8 =	vld [tilespmem:$0x1F9F0]  }
0x213: {  	v9 =	vld [tilespmem:$0x1F9B0]  }
0x214: {  	v10 =	vld [tilespmem:$0x1F9C0]  }
0x215: {  	v7 =	vmin.f32 v7, v35;
	v35 =	vld [tilespmem:$0x1FA00];
	_ =	sdelay $0x3  }
0x216: {  	v6 =	vmax.f32 v9, v10;
	v9 =	vld [tilespmem:$0x1FA10]  }
0x217: {  	v8 =	vmax.f32 v8, v35;
	v35 =	vld [tilespmem:$0x1FA20];
	_ =	sdelay $0x4  }
0x218: {  	v10 =	vmin.f32 v9, v35;
	v35 =	vld [tilespmem:$0x1FA40]  }
0x219: {  	v6 =	vsub.f32 v6, v7;
	v7 =	vsub.f32 v8, v10;
	v8 =	vld [tilespmem:$0x1FA30];
	_ =	sdelay $0x3  }
0x21a: {  	v9 =	vld [tilespmem:$0x1FA50]  }
0x21b: {  	v8 =	vmax.f32 v8, v35;
	v35 =	vld [tilespmem:$0x1FA60];
	_ =	sdelay $0x3  }
0x21c: {  	[tilespmem:$0x1FFD0] =	vst v60;
	v3 =	vsub.f32 v3, v60;
	v60 =	vld [tilespmem:$0x1FA70]  }
0x21d: {  	v10 =	vmin.f32 v9, v35;
	v35 =	vld [tilespmem:$0x1FA80];
	_ =	sdelay $0x2  }
0x21e: {  	v4 =	vmax.f32 v4, $0.0e+00  }
0x21f: {  	v5 =	vmax.f32 v5, $0.0e+00;
	v6 =	vmax.f32 v6, $0.0e+00;
	v7 =	vmax.f32 v7, $0.0e+00  }
0x220: {  	v4 =	vmul.f32 v5, v4;
	v5 =	vmul.f32 v7, v6;
	v7 =	vmax.f32 v60, v35;
	v60 =	vld [tilespmem:$0x1FA90]  }
0x221: {  	v35 =	vld [tilespmem:$0x1FAA0];
	_ =	sdelay $0x3  }
0x222: {  	v6 =	vsub.f32 v8, v10;
	v10 =	vld [tilespmem:$0x1FAC0]  }
0x223: {  	v8 =	vmin.f32 v60, v35;
	v60 =	vld [tilespmem:$0x1FAB0];
	_ =	sdelay $0x1  }
0x224: {  	v35 =	vmax.f32 v3, $9.999999970e-07;
	v3 =	vsub.f32 v7, v8;
	_ =	sdelay $0x1  }
0x225: {  	v6 =	vmax.f32 v6, $0.0e+00;
	v3 =	vmax.f32 v3, $0.0e+00  }
0x226: {  	v3 =	vmul.f32 v3, v6;
	v6 =	vmax.f32 v60, v10;
	v60 =	vld [tilespmem:$0x1FAD0]  }
0x227: {  	v10 =	vld [tilespmem:$0x1FAE0];
	_ =	sdelay $0x3  }
0x228: {  	v8 =	vld [tilespmem:$0x1FB00]  }
0x229: {  	v7 =	vmin.f32 v60, v10;
	v60 =	vld [tilespmem:$0x1FAF0];
	_ =	sdelay $0x4  }
0x22a: {  	v10 =	vsub.f32 v6, v7;
	v7 =	vmax.f32 v60, v8;
	v60 =	vld [tilespmem:$0x1FB10]  }
0x22b: {  	v8 =	vld [tilespmem:$0x1FB20];
	_ =	sdelay $0x3  }
0x22c: {  	v6 =	vmax.f32 v3, $9.999999970e-07;
	v3 =	vld [tilespmem:$0x1FB30]  }
0x22d: {  	v60 =	vmin.f32 v60, v8;
	v8 =	vld [tilespmem:$0x1FB40];
	_ =	sdelay $0x3  }
0x22e: {  	v7 =	vsub.f32 v7, v60;
	v60 =	vld [tilespmem:$0x1FB60]  }
0x22f: {  	v8 =	vmax.f32 v3, v8;
	v3 =	vld [tilespmem:$0x1FB50];
	_ =	sdelay $0x4  }
0x230: {  	v9 =	vmax.f32 v5, $9.999999970e-07;
	v5 =	vmin.f32 v3, v60;
	v3 =	vld [tilespmem:$0x1FB70];
	_ =	sdelay $0x1  }
0x231: {  	(erf) = vrcp.f32 v35;
	_ =	sdelay $0x1  }
0x232: {  	v4 =	vmax.f32 v4, $9.999999970e-07;
	v60 =	vld [tilespmem:$0x1FB90]  }
0x233: {  	v11 =	vsub.f32 v4, v11;
	(erf) = vrcp.f32 v4;
	v4 =	vmax.f32 v3, v12;
	v3 =	vld [tilespmem:$0x1FB80]  }
0x234: {  	v12 =	vld [tilespmem:$0x1FBA0];
	_ =	sdelay $0x3  }
0x235: {  	v3 =	vmin.f32 v3, v60  }
0x236: {  	v60 =	vmax.f32 v10, $0.0e+00;
	v3 =	vsub.f32 v4, v3;
	v4 =	vsub.f32 v9, v12;
	v12 =	vpop (erf)  }
0x237: {  	[tilespmem:$0x1FFE0] =	vst v12;
	v12 =	vld [tilespmem:$0x1FBB0]  }
0x238: {  	(erf) = vrcp.f32 v9;
	v7 =	vmax.f32 v7, $0.0e+00  }
0x239: {  	v5 =	vsub.f32 v8, v5;
	v7 =	vmul.f32 v7, v60;
	v60 =	vpop (erf)  }
0x23a: {  	v8 =	vmul.f32 v11, v60  }
0x23b: {  	(erf) = vrcp.f32 v6;
	v5 =	vmax.f32 v5, $0.0e+00;
	v3 =	vmax.f32 v3, $0.0e+00  }
0x23c: {  	v3 =	vmul.f32 v3, v5;
	v5 =	vmax.f32 v7, $9.999999970e-07;
	v7 =	vsub.f32 v8, v12;
	v12 =	vld [tilespmem:$0x1FBD0];
	_ =	sdelay $0x2  }
0x23d: {  	v60 =	vld [tilespmem:$0x1FBC0];
	_ =	sdelay $0x1  }
0x23e: {  	v11 =	vpop (erf);
	v6 =	vsub.f32 v6, v12;
	v12 =	vld [tilespmem:$0x1FBF0]  }
0x23f: {  	v4 =	vmul.f32 v4, v11;
	_ =	sdelay $0x1  }
0x240: {  	v4 =	vsub.f32 v4, v60;
	v60 =	vpop (erf)  }
0x241: {  	v6 =	vmul.f32 v6, v60;
	v60 =	vld [tilespmem:$0x1FC00]  }
0x242: {  	(erf) = vrcp.f32 v5;
	v5 =	vsub.f32 v5, v12;
	v12 =	vld [tilespmem:$0x1FC10];
	_ =	sdelay $0x2  }
0x243: {  	v7 =	vadd.f32 $1.000000000e+00, v7;
	v4 =	vadd.f32 $1.000000000e+00, v4;
	_ =	sdelay $0x1  }
0x244: {  	v4 =	vadd.f32 v4, v7;
	v7 =	vmax.f32 v60, v12;
	v60 =	vld [tilespmem:$0x1FC20]  }
0x245: {  	v12 =	vld [tilespmem:$0x1FC30];
	_ =	sdelay $0x4  }
0x246: {  	v8 =	vmin.f32 v60, v12;
	v60 =	vld [tilespmem:$0x1FC40]  }
0x247: {  	v12 =	vld [tilespmem:$0x1FC50];
	_ =	sdelay $0x4  }
0x248: {  	v9 =	vmax.f32 v60, v12;
	v60 =	vld [tilespmem:$0x1FC60]  }
0x249: {  	v12 =	vld [tilespmem:$0x1FC70];
	_ =	sdelay $0x1  }
0x24a: {  	v3 =	vmax.f32 v3, $9.999999970e-07  }
0x24b: {  	v11 =	vld [tilespmem:$0x1FBE0];
	(erf) = vrcp.f32 v3;
	_ =	sdelay $0x1  }
0x24c: {  	v10 =	vmin.f32 v60, v12  }
0x24d: {  	v60 =	vsub.f32 v9, v10;
	v10 =	vld [tilespmem:$0x1FC80];
	_ =	sdelay $0x1  }
0x24e: {  	v6 =	vsub.f32 v6, v11;
	_ =	sdelay $0x1  }
0x24f: {  	v6 =	vadd.f32 $1.000000000e+00, v6  }
0x250: {  	v11 =	vpop (erf);
	v3 =	vsub.f32 v3, v10  }
0x251: {  	v5 =	vmul.f32 v5, v11;
	v11 =	vld [tilespmem:$0x1FCA0];
	v12 =	vadd.f32 v6, v4;
	v4 =	vpop (erf)  }
0x252: {  	v4 =	vmul.f32 v3, v4;
	v3 =	vld [tilespmem:$0x1FC90]  }
0x253: {  	v7 =	vsub.f32 v7, v8;
	_ =	sdelay $0x1  }
0x254: {  	v6 =	vmax.f32 v7, $0.0e+00;
	v60 =	vmax.f32 v60, $0.0e+00  }
0x255: {  	v6 =	vmul.f32 v60, v6;
	v60 =	vld [tilespmem:$0x1FCC0]  }
0x256: {  	v7 =	vmax.f32 v3, v11;
	v3 =	vld [tilespmem:$0x1FCB0];
	_ =	sdelay $0x4  }
0x257: {  	v8 =	vmin.f32 v3, v60;
	v3 =	vld [tilespmem:$0x1FCD0]  }
0x258: {  	v60 =	vld [tilespmem:$0x1FCE0];
	_ =	sdelay $0x4  }
0x259: {  	v9 =	vmax.f32 v3, v60;
	v3 =	vld [tilespmem:$0x1FCF0]  }
0x25a: {  	v60 =	vld [tilespmem:$0x1FD00];
	_ =	sdelay $0x4  }
0x25b: {  	v10 =	vmin.f32 v3, v60;
	v3 =	vld [tilespmem:$0x1FD10]  }
0x25c: {  	v60 =	vld [tilespmem:$0x1FD20];
	_ =	sdelay $0x4  }
0x25d: {  	v7 =	vsub.f32 v7, v8;
	v8 =	vsub.f32 v9, v10;
	v9 =	vmax.f32 v3, v60;
	v3 =	vld [tilespmem:$0x1FD30]  }
0x25e: {  	v60 =	vld [tilespmem:$0x1FD40];
	_ =	sdelay $0x4  }
0x25f: {  	v10 =	vmin.f32 v3, v60;
	v3 =	vld [tilespmem:$0x1FD50]  }
0x260: {  	v60 =	vld [tilespmem:$0x1FD60];
	_ =	sdelay $0x4  }
0x261: {  	v11 =	vmax.f32 v3, v60;
	v3 =	vld [tilespmem:$0x1FD70]  }
0x262: {  	v60 =	vld [tilespmem:$0x1FD80];
	_ =	sdelay $0x4  }
0x263: {  	v3 =	vmin.f32 v3, v60  }
0x264: {  	v9 =	vsub.f32 v9, v10;
	v3 =	vsub.f32 v11, v3  }
0x265: {  	v7 =	vmax.f32 v7, $0.0e+00;
	v8 =	vmax.f32 v8, $0.0e+00  }
0x266: {  	v7 =	vmul.f32 v8, v7;
	v8 =	vld [tilespmem:$0x1FD90];
	v60 =	vmax.f32 v9, $0.0e+00;
	v3 =	vmax.f32 v3, $0.0e+00  }
0x267: {  	v3 =	vmul.f32 v3, v60;
	v60 =	vld [tilespmem:$0x1FDA0];
	_ =	sdelay $0x3  }
0x268: {  	v9 =	vld [tilespmem:$0x1FDB0]  }
0x269: {  	v8 =	vmax.f32 v8, v60;
	v60 =	vld [tilespmem:$0x1FDC0];
	_ =	sdelay $0x3  }
0x26a: {  	v10 =	vld [tilespmem:$0x1FDD0]  }
0x26b: {  	v9 =	vmin.f32 v9, v60;
	v60 =	vld [tilespmem:$0x1FDE0];
	_ =	sdelay $0x3  }
0x26c: {  	v11 =	vld [tilespmem:$0x1FDF0]  }
0x26d: {  	v10 =	vmax.f32 v10, v60;
	v60 =	vld [tilespmem:$0x1FE00];
	_ =	sdelay $0x4  }
0x26e: {  	v11 =	vmin.f32 v11, v60;
	v60 =	vld [tilespmem:$0x1FE10];
	_ =	sdelay $0x4  }
0x26f: {  	v5 =	vsub.f32 v5, v60;
	v60 =	vld [tilespmem:$0x1FE20];
	_ =	sdelay $0x3  }
0x270: {  	v8 =	vsub.f32 v8, v9;
	v9 =	vsub.f32 v10, v11  }
0x271: {  	v6 =	vmax.f32 v6, $9.999999970e-07;
	v4 =	vsub.f32 v4, v60;
	v60 =	vld [tilespmem:$0x1FE30]  }
0x272: {  	(erf) = vrcp.f32 v6;
	v8 =	vmax.f32 v8, $0.0e+00;
	v9 =	vmax.f32 v9, $0.0e+00  }
0x273: {  	v8 =	vmul.f32 v9, v8;
	v9 =	vmax.f32 v58, v54;
	v58 =	vld [tilespmem:$0x1FE50];
	_ =	sdelay $0x1  }
0x274: {  	v7 =	vmax.f32 v7, $9.999999970e-07  }
0x275: {  	(erf) = vrcp.f32 v7;
	v3 =	vmax.f32 v3, $9.999999970e-07;
	v6 =	vsub.f32 v6, v60;
	v60 =	vld [tilespmem:$0x1FE40]  }
0x276: {  	(erf) = vrcp.f32 v3;
	v8 =	vmax.f32 v8, $9.999999970e-07  }
0x277: {  	v62 =	vmax.f32 v62, v55;
	(erf) = vrcp.f32 v8;
	v54 =	vmin.f32 v58, v57;
	v57 =	vld [tilespmem:$0x1FE80]  }
0x278: {  	v55 =	vld [tilespmem:$0x1FE70];
	v5 =	vadd.f32 $1.000000000e+00, v5;
	_ =	sdelay $0x1  }
0x279: {  	v5 =	vadd.f32 v5, v12;
	v12 =	vld [tilespmem:$0x1FEB0];
	v10 =	vmin.f32 v60, v56;
	v60 =	vsub.f32 v62, v54;
	v62 =	vpop (erf)  }
0x27a: {  	v54 =	vld [tilespmem:$0x1FE60];
	v6 =	vmul.f32 v6, v62  }
0x27b: {  	v3 =	vsub.f32 v3, v57;
	v57 =	vld [tilespmem:$0x1FEE0]  }
0x27c: {  	v9 =	vsub.f32 v9, v10;
	v6 =	vsub.f32 v6, v55  }
0x27d: {  	v4 =	vadd.f32 $1.000000000e+00, v4;
	v56 =	vpop (erf);
	v10 =	vmax.f32 v60, $0.0e+00  }
0x27e: {  	v62 =	vld [tilespmem:$0x1FE90];
	v9 =	vmax.f32 v9, $0.0e+00;
	v60 =	vpop (erf);
	v58 =	vadd.f32 $1.000000000e+00, v6;
	v6 =	vsub.f32 v8, v12  }
0x27f: {  	v49 =	vmin.f32 v53, v49;
	v9 =	vmul.f32 v10, v9;
	v10 =	vld [tilespmem:$0x1FEA0];
	v7 =	vsub.f32 v7, v54;
	v54 =	vpop (erf)  }
0x280: {  	v4 =	vadd.f32 v4, v5;
	v5 =	vmul.f32 v6, v54;
	v6 =	vmax.f32 v57, v59;
	v59 =	vld [tilespmem:$0x1FF00]  }
0x281: {  	v53 =	vmin.f32 v44, v40;
	v23 =	vmax.f32 v23, v21;
	v55 =	vld [tilespmem:$0x1FEC0];
	v7 =	vmul.f32 v7, v56  }
0x282: {  	v24 =	vmin.f32 v24, v22;
	v3 =	vmul.f32 v3, v60;
	v60 =	vld [tilespmem:$0x1FF10];
	v12 =	vmax.f32 v50, v46  }
0x283: {  	v9 =	vmax.f32 v9, $9.999999970e-07;
	v4 =	vadd.f32 v58, v4;
	v58 =	vld [tilespmem:$0x1FEF0];
	v7 =	vsub.f32 v7, v62  }
0x284: {  	v46 =	vmin.f32 v52, v48;
	v48 =	vmax.f32 v51, v47;
	(erf) = vrcp.f32 v9;
	v56 =	vld [tilespmem:$0x1FED0]  }
0x285: {  	v3 =	vsub.f32 v3, v10;
	v11 =	vadd.f32 $1.000000000e+00, v7;
	v8 =	vmax.f32 v59, v61;
	v61 =	vld [tilespmem:$0x1FF20]  }
0x286: {  	v14 =	vmax.f32 v18, v14;
	v50 =	vsub.f32 v12, v46;
	v51 =	vsub.f32 v48, v49  }
0x287: {  	v52 =	vmax.f32 v41, v38;
	v3 =	vadd.f32 $1.000000000e+00, v3;
	v4 =	vadd.f32 v11, v4  }
0x288: {  	v54 =	vmax.f32 v43, v39;
	v7 =	vmin.f32 v58, v63;
	v58 =	vmax.f32 v32, v29  }
0x289: {  	v59 =	vmin.f32 v36, v31;
	v6 =	vsub.f32 v6, v7;
	v3 =	vadd.f32 v3, v4  }
0x28a: {  	v4 =	vsub.f32 v5, v55;
	v5 =	vsub.f32 v9, v56;
	v9 =	vmin.f32 v60, v61  }
0x28b: {  	v29 =	vsub.f32 v23, v24;
	v31 =	vmin.f32 v28, v26;
	v63 =	vsub.f32 v8, v9  }
0x28c: {  	v32 =	vmax.f32 v16, v13;
	v6 =	vmax.f32 v6, $0.0e+00;
	v55 =	vmin.f32 v45, v42  }
0x28d: {  	v56 =	vsub.f32 v52, v53;
	v62 =	vpop (erf);
	v57 =	vsub.f32 v54, v55;
	v7 =	vmax.f32 v63, $0.0e+00  }
0x28e: {  	v5 =	vmul.f32 v5, v62;
	v60 =	vmax.f32 v34, v30;
	v6 =	vmul.f32 v7, v6  }
0x28f: {  	v61 =	vmin.f32 v37, v33;
	v8 =	vmax.f32 v51, $0.0e+00;
	v7 =	vmax.f32 v50, $0.0e+00  }
0x290: {  	v62 =	vsub.f32 v58, v59;
	v7 =	vmul.f32 v8, v7;
	v6 =	vmax.f32 v6, $9.999999970e-07  }
0x291: {  	v30 =	vmax.f32 v27, v25;
	v9 =	vmax.f32 v57, $0.0e+00;
	(erf) = vrcp.f32 v6  }
0x292: {  	v63 =	vsub.f32 v60, v61;
	v8 =	vmax.f32 v56, $0.0e+00;
	v7 =	vmax.f32 v7, $9.999999970e-07  }
0x293: {  	v33 =	vmin.f32 v19, v15;
	v8 =	vmul.f32 v9, v8;
	(erf) = vrcp.f32 v7  }
0x294: {  	v38 =	vld [tilespmem:$0x1FF40];
	v34 =	vmin.f32 v20, v17;
	v10 =	vmax.f32 v63, $0.0e+00;
	v9 =	vmax.f32 v62, $0.0e+00  }
0x295: {  	v37 =	vld [tilespmem:$0x1FF30];
	v11 =	vsub.f32 v30, v31;
	v9 =	vmul.f32 v10, v9;
	v8 =	vmax.f32 v8, $9.999999970e-07  }
0x296: {  	v42 =	vld [tilespmem:$0x1FF50];
	v12 =	vsub.f32 v32, v33;
	v36 =	vsub.f32 v14, v34;
	(erf) = vrcp.f32 v8  }
0x297: {  	v11 =	vmax.f32 v11, $0.0e+00;
	v10 =	vmax.f32 v29, $0.0e+00;
	v9 =	vmax.f32 v9, $9.999999970e-07  }
0x298: {  	v45 =	vld [tilespmem:$0x1FF60];
	v4 =	vadd.f32 $1.000000000e+00, v4;
	v10 =	vmul.f32 v11, v10;
	(erf) = vrcp.f32 v9  }
0x299: {  	v46 =	vld [tilespmem:$0x1FF70];
	v39 =	vmax.f32 v12, $0.0e+00;
	v40 =	vmax.f32 v36, $0.0e+00;
	v6 =	vsub.f32 v6, v38  }
0x29a: {  	v47 =	vld [tilespmem:$0x1FF80];
	v5 =	vsub.f32 v5, v37;
	v11 =	vmul.f32 v40, v39;
	v10 =	vmax.f32 v10, $9.999999970e-07;
	v41 =	vpop (erf)  }
0x29b: {  	v49 =	vld [tilespmem:$0x1FF90];
	v7 =	vsub.f32 v7, v42;
	(erf) = vrcp.f32 v10;
	v6 =	vmul.f32 v6, v41  }
0x29c: {  	v3 =	vadd.f32 v4, v3;
	v43 =	vadd.f32 $1.000000000e+00, v5;
	v11 =	vmax.f32 v11, $9.999999970e-07;
	v44 =	vpop (erf)  }
0x29d: {  	v51 =	vld [tilespmem:$0x1FFA0];
	(erf) = vrcp.f32 v11;
	v5 =	vmul.f32 v7, v44;
	v6 =	vsub.f32 v6, v45  }
0x29e: {  	v52 =	vld [tilespmem:$0x1FFB0];
	v3 =	vadd.f32 v43, v3;
	v4 =	vsub.f32 v8, v46  }
0x29f: {  	v53 =	vld [tilespmem:$0x1FFC0];
	v48 =	vpop (erf);
	v5 =	vsub.f32 v5, v47;
	v6 =	vadd.f32 $1.000000000e+00, v6  }
0x2a0: {  	v58 =	vld [tilespmem:$0x1FFD0];
	v7 =	vsub.f32 v9, v49;
	v4 =	vmul.f32 v4, v48  }
0x2a1: {  	v59 =	vld [tilespmem:$0x1FFE0];
	v50 =	vpop (erf);
	v5 =	vadd.f32 $1.000000000e+00, v5;
	v3 =	vadd.f32 v6, v3  }
0x2a2: {  	v60 =	vld [tilespmem:$0x1FFF0];
	v4 =	vsub.f32 v4, v51;
	v6 =	vmul.f32 v7, v50  }
0x2a3: {  	v3 =	vadd.f32 v5, v3;
	v5 =	vsub.f32 v10, v52  }
0x2a4: {  	v4 =	vadd.f32 $1.000000000e+00, v4;
	v6 =	vsub.f32 v6, v53;
	v54 =	vpop (erf)  }
0x2a5: {  	v55 =	vsub.f32 v11, v35;
	v5 =	vmul.f32 v5, v54  }
0x2a6: {  	v57 =	vpop (erf);
	v3 =	vadd.f32 v4, v3;
	v56 =	vadd.f32 $1.000000000e+00, v6  }
0x2a7: {  	v8 =	vmul.f32 v59, v58;
	v6 =	vmul.f32 v55, v57;
	v5 =	vsub.f32 v5, v60  }
0x2a8: {  	v3 =	vadd.f32 v56, v3  }
0x2a9: {  	v62 =	vsub.f32 v6, v8;
	v61 =	vadd.f32 $1.000000000e+00, v5;
	_ =	sdelay $0x1  }
0x2aa: {  	v63 =	vadd.f32 $1.000000000e+00, v62;
	v3 =	vadd.f32 v61, v3;
	_ =	sdelay $0x1  }
0x2ab: {  	[tilespmem:$0xBF0] =	vst v8;
	v3 =	vadd.f32 v63, v3  }
0x2ac: {  	[hbm4b:s9+s1] =	stream.linear.scatter [tilespmem:s23], [sflag:$0x4], $0x80, $0x38;
	[tilespmem:$0x6D00] =	vst v63  }
0x2ad: {  	[tilespmem:$0xC80] =	vst v3  }
0x2ae: {  	[hbm4b:s10+s1] =	stream.linear.scatter [tilespmem:s24], [sflag:$0x1], $0x10, $0x38;
	[tilespmem:$0x6D00] =	vst v63  }
0x2af: {  	_ =	swait.ge [sflag:s25], $0x100  }
0x2b0: {  	[sflag:s25] =	ssyncset.done $0x0  }
0x2b1: {  	[sflag:s25] =	ssyncadd.s32 $0xFFFFFF00  }
0x2b2: {  	_ =	swait.ge [sflag:s25], $0x80  }
0x2b3: {  	[sflag:s25] =	ssyncset.done $0x0  }
0x2b4: {  	[sflag:s25] =	ssyncadd.s32 $0xFFFFFF80  }
0x2b5: {  	_ =	swait.ge [sflag:s25], $0x80  }
0x2b6: {  	[sflag:s25] =	ssyncset.done $0x0  }
0x2b7: {  	[sflag:s25] =	ssyncadd.s32 $0xFFFFFF80  }
0x2b8: {  	[bflag:$0x0] =	sbarrier.arrive $0xFFFF  }
0x2b9: {  	[tilespmem:s26], [sflag:$0x5] =	stream.linear.gather [hbm4b:s11+s1], $0x1000, $0x38;
	[tilespmem:$0x6D00] =	vst v63  }
0x2ba: {  	_ = 	snop  }
0x2bb: {  	[tilespmem:s28], [sflag:$0x5] =	stream.linear.gather [hbm4b:s12+s1], $0x1000, $0x38;
	[tilespmem:$0x6D00] =	vst v63  }
0x2bc: {  	_ =	swait.ge [sflag:s29], $0x1000  }
0x2bd: {  	[sflag:s29] =	ssyncset.done $0x0  }
0x2be: {  	[sflag:s29] =	ssyncadd.s32 $0xFFFFF000  }
0x2bf: {  	_ =	swait.ge [sflag:s29], $0x1000  }
0x2c0: {  	[sflag:s29] =	ssyncset.done $0x0  }
0x2c1: {  	s3 =	simm.s32 $0x40;
	s1 =	simm.s32 $0x0;
	[sflag:s29] =	ssyncadd.s32 $0xFFFFF000  }
.LBB2_4:
0x2c2: {  	p0 =	sne.s32 s3, $0x3C0;
	v3 =	vld [tilespmem:s1+$0x4D00];
	_ =	sdelay $0x4  }
0x2c3: {  	vm0 =	vge.s32 v3, v0;
	vm1 =	vlt.s32 v3, v1  }
0x2c4: {  	vm0 =	vmand vm0, vm1  }
0x2c5: {  	v3 =	vand.u32 $0x3FFF, v3;
	v4 =	vld [tilespmem:s1+$0x5D00]  }
.Ltmp1:
0x2c6: {  	(pc) =	sbr.rel @p0 .LBB2_4-.Ltmp1, $2  }
0x2c7: {  	_ =	sdelay $0x2  }
0x2c8: {  	s1 =	sshra.s32 s3, $0x2;
	s3 =	sadd.s32 $0x40, s3;
	[tilespmem:v3+s30+$0x0] =	vst.idx.msk vm0, v4  }
0x2c9: {  	v3 =	vld [tilespmem:s1+$0x4D00];
	_ =	sdelay $0x4  }
0x2ca: {  	vm0 =	vge.s32 v3, v0;
	vm1 =	vlt.s32 v3, v1  }
0x2cb: {  	vm0 =	vmand vm0, vm1  }
0x2cc: {  	v4 =	vld [tilespmem:s1+$0x5D00];
	v3 =	vand.u32 $0x3FFF, v3;
	_ =	sdelay $0x4  }
0x2cd: {  	s1 =	simm.s32 $0x0;
	s3 =	simm.s32 $0x40;
	[tilespmem:v3+s30+$0x0] =	vst.idx.msk vm0, v4  }
.LBB2_6:
0x2ce: {  	p0 =	sne.s32 s3, $0x3C0;
	v3 =	vld [tilespmem:s1+$0x4E00];
	_ =	sdelay $0x4  }
0x2cf: {  	vm0 =	vge.s32 v3, v0;
	vm1 =	vlt.s32 v3, v1  }
0x2d0: {  	vm0 =	vmand vm0, vm1  }
0x2d1: {  	v3 =	vand.u32 $0x3FFF, v3;
	v4 =	vld [tilespmem:s1+$0x5E00]  }
.Ltmp2:
0x2d2: {  	(pc) =	sbr.rel @p0 .LBB2_6-.Ltmp2, $2  }
0x2d3: {  	_ =	sdelay $0x2  }
0x2d4: {  	s1 =	sshra.s32 s3, $0x2;
	s3 =	sadd.s32 $0x40, s3;
	[tilespmem:v3+s30+$0x0] =	vst.idx.msk vm0, v4  }
0x2d5: {  	v3 =	vld [tilespmem:s1+$0x4E00];
	_ =	sdelay $0x4  }
0x2d6: {  	vm0 =	vge.s32 v3, v0;
	vm1 =	vlt.s32 v3, v1  }
0x2d7: {  	vm0 =	vmand vm0, vm1  }
0x2d8: {  	v4 =	vld [tilespmem:s1+$0x5E00];
	v3 =	vand.u32 $0x3FFF, v3;
	_ =	sdelay $0x4  }
0x2d9: {  	s1 =	simm.s32 $0x0;
	s3 =	simm.s32 $0x40;
	[tilespmem:v3+s30+$0x0] =	vst.idx.msk vm0, v4  }
.LBB2_8:
0x2da: {  	p0 =	sne.s32 s3, $0x3C0;
	v3 =	vld [tilespmem:s1+$0x4F00];
	_ =	sdelay $0x4  }
0x2db: {  	vm0 =	vge.s32 v3, v0;
	vm1 =	vlt.s32 v3, v1  }
0x2dc: {  	vm0 =	vmand vm0, vm1  }
0x2dd: {  	v3 =	vand.u32 $0x3FFF, v3;
	v4 =	vld [tilespmem:s1+$0x5F00]  }
.Ltmp3:
0x2de: {  	(pc) =	sbr.rel @p0 .LBB2_8-.Ltmp3, $2  }
0x2df: {  	_ =	sdelay $0x2  }
0x2e0: {  	s1 =	sshra.s32 s3, $0x2;
	s3 =	sadd.s32 $0x40, s3;
	[tilespmem:v3+s30+$0x0] =	vst.idx.msk vm0, v4  }
0x2e1: {  	v3 =	vld [tilespmem:s1+$0x4F00];
	_ =	sdelay $0x4  }
0x2e2: {  	vm0 =	vge.s32 v3, v0;
	vm1 =	vlt.s32 v3, v1  }
0x2e3: {  	vm0 =	vmand vm0, vm1  }
0x2e4: {  	v4 =	vld [tilespmem:s1+$0x5F00];
	v3 =	vand.u32 $0x3FFF, v3;
	_ =	sdelay $0x4  }
0x2e5: {  	s1 =	simm.s32 $0x0;
	s3 =	simm.s32 $0x40;
	[tilespmem:v3+s30+$0x0] =	vst.idx.msk vm0, v4  }
.LBB2_10:
0x2e6: {  	p0 =	sne.s32 s3, $0x3C0;
	v3 =	vld [tilespmem:s1+$0x5000];
	_ =	sdelay $0x4  }
0x2e7: {  	vm0 =	vge.s32 v3, v0;
	vm1 =	vlt.s32 v3, v1  }
0x2e8: {  	vm0 =	vmand vm0, vm1  }
0x2e9: {  	v3 =	vand.u32 $0x3FFF, v3;
	v4 =	vld [tilespmem:s1+$0x6000]  }
.Ltmp4:
0x2ea: {  	(pc) =	sbr.rel @p0 .LBB2_10-.Ltmp4, $2  }
0x2eb: {  	_ =	sdelay $0x2  }
0x2ec: {  	s1 =	sshra.s32 s3, $0x2;
	s3 =	sadd.s32 $0x40, s3;
	[tilespmem:v3+s30+$0x0] =	vst.idx.msk vm0, v4  }
0x2ed: {  	v3 =	vld [tilespmem:s1+$0x5000];
	_ =	sdelay $0x4  }
0x2ee: {  	vm0 =	vge.s32 v3, v0;
	vm1 =	vlt.s32 v3, v1  }
0x2ef: {  	vm0 =	vmand vm0, vm1  }
0x2f0: {  	v4 =	vld [tilespmem:s1+$0x6000];
	v3 =	vand.u32 $0x3FFF, v3;
	_ =	sdelay $0x4  }
0x2f1: {  	s1 =	simm.s32 $0x0;
	s3 =	simm.s32 $0x40;
	[tilespmem:v3+s30+$0x0] =	vst.idx.msk vm0, v4  }
.LBB2_12:
0x2f2: {  	p0 =	sne.s32 s3, $0x3C0;
	v3 =	vld [tilespmem:s1+$0x5100];
	_ =	sdelay $0x4  }
0x2f3: {  	vm0 =	vge.s32 v3, v0;
	vm1 =	vlt.s32 v3, v1  }
0x2f4: {  	vm0 =	vmand vm0, vm1  }
0x2f5: {  	v3 =	vand.u32 $0x3FFF, v3;
	v4 =	vld [tilespmem:s1+$0x6100]  }
.Ltmp5:
0x2f6: {  	(pc) =	sbr.rel @p0 .LBB2_12-.Ltmp5, $2  }
0x2f7: {  	_ =	sdelay $0x2  }
0x2f8: {  	s1 =	sshra.s32 s3, $0x2;
	s3 =	sadd.s32 $0x40, s3;
	[tilespmem:v3+s30+$0x0] =	vst.idx.msk vm0, v4  }
0x2f9: {  	v3 =	vld [tilespmem:s1+$0x5100];
	_ =	sdelay $0x4  }
0x2fa: {  	vm0 =	vge.s32 v3, v0;
	vm1 =	vlt.s32 v3, v1  }
0x2fb: {  	vm0 =	vmand vm0, vm1  }
0x2fc: {  	v4 =	vld [tilespmem:s1+$0x6100];
	v3 =	vand.u32 $0x3FFF, v3;
	_ =	sdelay $0x4  }
0x2fd: {  	s1 =	simm.s32 $0x0;
	s3 =	simm.s32 $0x40;
	[tilespmem:v3+s30+$0x0] =	vst.idx.msk vm0, v4  }
.LBB2_14:
0x2fe: {  	p0 =	sne.s32 s3, $0x3C0;
	v3 =	vld [tilespmem:s1+$0x5200];
	_ =	sdelay $0x4  }
0x2ff: {  	vm0 =	vge.s32 v3, v0;
	vm1 =	vlt.s32 v3, v1  }
0x300: {  	vm0 =	vmand vm0, vm1  }
0x301: {  	v3 =	vand.u32 $0x3FFF, v3;
	v4 =	vld [tilespmem:s1+$0x6200]  }
.Ltmp6:
0x302: {  	(pc) =	sbr.rel @p0 .LBB2_14-.Ltmp6, $2  }
0x303: {  	_ =	sdelay $0x2  }
0x304: {  	s1 =	sshra.s32 s3, $0x2;
	s3 =	sadd.s32 $0x40, s3;
	[tilespmem:v3+s30+$0x0] =	vst.idx.msk vm0, v4  }
0x305: {  	v3 =	vld [tilespmem:s1+$0x5200];
	_ =	sdelay $0x4  }
0x306: {  	vm0 =	vge.s32 v3, v0;
	vm1 =	vlt.s32 v3, v1  }
0x307: {  	vm0 =	vmand vm0, vm1  }
0x308: {  	v4 =	vld [tilespmem:s1+$0x6200];
	v3 =	vand.u32 $0x3FFF, v3;
	_ =	sdelay $0x4  }
0x309: {  	s1 =	simm.s32 $0x0;
	s3 =	simm.s32 $0x40;
	[tilespmem:v3+s30+$0x0] =	vst.idx.msk vm0, v4  }
.LBB2_16:
0x30a: {  	p0 =	sne.s32 s3, $0x3C0;
	v3 =	vld [tilespmem:s1+$0x5300];
	_ =	sdelay $0x4  }
0x30b: {  	vm0 =	vge.s32 v3, v0;
	vm1 =	vlt.s32 v3, v1  }
0x30c: {  	vm0 =	vmand vm0, vm1  }
0x30d: {  	v3 =	vand.u32 $0x3FFF, v3;
	v4 =	vld [tilespmem:s1+$0x6300]  }
.Ltmp7:
0x30e: {  	(pc) =	sbr.rel @p0 .LBB2_16-.Ltmp7, $2  }
0x30f: {  	_ =	sdelay $0x2  }
0x310: {  	s1 =	sshra.s32 s3, $0x2;
	s3 =	sadd.s32 $0x40, s3;
	[tilespmem:v3+s30+$0x0] =	vst.idx.msk vm0, v4  }
0x311: {  	v3 =	vld [tilespmem:s1+$0x5300];
	_ =	sdelay $0x4  }
0x312: {  	vm0 =	vge.s32 v3, v0;
	vm1 =	vlt.s32 v3, v1  }
0x313: {  	vm0 =	vmand vm0, vm1  }
0x314: {  	v4 =	vld [tilespmem:s1+$0x6300];
	v3 =	vand.u32 $0x3FFF, v3;
	_ =	sdelay $0x4  }
0x315: {  	s1 =	simm.s32 $0x0;
	s3 =	simm.s32 $0x40;
	[tilespmem:v3+s30+$0x0] =	vst.idx.msk vm0, v4  }
.LBB2_18:
0x316: {  	p0 =	sne.s32 s3, $0x3C0;
	v3 =	vld [tilespmem:s1+$0x5400];
	_ =	sdelay $0x4  }
0x317: {  	vm0 =	vge.s32 v3, v0;
	vm1 =	vlt.s32 v3, v1  }
0x318: {  	vm0 =	vmand vm0, vm1  }
0x319: {  	v3 =	vand.u32 $0x3FFF, v3;
	v4 =	vld [tilespmem:s1+$0x6400]  }
.Ltmp8:
0x31a: {  	(pc) =	sbr.rel @p0 .LBB2_18-.Ltmp8, $2  }
0x31b: {  	_ =	sdelay $0x2  }
0x31c: {  	s1 =	sshra.s32 s3, $0x2;
	s3 =	sadd.s32 $0x40, s3;
	[tilespmem:v3+s30+$0x0] =	vst.idx.msk vm0, v4  }
0x31d: {  	v3 =	vld [tilespmem:s1+$0x5400];
	_ =	sdelay $0x4  }
0x31e: {  	vm0 =	vge.s32 v3, v0;
	vm1 =	vlt.s32 v3, v1  }
0x31f: {  	vm0 =	vmand vm0, vm1  }
0x320: {  	v4 =	vld [tilespmem:s1+$0x6400];
	v3 =	vand.u32 $0x3FFF, v3;
	_ =	sdelay $0x4  }
0x321: {  	s1 =	simm.s32 $0x0;
	s3 =	simm.s32 $0x40;
	[tilespmem:v3+s30+$0x0] =	vst.idx.msk vm0, v4  }
.LBB2_20:
0x322: {  	p0 =	sne.s32 s3, $0x3C0;
	v3 =	vld [tilespmem:s1+$0x5500];
	_ =	sdelay $0x4  }
0x323: {  	vm0 =	vge.s32 v3, v0;
	vm1 =	vlt.s32 v3, v1  }
0x324: {  	vm0 =	vmand vm0, vm1  }
0x325: {  	v3 =	vand.u32 $0x3FFF, v3;
	v4 =	vld [tilespmem:s1+$0x6500]  }
.Ltmp9:
0x326: {  	(pc) =	sbr.rel @p0 .LBB2_20-.Ltmp9, $2  }
0x327: {  	_ =	sdelay $0x2  }
0x328: {  	s1 =	sshra.s32 s3, $0x2;
	s3 =	sadd.s32 $0x40, s3;
	[tilespmem:v3+s30+$0x0] =	vst.idx.msk vm0, v4  }
0x329: {  	v3 =	vld [tilespmem:s1+$0x5500];
	_ =	sdelay $0x4  }
0x32a: {  	vm0 =	vge.s32 v3, v0;
	vm1 =	vlt.s32 v3, v1  }
0x32b: {  	vm0 =	vmand vm0, vm1  }
0x32c: {  	v4 =	vld [tilespmem:s1+$0x6500];
	v3 =	vand.u32 $0x3FFF, v3;
	_ =	sdelay $0x4  }
0x32d: {  	s1 =	simm.s32 $0x0;
	s3 =	simm.s32 $0x40;
	[tilespmem:v3+s30+$0x0] =	vst.idx.msk vm0, v4  }
.LBB2_22:
0x32e: {  	p0 =	sne.s32 s3, $0x3C0;
	v3 =	vld [tilespmem:s1+$0x5600];
	_ =	sdelay $0x4  }
0x32f: {  	vm0 =	vge.s32 v3, v0;
	vm1 =	vlt.s32 v3, v1  }
0x330: {  	vm0 =	vmand vm0, vm1  }
0x331: {  	v3 =	vand.u32 $0x3FFF, v3;
	v4 =	vld [tilespmem:s1+$0x6600]  }
.Ltmp10:
0x332: {  	(pc) =	sbr.rel @p0 .LBB2_22-.Ltmp10, $2  }
0x333: {  	_ =	sdelay $0x2  }
0x334: {  	s1 =	sshra.s32 s3, $0x2;
	s3 =	sadd.s32 $0x40, s3;
	[tilespmem:v3+s30+$0x0] =	vst.idx.msk vm0, v4  }
0x335: {  	v3 =	vld [tilespmem:s1+$0x5600];
	_ =	sdelay $0x4  }
0x336: {  	vm0 =	vge.s32 v3, v0;
	vm1 =	vlt.s32 v3, v1  }
0x337: {  	vm0 =	vmand vm0, vm1  }
0x338: {  	v4 =	vld [tilespmem:s1+$0x6600];
	v3 =	vand.u32 $0x3FFF, v3;
	_ =	sdelay $0x4  }
0x339: {  	s1 =	simm.s32 $0x0;
	s3 =	simm.s32 $0x40;
	[tilespmem:v3+s30+$0x0] =	vst.idx.msk vm0, v4  }
.LBB2_24:
0x33a: {  	p0 =	sne.s32 s3, $0x3C0;
	v3 =	vld [tilespmem:s1+$0x5700];
	_ =	sdelay $0x4  }
0x33b: {  	vm0 =	vge.s32 v3, v0;
	vm1 =	vlt.s32 v3, v1  }
0x33c: {  	vm0 =	vmand vm0, vm1  }
0x33d: {  	v3 =	vand.u32 $0x3FFF, v3;
	v4 =	vld [tilespmem:s1+$0x6700]  }
.Ltmp11:
0x33e: {  	(pc) =	sbr.rel @p0 .LBB2_24-.Ltmp11, $2  }
0x33f: {  	_ =	sdelay $0x2  }
0x340: {  	s1 =	sshra.s32 s3, $0x2;
	s3 =	sadd.s32 $0x40, s3;
	[tilespmem:v3+s30+$0x0] =	vst.idx.msk vm0, v4  }
0x341: {  	v3 =	vld [tilespmem:s1+$0x5700];
	_ =	sdelay $0x4  }
0x342: {  	vm0 =	vge.s32 v3, v0;
	vm1 =	vlt.s32 v3, v1  }
0x343: {  	vm0 =	vmand vm0, vm1  }
0x344: {  	v4 =	vld [tilespmem:s1+$0x6700];
	v3 =	vand.u32 $0x3FFF, v3;
	_ =	sdelay $0x4  }
0x345: {  	s1 =	simm.s32 $0x0;
	s3 =	simm.s32 $0x40;
	[tilespmem:v3+s30+$0x0] =	vst.idx.msk vm0, v4  }
.LBB2_26:
0x346: {  	p0 =	sne.s32 s3, $0x3C0;
	v3 =	vld [tilespmem:s1+$0x5800];
	_ =	sdelay $0x4  }
0x347: {  	vm0 =	vge.s32 v3, v0;
	vm1 =	vlt.s32 v3, v1  }
0x348: {  	vm0 =	vmand vm0, vm1  }
0x349: {  	v3 =	vand.u32 $0x3FFF, v3;
	v4 =	vld [tilespmem:s1+$0x6800]  }
.Ltmp12:
0x34a: {  	(pc) =	sbr.rel @p0 .LBB2_26-.Ltmp12, $2  }
0x34b: {  	_ =	sdelay $0x2  }
0x34c: {  	s1 =	sshra.s32 s3, $0x2;
	s3 =	sadd.s32 $0x40, s3;
	[tilespmem:v3+s30+$0x0] =	vst.idx.msk vm0, v4  }
0x34d: {  	v3 =	vld [tilespmem:s1+$0x5800];
	_ =	sdelay $0x4  }
0x34e: {  	vm0 =	vge.s32 v3, v0;
	vm1 =	vlt.s32 v3, v1  }
0x34f: {  	vm0 =	vmand vm0, vm1  }
0x350: {  	v4 =	vld [tilespmem:s1+$0x6800];
	v3 =	vand.u32 $0x3FFF, v3;
	_ =	sdelay $0x4  }
0x351: {  	s1 =	simm.s32 $0x0;
	s3 =	simm.s32 $0x40;
	[tilespmem:v3+s30+$0x0] =	vst.idx.msk vm0, v4  }
.LBB2_28:
0x352: {  	p0 =	sne.s32 s3, $0x3C0;
	v3 =	vld [tilespmem:s1+$0x5900];
	_ =	sdelay $0x4  }
0x353: {  	vm0 =	vge.s32 v3, v0;
	vm1 =	vlt.s32 v3, v1  }
0x354: {  	vm0 =	vmand vm0, vm1  }
0x355: {  	v3 =	vand.u32 $0x3FFF, v3;
	v4 =	vld [tilespmem:s1+$0x6900]  }
.Ltmp13:
0x356: {  	(pc) =	sbr.rel @p0 .LBB2_28-.Ltmp13, $2  }
0x357: {  	_ =	sdelay $0x2  }
0x358: {  	s1 =	sshra.s32 s3, $0x2;
	s3 =	sadd.s32 $0x40, s3;
	[tilespmem:v3+s30+$0x0] =	vst.idx.msk vm0, v4  }
0x359: {  	v3 =	vld [tilespmem:s1+$0x5900];
	_ =	sdelay $0x4  }
0x35a: {  	vm0 =	vge.s32 v3, v0;
	vm1 =	vlt.s32 v3, v1  }
0x35b: {  	vm0 =	vmand vm0, vm1  }
0x35c: {  	v4 =	vld [tilespmem:s1+$0x6900];
	v3 =	vand.u32 $0x3FFF, v3;
	_ =	sdelay $0x4  }
0x35d: {  	s1 =	simm.s32 $0x0;
	s3 =	simm.s32 $0x40;
	[tilespmem:v3+s30+$0x0] =	vst.idx.msk vm0, v4  }
.LBB2_30:
0x35e: {  	p0 =	sne.s32 s3, $0x3C0;
	v3 =	vld [tilespmem:s1+$0x5A00];
	_ =	sdelay $0x4  }
0x35f: {  	vm0 =	vge.s32 v3, v0;
	vm1 =	vlt.s32 v3, v1  }
0x360: {  	vm0 =	vmand vm0, vm1  }
0x361: {  	v3 =	vand.u32 $0x3FFF, v3;
	v4 =	vld [tilespmem:s1+$0x6A00]  }
.Ltmp14:
0x362: {  	(pc) =	sbr.rel @p0 .LBB2_30-.Ltmp14, $2  }
0x363: {  	_ =	sdelay $0x2  }
0x364: {  	s1 =	sshra.s32 s3, $0x2;
	s3 =	sadd.s32 $0x40, s3;
	[tilespmem:v3+s30+$0x0] =	vst.idx.msk vm0, v4  }
0x365: {  	v3 =	vld [tilespmem:s1+$0x5A00];
	_ =	sdelay $0x4  }
0x366: {  	vm0 =	vge.s32 v3, v0;
	vm1 =	vlt.s32 v3, v1  }
0x367: {  	vm0 =	vmand vm0, vm1  }
0x368: {  	v4 =	vld [tilespmem:s1+$0x6A00];
	v3 =	vand.u32 $0x3FFF, v3;
	_ =	sdelay $0x4  }
0x369: {  	s1 =	simm.s32 $0x0;
	s3 =	simm.s32 $0x40;
	[tilespmem:v3+s30+$0x0] =	vst.idx.msk vm0, v4  }
.LBB2_32:
0x36a: {  	p0 =	sne.s32 s3, $0x3C0;
	v3 =	vld [tilespmem:s1+$0x5B00];
	_ =	sdelay $0x4  }
0x36b: {  	vm0 =	vge.s32 v3, v0;
	vm1 =	vlt.s32 v3, v1  }
0x36c: {  	vm0 =	vmand vm0, vm1  }
0x36d: {  	v3 =	vand.u32 $0x3FFF, v3;
	v4 =	vld [tilespmem:s1+$0x6B00]  }
.Ltmp15:
0x36e: {  	(pc) =	sbr.rel @p0 .LBB2_32-.Ltmp15, $2  }
0x36f: {  	_ =	sdelay $0x2  }
0x370: {  	s1 =	sshra.s32 s3, $0x2;
	s3 =	sadd.s32 $0x40, s3;
	[tilespmem:v3+s30+$0x0] =	vst.idx.msk vm0, v4  }
0x371: {  	v3 =	vld [tilespmem:s1+$0x5B00];
	_ =	sdelay $0x4  }
0x372: {  	vm0 =	vge.s32 v3, v0;
	vm1 =	vlt.s32 v3, v1  }
0x373: {  	vm0 =	vmand vm0, vm1  }
0x374: {  	v4 =	vld [tilespmem:s1+$0x6B00];
	v3 =	vand.u32 $0x3FFF, v3;
	_ =	sdelay $0x4  }
0x375: {  	s1 =	simm.s32 $0x0;
	s3 =	simm.s32 $0x40;
	[tilespmem:v3+s30+$0x0] =	vst.idx.msk vm0, v4  }
.LBB2_34:
0x376: {  	p0 =	sne.s32 s3, $0x3C0;
	v3 =	vld [tilespmem:s1+$0x5C00];
	_ =	sdelay $0x4  }
0x377: {  	vm0 =	vge.s32 v3, v0;
	vm1 =	vlt.s32 v3, v1  }
0x378: {  	vm0 =	vmand vm0, vm1  }
0x379: {  	v3 =	vand.u32 $0x3FFF, v3;
	v4 =	vld [tilespmem:s1+$0x6C00]  }
.Ltmp16:
0x37a: {  	(pc) =	sbr.rel @p0 .LBB2_34-.Ltmp16, $2  }
0x37b: {  	_ =	sdelay $0x2  }
0x37c: {  	s1 =	sshra.s32 s3, $0x2;
	s3 =	sadd.s32 $0x40, s3;
	[tilespmem:v3+s30+$0x0] =	vst.idx.msk vm0, v4  }
0x37d: {  	v3 =	vld [tilespmem:s1+$0x5C00];
	_ =	sdelay $0x4  }
0x37e: {  	vm0 =	vge.s32 v3, v0;
	vm1 =	vlt.s32 v3, v1  }
0x37f: {  	vm0 =	vmand vm0, vm1  }
0x380: {  	v4 =	vld [tilespmem:s1+$0x6C00];
	v3 =	vand.u32 $0x3FFF, v3;
	_ =	sdelay $0x4  }
0x381: {  	s2 =	sadd.s32 $0x1, s2;
	[tilespmem:v3+s30+$0x0] =	vst.idx.msk vm0, v4  }
0x382: {  	[hbm4b:s13+s4] =	stream.linear.scatter [tilespmem:s30], [sflag:$0x6], $0x4000, $0x38;
	[tilespmem:$0x6D00] =	vst v63  }
0x383: {  	p0 =	sne.s32 s2, s14;
	_ =	swait.ge [sflag:s31], $0x4000  }
.Ltmp17:
0x384: {  	[sflag:s31] =	ssyncset.done $0x0;
	(pc) =	sbr.rel @p0 .LBB2_1-.Ltmp17, $4  }
0x385: {  	[sflag:s31] =	ssyncadd.s32 $0xFFFFC000  }
0x386: {  	_ =	swait.ge [sflag:s17], $0x10  }
0x387: {  	[sflag:s17] =	ssyncset.done $0x0  }
0x388: {  	[sflag:s17] =	ssyncadd.s32 $0xFFFFFFF0  }
0x389: {  	_ =	sfence.sel $0x180000  }
0x38a: {  	[bflag:$0x0] =	sbarrier.arrive $0xFFFF  }
0x38b: {  	_ =	strace $0x90000047  }
0x38c: {  	s0 =	stileid.u32;
	[bflag:$0x2] =	sbarrier.arrive $0xFFFF  }
0x38d: {  	p0 =	sne.s32 s0, $0x0;
	s0 =	rddreg [dreg:$0x5]  }
0x38e: {  	s0 =	sadd.s32 @!p0 $0x100000, s0  }
0x38f: {  	[sflag:s0] =	ssyncadd.tile.s32 @!p0 $0x1;
	_ =	shalt  }
.Lfunc_end2:
_tile_overlayer_lowered:
.L_overlay_start_2:
0x390: {  	(tag) =	ssettag $0x2  }
0x391: {  	s0 =	rddreg [dreg:$0x0];
	s2 =	stileid.u32  }
0x392: {  	s1 =	rddreg [dreg:$0x1];
	p0 =	sne.s32 s2, $0x0  }
0x393: {  	s3 =	rddreg [dreg:$0x2];
	[bflag:$0x3] =	sbarrier.arrive $0xFFFF;
	s2 =	simm.s32 @!p0 $0x1C06  }
0x394: {  	[timem:s3], [sflag:s2] =	dma.local @!p0 [hbm:s0], s1  }
0x395: {  	s0 =	simm.s32 @!p0 $0x6  }
0x396: {  	_ =	swait.ge @!p0 [sflag:s0], s1  }
0x397: {  	s1 =	ssub.s32 @!p0 $0x0, s1;
	[sflag:s0] =	ssyncset.done @!p0 $0x0  }
0x398: {  	[sflag:s0] =	ssyncadd.s32 @!p0 s1  }
0x399: {  	[bflag:$0x3] =	sbarrier.arrive $0xFFFF  }
0x39a: {  	_ =	shalt  }

</sc_bundles>
